<compile_context>
chip_gen: v7x
topology: tpu7x:2x2x1
jax: 0.10.2.dev20260603
libtpu: 0.0.44.dev20260713+nightly
codegen_flags: <defaults>
</compile_context>

<pallas_src>
import jax
import jax.numpy as jnp
from jax import lax
from jax.experimental import pallas as pl
from jax.experimental.pallas import tpu as pltpu
from jax.experimental.pallas import tpu_sc as plsc

_N_FIELDS = 26
_VOCAB = 100000
_EMBED = 32
_BATCH = 16384

_NC = 2
_NS = 16
_L = 16
_HALF = _BATCH // 2


def _embed_body(xt_hbm, tbl_hbm, out_hbm, row_v, idx_v, out_v, sem_r, sem_x):
    e = lax.axis_index("s") * _NC + lax.axis_index("c")

    for i in range(_N_FIELDS):
        row_cp = pltpu.async_copy(tbl_hbm.at[i * _EMBED + e], row_v, sem_r)
        for h in range(2):
            pltpu.async_copy(
                xt_hbm.at[i, pl.ds(h * _HALF, _HALF)], idx_v, sem_x).wait()
            if h == 0:
                row_cp.wait()

            if i == 0:
                @plsc.parallel_loop(0, _HALF, _L, unroll=8)
                def _first(o):
                    g = plsc.load_gather(row_v, [idx_v[pl.ds(o, _L)]])
                    out_v[pl.ds(h * _HALF + o, _L)] = g
            else:
                @plsc.parallel_loop(0, _HALF, _L, unroll=8)
                def _accum(o):
                    g = plsc.load_gather(row_v, [idx_v[pl.ds(o, _L)]])
                    plsc.addupdate(out_v.at[pl.ds(h * _HALF + o, _L)], g)

    pltpu.sync_copy(out_v, out_hbm.at[e])


def kernel(x, tables):
    xt = x.astype(jnp.int32).T
    tbl = tables.transpose(0, 2, 1).reshape(_N_FIELDS * _EMBED, _VOCAB)

    run = pl.kernel(
        _embed_body,
        out_type=jax.ShapeDtypeStruct((_EMBED, _BATCH), jnp.float32),
        mesh=plsc.VectorSubcoreMesh(core_axis_name="c", subcore_axis_name="s",
                                    num_cores=_NC, num_subcores=_NS),
        scratch_types=[
            pltpu.VMEM((_VOCAB,), jnp.float32),
            pltpu.VMEM((_HALF,), jnp.int32),
            pltpu.VMEM((_BATCH,), jnp.float32),
            pltpu.SemaphoreType.DMA,
            pltpu.SemaphoreType.DMA,
        ],
        compiler_params=pltpu.CompilerParams(needs_layout_passes=False),
    )
    return run(xt, tbl).T

# --- scband reference (transcript-rebuilt; emitter-appended) ---
"""Pipeline reference for scband-embedder-38336878084258 (READ-ONLY COPY).

The authoritative reference and input builder live on the scoring server;
editing this copy changes nothing except your own understanding.
"""

import jax, jax.numpy as jnp
import numpy as np

N_FIELDS = 26
VOCAB = 100000
EMBED = 32
BATCH = 16384

def setup_inputs(seed: int = 0) -> dict:
    key = jax.random.key(seed)
    k1, k2 = jax.random.split(key)
    x = jax.random.randint(k1, (BATCH, N_FIELDS), 0, VOCAB, dtype=jnp.int64 if jax.config.jax_enable_x64 else jnp.int32)
    tables = jax.random.normal(k2, (N_FIELDS, VOCAB, EMBED), dtype=jnp.float32) * 0.02
    return {"x": x, "tables": tables}

def reference(x, tables):
    # Faithful translation of Embedder.forward with all-categorical fields:
    # per-field embedding lookup, stack on last dim, sum over fields.
    xs = []
    for i in range(N_FIELDS):
        col = x[:, i]
        xs.append(jnp.take(tables[i], col, axis=0))
    out = jnp.stack(xs, axis=-1).sum(axis=-1)
    return out

if __name__ == "__main__":
    import jax
    _d = setup_inputs()
    print(jax.jit(kernel)(*tuple(_d.values())))

</pallas_src>

<mosaic_0001>
#map = affine_map<(d0, d1) -> (0, 0)>
module attributes {stable_mosaic.version = 14 : i64} {
  func.func @_embed_body(%arg0: i32, %arg1: i32, %arg2: memref<26x16384xi32, #tpu.memory_space<hbm>>, %arg3: memref<832x100000xf32, #tpu.memory_space<hbm>>, %arg4: memref<32x16384xf32, #tpu.memory_space<hbm>>, %arg5: memref<100000xf32, #tpu.memory_space<vmem>>, %arg6: memref<8192xi32, #tpu.memory_space<vmem>>, %arg7: memref<16384xf32, #tpu.memory_space<vmem>>, %arg8: memref<!tpu.dma_semaphore, #tpu.memory_space<semaphore_mem>>, %arg9: memref<!tpu.dma_semaphore, #tpu.memory_space<semaphore_mem>>) attributes {dimension_semantics = [#tpu.dimension_semantics<core_parallel>, #tpu.dimension_semantics<subcore_parallel>], iteration_bounds = array<i64: 2, 16>, scalar_prefetch = 0 : i64, scratch_operands = 5 : i64, tpu.core_type = #tpu.core_type<sc_vector_subcore>, window_params = [{transform_indices = #map}, {transform_indices = #map}, {transform_indices = #map}]} {
    %mul3A = arith.constant 2 : i32
    %mul3A_0 = arith.muli %arg1, %mul3A : i32
    %add3A = arith.addi %mul3A_0, %arg0 : i32
    %add3A_1 = arith.constant 0 : i32
    %add3A_2 = arith.addi %add3A_1, %add3A : i32
    %dma_start3A = arith.constant 0 : i32
    %dma_start3A_3 = tpu.memref_slice %arg3[%add3A_2, %dma_start3A] : memref<832x100000xf32, #tpu.memory_space<hbm>> -> memref<1x100000xf32, #tpu.memory_space<hbm>>
    %dma_start3A_4 = tpu.memref_squeeze %dma_start3A_3 : memref<1x100000xf32, #tpu.memory_space<hbm>> -> memref<100000xf32, #tpu.memory_space<hbm>>
    %dma_start3A_5 = arith.constant 0 : i32
    %dma_start3A_6 = tpu.memref_slice %arg3[%add3A_2, %dma_start3A_5] : memref<832x100000xf32, #tpu.memory_space<hbm>> -> memref<1x100000xf32, #tpu.memory_space<hbm>>
    %dma_start3A_7 = tpu.memref_squeeze %dma_start3A_6 : memref<1x100000xf32, #tpu.memory_space<hbm>> -> memref<100000xf32, #tpu.memory_space<hbm>>
    tpu.enqueue_dma source(%dma_start3A_7 : memref<100000xf32, #tpu.memory_space<hbm>>) target(%arg5 : memref<100000xf32, #tpu.memory_space<vmem>>) target_semaphore(%arg8 : memref<!tpu.dma_semaphore, #tpu.memory_space<semaphore_mem>>)
    %dma_start3A_8 = arith.constant 0 : i32
    %dma_start3A_9 = arith.constant 0 : i32
    %dma_start3A_10 = tpu.memref_slice %arg2[%dma_start3A_8, %dma_start3A_9] : memref<26x16384xi32, #tpu.memory_space<hbm>> -> memref<1x8192xi32, #tpu.memory_space<hbm>>
    %dma_start3A_11 = tpu.memref_squeeze %dma_start3A_10 : memref<1x8192xi32, #tpu.memory_space<hbm>> -> memref<8192xi32, #tpu.memory_space<hbm>>
    %dma_start3A_12 = arith.constant 0 : i32
    %dma_start3A_13 = tpu.memref_slice %arg2[%dma_start3A_8, %dma_start3A_12] : memref<26x16384xi32, #tpu.memory_space<hbm>> -> memref<1x8192xi32, #tpu.memory_space<hbm>>
    %dma_start3A_14 = tpu.memref_squeeze %dma_start3A_13 : memref<1x8192xi32, #tpu.memory_space<hbm>> -> memref<8192xi32, #tpu.memory_space<hbm>>
    tpu.enqueue_dma source(%dma_start3A_14 : memref<8192xi32, #tpu.memory_space<hbm>>) target(%arg6 : memref<8192xi32, #tpu.memory_space<vmem>>) target_semaphore(%arg9 : memref<!tpu.dma_semaphore, #tpu.memory_space<semaphore_mem>>)
    %dma_wait3A = arith.constant 0 : i32
    %dma_wait3A_15 = arith.constant 0 : i32
    %dma_wait3A_16 = tpu.memref_slice %arg2[%dma_wait3A, %dma_wait3A_15] : memref<26x16384xi32, #tpu.memory_space<hbm>> -> memref<1x8192xi32, #tpu.memory_space<hbm>>
    %dma_wait3A_17 = tpu.memref_squeeze %dma_wait3A_16 : memref<1x8192xi32, #tpu.memory_space<hbm>> -> memref<8192xi32, #tpu.memory_space<hbm>>
    %dma_wait3A_18 = arith.constant 0 : i32
    %dma_wait3A_19 = tpu.memref_slice %arg2[%dma_wait3A, %dma_wait3A_18] : memref<26x16384xi32, #tpu.memory_space<hbm>> -> memref<1x8192xi32, #tpu.memory_space<hbm>>
    %dma_wait3A_20 = tpu.memref_squeeze %dma_wait3A_19 : memref<1x8192xi32, #tpu.memory_space<hbm>> -> memref<8192xi32, #tpu.memory_space<hbm>>
    tpu.wait_dma2 semaphore(%arg9 : memref<!tpu.dma_semaphore, #tpu.memory_space<semaphore_mem>>) src(%dma_wait3A_20 : memref<8192xi32, #tpu.memory_space<hbm>>) dst(%arg6 : memref<8192xi32, #tpu.memory_space<vmem>>)
    %dma_wait3A_21 = arith.constant 0 : i32
    %dma_wait3A_22 = tpu.memref_slice %arg3[%add3A_2, %dma_wait3A_21] : memref<832x100000xf32, #tpu.memory_space<hbm>> -> memref<1x100000xf32, #tpu.memory_space<hbm>>
    %dma_wait3A_23 = tpu.memref_squeeze %dma_wait3A_22 : memref<1x100000xf32, #tpu.memory_space<hbm>> -> memref<100000xf32, #tpu.memory_space<hbm>>
    %dma_wait3A_24 = arith.constant 0 : i32
    %dma_wait3A_25 = tpu.memref_slice %arg3[%add3A_2, %dma_wait3A_24] : memref<832x100000xf32, #tpu.memory_space<hbm>> -> memref<1x100000xf32, #tpu.memory_space<hbm>>
    %dma_wait3A_26 = tpu.memref_squeeze %dma_wait3A_25 : memref<1x100000xf32, #tpu.memory_space<hbm>> -> memref<100000xf32, #tpu.memory_space<hbm>>
    tpu.wait_dma2 semaphore(%arg8 : memref<!tpu.dma_semaphore, #tpu.memory_space<semaphore_mem>>) src(%dma_wait3A_26 : memref<100000xf32, #tpu.memory_space<hbm>>) dst(%arg5 : memref<100000xf32, #tpu.memory_space<vmem>>)
    %parallel_loop3A = arith.constant 0 : i32
    %parallel_loop3A_27 = arith.constant 8192 : i32
    %parallel_loop3A_28 = arith.constant 16 : i32
    scf.for %parallel_loop3A_1246 = %parallel_loop3A to %parallel_loop3A_27 step %parallel_loop3A_28  : i32 {
      %parallel_loop3A_1247 = arith.index_cast %parallel_loop3A_1246 : i32 to index
      %parallel_loop3A_1248 = tpu.vector_load %arg6[%parallel_loop3A_1247] {strides = array<i32>} : memref<8192xi32, #tpu.memory_space<vmem>>, vector<16xi32>,
      %parallel_loop3A_1249 = tpu.vector_load_idx %arg5[%parallel_loop3A_1248] : memref<100000xf32, #tpu.memory_space<vmem>>[vector<16xi32>], vector<16xf32>,
      %parallel_loop3A_1250 = arith.constant 0 : i32
      %parallel_loop3A_1251 = arith.addi %parallel_loop3A_1250, %parallel_loop3A_1246 : i32
      %parallel_loop3A_1252 = arith.index_cast %parallel_loop3A_1251 : i32 to index
      %parallel_loop3A_1253 = tpu.vector_load %arg7[%parallel_loop3A_1252] {strides = array<i32>} : memref<16384xf32, #tpu.memory_space<vmem>>, vector<16xf32>,
      tpu.vector_store %arg7[%parallel_loop3A_1252], %parallel_loop3A_1249 {strides = array<i32>} : memref<16384xf32, #tpu.memory_space<vmem>>, vector<16xf32>,
    } {sc.loop_unroll_factor = 8 : i64, sc.parallel_access}
    %dma_start3A_29 = arith.constant 0 : i32
    %dma_start3A_30 = arith.constant 8192 : i32
    %dma_start3A_31 = tpu.memref_slice %arg2[%dma_start3A_29, %dma_start3A_30] : memref<26x16384xi32, #tpu.memory_space<hbm>> -> memref<1x8192xi32, #tpu.memory_space<hbm>>
    %dma_start3A_32 = tpu.memref_squeeze %dma_start3A_31 : memref<1x8192xi32, #tpu.memory_space<hbm>> -> memref<8192xi32, #tpu.memory_space<hbm>>
    %dma_start3A_33 = arith.constant 8192 : i32
    %dma_start3A_34 = tpu.memref_slice %arg2[%dma_start3A_29, %dma_start3A_33] : memref<26x16384xi32, #tpu.memory_space<hbm>> -> memref<1x8192xi32, #tpu.memory_space<hbm>>
    %dma_start3A_35 = tpu.memref_squeeze %dma_start3A_34 : memref<1x8192xi32, #tpu.memory_space<hbm>> -> memref<8192xi32, #tpu.memory_space<hbm>>
    tpu.enqueue_dma source(%dma_start3A_35 : memref<8192xi32, #tpu.memory_space<hbm>>) target(%arg6 : memref<8192xi32, #tpu.memory_space<vmem>>) target_semaphore(%arg9 : memref<!tpu.dma_semaphore, #tpu.memory_space<semaphore_mem>>)
    %dma_wait3A_36 = arith.constant 0 : i32
    %dma_wait3A_37 = arith.constant 8192 : i32
    %dma_wait3A_38 = tpu.memref_slice %arg2[%dma_wait3A_36, %dma_wait3A_37] : memref<26x16384xi32, #tpu.memory_space<hbm>> -> memref<1x8192xi32, #tpu.memory_space<hbm>>
    %dma_wait3A_39 = tpu.memref_squeeze %dma_wait3A_38 : memref<1x8192xi32, #tpu.memory_space<hbm>> -> memref<8192xi32, #tpu.memory_space<hbm>>
    %dma_wait3A_40 = arith.constant 8192 : i32
    %dma_wait3A_41 = tpu.memref_slice %arg2[%dma_wait3A_36, %dma_wait3A_40] : memref<26x16384xi32, #tpu.memory_space<hbm>> -> memref<1x8192xi32, #tpu.memory_space<hbm>>
    %dma_wait3A_42 = tpu.memref_squeeze %dma_wait3A_41 : memref<1x8192xi32, #tpu.memory_space<hbm>> -> memref<8192xi32, #tpu.memory_space<hbm>>
    tpu.wait_dma2 semaphore(%arg9 : memref<!tpu.dma_semaphore, #tpu.memory_space<semaphore_mem>>) src(%dma_wait3A_42 : memref<8192xi32, #tpu.memory_space<hbm>>) dst(%arg6 : memref<8192xi32, #tpu.memory_space<vmem>>)
    %parallel_loop3A_43 = arith.constant 0 : i32
    %parallel_loop3A_44 = arith.constant 8192 : i32
    %parallel_loop3A_45 = arith.constant 16 : i32
    scf.for %parallel_loop3A_1246 = %parallel_loop3A_43 to %parallel_loop3A_44 step %parallel_loop3A_45  : i32 {
      %parallel_loop3A_1247 = arith.index_cast %parallel_loop3A_1246 : i32 to index
      %parallel_loop3A_1248 = tpu.vector_load %arg6[%parallel_loop3A_1247] {strides = array<i32>} : memref<8192xi32, #tpu.memory_space<vmem>>, vector<16xi32>,
      %parallel_loop3A_1249 = tpu.vector_load_idx %arg5[%parallel_loop3A_1248] : memref<100000xf32, #tpu.memory_space<vmem>>[vector<16xi32>], vector<16xf32>,
      %parallel_loop3A_1250 = arith.constant 8192 : i32
      %parallel_loop3A_1251 = arith.addi %parallel_loop3A_1250, %parallel_loop3A_1246 : i32
      %parallel_loop3A_1252 = arith.index_cast %parallel_loop3A_1251 : i32 to index
      %parallel_loop3A_1253 = tpu.vector_load %arg7[%parallel_loop3A_1252] {strides = array<i32>} : memref<16384xf32, #tpu.memory_space<vmem>>, vector<16xf32>,
      tpu.vector_store %arg7[%parallel_loop3A_1252], %parallel_loop3A_1249 {strides = array<i32>} : memref<16384xf32, #tpu.memory_space<vmem>>, vector<16xf32>,
    } {sc.loop_unroll_factor = 8 : i64, sc.parallel_access}
    %add3A_46 = arith.constant 32 : i32
    %add3A_47 = arith.addi %add3A_46, %add3A : i32
    %dma_start3A_48 = arith.constant 0 : i32
    %dma_start3A_49 = tpu.memref_slice %arg3[%add3A_47, %dma_start3A_48] : memref<832x100000xf32, #tpu.memory_space<hbm>> -> memref<1x100000xf32, #tpu.memory_space<hbm>>
    %dma_start3A_50 = tpu.memref_squeeze %dma_start3A_49 : memref<1x100000xf32, #tpu.memory_space<hbm>> -> memref<100000xf32, #tpu.memory_space<hbm>>
    %dma_start3A_51 = arith.constant 0 : i32
    %dma_start3A_52 = tpu.memref_slice %arg3[%add3A_47, %dma_start3A_51] : memref<832x100000xf32, #tpu.memory_space<hbm>> -> memref<1x100000xf32, #tpu.memory_space<hbm>>
    %dma_start3A_53 = tpu.memref_squeeze %dma_start3A_52 : memref<1x100000xf32, #tpu.memory_space<hbm>> -> memref<100000xf32, #tpu.memory_space<hbm>>
    tpu.enqueue_dma source(%dma_start3A_53 : memref<100000xf32, #tpu.memory_space<hbm>>) target(%arg5 : memref<100000xf32, #tpu.memory_space<vmem>>) target_semaphore(%arg8 : memref<!tpu.dma_semaphore, #tpu.memory_space<semaphore_mem>>)
    %dma_start3A_54 = arith.constant 1 : i32
    %dma_start3A_55 = arith.constant 0 : i32
    %dma_start3A_56 = tpu.memref_slice %arg2[%dma_start3A_54, %dma_start3A_55] : memref<26x16384xi32, #tpu.memory_space<hbm>> -> memref<1x8192xi32, #tpu.memory_space<hbm>>
    %dma_start3A_57 = tpu.memref_squeeze %dma_start3A_56 : memref<1x8192xi32, #tpu.memory_space<hbm>> -> memref<8192xi32, #tpu.memory_space<hbm>>
    %dma_start3A_58 = arith.constant 0 : i32
    %dma_start3A_59 = tpu.memref_slice %arg2[%dma_start3A_54, %dma_start3A_58] : memref<26x16384xi32, #tpu.memory_space<hbm>> -> memref<1x8192xi32, #tpu.memory_space<hbm>>
    %dma_start3A_60 = tpu.memref_squeeze %dma_start3A_59 : memref<1x8192xi32, #tpu.memory_space<hbm>> -> memref<8192xi32, #tpu.memory_space<hbm>>
    tpu.enqueue_dma source(%dma_start3A_60 : memref<8192xi32, #tpu.memory_space<hbm>>) target(%arg6 : memref<8192xi32, #tpu.memory_space<vmem>>) target_semaphore(%arg9 : memref<!tpu.dma_semaphore, #tpu.memory_space<semaphore_mem>>)
    %dma_wait3A_61 = arith.constant 1 : i32
    %dma_wait3A_62 = arith.constant 0 : i32
    %dma_wait3A_63 = tpu.memref_slice %arg2[%dma_wait3A_61, %dma_wait3A_62] : memref<26x16384xi32, #tpu.memory_space<hbm>> -> memref<1x8192xi32, #tpu.memory_space<hbm>>
    %dma_wait3A_64 = tpu.memref_squeeze %dma_wait3A_63 : memref<1x8192xi32, #tpu.memory_space<hbm>> -> memref<8192xi32, #tpu.memory_space<hbm>>
    %dma_wait3A_65 = arith.constant 0 : i32
    %dma_wait3A_66 = tpu.memref_slice %arg2[%dma_wait3A_61, %dma_wait3A_65] : memref<26x16384xi32, #tpu.memory_space<hbm>> -> memref<1x8192xi32, #tpu.memory_space<hbm>>
    %dma_wait3A_67 = tpu.memref_squeeze %dma_wait3A_66 : memref<1x8192xi32, #tpu.memory_space<hbm>> -> memref<8192xi32, #tpu.memory_space<hbm>>
    tpu.wait_dma2 semaphore(%arg9 : memref<!tpu.dma_semaphore, #tpu.memory_space<semaphore_mem>>) src(%dma_wait3A_67 : memref<8192xi32, #tpu.memory_space<hbm>>) dst(%arg6 : memref<8192xi32, #tpu.memory_space<vmem>>)
    %dma_wait3A_68 = arith.constant 0 : i32
    %dma_wait3A_69 = tpu.memref_slice %arg3[%add3A_47, %dma_wait3A_68] : memref<832x100000xf32, #tpu.memory_space<hbm>> -> memref<1x100000xf32, #tpu.memory_space<hbm>>
    %dma_wait3A_70 = tpu.memref_squeeze %dma_wait3A_69 : memref<1x100000xf32, #tpu.memory_space<hbm>> -> memref<100000xf32, #tpu.memory_space<hbm>>
    %dma_wait3A_71 = arith.constant 0 : i32
    %dma_wait3A_72 = tpu.memref_slice %arg3[%add3A_47, %dma_wait3A_71] : memref<832x100000xf32, #tpu.memory_space<hbm>> -> memref<1x100000xf32, #tpu.memory_space<hbm>>
    %dma_wait3A_73 = tpu.memref_squeeze %dma_wait3A_72 : memref<1x100000xf32, #tpu.memory_space<hbm>> -> memref<100000xf32, #tpu.memory_space<hbm>>
    tpu.wait_dma2 semaphore(%arg8 : memref<!tpu.dma_semaphore, #tpu.memory_space<semaphore_mem>>) src(%dma_wait3A_73 : memref<100000xf32, #tpu.memory_space<hbm>>) dst(%arg5 : memref<100000xf32, #tpu.memory_space<vmem>>)
    %parallel_loop3A_74 = arith.constant 0 : i32
    %parallel_loop3A_75 = arith.constant 8192 : i32
    %parallel_loop3A_76 = arith.constant 16 : i32
    scf.for %parallel_loop3A_1246 = %parallel_loop3A_74 to %parallel_loop3A_75 step %parallel_loop3A_76  : i32 {
      %parallel_loop3A_1247 = arith.index_cast %parallel_loop3A_1246 : i32 to index
      %parallel_loop3A_1248 = tpu.vector_load %arg6[%parallel_loop3A_1247] {strides = array<i32>} : memref<8192xi32, #tpu.memory_space<vmem>>, vector<16xi32>,
      %parallel_loop3A_1249 = tpu.vector_load_idx %arg5[%parallel_loop3A_1248] : memref<100000xf32, #tpu.memory_space<vmem>>[vector<16xi32>], vector<16xf32>,
      %parallel_loop3A_1250 = arith.constant 0 : i32
      %parallel_loop3A_1251 = arith.addi %parallel_loop3A_1250, %parallel_loop3A_1246 : i32
      %parallel_loop3A_1252 = arith.index_cast %parallel_loop3A_1251 : i32 to index
      %parallel_loop3A_1253 = tpu.vector_load %arg7[%parallel_loop3A_1252] {strides = array<i32>} : memref<16384xf32, #tpu.memory_space<vmem>>, vector<16xf32>,
      tpu.vector_store %arg7[%parallel_loop3A_1252], %parallel_loop3A_1249 {add = true, strides = array<i32>} : memref<16384xf32, #tpu.memory_space<vmem>>, vector<16xf32>,
    } {sc.loop_unroll_factor = 8 : i64, sc.parallel_access}
    %dma_start3A_77 = arith.constant 1 : i32
    %dma_start3A_78 = arith.constant 8192 : i32
    %dma_start3A_79 = tpu.memref_slice %arg2[%dma_start3A_77, %dma_start3A_78] : memref<26x16384xi32, #tpu.memory_space<hbm>> -> memref<1x8192xi32, #tpu.memory_space<hbm>>
    %dma_start3A_80 = tpu.memref_squeeze %dma_start3A_79 : memref<1x8192xi32, #tpu.memory_space<hbm>> -> memref<8192xi32, #tpu.memory_space<hbm>>
    %dma_start3A_81 = arith.constant 8192 : i32
    %dma_start3A_82 = tpu.memref_slice %arg2[%dma_start3A_77, %dma_start3A_81] : memref<26x16384xi32, #tpu.memory_space<hbm>> -> memref<1x8192xi32, #tpu.memory_space<hbm>>
    %dma_start3A_83 = tpu.memref_squeeze %dma_start3A_82 : memref<1x8192xi32, #tpu.memory_space<hbm>> -> memref<8192xi32, #tpu.memory_space<hbm>>
    tpu.enqueue_dma source(%dma_start3A_83 : memref<8192xi32, #tpu.memory_space<hbm>>) target(%arg6 : memref<8192xi32, #tpu.memory_space<vmem>>) target_semaphore(%arg9 : memref<!tpu.dma_semaphore, #tpu.memory_space<semaphore_mem>>)
    %dma_wait3A_84 = arith.constant 1 : i32
    %dma_wait3A_85 = arith.constant 8192 : i32
    %dma_wait3A_86 = tpu.memref_slice %arg2[%dma_wait3A_84, %dma_wait3A_85] : memref<26x16384xi32, #tpu.memory_space<hbm>> -> memref<1x8192xi32, #tpu.memory_space<hbm>>
    %dma_wait3A_87 = tpu.memref_squeeze %dma_wait3A_86 : memref<1x8192xi32, #tpu.memory_space<hbm>> -> memref<8192xi32, #tpu.memory_space<hbm>>
    %dma_wait3A_88 = arith.constant 8192 : i32
    %dma_wait3A_89 = tpu.memref_slice %arg2[%dma_wait3A_84, %dma_wait3A_88] : memref<26x16384xi32, #tpu.memory_space<hbm>> -> memref<1x8192xi32, #tpu.memory_space<hbm>>
    %dma_wait3A_90 = tpu.memref_squeeze %dma_wait3A_89 : memref<1x8192xi32, #tpu.memory_space<hbm>> -> memref<8192xi32, #tpu.memory_space<hbm>>
    tpu.wait_dma2 semaphore(%arg9 : memref<!tpu.dma_semaphore, #tpu.memory_space<semaphore_mem>>) src(%dma_wait3A_90 : memref<8192xi32, #tpu.memory_space<hbm>>) dst(%arg6 : memref<8192xi32, #tpu.memory_space<vmem>>)
    %parallel_loop3A_91 = arith.constant 0 : i32
    %parallel_loop3A_92 = arith.constant 8192 : i32
    %parallel_loop3A_93 = arith.constant 16 : i32
    scf.for %parallel_loop3A_1246 = %parallel_loop3A_91 to %parallel_loop3A_92 step %parallel_loop3A_93  : i32 {
      %parallel_loop3A_1247 = arith.index_cast %parallel_loop3A_1246 : i32 to index
      %parallel_loop3A_1248 = tpu.vector_load %arg6[%parallel_loop3A_1247] {strides = array<i32>} : memref<8192xi32, #tpu.memory_space<vmem>>, vector<16xi32>,
      %parallel_loop3A_1249 = tpu.vector_load_idx %arg5[%parallel_loop3A_1248] : memref<100000xf32, #tpu.memory_space<vmem>>[vector<16xi32>], vector<16xf32>,
      %parallel_loop3A_1250 = arith.constant 8192 : i32
      %parallel_loop3A_1251 = arith.addi %parallel_loop3A_1250, %parallel_loop3A_1246 : i32
      %parallel_loop3A_1252 = arith.index_cast %parallel_loop3A_1251 : i32 to index
      %parallel_loop3A_1253 = tpu.vector_load %arg7[%parallel_loop3A_1252] {strides = array<i32>} : memref<16384xf32, #tpu.memory_space<vmem>>, vector<16xf32>,
      tpu.vector_store %arg7[%parallel_loop3A_1252], %parallel_loop3A_1249 {add = true, strides = array<i32>} : memref<16384xf32, #tpu.memory_space<vmem>>, vector<16xf32>,
    } {sc.loop_unroll_factor = 8 : i64, sc.parallel_access}
    %add3A_94 = arith.constant 64 : i32
    %add3A_95 = arith.addi %add3A_94, %add3A : i32
    %dma_start3A_96 = arith.constant 0 : i32
    %dma_start3A_97 = tpu.memref_slice %arg3[%add3A_95, %dma_start3A_96] : memref<832x100000xf32, #tpu.memory_space<hbm>> -> memref<1x100000xf32, #tpu.memory_space<hbm>>
    %dma_start3A_98 = tpu.memref_squeeze %dma_start3A_97 : memref<1x100000xf32, #tpu.memory_space<hbm>> -> memref<100000xf32, #tpu.memory_space<hbm>>
    %dma_start3A_99 = arith.constant 0 : i32
    %dma_start3A_100 = tpu.memref_slice %arg3[%add3A_95, %dma_start3A_99] : memref<832x100000xf32, #tpu.memory_space<hbm>> -> memref<1x100000xf32, #tpu.memory_space<hbm>>
    %dma_start3A_101 = tpu.memref_squeeze %dma_start3A_100 : memref<1x100000xf32, #tpu.memory_space<hbm>> -> memref<100000xf32, #tpu.memory_space<hbm>>
    tpu.enqueue_dma source(%dma_start3A_101 : memref<100000xf32, #tpu.memory_space<hbm>>) target(%arg5 : memref<100000xf32, #tpu.memory_space<vmem>>) target_semaphore(%arg8 : memref<!tpu.dma_semaphore, #tpu.memory_space<semaphore_mem>>)
    %dma_start3A_102 = arith.constant 2 : i32
    %dma_start3A_103 = arith.constant 0 : i32
    %dma_start3A_104 = tpu.memref_slice %arg2[%dma_start3A_102, %dma_start3A_103] : memref<26x16384xi32, #tpu.memory_space<hbm>> -> memref<1x8192xi32, #tpu.memory_space<hbm>>
    %dma_start3A_105 = tpu.memref_squeeze %dma_start3A_104 : memref<1x8192xi32, #tpu.memory_space<hbm>> -> memref<8192xi32, #tpu.memory_space<hbm>>
    %dma_start3A_106 = arith.constant 0 : i32
    %dma_start3A_107 = tpu.memref_slice %arg2[%dma_start3A_102, %dma_start3A_106] : memref<26x16384xi32, #tpu.memory_space<hbm>> -> memref<1x8192xi32, #tpu.memory_space<hbm>>
    %dma_start3A_108 = tpu.memref_squeeze %dma_start3A_107 : memref<1x8192xi32, #tpu.memory_space<hbm>> -> memref<8192xi32, #tpu.memory_space<hbm>>
    tpu.enqueue_dma source(%dma_start3A_108 : memref<8192xi32, #tpu.memory_space<hbm>>) target(%arg6 : memref<8192xi32, #tpu.memory_space<vmem>>) target_semaphore(%arg9 : memref<!tpu.dma_semaphore, #tpu.memory_space<semaphore_mem>>)
    %dma_wait3A_109 = arith.constant 2 : i32
    %dma_wait3A_110 = arith.constant 0 : i32
    %dma_wait3A_111 = tpu.memref_slice %arg2[%dma_wait3A_109, %dma_wait3A_110] : memref<26x16384xi32, #tpu.memory_space<hbm>> -> memref<1x8192xi32, #tpu.memory_space<hbm>>
    %dma_wait3A_112 = tpu.memref_squeeze %dma_wait3A_111 : memref<1x8192xi32, #tpu.memory_space<hbm>> -> memref<8192xi32, #tpu.memory_space<hbm>>
    %dma_wait3A_113 = arith.constant 0 : i32
    %dma_wait3A_114 = tpu.memref_slice %arg2[%dma_wait3A_109, %dma_wait3A_113] : memref<26x16384xi32, #tpu.memory_space<hbm>> -> memref<1x8192xi32, #tpu.memory_space<hbm>>
    %dma_wait3A_115 = tpu.memref_squeeze %dma_wait3A_114 : memref<1x8192xi32, #tpu.memory_space<hbm>> -> memref<8192xi32, #tpu.memory_space<hbm>>
    tpu.wait_dma2 semaphore(%arg9 : memref<!tpu.dma_semaphore, #tpu.memory_space<semaphore_mem>>) src(%dma_wait3A_115 : memref<8192xi32, #tpu.memory_space<hbm>>) dst(%arg6 : memref<8192xi32, #tpu.memory_space<vmem>>)
    %dma_wait3A_116 = arith.constant 0 : i32
    %dma_wait3A_117 = tpu.memref_slice %arg3[%add3A_95, %dma_wait3A_116] : memref<832x100000xf32, #tpu.memory_space<hbm>> -> memref<1x100000xf32, #tpu.memory_space<hbm>>
    %dma_wait3A_118 = tpu.memref_squeeze %dma_wait3A_117 : memref<1x100000xf32, #tpu.memory_space<hbm>> -> memref<100000xf32, #tpu.memory_space<hbm>>
    %dma_wait3A_119 = arith.constant 0 : i32
    %dma_wait3A_120 = tpu.memref_slice %arg3[%add3A_95, %dma_wait3A_119] : memref<832x100000xf32, #tpu.memory_space<hbm>> -> memref<1x100000xf32, #tpu.memory_space<hbm>>
    %dma_wait3A_121 = tpu.memref_squeeze %dma_wait3A_120 : memref<1x100000xf32, #tpu.memory_space<hbm>> -> memref<100000xf32, #tpu.memory_space<hbm>>
    tpu.wait_dma2 semaphore(%arg8 : memref<!tpu.dma_semaphore, #tpu.memory_space<semaphore_mem>>) src(%dma_wait3A_121 : memref<100000xf32, #tpu.memory_space<hbm>>) dst(%arg5 : memref<100000xf32, #tpu.memory_space<vmem>>)
    %parallel_loop3A_122 = arith.constant 0 : i32
    %parallel_loop3A_123 = arith.constant 8192 : i32
    %parallel_loop3A_124 = arith.constant 16 : i32
    scf.for %parallel_loop3A_1246 = %parallel_loop3A_122 to %parallel_loop3A_123 step %parallel_loop3A_124  : i32 {
      %parallel_loop3A_1247 = arith.index_cast %parallel_loop3A_1246 : i32 to index
      %parallel_loop3A_1248 = tpu.vector_load %arg6[%parallel_loop3A_1247] {strides = array<i32>} : memref<8192xi32, #tpu.memory_space<vmem>>, vector<16xi32>,
      %parallel_loop3A_1249 = tpu.vector_load_idx %arg5[%parallel_loop3A_1248] : memref<100000xf32, #tpu.memory_space<vmem>>[vector<16xi32>], vector<16xf32>,
      %parallel_loop3A_1250 = arith.constant 0 : i32
      %parallel_loop3A_1251 = arith.addi %parallel_loop3A_1250, %parallel_loop3A_1246 : i32
      %parallel_loop3A_1252 = arith.index_cast %parallel_loop3A_1251 : i32 to index
      %parallel_loop3A_1253 = tpu.vector_load %arg7[%parallel_loop3A_1252] {strides = array<i32>} : memref<16384xf32, #tpu.memory_space<vmem>>, vector<16xf32>,
      tpu.vector_store %arg7[%parallel_loop3A_1252], %parallel_loop3A_1249 {add = true, strides = array<i32>} : memref<16384xf32, #tpu.memory_space<vmem>>, vector<16xf32>,
    } {sc.loop_unroll_factor = 8 : i64, sc.parallel_access}
    %dma_start3A_125 = arith.constant 2 : i32
    %dma_start3A_126 = arith.constant 8192 : i32
    %dma_start3A_127 = tpu.memref_slice %arg2[%dma_start3A_125, %dma_start3A_126] : memref<26x16384xi32, #tpu.memory_space<hbm>> -> memref<1x8192xi32, #tpu.memory_space<hbm>>
    %dma_start3A_128 = tpu.memref_squeeze %dma_start3A_127 : memref<1x8192xi32, #tpu.memory_space<hbm>> -> memref<8192xi32, #tpu.memory_space<hbm>>
    %dma_start3A_129 = arith.constant 8192 : i32
    %dma_start3A_130 = tpu.memref_slice %arg2[%dma_start3A_125, %dma_start3A_129] : memref<26x16384xi32, #tpu.memory_space<hbm>> -> memref<1x8192xi32, #tpu.memory_space<hbm>>
    %dma_start3A_131 = tpu.memref_squeeze %dma_start3A_130 : memref<1x8192xi32, #tpu.memory_space<hbm>> -> memref<8192xi32, #tpu.memory_space<hbm>>
    tpu.enqueue_dma source(%dma_start3A_131 : memref<8192xi32, #tpu.memory_space<hbm>>) target(%arg6 : memref<8192xi32, #tpu.memory_space<vmem>>) target_semaphore(%arg9 : memref<!tpu.dma_semaphore, #tpu.memory_space<semaphore_mem>>)
    %dma_wait3A_132 = arith.constant 2 : i32
    %dma_wait3A_133 = arith.constant 8192 : i32
    %dma_wait3A_134 = tpu.memref_slice %arg2[%dma_wait3A_132, %dma_wait3A_133] : memref<26x16384xi32, #tpu.memory_space<hbm>> -> memref<1x8192xi32, #tpu.memory_space<hbm>>
    %dma_wait3A_135 = tpu.memref_squeeze %dma_wait3A_134 : memref<1x8192xi32, #tpu.memory_space<hbm>> -> memref<8192xi32, #tpu.memory_space<hbm>>
    %dma_wait3A_136 = arith.constant 8192 : i32
    %dma_wait3A_137 = tpu.memref_slice %arg2[%dma_wait3A_132, %dma_wait3A_136] : memref<26x16384xi32, #tpu.memory_space<hbm>> -> memref<1x8192xi32, #tpu.memory_space<hbm>>
    %dma_wait3A_138 = tpu.memref_squeeze %dma_wait3A_137 : memref<1x8192xi32, #tpu.memory_space<hbm>> -> memref<8192xi32, #tpu.memory_space<hbm>>
    tpu.wait_dma2 semaphore(%arg9 : memref<!tpu.dma_semaphore, #tpu.memory_space<semaphore_mem>>) src(%dma_wait3A_138 : memref<8192xi32, #tpu.memory_space<hbm>>) dst(%arg6 : memref<8192xi32, #tpu.memory_space<vmem>>)
    %parallel_loop3A_139 = arith.constant 0 : i32
    %parallel_loop3A_140 = arith.constant 8192 : i32
    %parallel_loop3A_141 = arith.constant 16 : i32
    scf.for %parallel_loop3A_1246 = %parallel_loop3A_139 to %parallel_loop3A_140 step %parallel_loop3A_141  : i32 {
      %parallel_loop3A_1247 = arith.index_cast %parallel_loop3A_1246 : i32 to index
      %parallel_loop3A_1248 = tpu.vector_load %arg6[%parallel_loop3A_1247] {strides = array<i32>} : memref<8192xi32, #tpu.memory_space<vmem>>, vector<16xi32>,
      %parallel_loop3A_1249 = tpu.vector_load_idx %arg5[%parallel_loop3A_1248] : memref<100000xf32, #tpu.memory_space<vmem>>[vector<16xi32>], vector<16xf32>,
      %parallel_loop3A_1250 = arith.constant 8192 : i32
      %parallel_loop3A_1251 = arith.addi %parallel_loop3A_1250, %parallel_loop3A_1246 : i32
      %parallel_loop3A_1252 = arith.index_cast %parallel_loop3A_1251 : i32 to index
      %parallel_loop3A_1253 = tpu.vector_load %arg7[%parallel_loop3A_1252] {strides = array<i32>} : memref<16384xf32, #tpu.memory_space<vmem>>, vector<16xf32>,
      tpu.vector_store %arg7[%parallel_loop3A_1252], %parallel_loop3A_1249 {add = true, strides = array<i32>} : memref<16384xf32, #tpu.memory_space<vmem>>, vector<16xf32>,
    } {sc.loop_unroll_factor = 8 : i64, sc.parallel_access}
    %add3A_142 = arith.constant 96 : i32
    %add3A_143 = arith.addi %add3A_142, %add3A : i32
    %dma_start3A_144 = arith.constant 0 : i32
    %dma_start3A_145 = tpu.memref_slice %arg3[%add3A_143, %dma_start3A_144] : memref<832x100000xf32, #tpu.memory_space<hbm>> -> memref<1x100000xf32, #tpu.memory_space<hbm>>
    %dma_start3A_146 = tpu.memref_squeeze %dma_start3A_145 : memref<1x100000xf32, #tpu.memory_space<hbm>> -> memref<100000xf32, #tpu.memory_space<hbm>>
    %dma_start3A_147 = arith.constant 0 : i32
    %dma_start3A_148 = tpu.memref_slice %arg3[%add3A_143, %dma_start3A_147] : memref<832x100000xf32, #tpu.memory_space<hbm>> -> memref<1x100000xf32, #tpu.memory_space<hbm>>
    %dma_start3A_149 = tpu.memref_squeeze %dma_start3A_148 : memref<1x100000xf32, #tpu.memory_space<hbm>> -> memref<100000xf32, #tpu.memory_space<hbm>>
    tpu.enqueue_dma source(%dma_start3A_149 : memref<100000xf32, #tpu.memory_space<hbm>>) target(%arg5 : memref<100000xf32, #tpu.memory_space<vmem>>) target_semaphore(%arg8 : memref<!tpu.dma_semaphore, #tpu.memory_space<semaphore_mem>>)
    %dma_start3A_150 = arith.constant 3 : i32
    %dma_start3A_151 = arith.constant 0 : i32
    %dma_start3A_152 = tpu.memref_slice %arg2[%dma_start3A_150, %dma_start3A_151] : memref<26x16384xi32, #tpu.memory_space<hbm>> -> memref<1x8192xi32, #tpu.memory_space<hbm>>
    %dma_start3A_153 = tpu.memref_squeeze %dma_start3A_152 : memref<1x8192xi32, #tpu.memory_space<hbm>> -> memref<8192xi32, #tpu.memory_space<hbm>>
    %dma_start3A_154 = arith.constant 0 : i32
    %dma_start3A_155 = tpu.memref_slice %arg2[%dma_start3A_150, %dma_start3A_154] : memref<26x16384xi32, #tpu.memory_space<hbm>> -> memref<1x8192xi32, #tpu.memory_space<hbm>>
    %dma_start3A_156 = tpu.memref_squeeze %dma_start3A_155 : memref<1x8192xi32, #tpu.memory_space<hbm>> -> memref<8192xi32, #tpu.memory_space<hbm>>
    tpu.enqueue_dma source(%dma_start3A_156 : memref<8192xi32, #tpu.memory_space<hbm>>) target(%arg6 : memref<8192xi32, #tpu.memory_space<vmem>>) target_semaphore(%arg9 : memref<!tpu.dma_semaphore, #tpu.memory_space<semaphore_mem>>)
    %dma_wait3A_157 = arith.constant 3 : i32
    %dma_wait3A_158 = arith.constant 0 : i32
    %dma_wait3A_159 = tpu.memref_slice %arg2[%dma_wait3A_157, %dma_wait3A_158] : memref<26x16384xi32, #tpu.memory_space<hbm>> -> memref<1x8192xi32, #tpu.memory_space<hbm>>
    %dma_wait3A_160 = tpu.memref_squeeze %dma_wait3A_159 : memref<1x8192xi32, #tpu.memory_space<hbm>> -> memref<8192xi32, #tpu.memory_space<hbm>>
    %dma_wait3A_161 = arith.constant 0 : i32
    %dma_wait3A_162 = tpu.memref_slice %arg2[%dma_wait3A_157, %dma_wait3A_161] : memref<26x16384xi32, #tpu.memory_space<hbm>> -> memref<1x8192xi32, #tpu.memory_space<hbm>>
    %dma_wait3A_163 = tpu.memref_squeeze %dma_wait3A_162 : memref<1x8192xi32, #tpu.memory_space<hbm>> -> memref<8192xi32, #tpu.memory_space<hbm>>
    tpu.wait_dma2 semaphore(%arg9 : memref<!tpu.dma_semaphore, #tpu.memory_space<semaphore_mem>>) src(%dma_wait3A_163 : memref<8192xi32, #tpu.memory_space<hbm>>) dst(%arg6 : memref<8192xi32, #tpu.memory_space<vmem>>)
    %dma_wait3A_164 = arith.constant 0 : i32
    %dma_wait3A_165 = tpu.memref_slice %arg3[%add3A_143, %dma_wait3A_164] : memref<832x100000xf32, #tpu.memory_space<hbm>> -> memref<1x100000xf32, #tpu.memory_space<hbm>>
    %dma_wait3A_166 = tpu.memref_squeeze %dma_wait3A_165 : memref<1x100000xf32, #tpu.memory_space<hbm>> -> memref<100000xf32, #tpu.memory_space<hbm>>
    %dma_wait3A_167 = arith.constant 0 : i32
    %dma_wait3A_168 = tpu.memref_slice %arg3[%add3A_143, %dma_wait3A_167] : memref<832x100000xf32, #tpu.memory_space<hbm>> -> memref<1x100000xf32, #tpu.memory_space<hbm>>
    %dma_wait3A_169 = tpu.memref_squeeze %dma_wait3A_168 : memref<1x100000xf32, #tpu.memory_space<hbm>> -> memref<100000xf32, #tpu.memory_space<hbm>>
    tpu.wait_dma2 semaphore(%arg8 : memref<!tpu.dma_semaphore, #tpu.memory_space<semaphore_mem>>) src(%dma_wait3A_169 : memref<100000xf32, #tpu.memory_space<hbm>>) dst(%arg5 : memref<100000xf32, #tpu.memory_space<vmem>>)
    %parallel_loop3A_170 = arith.constant 0 : i32
    %parallel_loop3A_171 = arith.constant 8192 : i32
    %parallel_loop3A_172 = arith.constant 16 : i32
    scf.for %parallel_loop3A_1246 = %parallel_loop3A_170 to %parallel_loop3A_171 step %parallel_loop3A_172  : i32 {
      %parallel_loop3A_1247 = arith.index_cast %parallel_loop3A_1246 : i32 to index
      %parallel_loop3A_1248 = tpu.vector_load %arg6[%parallel_loop3A_1247] {strides = array<i32>} : memref<8192xi32, #tpu.memory_space<vmem>>, vector<16xi32>,
      %parallel_loop3A_1249 = tpu.vector_load_idx %arg5[%parallel_loop3A_1248] : memref<100000xf32, #tpu.memory_space<vmem>>[vector<16xi32>], vector<16xf32>,
      %parallel_loop3A_1250 = arith.constant 0 : i32
      %parallel_loop3A_1251 = arith.addi %parallel_loop3A_1250, %parallel_loop3A_1246 : i32
      %parallel_loop3A_1252 = arith.index_cast %parallel_loop3A_1251 : i32 to index
      %parallel_loop3A_1253 = tpu.vector_load %arg7[%parallel_loop3A_1252] {strides = array<i32>} : memref<16384xf32, #tpu.memory_space<vmem>>, vector<16xf32>,
      tpu.vector_store %arg7[%parallel_loop3A_1252], %parallel_loop3A_1249 {add = true, strides = array<i32>} : memref<16384xf32, #tpu.memory_space<vmem>>, vector<16xf32>,
    } {sc.loop_unroll_factor = 8 : i64, sc.parallel_access}
    %dma_start3A_173 = arith.constant 3 : i32
    %dma_start3A_174 = arith.constant 8192 : i32
    %dma_start3A_175 = tpu.memref_slice %arg2[%dma_start3A_173, %dma_start3A_174] : memref<26x16384xi32, #tpu.memory_space<hbm>> -> memref<1x8192xi32, #tpu.memory_space<hbm>>
    %dma_start3A_176 = tpu.memref_squeeze %dma_start3A_175 : memref<1x8192xi32, #tpu.memory_space<hbm>> -> memref<8192xi32, #tpu.memory_space<hbm>>
    %dma_start3A_177 = arith.constant 8192 : i32
    %dma_start3A_178 = tpu.memref_slice %arg2[%dma_start3A_173, %dma_start3A_177] : memref<26x16384xi32, #tpu.memory_space<hbm>> -> memref<1x8192xi32, #tpu.memory_space<hbm>>
    %dma_start3A_179 = tpu.memref_squeeze %dma_start3A_178 : memref<1x8192xi32, #tpu.memory_space<hbm>> -> memref<8192xi32, #tpu.memory_space<hbm>>
    tpu.enqueue_dma source(%dma_start3A_179 : memref<8192xi32, #tpu.memory_space<hbm>>) target(%arg6 : memref<8192xi32, #tpu.memory_space<vmem>>) target_semaphore(%arg9 : memref<!tpu.dma_semaphore, #tpu.memory_space<semaphore_mem>>)
    %dma_wait3A_180 = arith.constant 3 : i32
    %dma_wait3A_181 = arith.constant 8192 : i32
    %dma_wait3A_182 = tpu.memref_slice %arg2[%dma_wait3A_180, %dma_wait3A_181] : memref<26x16384xi32, #tpu.memory_space<hbm>> -> memref<1x8192xi32, #tpu.memory_space<hbm>>
    %dma_wait3A_183 = tpu.memref_squeeze %dma_wait3A_182 : memref<1x8192xi32, #tpu.memory_space<hbm>> -> memref<8192xi32, #tpu.memory_space<hbm>>
    %dma_wait3A_184 = arith.constant 8192 : i32
    %dma_wait3A_185 = tpu.memref_slice %arg2[%dma_wait3A_180, %dma_wait3A_184] : memref<26x16384xi32, #tpu.memory_space<hbm>> -> memref<1x8192xi32, #tpu.memory_space<hbm>>
    %dma_wait3A_186 = tpu.memref_squeeze %dma_wait3A_185 : memref<1x8192xi32, #tpu.memory_space<hbm>> -> memref<8192xi32, #tpu.memory_space<hbm>>
    tpu.wait_dma2 semaphore(%arg9 : memref<!tpu.dma_semaphore, #tpu.memory_space<semaphore_mem>>) src(%dma_wait3A_186 : memref<8192xi32, #tpu.memory_space<hbm>>) dst(%arg6 : memref<8192xi32, #tpu.memory_space<vmem>>)
    %parallel_loop3A_187 = arith.constant 0 : i32
    %parallel_loop3A_188 = arith.constant 8192 : i32
    %parallel_loop3A_189 = arith.constant 16 : i32
    scf.for %parallel_loop3A_1246 = %parallel_loop3A_187 to %parallel_loop3A_188 step %parallel_loop3A_189  : i32 {
      %parallel_loop3A_1247 = arith.index_cast %parallel_loop3A_1246 : i32 to index
      %parallel_loop3A_1248 = tpu.vector_load %arg6[%parallel_loop3A_1247] {strides = array<i32>} : memref<8192xi32, #tpu.memory_space<vmem>>, vector<16xi32>,
      %parallel_loop3A_1249 = tpu.vector_load_idx %arg5[%parallel_loop3A_1248] : memref<100000xf32, #tpu.memory_space<vmem>>[vector<16xi32>], vector<16xf32>,
      %parallel_loop3A_1250 = arith.constant 8192 : i32
      %parallel_loop3A_1251 = arith.addi %parallel_loop3A_1250, %parallel_loop3A_1246 : i32
      %parallel_loop3A_1252 = arith.index_cast %parallel_loop3A_1251 : i32 to index
      %parallel_loop3A_1253 = tpu.vector_load %arg7[%parallel_loop3A_1252] {strides = array<i32>} : memref<16384xf32, #tpu.memory_space<vmem>>, vector<16xf32>,
      tpu.vector_store %arg7[%parallel_loop3A_1252], %parallel_loop3A_1249 {add = true, strides = array<i32>} : memref<16384xf32, #tpu.memory_space<vmem>>, vector<16xf32>,
    } {sc.loop_unroll_factor = 8 : i64, sc.parallel_access}
    %add3A_190 = arith.constant 128 : i32
    %add3A_191 = arith.addi %add3A_190, %add3A : i32
    %dma_start3A_192 = arith.constant 0 : i32
    %dma_start3A_193 = tpu.memref_slice %arg3[%add3A_191, %dma_start3A_192] : memref<832x100000xf32, #tpu.memory_space<hbm>> -> memref<1x100000xf32, #tpu.memory_space<hbm>>
    %dma_start3A_194 = tpu.memref_squeeze %dma_start3A_193 : memref<1x100000xf32, #tpu.memory_space<hbm>> -> memref<100000xf32, #tpu.memory_space<hbm>>
    %dma_start3A_195 = arith.constant 0 : i32
    %dma_start3A_196 = tpu.memref_slice %arg3[%add3A_191, %dma_start3A_195] : memref<832x100000xf32, #tpu.memory_space<hbm>> -> memref<1x100000xf32, #tpu.memory_space<hbm>>
    %dma_start3A_197 = tpu.memref_squeeze %dma_start3A_196 : memref<1x100000xf32, #tpu.memory_space<hbm>> -> memref<100000xf32, #tpu.memory_space<hbm>>
    tpu.enqueue_dma source(%dma_start3A_197 : memref<100000xf32, #tpu.memory_space<hbm>>) target(%arg5 : memref<100000xf32, #tpu.memory_space<vmem>>) target_semaphore(%arg8 : memref<!tpu.dma_semaphore, #tpu.memory_space<semaphore_mem>>)
    %dma_start3A_198 = arith.constant 4 : i32
    %dma_start3A_199 = arith.constant 0 : i32
    %dma_start3A_200 = tpu.memref_slice %arg2[%dma_start3A_198, %dma_start3A_199] : memref<26x16384xi32, #tpu.memory_space<hbm>> -> memref<1x8192xi32, #tpu.memory_space<hbm>>
    %dma_start3A_201 = tpu.memref_squeeze %dma_start3A_200 : memref<1x8192xi32, #tpu.memory_space<hbm>> -> memref<8192xi32, #tpu.memory_space<hbm>>
    %dma_start3A_202 = arith.constant 0 : i32
    %dma_start3A_203 = tpu.memref_slice %arg2[%dma_start3A_198, %dma_start3A_202] : memref<26x16384xi32, #tpu.memory_space<hbm>> -> memref<1x8192xi32, #tpu.memory_space<hbm>>
    %dma_start3A_204 = tpu.memref_squeeze %dma_start3A_203 : memref<1x8192xi32, #tpu.memory_space<hbm>> -> memref<8192xi32, #tpu.memory_space<hbm>>
    tpu.enqueue_dma source(%dma_start3A_204 : memref<8192xi32, #tpu.memory_space<hbm>>) target(%arg6 : memref<8192xi32, #tpu.memory_space<vmem>>) target_semaphore(%arg9 : memref<!tpu.dma_semaphore, #tpu.memory_space<semaphore_mem>>)
    %dma_wait3A_205 = arith.constant 4 : i32
    %dma_wait3A_206 = arith.constant 0 : i32
    %dma_wait3A_207 = tpu.memref_slice %arg2[%dma_wait3A_205, %dma_wait3A_206] : memref<26x16384xi32, #tpu.memory_space<hbm>> -> memref<1x8192xi32, #tpu.memory_space<hbm>>
    %dma_wait3A_208 = tpu.memref_squeeze %dma_wait3A_207 : memref<1x8192xi32, #tpu.memory_space<hbm>> -> memref<8192xi32, #tpu.memory_space<hbm>>
    %dma_wait3A_209 = arith.constant 0 : i32
    %dma_wait3A_210 = tpu.memref_slice %arg2[%dma_wait3A_205, %dma_wait3A_209] : memref<26x16384xi32, #tpu.memory_space<hbm>> -> memref<1x8192xi32, #tpu.memory_space<hbm>>
    %dma_wait3A_211 = tpu.memref_squeeze %dma_wait3A_210 : memref<1x8192xi32, #tpu.memory_space<hbm>> -> memref<8192xi32, #tpu.memory_space<hbm>>
    tpu.wait_dma2 semaphore(%arg9 : memref<!tpu.dma_semaphore, #tpu.memory_space<semaphore_mem>>) src(%dma_wait3A_211 : memref<8192xi32, #tpu.memory_space<hbm>>) dst(%arg6 : memref<8192xi32, #tpu.memory_space<vmem>>)
    %dma_wait3A_212 = arith.constant 0 : i32
    %dma_wait3A_213 = tpu.memref_slice %arg3[%add3A_191, %dma_wait3A_212] : memref<832x100000xf32, #tpu.memory_space<hbm>> -> memref<1x100000xf32, #tpu.memory_space<hbm>>
    %dma_wait3A_214 = tpu.memref_squeeze %dma_wait3A_213 : memref<1x100000xf32, #tpu.memory_space<hbm>> -> memref<100000xf32, #tpu.memory_space<hbm>>
    %dma_wait3A_215 = arith.constant 0 : i32
    %dma_wait3A_216 = tpu.memref_slice %arg3[%add3A_191, %dma_wait3A_215] : memref<832x100000xf32, #tpu.memory_space<hbm>> -> memref<1x100000xf32, #tpu.memory_space<hbm>>
    %dma_wait3A_217 = tpu.memref_squeeze %dma_wait3A_216 : memref<1x100000xf32, #tpu.memory_space<hbm>> -> memref<100000xf32, #tpu.memory_space<hbm>>
    tpu.wait_dma2 semaphore(%arg8 : memref<!tpu.dma_semaphore, #tpu.memory_space<semaphore_mem>>) src(%dma_wait3A_217 : memref<100000xf32, #tpu.memory_space<hbm>>) dst(%arg5 : memref<100000xf32, #tpu.memory_space<vmem>>)
    %parallel_loop3A_218 = arith.constant 0 : i32
    %parallel_loop3A_219 = arith.constant 8192 : i32
    %parallel_loop3A_220 = arith.constant 16 : i32
    scf.for %parallel_loop3A_1246 = %parallel_loop3A_218 to %parallel_loop3A_219 step %parallel_loop3A_220  : i32 {
      %parallel_loop3A_1247 = arith.index_cast %parallel_loop3A_1246 : i32 to index
      %parallel_loop3A_1248 = tpu.vector_load %arg6[%parallel_loop3A_1247] {strides = array<i32>} : memref<8192xi32, #tpu.memory_space<vmem>>, vector<16xi32>,
      %parallel_loop3A_1249 = tpu.vector_load_idx %arg5[%parallel_loop3A_1248] : memref<100000xf32, #tpu.memory_space<vmem>>[vector<16xi32>], vector<16xf32>,
      %parallel_loop3A_1250 = arith.constant 0 : i32
      %parallel_loop3A_1251 = arith.addi %parallel_loop3A_1250, %parallel_loop3A_1246 : i32
      %parallel_loop3A_1252 = arith.index_cast %parallel_loop3A_1251 : i32 to index
      %parallel_loop3A_1253 = tpu.vector_load %arg7[%parallel_loop3A_1252] {strides = array<i32>} : memref<16384xf32, #tpu.memory_space<vmem>>, vector<16xf32>,
      tpu.vector_store %arg7[%parallel_loop3A_1252], %parallel_loop3A_1249 {add = true, strides = array<i32>} : memref<16384xf32, #tpu.memory_space<vmem>>, vector<16xf32>,
    } {sc.loop_unroll_factor = 8 : i64, sc.parallel_access}
    %dma_start3A_221 = arith.constant 4 : i32
    %dma_start3A_222 = arith.constant 8192 : i32
    %dma_start3A_223 = tpu.memref_slice %arg2[%dma_start3A_221, %dma_start3A_222] : memref<26x16384xi32, #tpu.memory_space<hbm>> -> memref<1x8192xi32, #tpu.memory_space<hbm>>
    %dma_start3A_224 = tpu.memref_squeeze %dma_start3A_223 : memref<1x8192xi32, #tpu.memory_space<hbm>> -> memref<8192xi32, #tpu.memory_space<hbm>>
    %dma_start3A_225 = arith.constant 8192 : i32
    %dma_start3A_226 = tpu.memref_slice %arg2[%dma_start3A_221, %dma_start3A_225] : memref<26x16384xi32, #tpu.memory_space<hbm>> -> memref<1x8192xi32, #tpu.memory_space<hbm>>
    %dma_start3A_227 = tpu.memref_squeeze %dma_start3A_226 : memref<1x8192xi32, #tpu.memory_space<hbm>> -> memref<8192xi32, #tpu.memory_space<hbm>>
    tpu.enqueue_dma source(%dma_start3A_227 : memref<8192xi32, #tpu.memory_space<hbm>>) target(%arg6 : memref<8192xi32, #tpu.memory_space<vmem>>) target_semaphore(%arg9 : memref<!tpu.dma_semaphore, #tpu.memory_space<semaphore_mem>>)
    %dma_wait3A_228 = arith.constant 4 : i32
    %dma_wait3A_229 = arith.constant 8192 : i32
    %dma_wait3A_230 = tpu.memref_slice %arg2[%dma_wait3A_228, %dma_wait3A_229] : memref<26x16384xi32, #tpu.memory_space<hbm>> -> memref<1x8192xi32, #tpu.memory_space<hbm>>
    %dma_wait3A_231 = tpu.memref_squeeze %dma_wait3A_230 : memref<1x8192xi32, #tpu.memory_space<hbm>> -> memref<8192xi32, #tpu.memory_space<hbm>>
    %dma_wait3A_232 = arith.constant 8192 : i32
    %dma_wait3A_233 = tpu.memref_slice %arg2[%dma_wait3A_228, %dma_wait3A_232] : memref<26x16384xi32, #tpu.memory_space<hbm>> -> memref<1x8192xi32, #tpu.memory_space<hbm>>
    %dma_wait3A_234 = tpu.memref_squeeze %dma_wait3A_233 : memref<1x8192xi32, #tpu.memory_space<hbm>> -> memref<8192xi32, #tpu.memory_space<hbm>>
    tpu.wait_dma2 semaphore(%arg9 : memref<!tpu.dma_semaphore, #tpu.memory_space<semaphore_mem>>) src(%dma_wait3A_234 : memref<8192xi32, #tpu.memory_space<hbm>>) dst(%arg6 : memref<8192xi32, #tpu.memory_space<vmem>>)
    %parallel_loop3A_235 = arith.constant 0 : i32
    %parallel_loop3A_236 = arith.constant 8192 : i32
    %parallel_loop3A_237 = arith.constant 16 : i32
    scf.for %parallel_loop3A_1246 = %parallel_loop3A_235 to %parallel_loop3A_236 step %parallel_loop3A_237  : i32 {
      %parallel_loop3A_1247 = arith.index_cast %parallel_loop3A_1246 : i32 to index
      %parallel_loop3A_1248 = tpu.vector_load %arg6[%parallel_loop3A_1247] {strides = array<i32>} : memref<8192xi32, #tpu.memory_space<vmem>>, vector<16xi32>,
      %parallel_loop3A_1249 = tpu.vector_load_idx %arg5[%parallel_loop3A_1248] : memref<100000xf32, #tpu.memory_space<vmem>>[vector<16xi32>], vector<16xf32>,
      %parallel_loop3A_1250 = arith.constant 8192 : i32
      %parallel_loop3A_1251 = arith.addi %parallel_loop3A_1250, %parallel_loop3A_1246 : i32
      %parallel_loop3A_1252 = arith.index_cast %parallel_loop3A_1251 : i32 to index
      %parallel_loop3A_1253 = tpu.vector_load %arg7[%parallel_loop3A_1252] {strides = array<i32>} : memref<16384xf32, #tpu.memory_space<vmem>>, vector<16xf32>,
      tpu.vector_store %arg7[%parallel_loop3A_1252], %parallel_loop3A_1249 {add = true, strides = array<i32>} : memref<16384xf32, #tpu.memory_space<vmem>>, vector<16xf32>,
    } {sc.loop_unroll_factor = 8 : i64, sc.parallel_access}
    %add3A_238 = arith.constant 160 : i32
    %add3A_239 = arith.addi %add3A_238, %add3A : i32
    %dma_start3A_240 = arith.constant 0 : i32
    %dma_start3A_241 = tpu.memref_slice %arg3[%add3A_239, %dma_start3A_240] : memref<832x100000xf32, #tpu.memory_space<hbm>> -> memref<1x100000xf32, #tpu.memory_space<hbm>>
    %dma_start3A_242 = tpu.memref_squeeze %dma_start3A_241 : memref<1x100000xf32, #tpu.memory_space<hbm>> -> memref<100000xf32, #tpu.memory_space<hbm>>
    %dma_start3A_243 = arith.constant 0 : i32
    %dma_start3A_244 = tpu.memref_slice %arg3[%add3A_239, %dma_start3A_243] : memref<832x100000xf32, #tpu.memory_space<hbm>> -> memref<1x100000xf32, #tpu.memory_space<hbm>>
    %dma_start3A_245 = tpu.memref_squeeze %dma_start3A_244 : memref<1x100000xf32, #tpu.memory_space<hbm>> -> memref<100000xf32, #tpu.memory_space<hbm>>
    tpu.enqueue_dma source(%dma_start3A_245 : memref<100000xf32, #tpu.memory_space<hbm>>) target(%arg5 : memref<100000xf32, #tpu.memory_space<vmem>>) target_semaphore(%arg8 : memref<!tpu.dma_semaphore, #tpu.memory_space<semaphore_mem>>)
    %dma_start3A_246 = arith.constant 5 : i32
    %dma_start3A_247 = arith.constant 0 : i32
    %dma_start3A_248 = tpu.memref_slice %arg2[%dma_start3A_246, %dma_start3A_247] : memref<26x16384xi32, #tpu.memory_space<hbm>> -> memref<1x8192xi32, #tpu.memory_space<hbm>>
    %dma_start3A_249 = tpu.memref_squeeze %dma_start3A_248 : memref<1x8192xi32, #tpu.memory_space<hbm>> -> memref<8192xi32, #tpu.memory_space<hbm>>
    %dma_start3A_250 = arith.constant 0 : i32
    %dma_start3A_251 = tpu.memref_slice %arg2[%dma_start3A_246, %dma_start3A_250] : memref<26x16384xi32, #tpu.memory_space<hbm>> -> memref<1x8192xi32, #tpu.memory_space<hbm>>
    %dma_start3A_252 = tpu.memref_squeeze %dma_start3A_251 : memref<1x8192xi32, #tpu.memory_space<hbm>> -> memref<8192xi32, #tpu.memory_space<hbm>>
    tpu.enqueue_dma source(%dma_start3A_252 : memref<8192xi32, #tpu.memory_space<hbm>>) target(%arg6 : memref<8192xi32, #tpu.memory_space<vmem>>) target_semaphore(%arg9 : memref<!tpu.dma_semaphore, #tpu.memory_space<semaphore_mem>>)
    %dma_wait3A_253 = arith.constant 5 : i32
    %dma_wait3A_254 = arith.constant 0 : i32
    %dma_wait3A_255 = tpu.memref_slice %arg2[%dma_wait3A_253, %dma_wait3A_254] : memref<26x16384xi32, #tpu.memory_space<hbm>> -> memref<1x8192xi32, #tpu.memory_space<hbm>>
    %dma_wait3A_256 = tpu.memref_squeeze %dma_wait3A_255 : memref<1x8192xi32, #tpu.memory_space<hbm>> -> memref<8192xi32, #tpu.memory_space<hbm>>
    %dma_wait3A_257 = arith.constant 0 : i32
    %dma_wait3A_258 = tpu.memref_slice %arg2[%dma_wait3A_253, %dma_wait3A_257] : memref<26x16384xi32, #tpu.memory_space<hbm>> -> memref<1x8192xi32, #tpu.memory_space<hbm>>
    %dma_wait3A_259 = tpu.memref_squeeze %dma_wait3A_258 : memref<1x8192xi32, #tpu.memory_space<hbm>> -> memref<8192xi32, #tpu.memory_space<hbm>>
    tpu.wait_dma2 semaphore(%arg9 : memref<!tpu.dma_semaphore, #tpu.memory_space<semaphore_mem>>) src(%dma_wait3A_259 : memref<8192xi32, #tpu.memory_space<hbm>>) dst(%arg6 : memref<8192xi32, #tpu.memory_space<vmem>>)
    %dma_wait3A_260 = arith.constant 0 : i32
    %dma_wait3A_261 = tpu.memref_slice %arg3[%add3A_239, %dma_wait3A_260] : memref<832x100000xf32, #tpu.memory_space<hbm>> -> memref<1x100000xf32, #tpu.memory_space<hbm>>
    %dma_wait3A_262 = tpu.memref_squeeze %dma_wait3A_261 : memref<1x100000xf32, #tpu.memory_space<hbm>> -> memref<100000xf32, #tpu.memory_space<hbm>>
    %dma_wait3A_263 = arith.constant 0 : i32
    %dma_wait3A_264 = tpu.memref_slice %arg3[%add3A_239, %dma_wait3A_263] : memref<832x100000xf32, #tpu.memory_space<hbm>> -> memref<1x100000xf32, #tpu.memory_space<hbm>>
    %dma_wait3A_265 = tpu.memref_squeeze %dma_wait3A_264 : memref<1x100000xf32, #tpu.memory_space<hbm>> -> memref<100000xf32, #tpu.memory_space<hbm>>
    tpu.wait_dma2 semaphore(%arg8 : memref<!tpu.dma_semaphore, #tpu.memory_space<semaphore_mem>>) src(%dma_wait3A_265 : memref<100000xf32, #tpu.memory_space<hbm>>) dst(%arg5 : memref<100000xf32, #tpu.memory_space<vmem>>)
    %parallel_loop3A_266 = arith.constant 0 : i32
    %parallel_loop3A_267 = arith.constant 8192 : i32
    %parallel_loop3A_268 = arith.constant 16 : i32
    scf.for %parallel_loop3A_1246 = %parallel_loop3A_266 to %parallel_loop3A_267 step %parallel_loop3A_268  : i32 {
      %parallel_loop3A_1247 = arith.index_cast %parallel_loop3A_1246 : i32 to index
      %parallel_loop3A_1248 = tpu.vector_load %arg6[%parallel_loop3A_1247] {strides = array<i32>} : memref<8192xi32, #tpu.memory_space<vmem>>, vector<16xi32>,
      %parallel_loop3A_1249 = tpu.vector_load_idx %arg5[%parallel_loop3A_1248] : memref<100000xf32, #tpu.memory_space<vmem>>[vector<16xi32>], vector<16xf32>,
      %parallel_loop3A_1250 = arith.constant 0 : i32
      %parallel_loop3A_1251 = arith.addi %parallel_loop3A_1250, %parallel_loop3A_1246 : i32
      %parallel_loop3A_1252 = arith.index_cast %parallel_loop3A_1251 : i32 to index
      %parallel_loop3A_1253 = tpu.vector_load %arg7[%parallel_loop3A_1252] {strides = array<i32>} : memref<16384xf32, #tpu.memory_space<vmem>>, vector<16xf32>,
      tpu.vector_store %arg7[%parallel_loop3A_1252], %parallel_loop3A_1249 {add = true, strides = array<i32>} : memref<16384xf32, #tpu.memory_space<vmem>>, vector<16xf32>,
    } {sc.loop_unroll_factor = 8 : i64, sc.parallel_access}
    %dma_start3A_269 = arith.constant 5 : i32
    %dma_start3A_270 = arith.constant 8192 : i32
    %dma_start3A_271 = tpu.memref_slice %arg2[%dma_start3A_269, %dma_start3A_270] : memref<26x16384xi32, #tpu.memory_space<hbm>> -> memref<1x8192xi32, #tpu.memory_space<hbm>>
    %dma_start3A_272 = tpu.memref_squeeze %dma_start3A_271 : memref<1x8192xi32, #tpu.memory_space<hbm>> -> memref<8192xi32, #tpu.memory_space<hbm>>
    %dma_start3A_273 = arith.constant 8192 : i32
    %dma_start3A_274 = tpu.memref_slice %arg2[%dma_start3A_269, %dma_start3A_273] : memref<26x16384xi32, #tpu.memory_space<hbm>> -> memref<1x8192xi32, #tpu.memory_space<hbm>>
    %dma_start3A_275 = tpu.memref_squeeze %dma_start3A_274 : memref<1x8192xi32, #tpu.memory_space<hbm>> -> memref<8192xi32, #tpu.memory_space<hbm>>
    tpu.enqueue_dma source(%dma_start3A_275 : memref<8192xi32, #tpu.memory_space<hbm>>) target(%arg6 : memref<8192xi32, #tpu.memory_space<vmem>>) target_semaphore(%arg9 : memref<!tpu.dma_semaphore, #tpu.memory_space<semaphore_mem>>)
    %dma_wait3A_276 = arith.constant 5 : i32
    %dma_wait3A_277 = arith.constant 8192 : i32
    %dma_wait3A_278 = tpu.memref_slice %arg2[%dma_wait3A_276, %dma_wait3A_277] : memref<26x16384xi32, #tpu.memory_space<hbm>> -> memref<1x8192xi32, #tpu.memory_space<hbm>>
    %dma_wait3A_279 = tpu.memref_squeeze %dma_wait3A_278 : memref<1x8192xi32, #tpu.memory_space<hbm>> -> memref<8192xi32, #tpu.memory_space<hbm>>
    %dma_wait3A_280 = arith.constant 8192 : i32
    %dma_wait3A_281 = tpu.memref_slice %arg2[%dma_wait3A_276, %dma_wait3A_280] : memref<26x16384xi32, #tpu.memory_space<hbm>> -> memref<1x8192xi32, #tpu.memory_space<hbm>>
    %dma_wait3A_282 = tpu.memref_squeeze %dma_wait3A_281 : memref<1x8192xi32, #tpu.memory_space<hbm>> -> memref<8192xi32, #tpu.memory_space<hbm>>
    tpu.wait_dma2 semaphore(%arg9 : memref<!tpu.dma_semaphore, #tpu.memory_space<semaphore_mem>>) src(%dma_wait3A_282 : memref<8192xi32, #tpu.memory_space<hbm>>) dst(%arg6 : memref<8192xi32, #tpu.memory_space<vmem>>)
    %parallel_loop3A_283 = arith.constant 0 : i32
    %parallel_loop3A_284 = arith.constant 8192 : i32
    %parallel_loop3A_285 = arith.constant 16 : i32
    scf.for %parallel_loop3A_1246 = %parallel_loop3A_283 to %parallel_loop3A_284 step %parallel_loop3A_285  : i32 {
      %parallel_loop3A_1247 = arith.index_cast %parallel_loop3A_1246 : i32 to index
      %parallel_loop3A_1248 = tpu.vector_load %arg6[%parallel_loop3A_1247] {strides = array<i32>} : memref<8192xi32, #tpu.memory_space<vmem>>, vector<16xi32>,
      %parallel_loop3A_1249 = tpu.vector_load_idx %arg5[%parallel_loop3A_1248] : memref<100000xf32, #tpu.memory_space<vmem>>[vector<16xi32>], vector<16xf32>,
      %parallel_loop3A_1250 = arith.constant 8192 : i32
      %parallel_loop3A_1251 = arith.addi %parallel_loop3A_1250, %parallel_loop3A_1246 : i32
      %parallel_loop3A_1252 = arith.index_cast %parallel_loop3A_1251 : i32 to index
      %parallel_loop3A_1253 = tpu.vector_load %arg7[%parallel_loop3A_1252] {strides = array<i32>} : memref<16384xf32, #tpu.memory_space<vmem>>, vector<16xf32>,
      tpu.vector_store %arg7[%parallel_loop3A_1252], %parallel_loop3A_1249 {add = true, strides = array<i32>} : memref<16384xf32, #tpu.memory_space<vmem>>, vector<16xf32>,
    } {sc.loop_unroll_factor = 8 : i64, sc.parallel_access}
    %add3A_286 = arith.constant 192 : i32
    %add3A_287 = arith.addi %add3A_286, %add3A : i32
    %dma_start3A_288 = arith.constant 0 : i32
    %dma_start3A_289 = tpu.memref_slice %arg3[%add3A_287, %dma_start3A_288] : memref<832x100000xf32, #tpu.memory_space<hbm>> -> memref<1x100000xf32, #tpu.memory_space<hbm>>
    %dma_start3A_290 = tpu.memref_squeeze %dma_start3A_289 : memref<1x100000xf32, #tpu.memory_space<hbm>> -> memref<100000xf32, #tpu.memory_space<hbm>>
    %dma_start3A_291 = arith.constant 0 : i32
    %dma_start3A_292 = tpu.memref_slice %arg3[%add3A_287, %dma_start3A_291] : memref<832x100000xf32, #tpu.memory_space<hbm>> -> memref<1x100000xf32, #tpu.memory_space<hbm>>
    %dma_start3A_293 = tpu.memref_squeeze %dma_start3A_292 : memref<1x100000xf32, #tpu.memory_space<hbm>> -> memref<100000xf32, #tpu.memory_space<hbm>>
    tpu.enqueue_dma source(%dma_start3A_293 : memref<100000xf32, #tpu.memory_space<hbm>>) target(%arg5 : memref<100000xf32, #tpu.memory_space<vmem>>) target_semaphore(%arg8 : memref<!tpu.dma_semaphore, #tpu.memory_space<semaphore_mem>>)
    %dma_start3A_294 = arith.constant 6 : i32
    %dma_start3A_295 = arith.constant 0 : i32
    %dma_start3A_296 = tpu.memref_slice %arg2[%dma_start3A_294, %dma_start3A_295] : memref<26x16384xi32, #tpu.memory_space<hbm>> -> memref<1x8192xi32, #tpu.memory_space<hbm>>
    %dma_start3A_297 = tpu.memref_squeeze %dma_start3A_296 : memref<1x8192xi32, #tpu.memory_space<hbm>> -> memref<8192xi32, #tpu.memory_space<hbm>>
    %dma_start3A_298 = arith.constant 0 : i32
    %dma_start3A_299 = tpu.memref_slice %arg2[%dma_start3A_294, %dma_start3A_298] : memref<26x16384xi32, #tpu.memory_space<hbm>> -> memref<1x8192xi32, #tpu.memory_space<hbm>>
    %dma_start3A_300 = tpu.memref_squeeze %dma_start3A_299 : memref<1x8192xi32, #tpu.memory_space<hbm>> -> memref<8192xi32, #tpu.memory_space<hbm>>
    tpu.enqueue_dma source(%dma_start3A_300 : memref<8192xi32, #tpu.memory_space<hbm>>) target(%arg6 : memref<8192xi32, #tpu.memory_space<vmem>>) target_semaphore(%arg9 : memref<!tpu.dma_semaphore, #tpu.memory_space<semaphore_mem>>)
    %dma_wait3A_301 = arith.constant 6 : i32
    %dma_wait3A_302 = arith.constant 0 : i32
    %dma_wait3A_303 = tpu.memref_slice %arg2[%dma_wait3A_301, %dma_wait3A_302] : memref<26x16384xi32, #tpu.memory_space<hbm>> -> memref<1x8192xi32, #tpu.memory_space<hbm>>
    %dma_wait3A_304 = tpu.memref_squeeze %dma_wait3A_303 : memref<1x8192xi32, #tpu.memory_space<hbm>> -> memref<8192xi32, #tpu.memory_space<hbm>>
    %dma_wait3A_305 = arith.constant 0 : i32
    %dma_wait3A_306 = tpu.memref_slice %arg2[%dma_wait3A_301, %dma_wait3A_305] : memref<26x16384xi32, #tpu.memory_space<hbm>> -> memref<1x8192xi32, #tpu.memory_space<hbm>>
    %dma_wait3A_307 = tpu.memref_squeeze %dma_wait3A_306 : memref<1x8192xi32, #tpu.memory_space<hbm>> -> memref<8192xi32, #tpu.memory_space<hbm>>
    tpu.wait_dma2 semaphore(%arg9 : memref<!tpu.dma_semaphore, #tpu.memory_space<semaphore_mem>>) src(%dma_wait3A_307 : memref<8192xi32, #tpu.memory_space<hbm>>) dst(%arg6 : memref<8192xi32, #tpu.memory_space<vmem>>)
    %dma_wait3A_308 = arith.constant 0 : i32
    %dma_wait3A_309 = tpu.memref_slice %arg3[%add3A_287, %dma_wait3A_308] : memref<832x100000xf32, #tpu.memory_space<hbm>> -> memref<1x100000xf32, #tpu.memory_space<hbm>>
    %dma_wait3A_310 = tpu.memref_squeeze %dma_wait3A_309 : memref<1x100000xf32, #tpu.memory_space<hbm>> -> memref<100000xf32, #tpu.memory_space<hbm>>
    %dma_wait3A_311 = arith.constant 0 : i32
    %dma_wait3A_312 = tpu.memref_slice %arg3[%add3A_287, %dma_wait3A_311] : memref<832x100000xf32, #tpu.memory_space<hbm>> -> memref<1x100000xf32, #tpu.memory_space<hbm>>
    %dma_wait3A_313 = tpu.memref_squeeze %dma_wait3A_312 : memref<1x100000xf32, #tpu.memory_space<hbm>> -> memref<100000xf32, #tpu.memory_space<hbm>>
    tpu.wait_dma2 semaphore(%arg8 : memref<!tpu.dma_semaphore, #tpu.memory_space<semaphore_mem>>) src(%dma_wait3A_313 : memref<100000xf32, #tpu.memory_space<hbm>>) dst(%arg5 : memref<100000xf32, #tpu.memory_space<vmem>>)
    %parallel_loop3A_314 = arith.constant 0 : i32
    %parallel_loop3A_315 = arith.constant 8192 : i32
    %parallel_loop3A_316 = arith.constant 16 : i32
    scf.for %parallel_loop3A_1246 = %parallel_loop3A_314 to %parallel_loop3A_315 step %parallel_loop3A_316  : i32 {
      %parallel_loop3A_1247 = arith.index_cast %parallel_loop3A_1246 : i32 to index
      %parallel_loop3A_1248 = tpu.vector_load %arg6[%parallel_loop3A_1247] {strides = array<i32>} : memref<8192xi32, #tpu.memory_space<vmem>>, vector<16xi32>,
      %parallel_loop3A_1249 = tpu.vector_load_idx %arg5[%parallel_loop3A_1248] : memref<100000xf32, #tpu.memory_space<vmem>>[vector<16xi32>], vector<16xf32>,
      %parallel_loop3A_1250 = arith.constant 0 : i32
      %parallel_loop3A_1251 = arith.addi %parallel_loop3A_1250, %parallel_loop3A_1246 : i32
      %parallel_loop3A_1252 = arith.index_cast %parallel_loop3A_1251 : i32 to index
      %parallel_loop3A_1253 = tpu.vector_load %arg7[%parallel_loop3A_1252] {strides = array<i32>} : memref<16384xf32, #tpu.memory_space<vmem>>, vector<16xf32>,
      tpu.vector_store %arg7[%parallel_loop3A_1252], %parallel_loop3A_1249 {add = true, strides = array<i32>} : memref<16384xf32, #tpu.memory_space<vmem>>, vector<16xf32>,
    } {sc.loop_unroll_factor = 8 : i64, sc.parallel_access}
    %dma_start3A_317 = arith.constant 6 : i32
    %dma_start3A_318 = arith.constant 8192 : i32
    %dma_start3A_319 = tpu.memref_slice %arg2[%dma_start3A_317, %dma_start3A_318] : memref<26x16384xi32, #tpu.memory_space<hbm>> -> memref<1x8192xi32, #tpu.memory_space<hbm>>
    %dma_start3A_320 = tpu.memref_squeeze %dma_start3A_319 : memref<1x8192xi32, #tpu.memory_space<hbm>> -> memref<8192xi32, #tpu.memory_space<hbm>>
    %dma_start3A_321 = arith.constant 8192 : i32
    %dma_start3A_322 = tpu.memref_slice %arg2[%dma_start3A_317, %dma_start3A_321] : memref<26x16384xi32, #tpu.memory_space<hbm>> -> memref<1x8192xi32, #tpu.memory_space<hbm>>
    %dma_start3A_323 = tpu.memref_squeeze %dma_start3A_322 : memref<1x8192xi32, #tpu.memory_space<hbm>> -> memref<8192xi32, #tpu.memory_space<hbm>>
    tpu.enqueue_dma source(%dma_start3A_323 : memref<8192xi32, #tpu.memory_space<hbm>>) target(%arg6 : memref<8192xi32, #tpu.memory_space<vmem>>) target_semaphore(%arg9 : memref<!tpu.dma_semaphore, #tpu.memory_space<semaphore_mem>>)
    %dma_wait3A_324 = arith.constant 6 : i32
    %dma_wait3A_325 = arith.constant 8192 : i32
    %dma_wait3A_326 = tpu.memref_slice %arg2[%dma_wait3A_324, %dma_wait3A_325] : memref<26x16384xi32, #tpu.memory_space<hbm>> -> memref<1x8192xi32, #tpu.memory_space<hbm>>
    %dma_wait3A_327 = tpu.memref_squeeze %dma_wait3A_326 : memref<1x8192xi32, #tpu.memory_space<hbm>> -> memref<8192xi32, #tpu.memory_space<hbm>>
    %dma_wait3A_328 = arith.constant 8192 : i32
    %dma_wait3A_329 = tpu.memref_slice %arg2[%dma_wait3A_324, %dma_wait3A_328] : memref<26x16384xi32, #tpu.memory_space<hbm>> -> memref<1x8192xi32, #tpu.memory_space<hbm>>
    %dma_wait3A_330 = tpu.memref_squeeze %dma_wait3A_329 : memref<1x8192xi32, #tpu.memory_space<hbm>> -> memref<8192xi32, #tpu.memory_space<hbm>>
    tpu.wait_dma2 semaphore(%arg9 : memref<!tpu.dma_semaphore, #tpu.memory_space<semaphore_mem>>) src(%dma_wait3A_330 : memref<8192xi32, #tpu.memory_space<hbm>>) dst(%arg6 : memref<8192xi32, #tpu.memory_space<vmem>>)
    %parallel_loop3A_331 = arith.constant 0 : i32
    %parallel_loop3A_332 = arith.constant 8192 : i32
    %parallel_loop3A_333 = arith.constant 16 : i32
    scf.for %parallel_loop3A_1246 = %parallel_loop3A_331 to %parallel_loop3A_332 step %parallel_loop3A_333  : i32 {
      %parallel_loop3A_1247 = arith.index_cast %parallel_loop3A_1246 : i32 to index
      %parallel_loop3A_1248 = tpu.vector_load %arg6[%parallel_loop3A_1247] {strides = array<i32>} : memref<8192xi32, #tpu.memory_space<vmem>>, vector<16xi32>,
      %parallel_loop3A_1249 = tpu.vector_load_idx %arg5[%parallel_loop3A_1248] : memref<100000xf32, #tpu.memory_space<vmem>>[vector<16xi32>], vector<16xf32>,
      %parallel_loop3A_1250 = arith.constant 8192 : i32
      %parallel_loop3A_1251 = arith.addi %parallel_loop3A_1250, %parallel_loop3A_1246 : i32
      %parallel_loop3A_1252 = arith.index_cast %parallel_loop3A_1251 : i32 to index
      %parallel_loop3A_1253 = tpu.vector_load %arg7[%parallel_loop3A_1252] {strides = array<i32>} : memref<16384xf32, #tpu.memory_space<vmem>>, vector<16xf32>,
      tpu.vector_store %arg7[%parallel_loop3A_1252], %parallel_loop3A_1249 {add = true, strides = array<i32>} : memref<16384xf32, #tpu.memory_space<vmem>>, vector<16xf32>,
    } {sc.loop_unroll_factor = 8 : i64, sc.parallel_access}
    %add3A_334 = arith.constant 224 : i32
    %add3A_335 = arith.addi %add3A_334, %add3A : i32
    %dma_start3A_336 = arith.constant 0 : i32
    %dma_start3A_337 = tpu.memref_slice %arg3[%add3A_335, %dma_start3A_336] : memref<832x100000xf32, #tpu.memory_space<hbm>> -> memref<1x100000xf32, #tpu.memory_space<hbm>>
    %dma_start3A_338 = tpu.memref_squeeze %dma_start3A_337 : memref<1x100000xf32, #tpu.memory_space<hbm>> -> memref<100000xf32, #tpu.memory_space<hbm>>
    %dma_start3A_339 = arith.constant 0 : i32
    %dma_start3A_340 = tpu.memref_slice %arg3[%add3A_335, %dma_start3A_339] : memref<832x100000xf32, #tpu.memory_space<hbm>> -> memref<1x100000xf32, #tpu.memory_space<hbm>>
    %dma_start3A_341 = tpu.memref_squeeze %dma_start3A_340 : memref<1x100000xf32, #tpu.memory_space<hbm>> -> memref<100000xf32, #tpu.memory_space<hbm>>
    tpu.enqueue_dma source(%dma_start3A_341 : memref<100000xf32, #tpu.memory_space<hbm>>) target(%arg5 : memref<100000xf32, #tpu.memory_space<vmem>>) target_semaphore(%arg8 : memref<!tpu.dma_semaphore, #tpu.memory_space<semaphore_mem>>)
    %dma_start3A_342 = arith.constant 7 : i32
    %dma_start3A_343 = arith.constant 0 : i32
    %dma_start3A_344 = tpu.memref_slice %arg2[%dma_start3A_342, %dma_start3A_343] : memref<26x16384xi32, #tpu.memory_space<hbm>> -> memref<1x8192xi32, #tpu.memory_space<hbm>>
    %dma_start3A_345 = tpu.memref_squeeze %dma_start3A_344 : memref<1x8192xi32, #tpu.memory_space<hbm>> -> memref<8192xi32, #tpu.memory_space<hbm>>
    %dma_start3A_346 = arith.constant 0 : i32
    %dma_start3A_347 = tpu.memref_slice %arg2[%dma_start3A_342, %dma_start3A_346] : memref<26x16384xi32, #tpu.memory_space<hbm>> -> memref<1x8192xi32, #tpu.memory_space<hbm>>
    %dma_start3A_348 = tpu.memref_squeeze %dma_start3A_347 : memref<1x8192xi32, #tpu.memory_space<hbm>> -> memref<8192xi32, #tpu.memory_space<hbm>>
    tpu.enqueue_dma source(%dma_start3A_348 : memref<8192xi32, #tpu.memory_space<hbm>>) target(%arg6 : memref<8192xi32, #tpu.memory_space<vmem>>) target_semaphore(%arg9 : memref<!tpu.dma_semaphore, #tpu.memory_space<semaphore_mem>>)
    %dma_wait3A_349 = arith.constant 7 : i32
    %dma_wait3A_350 = arith.constant 0 : i32
    %dma_wait3A_351 = tpu.memref_slice %arg2[%dma_wait3A_349, %dma_wait3A_350] : memref<26x16384xi32, #tpu.memory_space<hbm>> -> memref<1x8192xi32, #tpu.memory_space<hbm>>
    %dma_wait3A_352 = tpu.memref_squeeze %dma_wait3A_351 : memref<1x8192xi32, #tpu.memory_space<hbm>> -> memref<8192xi32, #tpu.memory_space<hbm>>
    %dma_wait3A_353 = arith.constant 0 : i32
    %dma_wait3A_354 = tpu.memref_slice %arg2[%dma_wait3A_349, %dma_wait3A_353] : memref<26x16384xi32, #tpu.memory_space<hbm>> -> memref<1x8192xi32, #tpu.memory_space<hbm>>
    %dma_wait3A_355 = tpu.memref_squeeze %dma_wait3A_354 : memref<1x8192xi32, #tpu.memory_space<hbm>> -> memref<8192xi32, #tpu.memory_space<hbm>>
    tpu.wait_dma2 semaphore(%arg9 : memref<!tpu.dma_semaphore, #tpu.memory_space<semaphore_mem>>) src(%dma_wait3A_355 : memref<8192xi32, #tpu.memory_space<hbm>>) dst(%arg6 : memref<8192xi32, #tpu.memory_space<vmem>>)
    %dma_wait3A_356 = arith.constant 0 : i32
    %dma_wait3A_357 = tpu.memref_slice %arg3[%add3A_335, %dma_wait3A_356] : memref<832x100000xf32, #tpu.memory_space<hbm>> -> memref<1x100000xf32, #tpu.memory_space<hbm>>
    %dma_wait3A_358 = tpu.memref_squeeze %dma_wait3A_357 : memref<1x100000xf32, #tpu.memory_space<hbm>> -> memref<100000xf32, #tpu.memory_space<hbm>>
    %dma_wait3A_359 = arith.constant 0 : i32
    %dma_wait3A_360 = tpu.memref_slice %arg3[%add3A_335, %dma_wait3A_359] : memref<832x100000xf32, #tpu.memory_space<hbm>> -> memref<1x100000xf32, #tpu.memory_space<hbm>>
    %dma_wait3A_361 = tpu.memref_squeeze %dma_wait3A_360 : memref<1x100000xf32, #tpu.memory_space<hbm>> -> memref<100000xf32, #tpu.memory_space<hbm>>
    tpu.wait_dma2 semaphore(%arg8 : memref<!tpu.dma_semaphore, #tpu.memory_space<semaphore_mem>>) src(%dma_wait3A_361 : memref<100000xf32, #tpu.memory_space<hbm>>) dst(%arg5 : memref<100000xf32, #tpu.memory_space<vmem>>)
    %parallel_loop3A_362 = arith.constant 0 : i32
    %parallel_loop3A_363 = arith.constant 8192 : i32
    %parallel_loop3A_364 = arith.constant 16 : i32
    scf.for %parallel_loop3A_1246 = %parallel_loop3A_362 to %parallel_loop3A_363 step %parallel_loop3A_364  : i32 {
      %parallel_loop3A_1247 = arith.index_cast %parallel_loop3A_1246 : i32 to index
      %parallel_loop3A_1248 = tpu.vector_load %arg6[%parallel_loop3A_1247] {strides = array<i32>} : memref<8192xi32, #tpu.memory_space<vmem>>, vector<16xi32>,
      %parallel_loop3A_1249 = tpu.vector_load_idx %arg5[%parallel_loop3A_1248] : memref<100000xf32, #tpu.memory_space<vmem>>[vector<16xi32>], vector<16xf32>,
      %parallel_loop3A_1250 = arith.constant 0 : i32
      %parallel_loop3A_1251 = arith.addi %parallel_loop3A_1250, %parallel_loop3A_1246 : i32
      %parallel_loop3A_1252 = arith.index_cast %parallel_loop3A_1251 : i32 to index
      %parallel_loop3A_1253 = tpu.vector_load %arg7[%parallel_loop3A_1252] {strides = array<i32>} : memref<16384xf32, #tpu.memory_space<vmem>>, vector<16xf32>,
      tpu.vector_store %arg7[%parallel_loop3A_1252], %parallel_loop3A_1249 {add = true, strides = array<i32>} : memref<16384xf32, #tpu.memory_space<vmem>>, vector<16xf32>,
    } {sc.loop_unroll_factor = 8 : i64, sc.parallel_access}
    %dma_start3A_365 = arith.constant 7 : i32
    %dma_start3A_366 = arith.constant 8192 : i32
    %dma_start3A_367 = tpu.memref_slice %arg2[%dma_start3A_365, %dma_start3A_366] : memref<26x16384xi32, #tpu.memory_space<hbm>> -> memref<1x8192xi32, #tpu.memory_space<hbm>>
    %dma_start3A_368 = tpu.memref_squeeze %dma_start3A_367 : memref<1x8192xi32, #tpu.memory_space<hbm>> -> memref<8192xi32, #tpu.memory_space<hbm>>
    %dma_start3A_369 = arith.constant 8192 : i32
    %dma_start3A_370 = tpu.memref_slice %arg2[%dma_start3A_365, %dma_start3A_369] : memref<26x16384xi32, #tpu.memory_space<hbm>> -> memref<1x8192xi32, #tpu.memory_space<hbm>>
    %dma_start3A_371 = tpu.memref_squeeze %dma_start3A_370 : memref<1x8192xi32, #tpu.memory_space<hbm>> -> memref<8192xi32, #tpu.memory_space<hbm>>
    tpu.enqueue_dma source(%dma_start3A_371 : memref<8192xi32, #tpu.memory_space<hbm>>) target(%arg6 : memref<8192xi32, #tpu.memory_space<vmem>>) target_semaphore(%arg9 : memref<!tpu.dma_semaphore, #tpu.memory_space<semaphore_mem>>)
    %dma_wait3A_372 = arith.constant 7 : i32
    %dma_wait3A_373 = arith.constant 8192 : i32
    %dma_wait3A_374 = tpu.memref_slice %arg2[%dma_wait3A_372, %dma_wait3A_373] : memref<26x16384xi32, #tpu.memory_space<hbm>> -> memref<1x8192xi32, #tpu.memory_space<hbm>>
    %dma_wait3A_375 = tpu.memref_squeeze %dma_wait3A_374 : memref<1x8192xi32, #tpu.memory_space<hbm>> -> memref<8192xi32, #tpu.memory_space<hbm>>
    %dma_wait3A_376 = arith.constant 8192 : i32
    %dma_wait3A_377 = tpu.memref_slice %arg2[%dma_wait3A_372, %dma_wait3A_376] : memref<26x16384xi32, #tpu.memory_space<hbm>> -> memref<1x8192xi32, #tpu.memory_space<hbm>>
    %dma_wait3A_378 = tpu.memref_squeeze %dma_wait3A_377 : memref<1x8192xi32, #tpu.memory_space<hbm>> -> memref<8192xi32, #tpu.memory_space<hbm>>
    tpu.wait_dma2 semaphore(%arg9 : memref<!tpu.dma_semaphore, #tpu.memory_space<semaphore_mem>>) src(%dma_wait3A_378 : memref<8192xi32, #tpu.memory_space<hbm>>) dst(%arg6 : memref<8192xi32, #tpu.memory_space<vmem>>)
    %parallel_loop3A_379 = arith.constant 0 : i32
    %parallel_loop3A_380 = arith.constant 8192 : i32
    %parallel_loop3A_381 = arith.constant 16 : i32
    scf.for %parallel_loop3A_1246 = %parallel_loop3A_379 to %parallel_loop3A_380 step %parallel_loop3A_381  : i32 {
      %parallel_loop3A_1247 = arith.index_cast %parallel_loop3A_1246 : i32 to index
      %parallel_loop3A_1248 = tpu.vector_load %arg6[%parallel_loop3A_1247] {strides = array<i32>} : memref<8192xi32, #tpu.memory_space<vmem>>, vector<16xi32>,
      %parallel_loop3A_1249 = tpu.vector_load_idx %arg5[%parallel_loop3A_1248] : memref<100000xf32, #tpu.memory_space<vmem>>[vector<16xi32>], vector<16xf32>,
      %parallel_loop3A_1250 = arith.constant 8192 : i32
      %parallel_loop3A_1251 = arith.addi %parallel_loop3A_1250, %parallel_loop3A_1246 : i32
      %parallel_loop3A_1252 = arith.index_cast %parallel_loop3A_1251 : i32 to index
      %parallel_loop3A_1253 = tpu.vector_load %arg7[%parallel_loop3A_1252] {strides = array<i32>} : memref<16384xf32, #tpu.memory_space<vmem>>, vector<16xf32>,
      tpu.vector_store %arg7[%parallel_loop3A_1252], %parallel_loop3A_1249 {add = true, strides = array<i32>} : memref<16384xf32, #tpu.memory_space<vmem>>, vector<16xf32>,
    } {sc.loop_unroll_factor = 8 : i64, sc.parallel_access}
    %add3A_382 = arith.constant 256 : i32
    %add3A_383 = arith.addi %add3A_382, %add3A : i32
    %dma_start3A_384 = arith.constant 0 : i32
    %dma_start3A_385 = tpu.memref_slice %arg3[%add3A_383, %dma_start3A_384] : memref<832x100000xf32, #tpu.memory_space<hbm>> -> memref<1x100000xf32, #tpu.memory_space<hbm>>
    %dma_start3A_386 = tpu.memref_squeeze %dma_start3A_385 : memref<1x100000xf32, #tpu.memory_space<hbm>> -> memref<100000xf32, #tpu.memory_space<hbm>>
    %dma_start3A_387 = arith.constant 0 : i32
    %dma_start3A_388 = tpu.memref_slice %arg3[%add3A_383, %dma_start3A_387] : memref<832x100000xf32, #tpu.memory_space<hbm>> -> memref<1x100000xf32, #tpu.memory_space<hbm>>
    %dma_start3A_389 = tpu.memref_squeeze %dma_start3A_388 : memref<1x100000xf32, #tpu.memory_space<hbm>> -> memref<100000xf32, #tpu.memory_space<hbm>>
    tpu.enqueue_dma source(%dma_start3A_389 : memref<100000xf32, #tpu.memory_space<hbm>>) target(%arg5 : memref<100000xf32, #tpu.memory_space<vmem>>) target_semaphore(%arg8 : memref<!tpu.dma_semaphore, #tpu.memory_space<semaphore_mem>>)
    %dma_start3A_390 = arith.constant 8 : i32
    %dma_start3A_391 = arith.constant 0 : i32
    %dma_start3A_392 = tpu.memref_slice %arg2[%dma_start3A_390, %dma_start3A_391] : memref<26x16384xi32, #tpu.memory_space<hbm>> -> memref<1x8192xi32, #tpu.memory_space<hbm>>
    %dma_start3A_393 = tpu.memref_squeeze %dma_start3A_392 : memref<1x8192xi32, #tpu.memory_space<hbm>> -> memref<8192xi32, #tpu.memory_space<hbm>>
    %dma_start3A_394 = arith.constant 0 : i32
    %dma_start3A_395 = tpu.memref_slice %arg2[%dma_start3A_390, %dma_start3A_394] : memref<26x16384xi32, #tpu.memory_space<hbm>> -> memref<1x8192xi32, #tpu.memory_space<hbm>>
    %dma_start3A_396 = tpu.memref_squeeze %dma_start3A_395 : memref<1x8192xi32, #tpu.memory_space<hbm>> -> memref<8192xi32, #tpu.memory_space<hbm>>
    tpu.enqueue_dma source(%dma_start3A_396 : memref<8192xi32, #tpu.memory_space<hbm>>) target(%arg6 : memref<8192xi32, #tpu.memory_space<vmem>>) target_semaphore(%arg9 : memref<!tpu.dma_semaphore, #tpu.memory_space<semaphore_mem>>)
    %dma_wait3A_397 = arith.constant 8 : i32
    %dma_wait3A_398 = arith.constant 0 : i32
    %dma_wait3A_399 = tpu.memref_slice %arg2[%dma_wait3A_397, %dma_wait3A_398] : memref<26x16384xi32, #tpu.memory_space<hbm>> -> memref<1x8192xi32, #tpu.memory_space<hbm>>
    %dma_wait3A_400 = tpu.memref_squeeze %dma_wait3A_399 : memref<1x8192xi32, #tpu.memory_space<hbm>> -> memref<8192xi32, #tpu.memory_space<hbm>>
    %dma_wait3A_401 = arith.constant 0 : i32
    %dma_wait3A_402 = tpu.memref_slice %arg2[%dma_wait3A_397, %dma_wait3A_401] : memref<26x16384xi32, #tpu.memory_space<hbm>> -> memref<1x8192xi32, #tpu.memory_space<hbm>>
    %dma_wait3A_403 = tpu.memref_squeeze %dma_wait3A_402 : memref<1x8192xi32, #tpu.memory_space<hbm>> -> memref<8192xi32, #tpu.memory_space<hbm>>
    tpu.wait_dma2 semaphore(%arg9 : memref<!tpu.dma_semaphore, #tpu.memory_space<semaphore_mem>>) src(%dma_wait3A_403 : memref<8192xi32, #tpu.memory_space<hbm>>) dst(%arg6 : memref<8192xi32, #tpu.memory_space<vmem>>)
    %dma_wait3A_404 = arith.constant 0 : i32
    %dma_wait3A_405 = tpu.memref_slice %arg3[%add3A_383, %dma_wait3A_404] : memref<832x100000xf32, #tpu.memory_space<hbm>> -> memref<1x100000xf32, #tpu.memory_space<hbm>>
    %dma_wait3A_406 = tpu.memref_squeeze %dma_wait3A_405 : memref<1x100000xf32, #tpu.memory_space<hbm>> -> memref<100000xf32, #tpu.memory_space<hbm>>
    %dma_wait3A_407 = arith.constant 0 : i32
    %dma_wait3A_408 = tpu.memref_slice %arg3[%add3A_383, %dma_wait3A_407] : memref<832x100000xf32, #tpu.memory_space<hbm>> -> memref<1x100000xf32, #tpu.memory_space<hbm>>
    %dma_wait3A_409 = tpu.memref_squeeze %dma_wait3A_408 : memref<1x100000xf32, #tpu.memory_space<hbm>> -> memref<100000xf32, #tpu.memory_space<hbm>>
    tpu.wait_dma2 semaphore(%arg8 : memref<!tpu.dma_semaphore, #tpu.memory_space<semaphore_mem>>) src(%dma_wait3A_409 : memref<100000xf32, #tpu.memory_space<hbm>>) dst(%arg5 : memref<100000xf32, #tpu.memory_space<vmem>>)
    %parallel_loop3A_410 = arith.constant 0 : i32
    %parallel_loop3A_411 = arith.constant 8192 : i32
    %parallel_loop3A_412 = arith.constant 16 : i32
    scf.for %parallel_loop3A_1246 = %parallel_loop3A_410 to %parallel_loop3A_411 step %parallel_loop3A_412  : i32 {
      %parallel_loop3A_1247 = arith.index_cast %parallel_loop3A_1246 : i32 to index
      %parallel_loop3A_1248 = tpu.vector_load %arg6[%parallel_loop3A_1247] {strides = array<i32>} : memref<8192xi32, #tpu.memory_space<vmem>>, vector<16xi32>,
      %parallel_loop3A_1249 = tpu.vector_load_idx %arg5[%parallel_loop3A_1248] : memref<100000xf32, #tpu.memory_space<vmem>>[vector<16xi32>], vector<16xf32>,
      %parallel_loop3A_1250 = arith.constant 0 : i32
      %parallel_loop3A_1251 = arith.addi %parallel_loop3A_1250, %parallel_loop3A_1246 : i32
      %parallel_loop3A_1252 = arith.index_cast %parallel_loop3A_1251 : i32 to index
      %parallel_loop3A_1253 = tpu.vector_load %arg7[%parallel_loop3A_1252] {strides = array<i32>} : memref<16384xf32, #tpu.memory_space<vmem>>, vector<16xf32>,
      tpu.vector_store %arg7[%parallel_loop3A_1252], %parallel_loop3A_1249 {add = true, strides = array<i32>} : memref<16384xf32, #tpu.memory_space<vmem>>, vector<16xf32>,
    } {sc.loop_unroll_factor = 8 : i64, sc.parallel_access}
    %dma_start3A_413 = arith.constant 8 : i32
    %dma_start3A_414 = arith.constant 8192 : i32
    %dma_start3A_415 = tpu.memref_slice %arg2[%dma_start3A_413, %dma_start3A_414] : memref<26x16384xi32, #tpu.memory_space<hbm>> -> memref<1x8192xi32, #tpu.memory_space<hbm>>
    %dma_start3A_416 = tpu.memref_squeeze %dma_start3A_415 : memref<1x8192xi32, #tpu.memory_space<hbm>> -> memref<8192xi32, #tpu.memory_space<hbm>>
    %dma_start3A_417 = arith.constant 8192 : i32
    %dma_start3A_418 = tpu.memref_slice %arg2[%dma_start3A_413, %dma_start3A_417] : memref<26x16384xi32, #tpu.memory_space<hbm>> -> memref<1x8192xi32, #tpu.memory_space<hbm>>
    %dma_start3A_419 = tpu.memref_squeeze %dma_start3A_418 : memref<1x8192xi32, #tpu.memory_space<hbm>> -> memref<8192xi32, #tpu.memory_space<hbm>>
    tpu.enqueue_dma source(%dma_start3A_419 : memref<8192xi32, #tpu.memory_space<hbm>>) target(%arg6 : memref<8192xi32, #tpu.memory_space<vmem>>) target_semaphore(%arg9 : memref<!tpu.dma_semaphore, #tpu.memory_space<semaphore_mem>>)
    %dma_wait3A_420 = arith.constant 8 : i32
    %dma_wait3A_421 = arith.constant 8192 : i32
    %dma_wait3A_422 = tpu.memref_slice %arg2[%dma_wait3A_420, %dma_wait3A_421] : memref<26x16384xi32, #tpu.memory_space<hbm>> -> memref<1x8192xi32, #tpu.memory_space<hbm>>
    %dma_wait3A_423 = tpu.memref_squeeze %dma_wait3A_422 : memref<1x8192xi32, #tpu.memory_space<hbm>> -> memref<8192xi32, #tpu.memory_space<hbm>>
    %dma_wait3A_424 = arith.constant 8192 : i32
    %dma_wait3A_425 = tpu.memref_slice %arg2[%dma_wait3A_420, %dma_wait3A_424] : memref<26x16384xi32, #tpu.memory_space<hbm>> -> memref<1x8192xi32, #tpu.memory_space<hbm>>
    %dma_wait3A_426 = tpu.memref_squeeze %dma_wait3A_425 : memref<1x8192xi32, #tpu.memory_space<hbm>> -> memref<8192xi32, #tpu.memory_space<hbm>>
    tpu.wait_dma2 semaphore(%arg9 : memref<!tpu.dma_semaphore, #tpu.memory_space<semaphore_mem>>) src(%dma_wait3A_426 : memref<8192xi32, #tpu.memory_space<hbm>>) dst(%arg6 : memref<8192xi32, #tpu.memory_space<vmem>>)
    %parallel_loop3A_427 = arith.constant 0 : i32
    %parallel_loop3A_428 = arith.constant 8192 : i32
    %parallel_loop3A_429 = arith.constant 16 : i32
    scf.for %parallel_loop3A_1246 = %parallel_loop3A_427 to %parallel_loop3A_428 step %parallel_loop3A_429  : i32 {
      %parallel_loop3A_1247 = arith.index_cast %parallel_loop3A_1246 : i32 to index
      %parallel_loop3A_1248 = tpu.vector_load %arg6[%parallel_loop3A_1247] {strides = array<i32>} : memref<8192xi32, #tpu.memory_space<vmem>>, vector<16xi32>,
      %parallel_loop3A_1249 = tpu.vector_load_idx %arg5[%parallel_loop3A_1248] : memref<100000xf32, #tpu.memory_space<vmem>>[vector<16xi32>], vector<16xf32>,
      %parallel_loop3A_1250 = arith.constant 8192 : i32
      %parallel_loop3A_1251 = arith.addi %parallel_loop3A_1250, %parallel_loop3A_1246 : i32
      %parallel_loop3A_1252 = arith.index_cast %parallel_loop3A_1251 : i32 to index
      %parallel_loop3A_1253 = tpu.vector_load %arg7[%parallel_loop3A_1252] {strides = array<i32>} : memref<16384xf32, #tpu.memory_space<vmem>>, vector<16xf32>,
      tpu.vector_store %arg7[%parallel_loop3A_1252], %parallel_loop3A_1249 {add = true, strides = array<i32>} : memref<16384xf32, #tpu.memory_space<vmem>>, vector<16xf32>,
    } {sc.loop_unroll_factor = 8 : i64, sc.parallel_access}
    %add3A_430 = arith.constant 288 : i32
    %add3A_431 = arith.addi %add3A_430, %add3A : i32
    %dma_start3A_432 = arith.constant 0 : i32
    %dma_start3A_433 = tpu.memref_slice %arg3[%add3A_431, %dma_start3A_432] : memref<832x100000xf32, #tpu.memory_space<hbm>> -> memref<1x100000xf32, #tpu.memory_space<hbm>>
    %dma_start3A_434 = tpu.memref_squeeze %dma_start3A_433 : memref<1x100000xf32, #tpu.memory_space<hbm>> -> memref<100000xf32, #tpu.memory_space<hbm>>
    %dma_start3A_435 = arith.constant 0 : i32
    %dma_start3A_436 = tpu.memref_slice %arg3[%add3A_431, %dma_start3A_435] : memref<832x100000xf32, #tpu.memory_space<hbm>> -> memref<1x100000xf32, #tpu.memory_space<hbm>>
    %dma_start3A_437 = tpu.memref_squeeze %dma_start3A_436 : memref<1x100000xf32, #tpu.memory_space<hbm>> -> memref<100000xf32, #tpu.memory_space<hbm>>
    tpu.enqueue_dma source(%dma_start3A_437 : memref<100000xf32, #tpu.memory_space<hbm>>) target(%arg5 : memref<100000xf32, #tpu.memory_space<vmem>>) target_semaphore(%arg8 : memref<!tpu.dma_semaphore, #tpu.memory_space<semaphore_mem>>)
    %dma_start3A_438 = arith.constant 9 : i32
    %dma_start3A_439 = arith.constant 0 : i32
    %dma_start3A_440 = tpu.memref_slice %arg2[%dma_start3A_438, %dma_start3A_439] : memref<26x16384xi32, #tpu.memory_space<hbm>> -> memref<1x8192xi32, #tpu.memory_space<hbm>>
    %dma_start3A_441 = tpu.memref_squeeze %dma_start3A_440 : memref<1x8192xi32, #tpu.memory_space<hbm>> -> memref<8192xi32, #tpu.memory_space<hbm>>
    %dma_start3A_442 = arith.constant 0 : i32
    %dma_start3A_443 = tpu.memref_slice %arg2[%dma_start3A_438, %dma_start3A_442] : memref<26x16384xi32, #tpu.memory_space<hbm>> -> memref<1x8192xi32, #tpu.memory_space<hbm>>
    %dma_start3A_444 = tpu.memref_squeeze %dma_start3A_443 : memref<1x8192xi32, #tpu.memory_space<hbm>> -> memref<8192xi32, #tpu.memory_space<hbm>>
    tpu.enqueue_dma source(%dma_start3A_444 : memref<8192xi32, #tpu.memory_space<hbm>>) target(%arg6 : memref<8192xi32, #tpu.memory_space<vmem>>) target_semaphore(%arg9 : memref<!tpu.dma_semaphore, #tpu.memory_space<semaphore_mem>>)
    %dma_wait3A_445 = arith.constant 9 : i32
    %dma_wait3A_446 = arith.constant 0 : i32
    %dma_wait3A_447 = tpu.memref_slice %arg2[%dma_wait3A_445, %dma_wait3A_446] : memref<26x16384xi32, #tpu.memory_space<hbm>> -> memref<1x8192xi32, #tpu.memory_space<hbm>>
    %dma_wait3A_448 = tpu.memref_squeeze %dma_wait3A_447 : memref<1x8192xi32, #tpu.memory_space<hbm>> -> memref<8192xi32, #tpu.memory_space<hbm>>
    %dma_wait3A_449 = arith.constant 0 : i32
    %dma_wait3A_450 = tpu.memref_slice %arg2[%dma_wait3A_445, %dma_wait3A_449] : memref<26x16384xi32, #tpu.memory_space<hbm>> -> memref<1x8192xi32, #tpu.memory_space<hbm>>
    %dma_wait3A_451 = tpu.memref_squeeze %dma_wait3A_450 : memref<1x8192xi32, #tpu.memory_space<hbm>> -> memref<8192xi32, #tpu.memory_space<hbm>>
    tpu.wait_dma2 semaphore(%arg9 : memref<!tpu.dma_semaphore, #tpu.memory_space<semaphore_mem>>) src(%dma_wait3A_451 : memref<8192xi32, #tpu.memory_space<hbm>>) dst(%arg6 : memref<8192xi32, #tpu.memory_space<vmem>>)
    %dma_wait3A_452 = arith.constant 0 : i32
    %dma_wait3A_453 = tpu.memref_slice %arg3[%add3A_431, %dma_wait3A_452] : memref<832x100000xf32, #tpu.memory_space<hbm>> -> memref<1x100000xf32, #tpu.memory_space<hbm>>
    %dma_wait3A_454 = tpu.memref_squeeze %dma_wait3A_453 : memref<1x100000xf32, #tpu.memory_space<hbm>> -> memref<100000xf32, #tpu.memory_space<hbm>>
    %dma_wait3A_455 = arith.constant 0 : i32
    %dma_wait3A_456 = tpu.memref_slice %arg3[%add3A_431, %dma_wait3A_455] : memref<832x100000xf32, #tpu.memory_space<hbm>> -> memref<1x100000xf32, #tpu.memory_space<hbm>>
    %dma_wait3A_457 = tpu.memref_squeeze %dma_wait3A_456 : memref<1x100000xf32, #tpu.memory_space<hbm>> -> memref<100000xf32, #tpu.memory_space<hbm>>
    tpu.wait_dma2 semaphore(%arg8 : memref<!tpu.dma_semaphore, #tpu.memory_space<semaphore_mem>>) src(%dma_wait3A_457 : memref<100000xf32, #tpu.memory_space<hbm>>) dst(%arg5 : memref<100000xf32, #tpu.memory_space<vmem>>)
    %parallel_loop3A_458 = arith.constant 0 : i32
    %parallel_loop3A_459 = arith.constant 8192 : i32
    %parallel_loop3A_460 = arith.constant 16 : i32
    scf.for %parallel_loop3A_1246 = %parallel_loop3A_458 to %parallel_loop3A_459 step %parallel_loop3A_460  : i32 {
      %parallel_loop3A_1247 = arith.index_cast %parallel_loop3A_1246 : i32 to index
      %parallel_loop3A_1248 = tpu.vector_load %arg6[%parallel_loop3A_1247] {strides = array<i32>} : memref<8192xi32, #tpu.memory_space<vmem>>, vector<16xi32>,
      %parallel_loop3A_1249 = tpu.vector_load_idx %arg5[%parallel_loop3A_1248] : memref<100000xf32, #tpu.memory_space<vmem>>[vector<16xi32>], vector<16xf32>,
      %parallel_loop3A_1250 = arith.constant 0 : i32
      %parallel_loop3A_1251 = arith.addi %parallel_loop3A_1250, %parallel_loop3A_1246 : i32
      %parallel_loop3A_1252 = arith.index_cast %parallel_loop3A_1251 : i32 to index
      %parallel_loop3A_1253 = tpu.vector_load %arg7[%parallel_loop3A_1252] {strides = array<i32>} : memref<16384xf32, #tpu.memory_space<vmem>>, vector<16xf32>,
      tpu.vector_store %arg7[%parallel_loop3A_1252], %parallel_loop3A_1249 {add = true, strides = array<i32>} : memref<16384xf32, #tpu.memory_space<vmem>>, vector<16xf32>,
    } {sc.loop_unroll_factor = 8 : i64, sc.parallel_access}
    %dma_start3A_461 = arith.constant 9 : i32
    %dma_start3A_462 = arith.constant 8192 : i32
    %dma_start3A_463 = tpu.memref_slice %arg2[%dma_start3A_461, %dma_start3A_462] : memref<26x16384xi32, #tpu.memory_space<hbm>> -> memref<1x8192xi32, #tpu.memory_space<hbm>>
    %dma_start3A_464 = tpu.memref_squeeze %dma_start3A_463 : memref<1x8192xi32, #tpu.memory_space<hbm>> -> memref<8192xi32, #tpu.memory_space<hbm>>
    %dma_start3A_465 = arith.constant 8192 : i32
    %dma_start3A_466 = tpu.memref_slice %arg2[%dma_start3A_461, %dma_start3A_465] : memref<26x16384xi32, #tpu.memory_space<hbm>> -> memref<1x8192xi32, #tpu.memory_space<hbm>>
    %dma_start3A_467 = tpu.memref_squeeze %dma_start3A_466 : memref<1x8192xi32, #tpu.memory_space<hbm>> -> memref<8192xi32, #tpu.memory_space<hbm>>
    tpu.enqueue_dma source(%dma_start3A_467 : memref<8192xi32, #tpu.memory_space<hbm>>) target(%arg6 : memref<8192xi32, #tpu.memory_space<vmem>>) target_semaphore(%arg9 : memref<!tpu.dma_semaphore, #tpu.memory_space<semaphore_mem>>)
    %dma_wait3A_468 = arith.constant 9 : i32
    %dma_wait3A_469 = arith.constant 8192 : i32
    %dma_wait3A_470 = tpu.memref_slice %arg2[%dma_wait3A_468, %dma_wait3A_469] : memref<26x16384xi32, #tpu.memory_space<hbm>> -> memref<1x8192xi32, #tpu.memory_space<hbm>>
    %dma_wait3A_471 = tpu.memref_squeeze %dma_wait3A_470 : memref<1x8192xi32, #tpu.memory_space<hbm>> -> memref<8192xi32, #tpu.memory_space<hbm>>
    %dma_wait3A_472 = arith.constant 8192 : i32
    %dma_wait3A_473 = tpu.memref_slice %arg2[%dma_wait3A_468, %dma_wait3A_472] : memref<26x16384xi32, #tpu.memory_space<hbm>> -> memref<1x8192xi32, #tpu.memory_space<hbm>>
    %dma_wait3A_474 = tpu.memref_squeeze %dma_wait3A_473 : memref<1x8192xi32, #tpu.memory_space<hbm>> -> memref<8192xi32, #tpu.memory_space<hbm>>
    tpu.wait_dma2 semaphore(%arg9 : memref<!tpu.dma_semaphore, #tpu.memory_space<semaphore_mem>>) src(%dma_wait3A_474 : memref<8192xi32, #tpu.memory_space<hbm>>) dst(%arg6 : memref<8192xi32, #tpu.memory_space<vmem>>)
    %parallel_loop3A_475 = arith.constant 0 : i32
    %parallel_loop3A_476 = arith.constant 8192 : i32
    %parallel_loop3A_477 = arith.constant 16 : i32
    scf.for %parallel_loop3A_1246 = %parallel_loop3A_475 to %parallel_loop3A_476 step %parallel_loop3A_477  : i32 {
      %parallel_loop3A_1247 = arith.index_cast %parallel_loop3A_1246 : i32 to index
      %parallel_loop3A_1248 = tpu.vector_load %arg6[%parallel_loop3A_1247] {strides = array<i32>} : memref<8192xi32, #tpu.memory_space<vmem>>, vector<16xi32>,
      %parallel_loop3A_1249 = tpu.vector_load_idx %arg5[%parallel_loop3A_1248] : memref<100000xf32, #tpu.memory_space<vmem>>[vector<16xi32>], vector<16xf32>,
      %parallel_loop3A_1250 = arith.constant 8192 : i32
      %parallel_loop3A_1251 = arith.addi %parallel_loop3A_1250, %parallel_loop3A_1246 : i32
      %parallel_loop3A_1252 = arith.index_cast %parallel_loop3A_1251 : i32 to index
      %parallel_loop3A_1253 = tpu.vector_load %arg7[%parallel_loop3A_1252] {strides = array<i32>} : memref<16384xf32, #tpu.memory_space<vmem>>, vector<16xf32>,
      tpu.vector_store %arg7[%parallel_loop3A_1252], %parallel_loop3A_1249 {add = true, strides = array<i32>} : memref<16384xf32, #tpu.memory_space<vmem>>, vector<16xf32>,
    } {sc.loop_unroll_factor = 8 : i64, sc.parallel_access}
    %add3A_478 = arith.constant 320 : i32
    %add3A_479 = arith.addi %add3A_478, %add3A : i32
    %dma_start3A_480 = arith.constant 0 : i32
    %dma_start3A_481 = tpu.memref_slice %arg3[%add3A_479, %dma_start3A_480] : memref<832x100000xf32, #tpu.memory_space<hbm>> -> memref<1x100000xf32, #tpu.memory_space<hbm>>
    %dma_start3A_482 = tpu.memref_squeeze %dma_start3A_481 : memref<1x100000xf32, #tpu.memory_space<hbm>> -> memref<100000xf32, #tpu.memory_space<hbm>>
    %dma_start3A_483 = arith.constant 0 : i32
    %dma_start3A_484 = tpu.memref_slice %arg3[%add3A_479, %dma_start3A_483] : memref<832x100000xf32, #tpu.memory_space<hbm>> -> memref<1x100000xf32, #tpu.memory_space<hbm>>
    %dma_start3A_485 = tpu.memref_squeeze %dma_start3A_484 : memref<1x100000xf32, #tpu.memory_space<hbm>> -> memref<100000xf32, #tpu.memory_space<hbm>>
    tpu.enqueue_dma source(%dma_start3A_485 : memref<100000xf32, #tpu.memory_space<hbm>>) target(%arg5 : memref<100000xf32, #tpu.memory_space<vmem>>) target_semaphore(%arg8 : memref<!tpu.dma_semaphore, #tpu.memory_space<semaphore_mem>>)
    %dma_start3A_486 = arith.constant 10 : i32
    %dma_start3A_487 = arith.constant 0 : i32
    %dma_start3A_488 = tpu.memref_slice %arg2[%dma_start3A_486, %dma_start3A_487] : memref<26x16384xi32, #tpu.memory_space<hbm>> -> memref<1x8192xi32, #tpu.memory_space<hbm>>
    %dma_start3A_489 = tpu.memref_squeeze %dma_start3A_488 : memref<1x8192xi32, #tpu.memory_space<hbm>> -> memref<8192xi32, #tpu.memory_space<hbm>>
    %dma_start3A_490 = arith.constant 0 : i32
    %dma_start3A_491 = tpu.memref_slice %arg2[%dma_start3A_486, %dma_start3A_490] : memref<26x16384xi32, #tpu.memory_space<hbm>> -> memref<1x8192xi32, #tpu.memory_space<hbm>>
    %dma_start3A_492 = tpu.memref_squeeze %dma_start3A_491 : memref<1x8192xi32, #tpu.memory_space<hbm>> -> memref<8192xi32, #tpu.memory_space<hbm>>
    tpu.enqueue_dma source(%dma_start3A_492 : memref<8192xi32, #tpu.memory_space<hbm>>) target(%arg6 : memref<8192xi32, #tpu.memory_space<vmem>>) target_semaphore(%arg9 : memref<!tpu.dma_semaphore, #tpu.memory_space<semaphore_mem>>)
    %dma_wait3A_493 = arith.constant 10 : i32
    %dma_wait3A_494 = arith.constant 0 : i32
    %dma_wait3A_495 = tpu.memref_slice %arg2[%dma_wait3A_493, %dma_wait3A_494] : memref<26x16384xi32, #tpu.memory_space<hbm>> -> memref<1x8192xi32, #tpu.memory_space<hbm>>
    %dma_wait3A_496 = tpu.memref_squeeze %dma_wait3A_495 : memref<1x8192xi32, #tpu.memory_space<hbm>> -> memref<8192xi32, #tpu.memory_space<hbm>>
    %dma_wait3A_497 = arith.constant 0 : i32
    %dma_wait3A_498 = tpu.memref_slice %arg2[%dma_wait3A_493, %dma_wait3A_497] : memref<26x16384xi32, #tpu.memory_space<hbm>> -> memref<1x8192xi32, #tpu.memory_space<hbm>>
    %dma_wait3A_499 = tpu.memref_squeeze %dma_wait3A_498 : memref<1x8192xi32, #tpu.memory_space<hbm>> -> memref<8192xi32, #tpu.memory_space<hbm>>
    tpu.wait_dma2 semaphore(%arg9 : memref<!tpu.dma_semaphore, #tpu.memory_space<semaphore_mem>>) src(%dma_wait3A_499 : memref<8192xi32, #tpu.memory_space<hbm>>) dst(%arg6 : memref<8192xi32, #tpu.memory_space<vmem>>)
    %dma_wait3A_500 = arith.constant 0 : i32
    %dma_wait3A_501 = tpu.memref_slice %arg3[%add3A_479, %dma_wait3A_500] : memref<832x100000xf32, #tpu.memory_space<hbm>> -> memref<1x100000xf32, #tpu.memory_space<hbm>>
    %dma_wait3A_502 = tpu.memref_squeeze %dma_wait3A_501 : memref<1x100000xf32, #tpu.memory_space<hbm>> -> memref<100000xf32, #tpu.memory_space<hbm>>
    %dma_wait3A_503 = arith.constant 0 : i32
    %dma_wait3A_504 = tpu.memref_slice %arg3[%add3A_479, %dma_wait3A_503] : memref<832x100000xf32, #tpu.memory_space<hbm>> -> memref<1x100000xf32, #tpu.memory_space<hbm>>
    %dma_wait3A_505 = tpu.memref_squeeze %dma_wait3A_504 : memref<1x100000xf32, #tpu.memory_space<hbm>> -> memref<100000xf32, #tpu.memory_space<hbm>>
    tpu.wait_dma2 semaphore(%arg8 : memref<!tpu.dma_semaphore, #tpu.memory_space<semaphore_mem>>) src(%dma_wait3A_505 : memref<100000xf32, #tpu.memory_space<hbm>>) dst(%arg5 : memref<100000xf32, #tpu.memory_space<vmem>>)
    %parallel_loop3A_506 = arith.constant 0 : i32
    %parallel_loop3A_507 = arith.constant 8192 : i32
    %parallel_loop3A_508 = arith.constant 16 : i32
    scf.for %parallel_loop3A_1246 = %parallel_loop3A_506 to %parallel_loop3A_507 step %parallel_loop3A_508  : i32 {
      %parallel_loop3A_1247 = arith.index_cast %parallel_loop3A_1246 : i32 to index
      %parallel_loop3A_1248 = tpu.vector_load %arg6[%parallel_loop3A_1247] {strides = array<i32>} : memref<8192xi32, #tpu.memory_space<vmem>>, vector<16xi32>,
      %parallel_loop3A_1249 = tpu.vector_load_idx %arg5[%parallel_loop3A_1248] : memref<100000xf32, #tpu.memory_space<vmem>>[vector<16xi32>], vector<16xf32>,
      %parallel_loop3A_1250 = arith.constant 0 : i32
      %parallel_loop3A_1251 = arith.addi %parallel_loop3A_1250, %parallel_loop3A_1246 : i32
      %parallel_loop3A_1252 = arith.index_cast %parallel_loop3A_1251 : i32 to index
      %parallel_loop3A_1253 = tpu.vector_load %arg7[%parallel_loop3A_1252] {strides = array<i32>} : memref<16384xf32, #tpu.memory_space<vmem>>, vector<16xf32>,
      tpu.vector_store %arg7[%parallel_loop3A_1252], %parallel_loop3A_1249 {add = true, strides = array<i32>} : memref<16384xf32, #tpu.memory_space<vmem>>, vector<16xf32>,
    } {sc.loop_unroll_factor = 8 : i64, sc.parallel_access}
    %dma_start3A_509 = arith.constant 10 : i32
    %dma_start3A_510 = arith.constant 8192 : i32
    %dma_start3A_511 = tpu.memref_slice %arg2[%dma_start3A_509, %dma_start3A_510] : memref<26x16384xi32, #tpu.memory_space<hbm>> -> memref<1x8192xi32, #tpu.memory_space<hbm>>
    %dma_start3A_512 = tpu.memref_squeeze %dma_start3A_511 : memref<1x8192xi32, #tpu.memory_space<hbm>> -> memref<8192xi32, #tpu.memory_space<hbm>>
    %dma_start3A_513 = arith.constant 8192 : i32
    %dma_start3A_514 = tpu.memref_slice %arg2[%dma_start3A_509, %dma_start3A_513] : memref<26x16384xi32, #tpu.memory_space<hbm>> -> memref<1x8192xi32, #tpu.memory_space<hbm>>
    %dma_start3A_515 = tpu.memref_squeeze %dma_start3A_514 : memref<1x8192xi32, #tpu.memory_space<hbm>> -> memref<8192xi32, #tpu.memory_space<hbm>>
    tpu.enqueue_dma source(%dma_start3A_515 : memref<8192xi32, #tpu.memory_space<hbm>>) target(%arg6 : memref<8192xi32, #tpu.memory_space<vmem>>) target_semaphore(%arg9 : memref<!tpu.dma_semaphore, #tpu.memory_space<semaphore_mem>>)
    %dma_wait3A_516 = arith.constant 10 : i32
    %dma_wait3A_517 = arith.constant 8192 : i32
    %dma_wait3A_518 = tpu.memref_slice %arg2[%dma_wait3A_516, %dma_wait3A_517] : memref<26x16384xi32, #tpu.memory_space<hbm>> -> memref<1x8192xi32, #tpu.memory_space<hbm>>
    %dma_wait3A_519 = tpu.memref_squeeze %dma_wait3A_518 : memref<1x8192xi32, #tpu.memory_space<hbm>> -> memref<8192xi32, #tpu.memory_space<hbm>>
    %dma_wait3A_520 = arith.constant 8192 : i32
    %dma_wait3A_521 = tpu.memref_slice %arg2[%dma_wait3A_516, %dma_wait3A_520] : memref<26x16384xi32, #tpu.memory_space<hbm>> -> memref<1x8192xi32, #tpu.memory_space<hbm>>
    %dma_wait3A_522 = tpu.memref_squeeze %dma_wait3A_521 : memref<1x8192xi32, #tpu.memory_space<hbm>> -> memref<8192xi32, #tpu.memory_space<hbm>>
    tpu.wait_dma2 semaphore(%arg9 : memref<!tpu.dma_semaphore, #tpu.memory_space<semaphore_mem>>) src(%dma_wait3A_522 : memref<8192xi32, #tpu.memory_space<hbm>>) dst(%arg6 : memref<8192xi32, #tpu.memory_space<vmem>>)
    %parallel_loop3A_523 = arith.constant 0 : i32
    %parallel_loop3A_524 = arith.constant 8192 : i32
    %parallel_loop3A_525 = arith.constant 16 : i32
    scf.for %parallel_loop3A_1246 = %parallel_loop3A_523 to %parallel_loop3A_524 step %parallel_loop3A_525  : i32 {
      %parallel_loop3A_1247 = arith.index_cast %parallel_loop3A_1246 : i32 to index
      %parallel_loop3A_1248 = tpu.vector_load %arg6[%parallel_loop3A_1247] {strides = array<i32>} : memref<8192xi32, #tpu.memory_space<vmem>>, vector<16xi32>,
      %parallel_loop3A_1249 = tpu.vector_load_idx %arg5[%parallel_loop3A_1248] : memref<100000xf32, #tpu.memory_space<vmem>>[vector<16xi32>], vector<16xf32>,
      %parallel_loop3A_1250 = arith.constant 8192 : i32
      %parallel_loop3A_1251 = arith.addi %parallel_loop3A_1250, %parallel_loop3A_1246 : i32
      %parallel_loop3A_1252 = arith.index_cast %parallel_loop3A_1251 : i32 to index
      %parallel_loop3A_1253 = tpu.vector_load %arg7[%parallel_loop3A_1252] {strides = array<i32>} : memref<16384xf32, #tpu.memory_space<vmem>>, vector<16xf32>,
      tpu.vector_store %arg7[%parallel_loop3A_1252], %parallel_loop3A_1249 {add = true, strides = array<i32>} : memref<16384xf32, #tpu.memory_space<vmem>>, vector<16xf32>,
    } {sc.loop_unroll_factor = 8 : i64, sc.parallel_access}
    %add3A_526 = arith.constant 352 : i32
    %add3A_527 = arith.addi %add3A_526, %add3A : i32
    %dma_start3A_528 = arith.constant 0 : i32
    %dma_start3A_529 = tpu.memref_slice %arg3[%add3A_527, %dma_start3A_528] : memref<832x100000xf32, #tpu.memory_space<hbm>> -> memref<1x100000xf32, #tpu.memory_space<hbm>>
    %dma_start3A_530 = tpu.memref_squeeze %dma_start3A_529 : memref<1x100000xf32, #tpu.memory_space<hbm>> -> memref<100000xf32, #tpu.memory_space<hbm>>
    %dma_start3A_531 = arith.constant 0 : i32
    %dma_start3A_532 = tpu.memref_slice %arg3[%add3A_527, %dma_start3A_531] : memref<832x100000xf32, #tpu.memory_space<hbm>> -> memref<1x100000xf32, #tpu.memory_space<hbm>>
    %dma_start3A_533 = tpu.memref_squeeze %dma_start3A_532 : memref<1x100000xf32, #tpu.memory_space<hbm>> -> memref<100000xf32, #tpu.memory_space<hbm>>
    tpu.enqueue_dma source(%dma_start3A_533 : memref<100000xf32, #tpu.memory_space<hbm>>) target(%arg5 : memref<100000xf32, #tpu.memory_space<vmem>>) target_semaphore(%arg8 : memref<!tpu.dma_semaphore, #tpu.memory_space<semaphore_mem>>)
    %dma_start3A_534 = arith.constant 11 : i32
    %dma_start3A_535 = arith.constant 0 : i32
    %dma_start3A_536 = tpu.memref_slice %arg2[%dma_start3A_534, %dma_start3A_535] : memref<26x16384xi32, #tpu.memory_space<hbm>> -> memref<1x8192xi32, #tpu.memory_space<hbm>>
    %dma_start3A_537 = tpu.memref_squeeze %dma_start3A_536 : memref<1x8192xi32, #tpu.memory_space<hbm>> -> memref<8192xi32, #tpu.memory_space<hbm>>
    %dma_start3A_538 = arith.constant 0 : i32
    %dma_start3A_539 = tpu.memref_slice %arg2[%dma_start3A_534, %dma_start3A_538] : memref<26x16384xi32, #tpu.memory_space<hbm>> -> memref<1x8192xi32, #tpu.memory_space<hbm>>
    %dma_start3A_540 = tpu.memref_squeeze %dma_start3A_539 : memref<1x8192xi32, #tpu.memory_space<hbm>> -> memref<8192xi32, #tpu.memory_space<hbm>>
    tpu.enqueue_dma source(%dma_start3A_540 : memref<8192xi32, #tpu.memory_space<hbm>>) target(%arg6 : memref<8192xi32, #tpu.memory_space<vmem>>) target_semaphore(%arg9 : memref<!tpu.dma_semaphore, #tpu.memory_space<semaphore_mem>>)
    %dma_wait3A_541 = arith.constant 11 : i32
    %dma_wait3A_542 = arith.constant 0 : i32
    %dma_wait3A_543 = tpu.memref_slice %arg2[%dma_wait3A_541, %dma_wait3A_542] : memref<26x16384xi32, #tpu.memory_space<hbm>> -> memref<1x8192xi32, #tpu.memory_space<hbm>>
    %dma_wait3A_544 = tpu.memref_squeeze %dma_wait3A_543 : memref<1x8192xi32, #tpu.memory_space<hbm>> -> memref<8192xi32, #tpu.memory_space<hbm>>
    %dma_wait3A_545 = arith.constant 0 : i32
    %dma_wait3A_546 = tpu.memref_slice %arg2[%dma_wait3A_541, %dma_wait3A_545] : memref<26x16384xi32, #tpu.memory_space<hbm>> -> memref<1x8192xi32, #tpu.memory_space<hbm>>
    %dma_wait3A_547 = tpu.memref_squeeze %dma_wait3A_546 : memref<1x8192xi32, #tpu.memory_space<hbm>> -> memref<8192xi32, #tpu.memory_space<hbm>>
    tpu.wait_dma2 semaphore(%arg9 : memref<!tpu.dma_semaphore, #tpu.memory_space<semaphore_mem>>) src(%dma_wait3A_547 : memref<8192xi32, #tpu.memory_space<hbm>>) dst(%arg6 : memref<8192xi32, #tpu.memory_space<vmem>>)
    %dma_wait3A_548 = arith.constant 0 : i32
    %dma_wait3A_549 = tpu.memref_slice %arg3[%add3A_527, %dma_wait3A_548] : memref<832x100000xf32, #tpu.memory_space<hbm>> -> memref<1x100000xf32, #tpu.memory_space<hbm>>
    %dma_wait3A_550 = tpu.memref_squeeze %dma_wait3A_549 : memref<1x100000xf32, #tpu.memory_space<hbm>> -> memref<100000xf32, #tpu.memory_space<hbm>>
    %dma_wait3A_551 = arith.constant 0 : i32
    %dma_wait3A_552 = tpu.memref_slice %arg3[%add3A_527, %dma_wait3A_551] : memref<832x100000xf32, #tpu.memory_space<hbm>> -> memref<1x100000xf32, #tpu.memory_space<hbm>>
    %dma_wait3A_553 = tpu.memref_squeeze %dma_wait3A_552 : memref<1x100000xf32, #tpu.memory_space<hbm>> -> memref<100000xf32, #tpu.memory_space<hbm>>
    tpu.wait_dma2 semaphore(%arg8 : memref<!tpu.dma_semaphore, #tpu.memory_space<semaphore_mem>>) src(%dma_wait3A_553 : memref<100000xf32, #tpu.memory_space<hbm>>) dst(%arg5 : memref<100000xf32, #tpu.memory_space<vmem>>)
    %parallel_loop3A_554 = arith.constant 0 : i32
    %parallel_loop3A_555 = arith.constant 8192 : i32
    %parallel_loop3A_556 = arith.constant 16 : i32
    scf.for %parallel_loop3A_1246 = %parallel_loop3A_554 to %parallel_loop3A_555 step %parallel_loop3A_556  : i32 {
      %parallel_loop3A_1247 = arith.index_cast %parallel_loop3A_1246 : i32 to index
      %parallel_loop3A_1248 = tpu.vector_load %arg6[%parallel_loop3A_1247] {strides = array<i32>} : memref<8192xi32, #tpu.memory_space<vmem>>, vector<16xi32>,
      %parallel_loop3A_1249 = tpu.vector_load_idx %arg5[%parallel_loop3A_1248] : memref<100000xf32, #tpu.memory_space<vmem>>[vector<16xi32>], vector<16xf32>,
      %parallel_loop3A_1250 = arith.constant 0 : i32
      %parallel_loop3A_1251 = arith.addi %parallel_loop3A_1250, %parallel_loop3A_1246 : i32
      %parallel_loop3A_1252 = arith.index_cast %parallel_loop3A_1251 : i32 to index
      %parallel_loop3A_1253 = tpu.vector_load %arg7[%parallel_loop3A_1252] {strides = array<i32>} : memref<16384xf32, #tpu.memory_space<vmem>>, vector<16xf32>,
      tpu.vector_store %arg7[%parallel_loop3A_1252], %parallel_loop3A_1249 {add = true, strides = array<i32>} : memref<16384xf32, #tpu.memory_space<vmem>>, vector<16xf32>,
    } {sc.loop_unroll_factor = 8 : i64, sc.parallel_access}
    %dma_start3A_557 = arith.constant 11 : i32
    %dma_start3A_558 = arith.constant 8192 : i32
    %dma_start3A_559 = tpu.memref_slice %arg2[%dma_start3A_557, %dma_start3A_558] : memref<26x16384xi32, #tpu.memory_space<hbm>> -> memref<1x8192xi32, #tpu.memory_space<hbm>>
    %dma_start3A_560 = tpu.memref_squeeze %dma_start3A_559 : memref<1x8192xi32, #tpu.memory_space<hbm>> -> memref<8192xi32, #tpu.memory_space<hbm>>
    %dma_start3A_561 = arith.constant 8192 : i32
    %dma_start3A_562 = tpu.memref_slice %arg2[%dma_start3A_557, %dma_start3A_561] : memref<26x16384xi32, #tpu.memory_space<hbm>> -> memref<1x8192xi32, #tpu.memory_space<hbm>>
    %dma_start3A_563 = tpu.memref_squeeze %dma_start3A_562 : memref<1x8192xi32, #tpu.memory_space<hbm>> -> memref<8192xi32, #tpu.memory_space<hbm>>
    tpu.enqueue_dma source(%dma_start3A_563 : memref<8192xi32, #tpu.memory_space<hbm>>) target(%arg6 : memref<8192xi32, #tpu.memory_space<vmem>>) target_semaphore(%arg9 : memref<!tpu.dma_semaphore, #tpu.memory_space<semaphore_mem>>)
    %dma_wait3A_564 = arith.constant 11 : i32
    %dma_wait3A_565 = arith.constant 8192 : i32
    %dma_wait3A_566 = tpu.memref_slice %arg2[%dma_wait3A_564, %dma_wait3A_565] : memref<26x16384xi32, #tpu.memory_space<hbm>> -> memref<1x8192xi32, #tpu.memory_space<hbm>>
    %dma_wait3A_567 = tpu.memref_squeeze %dma_wait3A_566 : memref<1x8192xi32, #tpu.memory_space<hbm>> -> memref<8192xi32, #tpu.memory_space<hbm>>
    %dma_wait3A_568 = arith.constant 8192 : i32
    %dma_wait3A_569 = tpu.memref_slice %arg2[%dma_wait3A_564, %dma_wait3A_568] : memref<26x16384xi32, #tpu.memory_space<hbm>> -> memref<1x8192xi32, #tpu.memory_space<hbm>>
    %dma_wait3A_570 = tpu.memref_squeeze %dma_wait3A_569 : memref<1x8192xi32, #tpu.memory_space<hbm>> -> memref<8192xi32, #tpu.memory_space<hbm>>
    tpu.wait_dma2 semaphore(%arg9 : memref<!tpu.dma_semaphore, #tpu.memory_space<semaphore_mem>>) src(%dma_wait3A_570 : memref<8192xi32, #tpu.memory_space<hbm>>) dst(%arg6 : memref<8192xi32, #tpu.memory_space<vmem>>)
    %parallel_loop3A_571 = arith.constant 0 : i32
    %parallel_loop3A_572 = arith.constant 8192 : i32
    %parallel_loop3A_573 = arith.constant 16 : i32
    scf.for %parallel_loop3A_1246 = %parallel_loop3A_571 to %parallel_loop3A_572 step %parallel_loop3A_573  : i32 {
      %parallel_loop3A_1247 = arith.index_cast %parallel_loop3A_1246 : i32 to index
      %parallel_loop3A_1248 = tpu.vector_load %arg6[%parallel_loop3A_1247] {strides = array<i32>} : memref<8192xi32, #tpu.memory_space<vmem>>, vector<16xi32>,
      %parallel_loop3A_1249 = tpu.vector_load_idx %arg5[%parallel_loop3A_1248] : memref<100000xf32, #tpu.memory_space<vmem>>[vector<16xi32>], vector<16xf32>,
      %parallel_loop3A_1250 = arith.constant 8192 : i32
      %parallel_loop3A_1251 = arith.addi %parallel_loop3A_1250, %parallel_loop3A_1246 : i32
      %parallel_loop3A_1252 = arith.index_cast %parallel_loop3A_1251 : i32 to index
      %parallel_loop3A_1253 = tpu.vector_load %arg7[%parallel_loop3A_1252] {strides = array<i32>} : memref<16384xf32, #tpu.memory_space<vmem>>, vector<16xf32>,
      tpu.vector_store %arg7[%parallel_loop3A_1252], %parallel_loop3A_1249 {add = true, strides = array<i32>} : memref<16384xf32, #tpu.memory_space<vmem>>, vector<16xf32>,
    } {sc.loop_unroll_factor = 8 : i64, sc.parallel_access}
    %add3A_574 = arith.constant 384 : i32
    %add3A_575 = arith.addi %add3A_574, %add3A : i32
    %dma_start3A_576 = arith.constant 0 : i32
    %dma_start3A_577 = tpu.memref_slice %arg3[%add3A_575, %dma_start3A_576] : memref<832x100000xf32, #tpu.memory_space<hbm>> -> memref<1x100000xf32, #tpu.memory_space<hbm>>
    %dma_start3A_578 = tpu.memref_squeeze %dma_start3A_577 : memref<1x100000xf32, #tpu.memory_space<hbm>> -> memref<100000xf32, #tpu.memory_space<hbm>>
    %dma_start3A_579 = arith.constant 0 : i32
    %dma_start3A_580 = tpu.memref_slice %arg3[%add3A_575, %dma_start3A_579] : memref<832x100000xf32, #tpu.memory_space<hbm>> -> memref<1x100000xf32, #tpu.memory_space<hbm>>
    %dma_start3A_581 = tpu.memref_squeeze %dma_start3A_580 : memref<1x100000xf32, #tpu.memory_space<hbm>> -> memref<100000xf32, #tpu.memory_space<hbm>>
    tpu.enqueue_dma source(%dma_start3A_581 : memref<100000xf32, #tpu.memory_space<hbm>>) target(%arg5 : memref<100000xf32, #tpu.memory_space<vmem>>) target_semaphore(%arg8 : memref<!tpu.dma_semaphore, #tpu.memory_space<semaphore_mem>>)
    %dma_start3A_582 = arith.constant 12 : i32
    %dma_start3A_583 = arith.constant 0 : i32
    %dma_start3A_584 = tpu.memref_slice %arg2[%dma_start3A_582, %dma_start3A_583] : memref<26x16384xi32, #tpu.memory_space<hbm>> -> memref<1x8192xi32, #tpu.memory_space<hbm>>
    %dma_start3A_585 = tpu.memref_squeeze %dma_start3A_584 : memref<1x8192xi32, #tpu.memory_space<hbm>> -> memref<8192xi32, #tpu.memory_space<hbm>>
    %dma_start3A_586 = arith.constant 0 : i32
    %dma_start3A_587 = tpu.memref_slice %arg2[%dma_start3A_582, %dma_start3A_586] : memref<26x16384xi32, #tpu.memory_space<hbm>> -> memref<1x8192xi32, #tpu.memory_space<hbm>>
    %dma_start3A_588 = tpu.memref_squeeze %dma_start3A_587 : memref<1x8192xi32, #tpu.memory_space<hbm>> -> memref<8192xi32, #tpu.memory_space<hbm>>
    tpu.enqueue_dma source(%dma_start3A_588 : memref<8192xi32, #tpu.memory_space<hbm>>) target(%arg6 : memref<8192xi32, #tpu.memory_space<vmem>>) target_semaphore(%arg9 : memref<!tpu.dma_semaphore, #tpu.memory_space<semaphore_mem>>)
    %dma_wait3A_589 = arith.constant 12 : i32
    %dma_wait3A_590 = arith.constant 0 : i32
    %dma_wait3A_591 = tpu.memref_slice %arg2[%dma_wait3A_589, %dma_wait3A_590] : memref<26x16384xi32, #tpu.memory_space<hbm>> -> memref<1x8192xi32, #tpu.memory_space<hbm>>
    %dma_wait3A_592 = tpu.memref_squeeze %dma_wait3A_591 : memref<1x8192xi32, #tpu.memory_space<hbm>> -> memref<8192xi32, #tpu.memory_space<hbm>>
    %dma_wait3A_593 = arith.constant 0 : i32
    %dma_wait3A_594 = tpu.memref_slice %arg2[%dma_wait3A_589, %dma_wait3A_593] : memref<26x16384xi32, #tpu.memory_space<hbm>> -> memref<1x8192xi32, #tpu.memory_space<hbm>>
    %dma_wait3A_595 = tpu.memref_squeeze %dma_wait3A_594 : memref<1x8192xi32, #tpu.memory_space<hbm>> -> memref<8192xi32, #tpu.memory_space<hbm>>
    tpu.wait_dma2 semaphore(%arg9 : memref<!tpu.dma_semaphore, #tpu.memory_space<semaphore_mem>>) src(%dma_wait3A_595 : memref<8192xi32, #tpu.memory_space<hbm>>) dst(%arg6 : memref<8192xi32, #tpu.memory_space<vmem>>)
    %dma_wait3A_596 = arith.constant 0 : i32
    %dma_wait3A_597 = tpu.memref_slice %arg3[%add3A_575, %dma_wait3A_596] : memref<832x100000xf32, #tpu.memory_space<hbm>> -> memref<1x100000xf32, #tpu.memory_space<hbm>>
    %dma_wait3A_598 = tpu.memref_squeeze %dma_wait3A_597 : memref<1x100000xf32, #tpu.memory_space<hbm>> -> memref<100000xf32, #tpu.memory_space<hbm>>
    %dma_wait3A_599 = arith.constant 0 : i32
    %dma_wait3A_600 = tpu.memref_slice %arg3[%add3A_575, %dma_wait3A_599] : memref<832x100000xf32, #tpu.memory_space<hbm>> -> memref<1x100000xf32, #tpu.memory_space<hbm>>
    %dma_wait3A_601 = tpu.memref_squeeze %dma_wait3A_600 : memref<1x100000xf32, #tpu.memory_space<hbm>> -> memref<100000xf32, #tpu.memory_space<hbm>>
    tpu.wait_dma2 semaphore(%arg8 : memref<!tpu.dma_semaphore, #tpu.memory_space<semaphore_mem>>) src(%dma_wait3A_601 : memref<100000xf32, #tpu.memory_space<hbm>>) dst(%arg5 : memref<100000xf32, #tpu.memory_space<vmem>>)
    %parallel_loop3A_602 = arith.constant 0 : i32
    %parallel_loop3A_603 = arith.constant 8192 : i32
    %parallel_loop3A_604 = arith.constant 16 : i32
    scf.for %parallel_loop3A_1246 = %parallel_loop3A_602 to %parallel_loop3A_603 step %parallel_loop3A_604  : i32 {
      %parallel_loop3A_1247 = arith.index_cast %parallel_loop3A_1246 : i32 to index
      %parallel_loop3A_1248 = tpu.vector_load %arg6[%parallel_loop3A_1247] {strides = array<i32>} : memref<8192xi32, #tpu.memory_space<vmem>>, vector<16xi32>,
      %parallel_loop3A_1249 = tpu.vector_load_idx %arg5[%parallel_loop3A_1248] : memref<100000xf32, #tpu.memory_space<vmem>>[vector<16xi32>], vector<16xf32>,
      %parallel_loop3A_1250 = arith.constant 0 : i32
      %parallel_loop3A_1251 = arith.addi %parallel_loop3A_1250, %parallel_loop3A_1246 : i32
      %parallel_loop3A_1252 = arith.index_cast %parallel_loop3A_1251 : i32 to index
      %parallel_loop3A_1253 = tpu.vector_load %arg7[%parallel_loop3A_1252] {strides = array<i32>} : memref<16384xf32, #tpu.memory_space<vmem>>, vector<16xf32>,
      tpu.vector_store %arg7[%parallel_loop3A_1252], %parallel_loop3A_1249 {add = true, strides = array<i32>} : memref<16384xf32, #tpu.memory_space<vmem>>, vector<16xf32>,
    } {sc.loop_unroll_factor = 8 : i64, sc.parallel_access}
    %dma_start3A_605 = arith.constant 12 : i32
    %dma_start3A_606 = arith.constant 8192 : i32
    %dma_start3A_607 = tpu.memref_slice %arg2[%dma_start3A_605, %dma_start3A_606] : memref<26x16384xi32, #tpu.memory_space<hbm>> -> memref<1x8192xi32, #tpu.memory_space<hbm>>
    %dma_start3A_608 = tpu.memref_squeeze %dma_start3A_607 : memref<1x8192xi32, #tpu.memory_space<hbm>> -> memref<8192xi32, #tpu.memory_space<hbm>>
    %dma_start3A_609 = arith.constant 8192 : i32
    %dma_start3A_610 = tpu.memref_slice %arg2[%dma_start3A_605, %dma_start3A_609] : memref<26x16384xi32, #tpu.memory_space<hbm>> -> memref<1x8192xi32, #tpu.memory_space<hbm>>
    %dma_start3A_611 = tpu.memref_squeeze %dma_start3A_610 : memref<1x8192xi32, #tpu.memory_space<hbm>> -> memref<8192xi32, #tpu.memory_space<hbm>>
    tpu.enqueue_dma source(%dma_start3A_611 : memref<8192xi32, #tpu.memory_space<hbm>>) target(%arg6 : memref<8192xi32, #tpu.memory_space<vmem>>) target_semaphore(%arg9 : memref<!tpu.dma_semaphore, #tpu.memory_space<semaphore_mem>>)
    %dma_wait3A_612 = arith.constant 12 : i32
    %dma_wait3A_613 = arith.constant 8192 : i32
    %dma_wait3A_614 = tpu.memref_slice %arg2[%dma_wait3A_612, %dma_wait3A_613] : memref<26x16384xi32, #tpu.memory_space<hbm>> -> memref<1x8192xi32, #tpu.memory_space<hbm>>
    %dma_wait3A_615 = tpu.memref_squeeze %dma_wait3A_614 : memref<1x8192xi32, #tpu.memory_space<hbm>> -> memref<8192xi32, #tpu.memory_space<hbm>>
    %dma_wait3A_616 = arith.constant 8192 : i32
    %dma_wait3A_617 = tpu.memref_slice %arg2[%dma_wait3A_612, %dma_wait3A_616] : memref<26x16384xi32, #tpu.memory_space<hbm>> -> memref<1x8192xi32, #tpu.memory_space<hbm>>
    %dma_wait3A_618 = tpu.memref_squeeze %dma_wait3A_617 : memref<1x8192xi32, #tpu.memory_space<hbm>> -> memref<8192xi32, #tpu.memory_space<hbm>>
    tpu.wait_dma2 semaphore(%arg9 : memref<!tpu.dma_semaphore, #tpu.memory_space<semaphore_mem>>) src(%dma_wait3A_618 : memref<8192xi32, #tpu.memory_space<hbm>>) dst(%arg6 : memref<8192xi32, #tpu.memory_space<vmem>>)
    %parallel_loop3A_619 = arith.constant 0 : i32
    %parallel_loop3A_620 = arith.constant 8192 : i32
    %parallel_loop3A_621 = arith.constant 16 : i32
    scf.for %parallel_loop3A_1246 = %parallel_loop3A_619 to %parallel_loop3A_620 step %parallel_loop3A_621  : i32 {
      %parallel_loop3A_1247 = arith.index_cast %parallel_loop3A_1246 : i32 to index
      %parallel_loop3A_1248 = tpu.vector_load %arg6[%parallel_loop3A_1247] {strides = array<i32>} : memref<8192xi32, #tpu.memory_space<vmem>>, vector<16xi32>,
      %parallel_loop3A_1249 = tpu.vector_load_idx %arg5[%parallel_loop3A_1248] : memref<100000xf32, #tpu.memory_space<vmem>>[vector<16xi32>], vector<16xf32>,
      %parallel_loop3A_1250 = arith.constant 8192 : i32
      %parallel_loop3A_1251 = arith.addi %parallel_loop3A_1250, %parallel_loop3A_1246 : i32
      %parallel_loop3A_1252 = arith.index_cast %parallel_loop3A_1251 : i32 to index
      %parallel_loop3A_1253 = tpu.vector_load %arg7[%parallel_loop3A_1252] {strides = array<i32>} : memref<16384xf32, #tpu.memory_space<vmem>>, vector<16xf32>,
      tpu.vector_store %arg7[%parallel_loop3A_1252], %parallel_loop3A_1249 {add = true, strides = array<i32>} : memref<16384xf32, #tpu.memory_space<vmem>>, vector<16xf32>,
    } {sc.loop_unroll_factor = 8 : i64, sc.parallel_access}
    %add3A_622 = arith.constant 416 : i32
    %add3A_623 = arith.addi %add3A_622, %add3A : i32
    %dma_start3A_624 = arith.constant 0 : i32
    %dma_start3A_625 = tpu.memref_slice %arg3[%add3A_623, %dma_start3A_624] : memref<832x100000xf32, #tpu.memory_space<hbm>> -> memref<1x100000xf32, #tpu.memory_space<hbm>>
    %dma_start3A_626 = tpu.memref_squeeze %dma_start3A_625 : memref<1x100000xf32, #tpu.memory_space<hbm>> -> memref<100000xf32, #tpu.memory_space<hbm>>
    %dma_start3A_627 = arith.constant 0 : i32
    %dma_start3A_628 = tpu.memref_slice %arg3[%add3A_623, %dma_start3A_627] : memref<832x100000xf32, #tpu.memory_space<hbm>> -> memref<1x100000xf32, #tpu.memory_space<hbm>>
    %dma_start3A_629 = tpu.memref_squeeze %dma_start3A_628 : memref<1x100000xf32, #tpu.memory_space<hbm>> -> memref<100000xf32, #tpu.memory_space<hbm>>
    tpu.enqueue_dma source(%dma_start3A_629 : memref<100000xf32, #tpu.memory_space<hbm>>) target(%arg5 : memref<100000xf32, #tpu.memory_space<vmem>>) target_semaphore(%arg8 : memref<!tpu.dma_semaphore, #tpu.memory_space<semaphore_mem>>)
    %dma_start3A_630 = arith.constant 13 : i32
    %dma_start3A_631 = arith.constant 0 : i32
    %dma_start3A_632 = tpu.memref_slice %arg2[%dma_start3A_630, %dma_start3A_631] : memref<26x16384xi32, #tpu.memory_space<hbm>> -> memref<1x8192xi32, #tpu.memory_space<hbm>>
    %dma_start3A_633 = tpu.memref_squeeze %dma_start3A_632 : memref<1x8192xi32, #tpu.memory_space<hbm>> -> memref<8192xi32, #tpu.memory_space<hbm>>
    %dma_start3A_634 = arith.constant 0 : i32
    %dma_start3A_635 = tpu.memref_slice %arg2[%dma_start3A_630, %dma_start3A_634] : memref<26x16384xi32, #tpu.memory_space<hbm>> -> memref<1x8192xi32, #tpu.memory_space<hbm>>
    %dma_start3A_636 = tpu.memref_squeeze %dma_start3A_635 : memref<1x8192xi32, #tpu.memory_space<hbm>> -> memref<8192xi32, #tpu.memory_space<hbm>>
    tpu.enqueue_dma source(%dma_start3A_636 : memref<8192xi32, #tpu.memory_space<hbm>>) target(%arg6 : memref<8192xi32, #tpu.memory_space<vmem>>) target_semaphore(%arg9 : memref<!tpu.dma_semaphore, #tpu.memory_space<semaphore_mem>>)
    %dma_wait3A_637 = arith.constant 13 : i32
    %dma_wait3A_638 = arith.constant 0 : i32
    %dma_wait3A_639 = tpu.memref_slice %arg2[%dma_wait3A_637, %dma_wait3A_638] : memref<26x16384xi32, #tpu.memory_space<hbm>> -> memref<1x8192xi32, #tpu.memory_space<hbm>>
    %dma_wait3A_640 = tpu.memref_squeeze %dma_wait3A_639 : memref<1x8192xi32, #tpu.memory_space<hbm>> -> memref<8192xi32, #tpu.memory_space<hbm>>
    %dma_wait3A_641 = arith.constant 0 : i32
    %dma_wait3A_642 = tpu.memref_slice %arg2[%dma_wait3A_637, %dma_wait3A_641] : memref<26x16384xi32, #tpu.memory_space<hbm>> -> memref<1x8192xi32, #tpu.memory_space<hbm>>
    %dma_wait3A_643 = tpu.memref_squeeze %dma_wait3A_642 : memref<1x8192xi32, #tpu.memory_space<hbm>> -> memref<8192xi32, #tpu.memory_space<hbm>>
    tpu.wait_dma2 semaphore(%arg9 : memref<!tpu.dma_semaphore, #tpu.memory_space<semaphore_mem>>) src(%dma_wait3A_643 : memref<8192xi32, #tpu.memory_space<hbm>>) dst(%arg6 : memref<8192xi32, #tpu.memory_space<vmem>>)
    %dma_wait3A_644 = arith.constant 0 : i32
    %dma_wait3A_645 = tpu.memref_slice %arg3[%add3A_623, %dma_wait3A_644] : memref<832x100000xf32, #tpu.memory_space<hbm>> -> memref<1x100000xf32, #tpu.memory_space<hbm>>
    %dma_wait3A_646 = tpu.memref_squeeze %dma_wait3A_645 : memref<1x100000xf32, #tpu.memory_space<hbm>> -> memref<100000xf32, #tpu.memory_space<hbm>>
    %dma_wait3A_647 = arith.constant 0 : i32
    %dma_wait3A_648 = tpu.memref_slice %arg3[%add3A_623, %dma_wait3A_647] : memref<832x100000xf32, #tpu.memory_space<hbm>> -> memref<1x100000xf32, #tpu.memory_space<hbm>>
    %dma_wait3A_649 = tpu.memref_squeeze %dma_wait3A_648 : memref<1x100000xf32, #tpu.memory_space<hbm>> -> memref<100000xf32, #tpu.memory_space<hbm>>
    tpu.wait_dma2 semaphore(%arg8 : memref<!tpu.dma_semaphore, #tpu.memory_space<semaphore_mem>>) src(%dma_wait3A_649 : memref<100000xf32, #tpu.memory_space<hbm>>) dst(%arg5 : memref<100000xf32, #tpu.memory_space<vmem>>)
    %parallel_loop3A_650 = arith.constant 0 : i32
    %parallel_loop3A_651 = arith.constant 8192 : i32
    %parallel_loop3A_652 = arith.constant 16 : i32
    scf.for %parallel_loop3A_1246 = %parallel_loop3A_650 to %parallel_loop3A_651 step %parallel_loop3A_652  : i32 {
      %parallel_loop3A_1247 = arith.index_cast %parallel_loop3A_1246 : i32 to index
      %parallel_loop3A_1248 = tpu.vector_load %arg6[%parallel_loop3A_1247] {strides = array<i32>} : memref<8192xi32, #tpu.memory_space<vmem>>, vector<16xi32>,
      %parallel_loop3A_1249 = tpu.vector_load_idx %arg5[%parallel_loop3A_1248] : memref<100000xf32, #tpu.memory_space<vmem>>[vector<16xi32>], vector<16xf32>,
      %parallel_loop3A_1250 = arith.constant 0 : i32
      %parallel_loop3A_1251 = arith.addi %parallel_loop3A_1250, %parallel_loop3A_1246 : i32
      %parallel_loop3A_1252 = arith.index_cast %parallel_loop3A_1251 : i32 to index
      %parallel_loop3A_1253 = tpu.vector_load %arg7[%parallel_loop3A_1252] {strides = array<i32>} : memref<16384xf32, #tpu.memory_space<vmem>>, vector<16xf32>,
      tpu.vector_store %arg7[%parallel_loop3A_1252], %parallel_loop3A_1249 {add = true, strides = array<i32>} : memref<16384xf32, #tpu.memory_space<vmem>>, vector<16xf32>,
    } {sc.loop_unroll_factor = 8 : i64, sc.parallel_access}
    %dma_start3A_653 = arith.constant 13 : i32
    %dma_start3A_654 = arith.constant 8192 : i32
    %dma_start3A_655 = tpu.memref_slice %arg2[%dma_start3A_653, %dma_start3A_654] : memref<26x16384xi32, #tpu.memory_space<hbm>> -> memref<1x8192xi32, #tpu.memory_space<hbm>>
    %dma_start3A_656 = tpu.memref_squeeze %dma_start3A_655 : memref<1x8192xi32, #tpu.memory_space<hbm>> -> memref<8192xi32, #tpu.memory_space<hbm>>
    %dma_start3A_657 = arith.constant 8192 : i32
    %dma_start3A_658 = tpu.memref_slice %arg2[%dma_start3A_653, %dma_start3A_657] : memref<26x16384xi32, #tpu.memory_space<hbm>> -> memref<1x8192xi32, #tpu.memory_space<hbm>>
    %dma_start3A_659 = tpu.memref_squeeze %dma_start3A_658 : memref<1x8192xi32, #tpu.memory_space<hbm>> -> memref<8192xi32, #tpu.memory_space<hbm>>
    tpu.enqueue_dma source(%dma_start3A_659 : memref<8192xi32, #tpu.memory_space<hbm>>) target(%arg6 : memref<8192xi32, #tpu.memory_space<vmem>>) target_semaphore(%arg9 : memref<!tpu.dma_semaphore, #tpu.memory_space<semaphore_mem>>)
    %dma_wait3A_660 = arith.constant 13 : i32
    %dma_wait3A_661 = arith.constant 8192 : i32
    %dma_wait3A_662 = tpu.memref_slice %arg2[%dma_wait3A_660, %dma_wait3A_661] : memref<26x16384xi32, #tpu.memory_space<hbm>> -> memref<1x8192xi32, #tpu.memory_space<hbm>>
    %dma_wait3A_663 = tpu.memref_squeeze %dma_wait3A_662 : memref<1x8192xi32, #tpu.memory_space<hbm>> -> memref<8192xi32, #tpu.memory_space<hbm>>
    %dma_wait3A_664 = arith.constant 8192 : i32
    %dma_wait3A_665 = tpu.memref_slice %arg2[%dma_wait3A_660, %dma_wait3A_664] : memref<26x16384xi32, #tpu.memory_space<hbm>> -> memref<1x8192xi32, #tpu.memory_space<hbm>>
    %dma_wait3A_666 = tpu.memref_squeeze %dma_wait3A_665 : memref<1x8192xi32, #tpu.memory_space<hbm>> -> memref<8192xi32, #tpu.memory_space<hbm>>
    tpu.wait_dma2 semaphore(%arg9 : memref<!tpu.dma_semaphore, #tpu.memory_space<semaphore_mem>>) src(%dma_wait3A_666 : memref<8192xi32, #tpu.memory_space<hbm>>) dst(%arg6 : memref<8192xi32, #tpu.memory_space<vmem>>)
    %parallel_loop3A_667 = arith.constant 0 : i32
    %parallel_loop3A_668 = arith.constant 8192 : i32
    %parallel_loop3A_669 = arith.constant 16 : i32
    scf.for %parallel_loop3A_1246 = %parallel_loop3A_667 to %parallel_loop3A_668 step %parallel_loop3A_669  : i32 {
      %parallel_loop3A_1247 = arith.index_cast %parallel_loop3A_1246 : i32 to index
      %parallel_loop3A_1248 = tpu.vector_load %arg6[%parallel_loop3A_1247] {strides = array<i32>} : memref<8192xi32, #tpu.memory_space<vmem>>, vector<16xi32>,
      %parallel_loop3A_1249 = tpu.vector_load_idx %arg5[%parallel_loop3A_1248] : memref<100000xf32, #tpu.memory_space<vmem>>[vector<16xi32>], vector<16xf32>,
      %parallel_loop3A_1250 = arith.constant 8192 : i32
      %parallel_loop3A_1251 = arith.addi %parallel_loop3A_1250, %parallel_loop3A_1246 : i32
      %parallel_loop3A_1252 = arith.index_cast %parallel_loop3A_1251 : i32 to index
      %parallel_loop3A_1253 = tpu.vector_load %arg7[%parallel_loop3A_1252] {strides = array<i32>} : memref<16384xf32, #tpu.memory_space<vmem>>, vector<16xf32>,
      tpu.vector_store %arg7[%parallel_loop3A_1252], %parallel_loop3A_1249 {add = true, strides = array<i32>} : memref<16384xf32, #tpu.memory_space<vmem>>, vector<16xf32>,
    } {sc.loop_unroll_factor = 8 : i64, sc.parallel_access}
    %add3A_670 = arith.constant 448 : i32
    %add3A_671 = arith.addi %add3A_670, %add3A : i32
    %dma_start3A_672 = arith.constant 0 : i32
    %dma_start3A_673 = tpu.memref_slice %arg3[%add3A_671, %dma_start3A_672] : memref<832x100000xf32, #tpu.memory_space<hbm>> -> memref<1x100000xf32, #tpu.memory_space<hbm>>
    %dma_start3A_674 = tpu.memref_squeeze %dma_start3A_673 : memref<1x100000xf32, #tpu.memory_space<hbm>> -> memref<100000xf32, #tpu.memory_space<hbm>>
    %dma_start3A_675 = arith.constant 0 : i32
    %dma_start3A_676 = tpu.memref_slice %arg3[%add3A_671, %dma_start3A_675] : memref<832x100000xf32, #tpu.memory_space<hbm>> -> memref<1x100000xf32, #tpu.memory_space<hbm>>
    %dma_start3A_677 = tpu.memref_squeeze %dma_start3A_676 : memref<1x100000xf32, #tpu.memory_space<hbm>> -> memref<100000xf32, #tpu.memory_space<hbm>>
    tpu.enqueue_dma source(%dma_start3A_677 : memref<100000xf32, #tpu.memory_space<hbm>>) target(%arg5 : memref<100000xf32, #tpu.memory_space<vmem>>) target_semaphore(%arg8 : memref<!tpu.dma_semaphore, #tpu.memory_space<semaphore_mem>>)
    %dma_start3A_678 = arith.constant 14 : i32
    %dma_start3A_679 = arith.constant 0 : i32
    %dma_start3A_680 = tpu.memref_slice %arg2[%dma_start3A_678, %dma_start3A_679] : memref<26x16384xi32, #tpu.memory_space<hbm>> -> memref<1x8192xi32, #tpu.memory_space<hbm>>
    %dma_start3A_681 = tpu.memref_squeeze %dma_start3A_680 : memref<1x8192xi32, #tpu.memory_space<hbm>> -> memref<8192xi32, #tpu.memory_space<hbm>>
    %dma_start3A_682 = arith.constant 0 : i32
    %dma_start3A_683 = tpu.memref_slice %arg2[%dma_start3A_678, %dma_start3A_682] : memref<26x16384xi32, #tpu.memory_space<hbm>> -> memref<1x8192xi32, #tpu.memory_space<hbm>>
    %dma_start3A_684 = tpu.memref_squeeze %dma_start3A_683 : memref<1x8192xi32, #tpu.memory_space<hbm>> -> memref<8192xi32, #tpu.memory_space<hbm>>
    tpu.enqueue_dma source(%dma_start3A_684 : memref<8192xi32, #tpu.memory_space<hbm>>) target(%arg6 : memref<8192xi32, #tpu.memory_space<vmem>>) target_semaphore(%arg9 : memref<!tpu.dma_semaphore, #tpu.memory_space<semaphore_mem>>)
    %dma_wait3A_685 = arith.constant 14 : i32
    %dma_wait3A_686 = arith.constant 0 : i32
    %dma_wait3A_687 = tpu.memref_slice %arg2[%dma_wait3A_685, %dma_wait3A_686] : memref<26x16384xi32, #tpu.memory_space<hbm>> -> memref<1x8192xi32, #tpu.memory_space<hbm>>
    %dma_wait3A_688 = tpu.memref_squeeze %dma_wait3A_687 : memref<1x8192xi32, #tpu.memory_space<hbm>> -> memref<8192xi32, #tpu.memory_space<hbm>>
    %dma_wait3A_689 = arith.constant 0 : i32
    %dma_wait3A_690 = tpu.memref_slice %arg2[%dma_wait3A_685, %dma_wait3A_689] : memref<26x16384xi32, #tpu.memory_space<hbm>> -> memref<1x8192xi32, #tpu.memory_space<hbm>>
    %dma_wait3A_691 = tpu.memref_squeeze %dma_wait3A_690 : memref<1x8192xi32, #tpu.memory_space<hbm>> -> memref<8192xi32, #tpu.memory_space<hbm>>
    tpu.wait_dma2 semaphore(%arg9 : memref<!tpu.dma_semaphore, #tpu.memory_space<semaphore_mem>>) src(%dma_wait3A_691 : memref<8192xi32, #tpu.memory_space<hbm>>) dst(%arg6 : memref<8192xi32, #tpu.memory_space<vmem>>)
    %dma_wait3A_692 = arith.constant 0 : i32
    %dma_wait3A_693 = tpu.memref_slice %arg3[%add3A_671, %dma_wait3A_692] : memref<832x100000xf32, #tpu.memory_space<hbm>> -> memref<1x100000xf32, #tpu.memory_space<hbm>>
    %dma_wait3A_694 = tpu.memref_squeeze %dma_wait3A_693 : memref<1x100000xf32, #tpu.memory_space<hbm>> -> memref<100000xf32, #tpu.memory_space<hbm>>
    %dma_wait3A_695 = arith.constant 0 : i32
    %dma_wait3A_696 = tpu.memref_slice %arg3[%add3A_671, %dma_wait3A_695] : memref<832x100000xf32, #tpu.memory_space<hbm>> -> memref<1x100000xf32, #tpu.memory_space<hbm>>
    %dma_wait3A_697 = tpu.memref_squeeze %dma_wait3A_696 : memref<1x100000xf32, #tpu.memory_space<hbm>> -> memref<100000xf32, #tpu.memory_space<hbm>>
    tpu.wait_dma2 semaphore(%arg8 : memref<!tpu.dma_semaphore, #tpu.memory_space<semaphore_mem>>) src(%dma_wait3A_697 : memref<100000xf32, #tpu.memory_space<hbm>>) dst(%arg5 : memref<100000xf32, #tpu.memory_space<vmem>>)
    %parallel_loop3A_698 = arith.constant 0 : i32
    %parallel_loop3A_699 = arith.constant 8192 : i32
    %parallel_loop3A_700 = arith.constant 16 : i32
    scf.for %parallel_loop3A_1246 = %parallel_loop3A_698 to %parallel_loop3A_699 step %parallel_loop3A_700  : i32 {
      %parallel_loop3A_1247 = arith.index_cast %parallel_loop3A_1246 : i32 to index
      %parallel_loop3A_1248 = tpu.vector_load %arg6[%parallel_loop3A_1247] {strides = array<i32>} : memref<8192xi32, #tpu.memory_space<vmem>>, vector<16xi32>,
      %parallel_loop3A_1249 = tpu.vector_load_idx %arg5[%parallel_loop3A_1248] : memref<100000xf32, #tpu.memory_space<vmem>>[vector<16xi32>], vector<16xf32>,
      %parallel_loop3A_1250 = arith.constant 0 : i32
      %parallel_loop3A_1251 = arith.addi %parallel_loop3A_1250, %parallel_loop3A_1246 : i32
      %parallel_loop3A_1252 = arith.index_cast %parallel_loop3A_1251 : i32 to index
      %parallel_loop3A_1253 = tpu.vector_load %arg7[%parallel_loop3A_1252] {strides = array<i32>} : memref<16384xf32, #tpu.memory_space<vmem>>, vector<16xf32>,
      tpu.vector_store %arg7[%parallel_loop3A_1252], %parallel_loop3A_1249 {add = true, strides = array<i32>} : memref<16384xf32, #tpu.memory_space<vmem>>, vector<16xf32>,
    } {sc.loop_unroll_factor = 8 : i64, sc.parallel_access}
    %dma_start3A_701 = arith.constant 14 : i32
    %dma_start3A_702 = arith.constant 8192 : i32
    %dma_start3A_703 = tpu.memref_slice %arg2[%dma_start3A_701, %dma_start3A_702] : memref<26x16384xi32, #tpu.memory_space<hbm>> -> memref<1x8192xi32, #tpu.memory_space<hbm>>
    %dma_start3A_704 = tpu.memref_squeeze %dma_start3A_703 : memref<1x8192xi32, #tpu.memory_space<hbm>> -> memref<8192xi32, #tpu.memory_space<hbm>>
    %dma_start3A_705 = arith.constant 8192 : i32
    %dma_start3A_706 = tpu.memref_slice %arg2[%dma_start3A_701, %dma_start3A_705] : memref<26x16384xi32, #tpu.memory_space<hbm>> -> memref<1x8192xi32, #tpu.memory_space<hbm>>
    %dma_start3A_707 = tpu.memref_squeeze %dma_start3A_706 : memref<1x8192xi32, #tpu.memory_space<hbm>> -> memref<8192xi32, #tpu.memory_space<hbm>>
    tpu.enqueue_dma source(%dma_start3A_707 : memref<8192xi32, #tpu.memory_space<hbm>>) target(%arg6 : memref<8192xi32, #tpu.memory_space<vmem>>) target_semaphore(%arg9 : memref<!tpu.dma_semaphore, #tpu.memory_space<semaphore_mem>>)
    %dma_wait3A_708 = arith.constant 14 : i32
    %dma_wait3A_709 = arith.constant 8192 : i32
    %dma_wait3A_710 = tpu.memref_slice %arg2[%dma_wait3A_708, %dma_wait3A_709] : memref<26x16384xi32, #tpu.memory_space<hbm>> -> memref<1x8192xi32, #tpu.memory_space<hbm>>
    %dma_wait3A_711 = tpu.memref_squeeze %dma_wait3A_710 : memref<1x8192xi32, #tpu.memory_space<hbm>> -> memref<8192xi32, #tpu.memory_space<hbm>>
    %dma_wait3A_712 = arith.constant 8192 : i32
    %dma_wait3A_713 = tpu.memref_slice %arg2[%dma_wait3A_708, %dma_wait3A_712] : memref<26x16384xi32, #tpu.memory_space<hbm>> -> memref<1x8192xi32, #tpu.memory_space<hbm>>
    %dma_wait3A_714 = tpu.memref_squeeze %dma_wait3A_713 : memref<1x8192xi32, #tpu.memory_space<hbm>> -> memref<8192xi32, #tpu.memory_space<hbm>>
    tpu.wait_dma2 semaphore(%arg9 : memref<!tpu.dma_semaphore, #tpu.memory_space<semaphore_mem>>) src(%dma_wait3A_714 : memref<8192xi32, #tpu.memory_space<hbm>>) dst(%arg6 : memref<8192xi32, #tpu.memory_space<vmem>>)
    %parallel_loop3A_715 = arith.constant 0 : i32
    %parallel_loop3A_716 = arith.constant 8192 : i32
    %parallel_loop3A_717 = arith.constant 16 : i32
    scf.for %parallel_loop3A_1246 = %parallel_loop3A_715 to %parallel_loop3A_716 step %parallel_loop3A_717  : i32 {
      %parallel_loop3A_1247 = arith.index_cast %parallel_loop3A_1246 : i32 to index
      %parallel_loop3A_1248 = tpu.vector_load %arg6[%parallel_loop3A_1247] {strides = array<i32>} : memref<8192xi32, #tpu.memory_space<vmem>>, vector<16xi32>,
      %parallel_loop3A_1249 = tpu.vector_load_idx %arg5[%parallel_loop3A_1248] : memref<100000xf32, #tpu.memory_space<vmem>>[vector<16xi32>], vector<16xf32>,
      %parallel_loop3A_1250 = arith.constant 8192 : i32
      %parallel_loop3A_1251 = arith.addi %parallel_loop3A_1250, %parallel_loop3A_1246 : i32
      %parallel_loop3A_1252 = arith.index_cast %parallel_loop3A_1251 : i32 to index
      %parallel_loop3A_1253 = tpu.vector_load %arg7[%parallel_loop3A_1252] {strides = array<i32>} : memref<16384xf32, #tpu.memory_space<vmem>>, vector<16xf32>,
      tpu.vector_store %arg7[%parallel_loop3A_1252], %parallel_loop3A_1249 {add = true, strides = array<i32>} : memref<16384xf32, #tpu.memory_space<vmem>>, vector<16xf32>,
    } {sc.loop_unroll_factor = 8 : i64, sc.parallel_access}
    %add3A_718 = arith.constant 480 : i32
    %add3A_719 = arith.addi %add3A_718, %add3A : i32
    %dma_start3A_720 = arith.constant 0 : i32
    %dma_start3A_721 = tpu.memref_slice %arg3[%add3A_719, %dma_start3A_720] : memref<832x100000xf32, #tpu.memory_space<hbm>> -> memref<1x100000xf32, #tpu.memory_space<hbm>>
    %dma_start3A_722 = tpu.memref_squeeze %dma_start3A_721 : memref<1x100000xf32, #tpu.memory_space<hbm>> -> memref<100000xf32, #tpu.memory_space<hbm>>
    %dma_start3A_723 = arith.constant 0 : i32
    %dma_start3A_724 = tpu.memref_slice %arg3[%add3A_719, %dma_start3A_723] : memref<832x100000xf32, #tpu.memory_space<hbm>> -> memref<1x100000xf32, #tpu.memory_space<hbm>>
    %dma_start3A_725 = tpu.memref_squeeze %dma_start3A_724 : memref<1x100000xf32, #tpu.memory_space<hbm>> -> memref<100000xf32, #tpu.memory_space<hbm>>
    tpu.enqueue_dma source(%dma_start3A_725 : memref<100000xf32, #tpu.memory_space<hbm>>) target(%arg5 : memref<100000xf32, #tpu.memory_space<vmem>>) target_semaphore(%arg8 : memref<!tpu.dma_semaphore, #tpu.memory_space<semaphore_mem>>)
    %dma_start3A_726 = arith.constant 15 : i32
    %dma_start3A_727 = arith.constant 0 : i32
    %dma_start3A_728 = tpu.memref_slice %arg2[%dma_start3A_726, %dma_start3A_727] : memref<26x16384xi32, #tpu.memory_space<hbm>> -> memref<1x8192xi32, #tpu.memory_space<hbm>>
    %dma_start3A_729 = tpu.memref_squeeze %dma_start3A_728 : memref<1x8192xi32, #tpu.memory_space<hbm>> -> memref<8192xi32, #tpu.memory_space<hbm>>
    %dma_start3A_730 = arith.constant 0 : i32
    %dma_start3A_731 = tpu.memref_slice %arg2[%dma_start3A_726, %dma_start3A_730] : memref<26x16384xi32, #tpu.memory_space<hbm>> -> memref<1x8192xi32, #tpu.memory_space<hbm>>
    %dma_start3A_732 = tpu.memref_squeeze %dma_start3A_731 : memref<1x8192xi32, #tpu.memory_space<hbm>> -> memref<8192xi32, #tpu.memory_space<hbm>>
    tpu.enqueue_dma source(%dma_start3A_732 : memref<8192xi32, #tpu.memory_space<hbm>>) target(%arg6 : memref<8192xi32, #tpu.memory_space<vmem>>) target_semaphore(%arg9 : memref<!tpu.dma_semaphore, #tpu.memory_space<semaphore_mem>>)
    %dma_wait3A_733 = arith.constant 15 : i32
    %dma_wait3A_734 = arith.constant 0 : i32
    %dma_wait3A_735 = tpu.memref_slice %arg2[%dma_wait3A_733, %dma_wait3A_734] : memref<26x16384xi32, #tpu.memory_space<hbm>> -> memref<1x8192xi32, #tpu.memory_space<hbm>>
    %dma_wait3A_736 = tpu.memref_squeeze %dma_wait3A_735 : memref<1x8192xi32, #tpu.memory_space<hbm>> -> memref<8192xi32, #tpu.memory_space<hbm>>
    %dma_wait3A_737 = arith.constant 0 : i32
    %dma_wait3A_738 = tpu.memref_slice %arg2[%dma_wait3A_733, %dma_wait3A_737] : memref<26x16384xi32, #tpu.memory_space<hbm>> -> memref<1x8192xi32, #tpu.memory_space<hbm>>
    %dma_wait3A_739 = tpu.memref_squeeze %dma_wait3A_738 : memref<1x8192xi32, #tpu.memory_space<hbm>> -> memref<8192xi32, #tpu.memory_space<hbm>>
    tpu.wait_dma2 semaphore(%arg9 : memref<!tpu.dma_semaphore, #tpu.memory_space<semaphore_mem>>) src(%dma_wait3A_739 : memref<8192xi32, #tpu.memory_space<hbm>>) dst(%arg6 : memref<8192xi32, #tpu.memory_space<vmem>>)
    %dma_wait3A_740 = arith.constant 0 : i32
    %dma_wait3A_741 = tpu.memref_slice %arg3[%add3A_719, %dma_wait3A_740] : memref<832x100000xf32, #tpu.memory_space<hbm>> -> memref<1x100000xf32, #tpu.memory_space<hbm>>
    %dma_wait3A_742 = tpu.memref_squeeze %dma_wait3A_741 : memref<1x100000xf32, #tpu.memory_space<hbm>> -> memref<100000xf32, #tpu.memory_space<hbm>>
    %dma_wait3A_743 = arith.constant 0 : i32
    %dma_wait3A_744 = tpu.memref_slice %arg3[%add3A_719, %dma_wait3A_743] : memref<832x100000xf32, #tpu.memory_space<hbm>> -> memref<1x100000xf32, #tpu.memory_space<hbm>>
    %dma_wait3A_745 = tpu.memref_squeeze %dma_wait3A_744 : memref<1x100000xf32, #tpu.memory_space<hbm>> -> memref<100000xf32, #tpu.memory_space<hbm>>
    tpu.wait_dma2 semaphore(%arg8 : memref<!tpu.dma_semaphore, #tpu.memory_space<semaphore_mem>>) src(%dma_wait3A_745 : memref<100000xf32, #tpu.memory_space<hbm>>) dst(%arg5 : memref<100000xf32, #tpu.memory_space<vmem>>)
    %parallel_loop3A_746 = arith.constant 0 : i32
    %parallel_loop3A_747 = arith.constant 8192 : i32
    %parallel_loop3A_748 = arith.constant 16 : i32
    scf.for %parallel_loop3A_1246 = %parallel_loop3A_746 to %parallel_loop3A_747 step %parallel_loop3A_748  : i32 {
      %parallel_loop3A_1247 = arith.index_cast %parallel_loop3A_1246 : i32 to index
      %parallel_loop3A_1248 = tpu.vector_load %arg6[%parallel_loop3A_1247] {strides = array<i32>} : memref<8192xi32, #tpu.memory_space<vmem>>, vector<16xi32>,
      %parallel_loop3A_1249 = tpu.vector_load_idx %arg5[%parallel_loop3A_1248] : memref<100000xf32, #tpu.memory_space<vmem>>[vector<16xi32>], vector<16xf32>,
      %parallel_loop3A_1250 = arith.constant 0 : i32
      %parallel_loop3A_1251 = arith.addi %parallel_loop3A_1250, %parallel_loop3A_1246 : i32
      %parallel_loop3A_1252 = arith.index_cast %parallel_loop3A_1251 : i32 to index
      %parallel_loop3A_1253 = tpu.vector_load %arg7[%parallel_loop3A_1252] {strides = array<i32>} : memref<16384xf32, #tpu.memory_space<vmem>>, vector<16xf32>,
      tpu.vector_store %arg7[%parallel_loop3A_1252], %parallel_loop3A_1249 {add = true, strides = array<i32>} : memref<16384xf32, #tpu.memory_space<vmem>>, vector<16xf32>,
    } {sc.loop_unroll_factor = 8 : i64, sc.parallel_access}
    %dma_start3A_749 = arith.constant 15 : i32
    %dma_start3A_750 = arith.constant 8192 : i32
    %dma_start3A_751 = tpu.memref_slice %arg2[%dma_start3A_749, %dma_start3A_750] : memref<26x16384xi32, #tpu.memory_space<hbm>> -> memref<1x8192xi32, #tpu.memory_space<hbm>>
    %dma_start3A_752 = tpu.memref_squeeze %dma_start3A_751 : memref<1x8192xi32, #tpu.memory_space<hbm>> -> memref<8192xi32, #tpu.memory_space<hbm>>
    %dma_start3A_753 = arith.constant 8192 : i32
    %dma_start3A_754 = tpu.memref_slice %arg2[%dma_start3A_749, %dma_start3A_753] : memref<26x16384xi32, #tpu.memory_space<hbm>> -> memref<1x8192xi32, #tpu.memory_space<hbm>>
    %dma_start3A_755 = tpu.memref_squeeze %dma_start3A_754 : memref<1x8192xi32, #tpu.memory_space<hbm>> -> memref<8192xi32, #tpu.memory_space<hbm>>
    tpu.enqueue_dma source(%dma_start3A_755 : memref<8192xi32, #tpu.memory_space<hbm>>) target(%arg6 : memref<8192xi32, #tpu.memory_space<vmem>>) target_semaphore(%arg9 : memref<!tpu.dma_semaphore, #tpu.memory_space<semaphore_mem>>)
    %dma_wait3A_756 = arith.constant 15 : i32
    %dma_wait3A_757 = arith.constant 8192 : i32
    %dma_wait3A_758 = tpu.memref_slice %arg2[%dma_wait3A_756, %dma_wait3A_757] : memref<26x16384xi32, #tpu.memory_space<hbm>> -> memref<1x8192xi32, #tpu.memory_space<hbm>>
    %dma_wait3A_759 = tpu.memref_squeeze %dma_wait3A_758 : memref<1x8192xi32, #tpu.memory_space<hbm>> -> memref<8192xi32, #tpu.memory_space<hbm>>
    %dma_wait3A_760 = arith.constant 8192 : i32
    %dma_wait3A_761 = tpu.memref_slice %arg2[%dma_wait3A_756, %dma_wait3A_760] : memref<26x16384xi32, #tpu.memory_space<hbm>> -> memref<1x8192xi32, #tpu.memory_space<hbm>>
    %dma_wait3A_762 = tpu.memref_squeeze %dma_wait3A_761 : memref<1x8192xi32, #tpu.memory_space<hbm>> -> memref<8192xi32, #tpu.memory_space<hbm>>
    tpu.wait_dma2 semaphore(%arg9 : memref<!tpu.dma_semaphore, #tpu.memory_space<semaphore_mem>>) src(%dma_wait3A_762 : memref<8192xi32, #tpu.memory_space<hbm>>) dst(%arg6 : memref<8192xi32, #tpu.memory_space<vmem>>)
    %parallel_loop3A_763 = arith.constant 0 : i32
    %parallel_loop3A_764 = arith.constant 8192 : i32
    %parallel_loop3A_765 = arith.constant 16 : i32
    scf.for %parallel_loop3A_1246 = %parallel_loop3A_763 to %parallel_loop3A_764 step %parallel_loop3A_765  : i32 {
      %parallel_loop3A_1247 = arith.index_cast %parallel_loop3A_1246 : i32 to index
      %parallel_loop3A_1248 = tpu.vector_load %arg6[%parallel_loop3A_1247] {strides = array<i32>} : memref<8192xi32, #tpu.memory_space<vmem>>, vector<16xi32>,
      %parallel_loop3A_1249 = tpu.vector_load_idx %arg5[%parallel_loop3A_1248] : memref<100000xf32, #tpu.memory_space<vmem>>[vector<16xi32>], vector<16xf32>,
      %parallel_loop3A_1250 = arith.constant 8192 : i32
      %parallel_loop3A_1251 = arith.addi %parallel_loop3A_1250, %parallel_loop3A_1246 : i32
      %parallel_loop3A_1252 = arith.index_cast %parallel_loop3A_1251 : i32 to index
      %parallel_loop3A_1253 = tpu.vector_load %arg7[%parallel_loop3A_1252] {strides = array<i32>} : memref<16384xf32, #tpu.memory_space<vmem>>, vector<16xf32>,
      tpu.vector_store %arg7[%parallel_loop3A_1252], %parallel_loop3A_1249 {add = true, strides = array<i32>} : memref<16384xf32, #tpu.memory_space<vmem>>, vector<16xf32>,
    } {sc.loop_unroll_factor = 8 : i64, sc.parallel_access}
    %add3A_766 = arith.constant 512 : i32
    %add3A_767 = arith.addi %add3A_766, %add3A : i32
    %dma_start3A_768 = arith.constant 0 : i32
    %dma_start3A_769 = tpu.memref_slice %arg3[%add3A_767, %dma_start3A_768] : memref<832x100000xf32, #tpu.memory_space<hbm>> -> memref<1x100000xf32, #tpu.memory_space<hbm>>
    %dma_start3A_770 = tpu.memref_squeeze %dma_start3A_769 : memref<1x100000xf32, #tpu.memory_space<hbm>> -> memref<100000xf32, #tpu.memory_space<hbm>>
    %dma_start3A_771 = arith.constant 0 : i32
    %dma_start3A_772 = tpu.memref_slice %arg3[%add3A_767, %dma_start3A_771] : memref<832x100000xf32, #tpu.memory_space<hbm>> -> memref<1x100000xf32, #tpu.memory_space<hbm>>
    %dma_start3A_773 = tpu.memref_squeeze %dma_start3A_772 : memref<1x100000xf32, #tpu.memory_space<hbm>> -> memref<100000xf32, #tpu.memory_space<hbm>>
    tpu.enqueue_dma source(%dma_start3A_773 : memref<100000xf32, #tpu.memory_space<hbm>>) target(%arg5 : memref<100000xf32, #tpu.memory_space<vmem>>) target_semaphore(%arg8 : memref<!tpu.dma_semaphore, #tpu.memory_space<semaphore_mem>>)
    %dma_start3A_774 = arith.constant 16 : i32
    %dma_start3A_775 = arith.constant 0 : i32
    %dma_start3A_776 = tpu.memref_slice %arg2[%dma_start3A_774, %dma_start3A_775] : memref<26x16384xi32, #tpu.memory_space<hbm>> -> memref<1x8192xi32, #tpu.memory_space<hbm>>
    %dma_start3A_777 = tpu.memref_squeeze %dma_start3A_776 : memref<1x8192xi32, #tpu.memory_space<hbm>> -> memref<8192xi32, #tpu.memory_space<hbm>>
    %dma_start3A_778 = arith.constant 0 : i32
    %dma_start3A_779 = tpu.memref_slice %arg2[%dma_start3A_774, %dma_start3A_778] : memref<26x16384xi32, #tpu.memory_space<hbm>> -> memref<1x8192xi32, #tpu.memory_space<hbm>>
    %dma_start3A_780 = tpu.memref_squeeze %dma_start3A_779 : memref<1x8192xi32, #tpu.memory_space<hbm>> -> memref<8192xi32, #tpu.memory_space<hbm>>
    tpu.enqueue_dma source(%dma_start3A_780 : memref<8192xi32, #tpu.memory_space<hbm>>) target(%arg6 : memref<8192xi32, #tpu.memory_space<vmem>>) target_semaphore(%arg9 : memref<!tpu.dma_semaphore, #tpu.memory_space<semaphore_mem>>)
    %dma_wait3A_781 = arith.constant 16 : i32
    %dma_wait3A_782 = arith.constant 0 : i32
    %dma_wait3A_783 = tpu.memref_slice %arg2[%dma_wait3A_781, %dma_wait3A_782] : memref<26x16384xi32, #tpu.memory_space<hbm>> -> memref<1x8192xi32, #tpu.memory_space<hbm>>
    %dma_wait3A_784 = tpu.memref_squeeze %dma_wait3A_783 : memref<1x8192xi32, #tpu.memory_space<hbm>> -> memref<8192xi32, #tpu.memory_space<hbm>>
    %dma_wait3A_785 = arith.constant 0 : i32
    %dma_wait3A_786 = tpu.memref_slice %arg2[%dma_wait3A_781, %dma_wait3A_785] : memref<26x16384xi32, #tpu.memory_space<hbm>> -> memref<1x8192xi32, #tpu.memory_space<hbm>>
    %dma_wait3A_787 = tpu.memref_squeeze %dma_wait3A_786 : memref<1x8192xi32, #tpu.memory_space<hbm>> -> memref<8192xi32, #tpu.memory_space<hbm>>
    tpu.wait_dma2 semaphore(%arg9 : memref<!tpu.dma_semaphore, #tpu.memory_space<semaphore_mem>>) src(%dma_wait3A_787 : memref<8192xi32, #tpu.memory_space<hbm>>) dst(%arg6 : memref<8192xi32, #tpu.memory_space<vmem>>)
    %dma_wait3A_788 = arith.constant 0 : i32
    %dma_wait3A_789 = tpu.memref_slice %arg3[%add3A_767, %dma_wait3A_788] : memref<832x100000xf32, #tpu.memory_space<hbm>> -> memref<1x100000xf32, #tpu.memory_space<hbm>>
    %dma_wait3A_790 = tpu.memref_squeeze %dma_wait3A_789 : memref<1x100000xf32, #tpu.memory_space<hbm>> -> memref<100000xf32, #tpu.memory_space<hbm>>
    %dma_wait3A_791 = arith.constant 0 : i32
    %dma_wait3A_792 = tpu.memref_slice %arg3[%add3A_767, %dma_wait3A_791] : memref<832x100000xf32, #tpu.memory_space<hbm>> -> memref<1x100000xf32, #tpu.memory_space<hbm>>
    %dma_wait3A_793 = tpu.memref_squeeze %dma_wait3A_792 : memref<1x100000xf32, #tpu.memory_space<hbm>> -> memref<100000xf32, #tpu.memory_space<hbm>>
    tpu.wait_dma2 semaphore(%arg8 : memref<!tpu.dma_semaphore, #tpu.memory_space<semaphore_mem>>) src(%dma_wait3A_793 : memref<100000xf32, #tpu.memory_space<hbm>>) dst(%arg5 : memref<100000xf32, #tpu.memory_space<vmem>>)
    %parallel_loop3A_794 = arith.constant 0 : i32
    %parallel_loop3A_795 = arith.constant 8192 : i32
    %parallel_loop3A_796 = arith.constant 16 : i32
    scf.for %parallel_loop3A_1246 = %parallel_loop3A_794 to %parallel_loop3A_795 step %parallel_loop3A_796  : i32 {
      %parallel_loop3A_1247 = arith.index_cast %parallel_loop3A_1246 : i32 to index
      %parallel_loop3A_1248 = tpu.vector_load %arg6[%parallel_loop3A_1247] {strides = array<i32>} : memref<8192xi32, #tpu.memory_space<vmem>>, vector<16xi32>,
      %parallel_loop3A_1249 = tpu.vector_load_idx %arg5[%parallel_loop3A_1248] : memref<100000xf32, #tpu.memory_space<vmem>>[vector<16xi32>], vector<16xf32>,
      %parallel_loop3A_1250 = arith.constant 0 : i32
      %parallel_loop3A_1251 = arith.addi %parallel_loop3A_1250, %parallel_loop3A_1246 : i32
      %parallel_loop3A_1252 = arith.index_cast %parallel_loop3A_1251 : i32 to index
      %parallel_loop3A_1253 = tpu.vector_load %arg7[%parallel_loop3A_1252] {strides = array<i32>} : memref<16384xf32, #tpu.memory_space<vmem>>, vector<16xf32>,
      tpu.vector_store %arg7[%parallel_loop3A_1252], %parallel_loop3A_1249 {add = true, strides = array<i32>} : memref<16384xf32, #tpu.memory_space<vmem>>, vector<16xf32>,
    } {sc.loop_unroll_factor = 8 : i64, sc.parallel_access}
    %dma_start3A_797 = arith.constant 16 : i32
    %dma_start3A_798 = arith.constant 8192 : i32
    %dma_start3A_799 = tpu.memref_slice %arg2[%dma_start3A_797, %dma_start3A_798] : memref<26x16384xi32, #tpu.memory_space<hbm>> -> memref<1x8192xi32, #tpu.memory_space<hbm>>
    %dma_start3A_800 = tpu.memref_squeeze %dma_start3A_799 : memref<1x8192xi32, #tpu.memory_space<hbm>> -> memref<8192xi32, #tpu.memory_space<hbm>>
    %dma_start3A_801 = arith.constant 8192 : i32
    %dma_start3A_802 = tpu.memref_slice %arg2[%dma_start3A_797, %dma_start3A_801] : memref<26x16384xi32, #tpu.memory_space<hbm>> -> memref<1x8192xi32, #tpu.memory_space<hbm>>
    %dma_start3A_803 = tpu.memref_squeeze %dma_start3A_802 : memref<1x8192xi32, #tpu.memory_space<hbm>> -> memref<8192xi32, #tpu.memory_space<hbm>>
    tpu.enqueue_dma source(%dma_start3A_803 : memref<8192xi32, #tpu.memory_space<hbm>>) target(%arg6 : memref<8192xi32, #tpu.memory_space<vmem>>) target_semaphore(%arg9 : memref<!tpu.dma_semaphore, #tpu.memory_space<semaphore_mem>>)
    %dma_wait3A_804 = arith.constant 16 : i32
    %dma_wait3A_805 = arith.constant 8192 : i32
    %dma_wait3A_806 = tpu.memref_slice %arg2[%dma_wait3A_804, %dma_wait3A_805] : memref<26x16384xi32, #tpu.memory_space<hbm>> -> memref<1x8192xi32, #tpu.memory_space<hbm>>
    %dma_wait3A_807 = tpu.memref_squeeze %dma_wait3A_806 : memref<1x8192xi32, #tpu.memory_space<hbm>> -> memref<8192xi32, #tpu.memory_space<hbm>>
    %dma_wait3A_808 = arith.constant 8192 : i32
    %dma_wait3A_809 = tpu.memref_slice %arg2[%dma_wait3A_804, %dma_wait3A_808] : memref<26x16384xi32, #tpu.memory_space<hbm>> -> memref<1x8192xi32, #tpu.memory_space<hbm>>
    %dma_wait3A_810 = tpu.memref_squeeze %dma_wait3A_809 : memref<1x8192xi32, #tpu.memory_space<hbm>> -> memref<8192xi32, #tpu.memory_space<hbm>>
    tpu.wait_dma2 semaphore(%arg9 : memref<!tpu.dma_semaphore, #tpu.memory_space<semaphore_mem>>) src(%dma_wait3A_810 : memref<8192xi32, #tpu.memory_space<hbm>>) dst(%arg6 : memref<8192xi32, #tpu.memory_space<vmem>>)
    %parallel_loop3A_811 = arith.constant 0 : i32
    %parallel_loop3A_812 = arith.constant 8192 : i32
    %parallel_loop3A_813 = arith.constant 16 : i32
    scf.for %parallel_loop3A_1246 = %parallel_loop3A_811 to %parallel_loop3A_812 step %parallel_loop3A_813  : i32 {
      %parallel_loop3A_1247 = arith.index_cast %parallel_loop3A_1246 : i32 to index
      %parallel_loop3A_1248 = tpu.vector_load %arg6[%parallel_loop3A_1247] {strides = array<i32>} : memref<8192xi32, #tpu.memory_space<vmem>>, vector<16xi32>,
      %parallel_loop3A_1249 = tpu.vector_load_idx %arg5[%parallel_loop3A_1248] : memref<100000xf32, #tpu.memory_space<vmem>>[vector<16xi32>], vector<16xf32>,
      %parallel_loop3A_1250 = arith.constant 8192 : i32
      %parallel_loop3A_1251 = arith.addi %parallel_loop3A_1250, %parallel_loop3A_1246 : i32
      %parallel_loop3A_1252 = arith.index_cast %parallel_loop3A_1251 : i32 to index
      %parallel_loop3A_1253 = tpu.vector_load %arg7[%parallel_loop3A_1252] {strides = array<i32>} : memref<16384xf32, #tpu.memory_space<vmem>>, vector<16xf32>,
      tpu.vector_store %arg7[%parallel_loop3A_1252], %parallel_loop3A_1249 {add = true, strides = array<i32>} : memref<16384xf32, #tpu.memory_space<vmem>>, vector<16xf32>,
    } {sc.loop_unroll_factor = 8 : i64, sc.parallel_access}
    %add3A_814 = arith.constant 544 : i32
    %add3A_815 = arith.addi %add3A_814, %add3A : i32
    %dma_start3A_816 = arith.constant 0 : i32
    %dma_start3A_817 = tpu.memref_slice %arg3[%add3A_815, %dma_start3A_816] : memref<832x100000xf32, #tpu.memory_space<hbm>> -> memref<1x100000xf32, #tpu.memory_space<hbm>>
    %dma_start3A_818 = tpu.memref_squeeze %dma_start3A_817 : memref<1x100000xf32, #tpu.memory_space<hbm>> -> memref<100000xf32, #tpu.memory_space<hbm>>
    %dma_start3A_819 = arith.constant 0 : i32
    %dma_start3A_820 = tpu.memref_slice %arg3[%add3A_815, %dma_start3A_819] : memref<832x100000xf32, #tpu.memory_space<hbm>> -> memref<1x100000xf32, #tpu.memory_space<hbm>>
    %dma_start3A_821 = tpu.memref_squeeze %dma_start3A_820 : memref<1x100000xf32, #tpu.memory_space<hbm>> -> memref<100000xf32, #tpu.memory_space<hbm>>
    tpu.enqueue_dma source(%dma_start3A_821 : memref<100000xf32, #tpu.memory_space<hbm>>) target(%arg5 : memref<100000xf32, #tpu.memory_space<vmem>>) target_semaphore(%arg8 : memref<!tpu.dma_semaphore, #tpu.memory_space<semaphore_mem>>)
    %dma_start3A_822 = arith.constant 17 : i32
    %dma_start3A_823 = arith.constant 0 : i32
    %dma_start3A_824 = tpu.memref_slice %arg2[%dma_start3A_822, %dma_start3A_823] : memref<26x16384xi32, #tpu.memory_space<hbm>> -> memref<1x8192xi32, #tpu.memory_space<hbm>>
    %dma_start3A_825 = tpu.memref_squeeze %dma_start3A_824 : memref<1x8192xi32, #tpu.memory_space<hbm>> -> memref<8192xi32, #tpu.memory_space<hbm>>
    %dma_start3A_826 = arith.constant 0 : i32
    %dma_start3A_827 = tpu.memref_slice %arg2[%dma_start3A_822, %dma_start3A_826] : memref<26x16384xi32, #tpu.memory_space<hbm>> -> memref<1x8192xi32, #tpu.memory_space<hbm>>
    %dma_start3A_828 = tpu.memref_squeeze %dma_start3A_827 : memref<1x8192xi32, #tpu.memory_space<hbm>> -> memref<8192xi32, #tpu.memory_space<hbm>>
    tpu.enqueue_dma source(%dma_start3A_828 : memref<8192xi32, #tpu.memory_space<hbm>>) target(%arg6 : memref<8192xi32, #tpu.memory_space<vmem>>) target_semaphore(%arg9 : memref<!tpu.dma_semaphore, #tpu.memory_space<semaphore_mem>>)
    %dma_wait3A_829 = arith.constant 17 : i32
    %dma_wait3A_830 = arith.constant 0 : i32
    %dma_wait3A_831 = tpu.memref_slice %arg2[%dma_wait3A_829, %dma_wait3A_830] : memref<26x16384xi32, #tpu.memory_space<hbm>> -> memref<1x8192xi32, #tpu.memory_space<hbm>>
    %dma_wait3A_832 = tpu.memref_squeeze %dma_wait3A_831 : memref<1x8192xi32, #tpu.memory_space<hbm>> -> memref<8192xi32, #tpu.memory_space<hbm>>
    %dma_wait3A_833 = arith.constant 0 : i32
    %dma_wait3A_834 = tpu.memref_slice %arg2[%dma_wait3A_829, %dma_wait3A_833] : memref<26x16384xi32, #tpu.memory_space<hbm>> -> memref<1x8192xi32, #tpu.memory_space<hbm>>
    %dma_wait3A_835 = tpu.memref_squeeze %dma_wait3A_834 : memref<1x8192xi32, #tpu.memory_space<hbm>> -> memref<8192xi32, #tpu.memory_space<hbm>>
    tpu.wait_dma2 semaphore(%arg9 : memref<!tpu.dma_semaphore, #tpu.memory_space<semaphore_mem>>) src(%dma_wait3A_835 : memref<8192xi32, #tpu.memory_space<hbm>>) dst(%arg6 : memref<8192xi32, #tpu.memory_space<vmem>>)
    %dma_wait3A_836 = arith.constant 0 : i32
    %dma_wait3A_837 = tpu.memref_slice %arg3[%add3A_815, %dma_wait3A_836] : memref<832x100000xf32, #tpu.memory_space<hbm>> -> memref<1x100000xf32, #tpu.memory_space<hbm>>
    %dma_wait3A_838 = tpu.memref_squeeze %dma_wait3A_837 : memref<1x100000xf32, #tpu.memory_space<hbm>> -> memref<100000xf32, #tpu.memory_space<hbm>>
    %dma_wait3A_839 = arith.constant 0 : i32
    %dma_wait3A_840 = tpu.memref_slice %arg3[%add3A_815, %dma_wait3A_839] : memref<832x100000xf32, #tpu.memory_space<hbm>> -> memref<1x100000xf32, #tpu.memory_space<hbm>>
    %dma_wait3A_841 = tpu.memref_squeeze %dma_wait3A_840 : memref<1x100000xf32, #tpu.memory_space<hbm>> -> memref<100000xf32, #tpu.memory_space<hbm>>
    tpu.wait_dma2 semaphore(%arg8 : memref<!tpu.dma_semaphore, #tpu.memory_space<semaphore_mem>>) src(%dma_wait3A_841 : memref<100000xf32, #tpu.memory_space<hbm>>) dst(%arg5 : memref<100000xf32, #tpu.memory_space<vmem>>)
    %parallel_loop3A_842 = arith.constant 0 : i32
    %parallel_loop3A_843 = arith.constant 8192 : i32
    %parallel_loop3A_844 = arith.constant 16 : i32
    scf.for %parallel_loop3A_1246 = %parallel_loop3A_842 to %parallel_loop3A_843 step %parallel_loop3A_844  : i32 {
      %parallel_loop3A_1247 = arith.index_cast %parallel_loop3A_1246 : i32 to index
      %parallel_loop3A_1248 = tpu.vector_load %arg6[%parallel_loop3A_1247] {strides = array<i32>} : memref<8192xi32, #tpu.memory_space<vmem>>, vector<16xi32>,
      %parallel_loop3A_1249 = tpu.vector_load_idx %arg5[%parallel_loop3A_1248] : memref<100000xf32, #tpu.memory_space<vmem>>[vector<16xi32>], vector<16xf32>,
      %parallel_loop3A_1250 = arith.constant 0 : i32
      %parallel_loop3A_1251 = arith.addi %parallel_loop3A_1250, %parallel_loop3A_1246 : i32
      %parallel_loop3A_1252 = arith.index_cast %parallel_loop3A_1251 : i32 to index
      %parallel_loop3A_1253 = tpu.vector_load %arg7[%parallel_loop3A_1252] {strides = array<i32>} : memref<16384xf32, #tpu.memory_space<vmem>>, vector<16xf32>,
      tpu.vector_store %arg7[%parallel_loop3A_1252], %parallel_loop3A_1249 {add = true, strides = array<i32>} : memref<16384xf32, #tpu.memory_space<vmem>>, vector<16xf32>,
    } {sc.loop_unroll_factor = 8 : i64, sc.parallel_access}
    %dma_start3A_845 = arith.constant 17 : i32
    %dma_start3A_846 = arith.constant 8192 : i32
    %dma_start3A_847 = tpu.memref_slice %arg2[%dma_start3A_845, %dma_start3A_846] : memref<26x16384xi32, #tpu.memory_space<hbm>> -> memref<1x8192xi32, #tpu.memory_space<hbm>>
    %dma_start3A_848 = tpu.memref_squeeze %dma_start3A_847 : memref<1x8192xi32, #tpu.memory_space<hbm>> -> memref<8192xi32, #tpu.memory_space<hbm>>
    %dma_start3A_849 = arith.constant 8192 : i32
    %dma_start3A_850 = tpu.memref_slice %arg2[%dma_start3A_845, %dma_start3A_849] : memref<26x16384xi32, #tpu.memory_space<hbm>> -> memref<1x8192xi32, #tpu.memory_space<hbm>>
    %dma_start3A_851 = tpu.memref_squeeze %dma_start3A_850 : memref<1x8192xi32, #tpu.memory_space<hbm>> -> memref<8192xi32, #tpu.memory_space<hbm>>
    tpu.enqueue_dma source(%dma_start3A_851 : memref<8192xi32, #tpu.memory_space<hbm>>) target(%arg6 : memref<8192xi32, #tpu.memory_space<vmem>>) target_semaphore(%arg9 : memref<!tpu.dma_semaphore, #tpu.memory_space<semaphore_mem>>)
    %dma_wait3A_852 = arith.constant 17 : i32
    %dma_wait3A_853 = arith.constant 8192 : i32
    %dma_wait3A_854 = tpu.memref_slice %arg2[%dma_wait3A_852, %dma_wait3A_853] : memref<26x16384xi32, #tpu.memory_space<hbm>> -> memref<1x8192xi32, #tpu.memory_space<hbm>>
    %dma_wait3A_855 = tpu.memref_squeeze %dma_wait3A_854 : memref<1x8192xi32, #tpu.memory_space<hbm>> -> memref<8192xi32, #tpu.memory_space<hbm>>
    %dma_wait3A_856 = arith.constant 8192 : i32
    %dma_wait3A_857 = tpu.memref_slice %arg2[%dma_wait3A_852, %dma_wait3A_856] : memref<26x16384xi32, #tpu.memory_space<hbm>> -> memref<1x8192xi32, #tpu.memory_space<hbm>>
    %dma_wait3A_858 = tpu.memref_squeeze %dma_wait3A_857 : memref<1x8192xi32, #tpu.memory_space<hbm>> -> memref<8192xi32, #tpu.memory_space<hbm>>
    tpu.wait_dma2 semaphore(%arg9 : memref<!tpu.dma_semaphore, #tpu.memory_space<semaphore_mem>>) src(%dma_wait3A_858 : memref<8192xi32, #tpu.memory_space<hbm>>) dst(%arg6 : memref<8192xi32, #tpu.memory_space<vmem>>)
    %parallel_loop3A_859 = arith.constant 0 : i32
    %parallel_loop3A_860 = arith.constant 8192 : i32
    %parallel_loop3A_861 = arith.constant 16 : i32
    scf.for %parallel_loop3A_1246 = %parallel_loop3A_859 to %parallel_loop3A_860 step %parallel_loop3A_861  : i32 {
      %parallel_loop3A_1247 = arith.index_cast %parallel_loop3A_1246 : i32 to index
      %parallel_loop3A_1248 = tpu.vector_load %arg6[%parallel_loop3A_1247] {strides = array<i32>} : memref<8192xi32, #tpu.memory_space<vmem>>, vector<16xi32>,
      %parallel_loop3A_1249 = tpu.vector_load_idx %arg5[%parallel_loop3A_1248] : memref<100000xf32, #tpu.memory_space<vmem>>[vector<16xi32>], vector<16xf32>,
      %parallel_loop3A_1250 = arith.constant 8192 : i32
      %parallel_loop3A_1251 = arith.addi %parallel_loop3A_1250, %parallel_loop3A_1246 : i32
      %parallel_loop3A_1252 = arith.index_cast %parallel_loop3A_1251 : i32 to index
      %parallel_loop3A_1253 = tpu.vector_load %arg7[%parallel_loop3A_1252] {strides = array<i32>} : memref<16384xf32, #tpu.memory_space<vmem>>, vector<16xf32>,
      tpu.vector_store %arg7[%parallel_loop3A_1252], %parallel_loop3A_1249 {add = true, strides = array<i32>} : memref<16384xf32, #tpu.memory_space<vmem>>, vector<16xf32>,
    } {sc.loop_unroll_factor = 8 : i64, sc.parallel_access}
    %add3A_862 = arith.constant 576 : i32
    %add3A_863 = arith.addi %add3A_862, %add3A : i32
    %dma_start3A_864 = arith.constant 0 : i32
    %dma_start3A_865 = tpu.memref_slice %arg3[%add3A_863, %dma_start3A_864] : memref<832x100000xf32, #tpu.memory_space<hbm>> -> memref<1x100000xf32, #tpu.memory_space<hbm>>
    %dma_start3A_866 = tpu.memref_squeeze %dma_start3A_865 : memref<1x100000xf32, #tpu.memory_space<hbm>> -> memref<100000xf32, #tpu.memory_space<hbm>>
    %dma_start3A_867 = arith.constant 0 : i32
    %dma_start3A_868 = tpu.memref_slice %arg3[%add3A_863, %dma_start3A_867] : memref<832x100000xf32, #tpu.memory_space<hbm>> -> memref<1x100000xf32, #tpu.memory_space<hbm>>
    %dma_start3A_869 = tpu.memref_squeeze %dma_start3A_868 : memref<1x100000xf32, #tpu.memory_space<hbm>> -> memref<100000xf32, #tpu.memory_space<hbm>>
    tpu.enqueue_dma source(%dma_start3A_869 : memref<100000xf32, #tpu.memory_space<hbm>>) target(%arg5 : memref<100000xf32, #tpu.memory_space<vmem>>) target_semaphore(%arg8 : memref<!tpu.dma_semaphore, #tpu.memory_space<semaphore_mem>>)
    %dma_start3A_870 = arith.constant 18 : i32
    %dma_start3A_871 = arith.constant 0 : i32
    %dma_start3A_872 = tpu.memref_slice %arg2[%dma_start3A_870, %dma_start3A_871] : memref<26x16384xi32, #tpu.memory_space<hbm>> -> memref<1x8192xi32, #tpu.memory_space<hbm>>
    %dma_start3A_873 = tpu.memref_squeeze %dma_start3A_872 : memref<1x8192xi32, #tpu.memory_space<hbm>> -> memref<8192xi32, #tpu.memory_space<hbm>>
    %dma_start3A_874 = arith.constant 0 : i32
    %dma_start3A_875 = tpu.memref_slice %arg2[%dma_start3A_870, %dma_start3A_874] : memref<26x16384xi32, #tpu.memory_space<hbm>> -> memref<1x8192xi32, #tpu.memory_space<hbm>>
    %dma_start3A_876 = tpu.memref_squeeze %dma_start3A_875 : memref<1x8192xi32, #tpu.memory_space<hbm>> -> memref<8192xi32, #tpu.memory_space<hbm>>
    tpu.enqueue_dma source(%dma_start3A_876 : memref<8192xi32, #tpu.memory_space<hbm>>) target(%arg6 : memref<8192xi32, #tpu.memory_space<vmem>>) target_semaphore(%arg9 : memref<!tpu.dma_semaphore, #tpu.memory_space<semaphore_mem>>)
    %dma_wait3A_877 = arith.constant 18 : i32
    %dma_wait3A_878 = arith.constant 0 : i32
    %dma_wait3A_879 = tpu.memref_slice %arg2[%dma_wait3A_877, %dma_wait3A_878] : memref<26x16384xi32, #tpu.memory_space<hbm>> -> memref<1x8192xi32, #tpu.memory_space<hbm>>
    %dma_wait3A_880 = tpu.memref_squeeze %dma_wait3A_879 : memref<1x8192xi32, #tpu.memory_space<hbm>> -> memref<8192xi32, #tpu.memory_space<hbm>>
    %dma_wait3A_881 = arith.constant 0 : i32
    %dma_wait3A_882 = tpu.memref_slice %arg2[%dma_wait3A_877, %dma_wait3A_881] : memref<26x16384xi32, #tpu.memory_space<hbm>> -> memref<1x8192xi32, #tpu.memory_space<hbm>>
    %dma_wait3A_883 = tpu.memref_squeeze %dma_wait3A_882 : memref<1x8192xi32, #tpu.memory_space<hbm>> -> memref<8192xi32, #tpu.memory_space<hbm>>
    tpu.wait_dma2 semaphore(%arg9 : memref<!tpu.dma_semaphore, #tpu.memory_space<semaphore_mem>>) src(%dma_wait3A_883 : memref<8192xi32, #tpu.memory_space<hbm>>) dst(%arg6 : memref<8192xi32, #tpu.memory_space<vmem>>)
    %dma_wait3A_884 = arith.constant 0 : i32
    %dma_wait3A_885 = tpu.memref_slice %arg3[%add3A_863, %dma_wait3A_884] : memref<832x100000xf32, #tpu.memory_space<hbm>> -> memref<1x100000xf32, #tpu.memory_space<hbm>>
    %dma_wait3A_886 = tpu.memref_squeeze %dma_wait3A_885 : memref<1x100000xf32, #tpu.memory_space<hbm>> -> memref<100000xf32, #tpu.memory_space<hbm>>
    %dma_wait3A_887 = arith.constant 0 : i32
    %dma_wait3A_888 = tpu.memref_slice %arg3[%add3A_863, %dma_wait3A_887] : memref<832x100000xf32, #tpu.memory_space<hbm>> -> memref<1x100000xf32, #tpu.memory_space<hbm>>
    %dma_wait3A_889 = tpu.memref_squeeze %dma_wait3A_888 : memref<1x100000xf32, #tpu.memory_space<hbm>> -> memref<100000xf32, #tpu.memory_space<hbm>>
    tpu.wait_dma2 semaphore(%arg8 : memref<!tpu.dma_semaphore, #tpu.memory_space<semaphore_mem>>) src(%dma_wait3A_889 : memref<100000xf32, #tpu.memory_space<hbm>>) dst(%arg5 : memref<100000xf32, #tpu.memory_space<vmem>>)
    %parallel_loop3A_890 = arith.constant 0 : i32
    %parallel_loop3A_891 = arith.constant 8192 : i32
    %parallel_loop3A_892 = arith.constant 16 : i32
    scf.for %parallel_loop3A_1246 = %parallel_loop3A_890 to %parallel_loop3A_891 step %parallel_loop3A_892  : i32 {
      %parallel_loop3A_1247 = arith.index_cast %parallel_loop3A_1246 : i32 to index
      %parallel_loop3A_1248 = tpu.vector_load %arg6[%parallel_loop3A_1247] {strides = array<i32>} : memref<8192xi32, #tpu.memory_space<vmem>>, vector<16xi32>,
      %parallel_loop3A_1249 = tpu.vector_load_idx %arg5[%parallel_loop3A_1248] : memref<100000xf32, #tpu.memory_space<vmem>>[vector<16xi32>], vector<16xf32>,
      %parallel_loop3A_1250 = arith.constant 0 : i32
      %parallel_loop3A_1251 = arith.addi %parallel_loop3A_1250, %parallel_loop3A_1246 : i32
      %parallel_loop3A_1252 = arith.index_cast %parallel_loop3A_1251 : i32 to index
      %parallel_loop3A_1253 = tpu.vector_load %arg7[%parallel_loop3A_1252] {strides = array<i32>} : memref<16384xf32, #tpu.memory_space<vmem>>, vector<16xf32>,
      tpu.vector_store %arg7[%parallel_loop3A_1252], %parallel_loop3A_1249 {add = true, strides = array<i32>} : memref<16384xf32, #tpu.memory_space<vmem>>, vector<16xf32>,
    } {sc.loop_unroll_factor = 8 : i64, sc.parallel_access}
    %dma_start3A_893 = arith.constant 18 : i32
    %dma_start3A_894 = arith.constant 8192 : i32
    %dma_start3A_895 = tpu.memref_slice %arg2[%dma_start3A_893, %dma_start3A_894] : memref<26x16384xi32, #tpu.memory_space<hbm>> -> memref<1x8192xi32, #tpu.memory_space<hbm>>
    %dma_start3A_896 = tpu.memref_squeeze %dma_start3A_895 : memref<1x8192xi32, #tpu.memory_space<hbm>> -> memref<8192xi32, #tpu.memory_space<hbm>>
    %dma_start3A_897 = arith.constant 8192 : i32
    %dma_start3A_898 = tpu.memref_slice %arg2[%dma_start3A_893, %dma_start3A_897] : memref<26x16384xi32, #tpu.memory_space<hbm>> -> memref<1x8192xi32, #tpu.memory_space<hbm>>
    %dma_start3A_899 = tpu.memref_squeeze %dma_start3A_898 : memref<1x8192xi32, #tpu.memory_space<hbm>> -> memref<8192xi32, #tpu.memory_space<hbm>>
    tpu.enqueue_dma source(%dma_start3A_899 : memref<8192xi32, #tpu.memory_space<hbm>>) target(%arg6 : memref<8192xi32, #tpu.memory_space<vmem>>) target_semaphore(%arg9 : memref<!tpu.dma_semaphore, #tpu.memory_space<semaphore_mem>>)
    %dma_wait3A_900 = arith.constant 18 : i32
    %dma_wait3A_901 = arith.constant 8192 : i32
    %dma_wait3A_902 = tpu.memref_slice %arg2[%dma_wait3A_900, %dma_wait3A_901] : memref<26x16384xi32, #tpu.memory_space<hbm>> -> memref<1x8192xi32, #tpu.memory_space<hbm>>
    %dma_wait3A_903 = tpu.memref_squeeze %dma_wait3A_902 : memref<1x8192xi32, #tpu.memory_space<hbm>> -> memref<8192xi32, #tpu.memory_space<hbm>>
    %dma_wait3A_904 = arith.constant 8192 : i32
    %dma_wait3A_905 = tpu.memref_slice %arg2[%dma_wait3A_900, %dma_wait3A_904] : memref<26x16384xi32, #tpu.memory_space<hbm>> -> memref<1x8192xi32, #tpu.memory_space<hbm>>
    %dma_wait3A_906 = tpu.memref_squeeze %dma_wait3A_905 : memref<1x8192xi32, #tpu.memory_space<hbm>> -> memref<8192xi32, #tpu.memory_space<hbm>>
    tpu.wait_dma2 semaphore(%arg9 : memref<!tpu.dma_semaphore, #tpu.memory_space<semaphore_mem>>) src(%dma_wait3A_906 : memref<8192xi32, #tpu.memory_space<hbm>>) dst(%arg6 : memref<8192xi32, #tpu.memory_space<vmem>>)
    %parallel_loop3A_907 = arith.constant 0 : i32
    %parallel_loop3A_908 = arith.constant 8192 : i32
    %parallel_loop3A_909 = arith.constant 16 : i32
    scf.for %parallel_loop3A_1246 = %parallel_loop3A_907 to %parallel_loop3A_908 step %parallel_loop3A_909  : i32 {
      %parallel_loop3A_1247 = arith.index_cast %parallel_loop3A_1246 : i32 to index
      %parallel_loop3A_1248 = tpu.vector_load %arg6[%parallel_loop3A_1247] {strides = array<i32>} : memref<8192xi32, #tpu.memory_space<vmem>>, vector<16xi32>,
      %parallel_loop3A_1249 = tpu.vector_load_idx %arg5[%parallel_loop3A_1248] : memref<100000xf32, #tpu.memory_space<vmem>>[vector<16xi32>], vector<16xf32>,
      %parallel_loop3A_1250 = arith.constant 8192 : i32
      %parallel_loop3A_1251 = arith.addi %parallel_loop3A_1250, %parallel_loop3A_1246 : i32
      %parallel_loop3A_1252 = arith.index_cast %parallel_loop3A_1251 : i32 to index
      %parallel_loop3A_1253 = tpu.vector_load %arg7[%parallel_loop3A_1252] {strides = array<i32>} : memref<16384xf32, #tpu.memory_space<vmem>>, vector<16xf32>,
      tpu.vector_store %arg7[%parallel_loop3A_1252], %parallel_loop3A_1249 {add = true, strides = array<i32>} : memref<16384xf32, #tpu.memory_space<vmem>>, vector<16xf32>,
    } {sc.loop_unroll_factor = 8 : i64, sc.parallel_access}
    %add3A_910 = arith.constant 608 : i32
    %add3A_911 = arith.addi %add3A_910, %add3A : i32
    %dma_start3A_912 = arith.constant 0 : i32
    %dma_start3A_913 = tpu.memref_slice %arg3[%add3A_911, %dma_start3A_912] : memref<832x100000xf32, #tpu.memory_space<hbm>> -> memref<1x100000xf32, #tpu.memory_space<hbm>>
    %dma_start3A_914 = tpu.memref_squeeze %dma_start3A_913 : memref<1x100000xf32, #tpu.memory_space<hbm>> -> memref<100000xf32, #tpu.memory_space<hbm>>
    %dma_start3A_915 = arith.constant 0 : i32
    %dma_start3A_916 = tpu.memref_slice %arg3[%add3A_911, %dma_start3A_915] : memref<832x100000xf32, #tpu.memory_space<hbm>> -> memref<1x100000xf32, #tpu.memory_space<hbm>>
    %dma_start3A_917 = tpu.memref_squeeze %dma_start3A_916 : memref<1x100000xf32, #tpu.memory_space<hbm>> -> memref<100000xf32, #tpu.memory_space<hbm>>
    tpu.enqueue_dma source(%dma_start3A_917 : memref<100000xf32, #tpu.memory_space<hbm>>) target(%arg5 : memref<100000xf32, #tpu.memory_space<vmem>>) target_semaphore(%arg8 : memref<!tpu.dma_semaphore, #tpu.memory_space<semaphore_mem>>)
    %dma_start3A_918 = arith.constant 19 : i32
    %dma_start3A_919 = arith.constant 0 : i32
    %dma_start3A_920 = tpu.memref_slice %arg2[%dma_start3A_918, %dma_start3A_919] : memref<26x16384xi32, #tpu.memory_space<hbm>> -> memref<1x8192xi32, #tpu.memory_space<hbm>>
    %dma_start3A_921 = tpu.memref_squeeze %dma_start3A_920 : memref<1x8192xi32, #tpu.memory_space<hbm>> -> memref<8192xi32, #tpu.memory_space<hbm>>
    %dma_start3A_922 = arith.constant 0 : i32
    %dma_start3A_923 = tpu.memref_slice %arg2[%dma_start3A_918, %dma_start3A_922] : memref<26x16384xi32, #tpu.memory_space<hbm>> -> memref<1x8192xi32, #tpu.memory_space<hbm>>
    %dma_start3A_924 = tpu.memref_squeeze %dma_start3A_923 : memref<1x8192xi32, #tpu.memory_space<hbm>> -> memref<8192xi32, #tpu.memory_space<hbm>>
    tpu.enqueue_dma source(%dma_start3A_924 : memref<8192xi32, #tpu.memory_space<hbm>>) target(%arg6 : memref<8192xi32, #tpu.memory_space<vmem>>) target_semaphore(%arg9 : memref<!tpu.dma_semaphore, #tpu.memory_space<semaphore_mem>>)
    %dma_wait3A_925 = arith.constant 19 : i32
    %dma_wait3A_926 = arith.constant 0 : i32
    %dma_wait3A_927 = tpu.memref_slice %arg2[%dma_wait3A_925, %dma_wait3A_926] : memref<26x16384xi32, #tpu.memory_space<hbm>> -> memref<1x8192xi32, #tpu.memory_space<hbm>>
    %dma_wait3A_928 = tpu.memref_squeeze %dma_wait3A_927 : memref<1x8192xi32, #tpu.memory_space<hbm>> -> memref<8192xi32, #tpu.memory_space<hbm>>
    %dma_wait3A_929 = arith.constant 0 : i32
    %dma_wait3A_930 = tpu.memref_slice %arg2[%dma_wait3A_925, %dma_wait3A_929] : memref<26x16384xi32, #tpu.memory_space<hbm>> -> memref<1x8192xi32, #tpu.memory_space<hbm>>
    %dma_wait3A_931 = tpu.memref_squeeze %dma_wait3A_930 : memref<1x8192xi32, #tpu.memory_space<hbm>> -> memref<8192xi32, #tpu.memory_space<hbm>>
    tpu.wait_dma2 semaphore(%arg9 : memref<!tpu.dma_semaphore, #tpu.memory_space<semaphore_mem>>) src(%dma_wait3A_931 : memref<8192xi32, #tpu.memory_space<hbm>>) dst(%arg6 : memref<8192xi32, #tpu.memory_space<vmem>>)
    %dma_wait3A_932 = arith.constant 0 : i32
    %dma_wait3A_933 = tpu.memref_slice %arg3[%add3A_911, %dma_wait3A_932] : memref<832x100000xf32, #tpu.memory_space<hbm>> -> memref<1x100000xf32, #tpu.memory_space<hbm>>
    %dma_wait3A_934 = tpu.memref_squeeze %dma_wait3A_933 : memref<1x100000xf32, #tpu.memory_space<hbm>> -> memref<100000xf32, #tpu.memory_space<hbm>>
    %dma_wait3A_935 = arith.constant 0 : i32
    %dma_wait3A_936 = tpu.memref_slice %arg3[%add3A_911, %dma_wait3A_935] : memref<832x100000xf32, #tpu.memory_space<hbm>> -> memref<1x100000xf32, #tpu.memory_space<hbm>>
    %dma_wait3A_937 = tpu.memref_squeeze %dma_wait3A_936 : memref<1x100000xf32, #tpu.memory_space<hbm>> -> memref<100000xf32, #tpu.memory_space<hbm>>
    tpu.wait_dma2 semaphore(%arg8 : memref<!tpu.dma_semaphore, #tpu.memory_space<semaphore_mem>>) src(%dma_wait3A_937 : memref<100000xf32, #tpu.memory_space<hbm>>) dst(%arg5 : memref<100000xf32, #tpu.memory_space<vmem>>)
    %parallel_loop3A_938 = arith.constant 0 : i32
    %parallel_loop3A_939 = arith.constant 8192 : i32
    %parallel_loop3A_940 = arith.constant 16 : i32
    scf.for %parallel_loop3A_1246 = %parallel_loop3A_938 to %parallel_loop3A_939 step %parallel_loop3A_940  : i32 {
      %parallel_loop3A_1247 = arith.index_cast %parallel_loop3A_1246 : i32 to index
      %parallel_loop3A_1248 = tpu.vector_load %arg6[%parallel_loop3A_1247] {strides = array<i32>} : memref<8192xi32, #tpu.memory_space<vmem>>, vector<16xi32>,
      %parallel_loop3A_1249 = tpu.vector_load_idx %arg5[%parallel_loop3A_1248] : memref<100000xf32, #tpu.memory_space<vmem>>[vector<16xi32>], vector<16xf32>,
      %parallel_loop3A_1250 = arith.constant 0 : i32
      %parallel_loop3A_1251 = arith.addi %parallel_loop3A_1250, %parallel_loop3A_1246 : i32
      %parallel_loop3A_1252 = arith.index_cast %parallel_loop3A_1251 : i32 to index
      %parallel_loop3A_1253 = tpu.vector_load %arg7[%parallel_loop3A_1252] {strides = array<i32>} : memref<16384xf32, #tpu.memory_space<vmem>>, vector<16xf32>,
      tpu.vector_store %arg7[%parallel_loop3A_1252], %parallel_loop3A_1249 {add = true, strides = array<i32>} : memref<16384xf32, #tpu.memory_space<vmem>>, vector<16xf32>,
    } {sc.loop_unroll_factor = 8 : i64, sc.parallel_access}
    %dma_start3A_941 = arith.constant 19 : i32
    %dma_start3A_942 = arith.constant 8192 : i32
    %dma_start3A_943 = tpu.memref_slice %arg2[%dma_start3A_941, %dma_start3A_942] : memref<26x16384xi32, #tpu.memory_space<hbm>> -> memref<1x8192xi32, #tpu.memory_space<hbm>>
    %dma_start3A_944 = tpu.memref_squeeze %dma_start3A_943 : memref<1x8192xi32, #tpu.memory_space<hbm>> -> memref<8192xi32, #tpu.memory_space<hbm>>
    %dma_start3A_945 = arith.constant 8192 : i32
    %dma_start3A_946 = tpu.memref_slice %arg2[%dma_start3A_941, %dma_start3A_945] : memref<26x16384xi32, #tpu.memory_space<hbm>> -> memref<1x8192xi32, #tpu.memory_space<hbm>>
    %dma_start3A_947 = tpu.memref_squeeze %dma_start3A_946 : memref<1x8192xi32, #tpu.memory_space<hbm>> -> memref<8192xi32, #tpu.memory_space<hbm>>
    tpu.enqueue_dma source(%dma_start3A_947 : memref<8192xi32, #tpu.memory_space<hbm>>) target(%arg6 : memref<8192xi32, #tpu.memory_space<vmem>>) target_semaphore(%arg9 : memref<!tpu.dma_semaphore, #tpu.memory_space<semaphore_mem>>)
    %dma_wait3A_948 = arith.constant 19 : i32
    %dma_wait3A_949 = arith.constant 8192 : i32
    %dma_wait3A_950 = tpu.memref_slice %arg2[%dma_wait3A_948, %dma_wait3A_949] : memref<26x16384xi32, #tpu.memory_space<hbm>> -> memref<1x8192xi32, #tpu.memory_space<hbm>>
    %dma_wait3A_951 = tpu.memref_squeeze %dma_wait3A_950 : memref<1x8192xi32, #tpu.memory_space<hbm>> -> memref<8192xi32, #tpu.memory_space<hbm>>
    %dma_wait3A_952 = arith.constant 8192 : i32
    %dma_wait3A_953 = tpu.memref_slice %arg2[%dma_wait3A_948, %dma_wait3A_952] : memref<26x16384xi32, #tpu.memory_space<hbm>> -> memref<1x8192xi32, #tpu.memory_space<hbm>>
    %dma_wait3A_954 = tpu.memref_squeeze %dma_wait3A_953 : memref<1x8192xi32, #tpu.memory_space<hbm>> -> memref<8192xi32, #tpu.memory_space<hbm>>
    tpu.wait_dma2 semaphore(%arg9 : memref<!tpu.dma_semaphore, #tpu.memory_space<semaphore_mem>>) src(%dma_wait3A_954 : memref<8192xi32, #tpu.memory_space<hbm>>) dst(%arg6 : memref<8192xi32, #tpu.memory_space<vmem>>)
    %parallel_loop3A_955 = arith.constant 0 : i32
    %parallel_loop3A_956 = arith.constant 8192 : i32
    %parallel_loop3A_957 = arith.constant 16 : i32
    scf.for %parallel_loop3A_1246 = %parallel_loop3A_955 to %parallel_loop3A_956 step %parallel_loop3A_957  : i32 {
      %parallel_loop3A_1247 = arith.index_cast %parallel_loop3A_1246 : i32 to index
      %parallel_loop3A_1248 = tpu.vector_load %arg6[%parallel_loop3A_1247] {strides = array<i32>} : memref<8192xi32, #tpu.memory_space<vmem>>, vector<16xi32>,
      %parallel_loop3A_1249 = tpu.vector_load_idx %arg5[%parallel_loop3A_1248] : memref<100000xf32, #tpu.memory_space<vmem>>[vector<16xi32>], vector<16xf32>,
      %parallel_loop3A_1250 = arith.constant 8192 : i32
      %parallel_loop3A_1251 = arith.addi %parallel_loop3A_1250, %parallel_loop3A_1246 : i32
      %parallel_loop3A_1252 = arith.index_cast %parallel_loop3A_1251 : i32 to index
      %parallel_loop3A_1253 = tpu.vector_load %arg7[%parallel_loop3A_1252] {strides = array<i32>} : memref<16384xf32, #tpu.memory_space<vmem>>, vector<16xf32>,
      tpu.vector_store %arg7[%parallel_loop3A_1252], %parallel_loop3A_1249 {add = true, strides = array<i32>} : memref<16384xf32, #tpu.memory_space<vmem>>, vector<16xf32>,
    } {sc.loop_unroll_factor = 8 : i64, sc.parallel_access}
    %add3A_958 = arith.constant 640 : i32
    %add3A_959 = arith.addi %add3A_958, %add3A : i32
    %dma_start3A_960 = arith.constant 0 : i32
    %dma_start3A_961 = tpu.memref_slice %arg3[%add3A_959, %dma_start3A_960] : memref<832x100000xf32, #tpu.memory_space<hbm>> -> memref<1x100000xf32, #tpu.memory_space<hbm>>
    %dma_start3A_962 = tpu.memref_squeeze %dma_start3A_961 : memref<1x100000xf32, #tpu.memory_space<hbm>> -> memref<100000xf32, #tpu.memory_space<hbm>>
    %dma_start3A_963 = arith.constant 0 : i32
    %dma_start3A_964 = tpu.memref_slice %arg3[%add3A_959, %dma_start3A_963] : memref<832x100000xf32, #tpu.memory_space<hbm>> -> memref<1x100000xf32, #tpu.memory_space<hbm>>
    %dma_start3A_965 = tpu.memref_squeeze %dma_start3A_964 : memref<1x100000xf32, #tpu.memory_space<hbm>> -> memref<100000xf32, #tpu.memory_space<hbm>>
    tpu.enqueue_dma source(%dma_start3A_965 : memref<100000xf32, #tpu.memory_space<hbm>>) target(%arg5 : memref<100000xf32, #tpu.memory_space<vmem>>) target_semaphore(%arg8 : memref<!tpu.dma_semaphore, #tpu.memory_space<semaphore_mem>>)
    %dma_start3A_966 = arith.constant 20 : i32
    %dma_start3A_967 = arith.constant 0 : i32
    %dma_start3A_968 = tpu.memref_slice %arg2[%dma_start3A_966, %dma_start3A_967] : memref<26x16384xi32, #tpu.memory_space<hbm>> -> memref<1x8192xi32, #tpu.memory_space<hbm>>
    %dma_start3A_969 = tpu.memref_squeeze %dma_start3A_968 : memref<1x8192xi32, #tpu.memory_space<hbm>> -> memref<8192xi32, #tpu.memory_space<hbm>>
    %dma_start3A_970 = arith.constant 0 : i32
    %dma_start3A_971 = tpu.memref_slice %arg2[%dma_start3A_966, %dma_start3A_970] : memref<26x16384xi32, #tpu.memory_space<hbm>> -> memref<1x8192xi32, #tpu.memory_space<hbm>>
    %dma_start3A_972 = tpu.memref_squeeze %dma_start3A_971 : memref<1x8192xi32, #tpu.memory_space<hbm>> -> memref<8192xi32, #tpu.memory_space<hbm>>
    tpu.enqueue_dma source(%dma_start3A_972 : memref<8192xi32, #tpu.memory_space<hbm>>) target(%arg6 : memref<8192xi32, #tpu.memory_space<vmem>>) target_semaphore(%arg9 : memref<!tpu.dma_semaphore, #tpu.memory_space<semaphore_mem>>)
    %dma_wait3A_973 = arith.constant 20 : i32
    %dma_wait3A_974 = arith.constant 0 : i32
    %dma_wait3A_975 = tpu.memref_slice %arg2[%dma_wait3A_973, %dma_wait3A_974] : memref<26x16384xi32, #tpu.memory_space<hbm>> -> memref<1x8192xi32, #tpu.memory_space<hbm>>
    %dma_wait3A_976 = tpu.memref_squeeze %dma_wait3A_975 : memref<1x8192xi32, #tpu.memory_space<hbm>> -> memref<8192xi32, #tpu.memory_space<hbm>>
    %dma_wait3A_977 = arith.constant 0 : i32
    %dma_wait3A_978 = tpu.memref_slice %arg2[%dma_wait3A_973, %dma_wait3A_977] : memref<26x16384xi32, #tpu.memory_space<hbm>> -> memref<1x8192xi32, #tpu.memory_space<hbm>>
    %dma_wait3A_979 = tpu.memref_squeeze %dma_wait3A_978 : memref<1x8192xi32, #tpu.memory_space<hbm>> -> memref<8192xi32, #tpu.memory_space<hbm>>
    tpu.wait_dma2 semaphore(%arg9 : memref<!tpu.dma_semaphore, #tpu.memory_space<semaphore_mem>>) src(%dma_wait3A_979 : memref<8192xi32, #tpu.memory_space<hbm>>) dst(%arg6 : memref<8192xi32, #tpu.memory_space<vmem>>)
    %dma_wait3A_980 = arith.constant 0 : i32
    %dma_wait3A_981 = tpu.memref_slice %arg3[%add3A_959, %dma_wait3A_980] : memref<832x100000xf32, #tpu.memory_space<hbm>> -> memref<1x100000xf32, #tpu.memory_space<hbm>>
    %dma_wait3A_982 = tpu.memref_squeeze %dma_wait3A_981 : memref<1x100000xf32, #tpu.memory_space<hbm>> -> memref<100000xf32, #tpu.memory_space<hbm>>
    %dma_wait3A_983 = arith.constant 0 : i32
    %dma_wait3A_984 = tpu.memref_slice %arg3[%add3A_959, %dma_wait3A_983] : memref<832x100000xf32, #tpu.memory_space<hbm>> -> memref<1x100000xf32, #tpu.memory_space<hbm>>
    %dma_wait3A_985 = tpu.memref_squeeze %dma_wait3A_984 : memref<1x100000xf32, #tpu.memory_space<hbm>> -> memref<100000xf32, #tpu.memory_space<hbm>>
    tpu.wait_dma2 semaphore(%arg8 : memref<!tpu.dma_semaphore, #tpu.memory_space<semaphore_mem>>) src(%dma_wait3A_985 : memref<100000xf32, #tpu.memory_space<hbm>>) dst(%arg5 : memref<100000xf32, #tpu.memory_space<vmem>>)
    %parallel_loop3A_986 = arith.constant 0 : i32
    %parallel_loop3A_987 = arith.constant 8192 : i32
    %parallel_loop3A_988 = arith.constant 16 : i32
    scf.for %parallel_loop3A_1246 = %parallel_loop3A_986 to %parallel_loop3A_987 step %parallel_loop3A_988  : i32 {
      %parallel_loop3A_1247 = arith.index_cast %parallel_loop3A_1246 : i32 to index
      %parallel_loop3A_1248 = tpu.vector_load %arg6[%parallel_loop3A_1247] {strides = array<i32>} : memref<8192xi32, #tpu.memory_space<vmem>>, vector<16xi32>,
      %parallel_loop3A_1249 = tpu.vector_load_idx %arg5[%parallel_loop3A_1248] : memref<100000xf32, #tpu.memory_space<vmem>>[vector<16xi32>], vector<16xf32>,
      %parallel_loop3A_1250 = arith.constant 0 : i32
      %parallel_loop3A_1251 = arith.addi %parallel_loop3A_1250, %parallel_loop3A_1246 : i32
      %parallel_loop3A_1252 = arith.index_cast %parallel_loop3A_1251 : i32 to index
      %parallel_loop3A_1253 = tpu.vector_load %arg7[%parallel_loop3A_1252] {strides = array<i32>} : memref<16384xf32, #tpu.memory_space<vmem>>, vector<16xf32>,
      tpu.vector_store %arg7[%parallel_loop3A_1252], %parallel_loop3A_1249 {add = true, strides = array<i32>} : memref<16384xf32, #tpu.memory_space<vmem>>, vector<16xf32>,
    } {sc.loop_unroll_factor = 8 : i64, sc.parallel_access}
    %dma_start3A_989 = arith.constant 20 : i32
    %dma_start3A_990 = arith.constant 8192 : i32
    %dma_start3A_991 = tpu.memref_slice %arg2[%dma_start3A_989, %dma_start3A_990] : memref<26x16384xi32, #tpu.memory_space<hbm>> -> memref<1x8192xi32, #tpu.memory_space<hbm>>
    %dma_start3A_992 = tpu.memref_squeeze %dma_start3A_991 : memref<1x8192xi32, #tpu.memory_space<hbm>> -> memref<8192xi32, #tpu.memory_space<hbm>>
    %dma_start3A_993 = arith.constant 8192 : i32
    %dma_start3A_994 = tpu.memref_slice %arg2[%dma_start3A_989, %dma_start3A_993] : memref<26x16384xi32, #tpu.memory_space<hbm>> -> memref<1x8192xi32, #tpu.memory_space<hbm>>
    %dma_start3A_995 = tpu.memref_squeeze %dma_start3A_994 : memref<1x8192xi32, #tpu.memory_space<hbm>> -> memref<8192xi32, #tpu.memory_space<hbm>>
    tpu.enqueue_dma source(%dma_start3A_995 : memref<8192xi32, #tpu.memory_space<hbm>>) target(%arg6 : memref<8192xi32, #tpu.memory_space<vmem>>) target_semaphore(%arg9 : memref<!tpu.dma_semaphore, #tpu.memory_space<semaphore_mem>>)
    %dma_wait3A_996 = arith.constant 20 : i32
    %dma_wait3A_997 = arith.constant 8192 : i32
    %dma_wait3A_998 = tpu.memref_slice %arg2[%dma_wait3A_996, %dma_wait3A_997] : memref<26x16384xi32, #tpu.memory_space<hbm>> -> memref<1x8192xi32, #tpu.memory_space<hbm>>
    %dma_wait3A_999 = tpu.memref_squeeze %dma_wait3A_998 : memref<1x8192xi32, #tpu.memory_space<hbm>> -> memref<8192xi32, #tpu.memory_space<hbm>>
    %dma_wait3A_1000 = arith.constant 8192 : i32
    %dma_wait3A_1001 = tpu.memref_slice %arg2[%dma_wait3A_996, %dma_wait3A_1000] : memref<26x16384xi32, #tpu.memory_space<hbm>> -> memref<1x8192xi32, #tpu.memory_space<hbm>>
    %dma_wait3A_1002 = tpu.memref_squeeze %dma_wait3A_1001 : memref<1x8192xi32, #tpu.memory_space<hbm>> -> memref<8192xi32, #tpu.memory_space<hbm>>
    tpu.wait_dma2 semaphore(%arg9 : memref<!tpu.dma_semaphore, #tpu.memory_space<semaphore_mem>>) src(%dma_wait3A_1002 : memref<8192xi32, #tpu.memory_space<hbm>>) dst(%arg6 : memref<8192xi32, #tpu.memory_space<vmem>>)
    %parallel_loop3A_1003 = arith.constant 0 : i32
    %parallel_loop3A_1004 = arith.constant 8192 : i32
    %parallel_loop3A_1005 = arith.constant 16 : i32
    scf.for %parallel_loop3A_1246 = %parallel_loop3A_1003 to %parallel_loop3A_1004 step %parallel_loop3A_1005  : i32 {
      %parallel_loop3A_1247 = arith.index_cast %parallel_loop3A_1246 : i32 to index
      %parallel_loop3A_1248 = tpu.vector_load %arg6[%parallel_loop3A_1247] {strides = array<i32>} : memref<8192xi32, #tpu.memory_space<vmem>>, vector<16xi32>,
      %parallel_loop3A_1249 = tpu.vector_load_idx %arg5[%parallel_loop3A_1248] : memref<100000xf32, #tpu.memory_space<vmem>>[vector<16xi32>], vector<16xf32>,
      %parallel_loop3A_1250 = arith.constant 8192 : i32
      %parallel_loop3A_1251 = arith.addi %parallel_loop3A_1250, %parallel_loop3A_1246 : i32
      %parallel_loop3A_1252 = arith.index_cast %parallel_loop3A_1251 : i32 to index
      %parallel_loop3A_1253 = tpu.vector_load %arg7[%parallel_loop3A_1252] {strides = array<i32>} : memref<16384xf32, #tpu.memory_space<vmem>>, vector<16xf32>,
      tpu.vector_store %arg7[%parallel_loop3A_1252], %parallel_loop3A_1249 {add = true, strides = array<i32>} : memref<16384xf32, #tpu.memory_space<vmem>>, vector<16xf32>,
    } {sc.loop_unroll_factor = 8 : i64, sc.parallel_access}
    %add3A_1006 = arith.constant 672 : i32
    %add3A_1007 = arith.addi %add3A_1006, %add3A : i32
    %dma_start3A_1008 = arith.constant 0 : i32
    %dma_start3A_1009 = tpu.memref_slice %arg3[%add3A_1007, %dma_start3A_1008] : memref<832x100000xf32, #tpu.memory_space<hbm>> -> memref<1x100000xf32, #tpu.memory_space<hbm>>
    %dma_start3A_1010 = tpu.memref_squeeze %dma_start3A_1009 : memref<1x100000xf32, #tpu.memory_space<hbm>> -> memref<100000xf32, #tpu.memory_space<hbm>>
    %dma_start3A_1011 = arith.constant 0 : i32
    %dma_start3A_1012 = tpu.memref_slice %arg3[%add3A_1007, %dma_start3A_1011] : memref<832x100000xf32, #tpu.memory_space<hbm>> -> memref<1x100000xf32, #tpu.memory_space<hbm>>
    %dma_start3A_1013 = tpu.memref_squeeze %dma_start3A_1012 : memref<1x100000xf32, #tpu.memory_space<hbm>> -> memref<100000xf32, #tpu.memory_space<hbm>>
    tpu.enqueue_dma source(%dma_start3A_1013 : memref<100000xf32, #tpu.memory_space<hbm>>) target(%arg5 : memref<100000xf32, #tpu.memory_space<vmem>>) target_semaphore(%arg8 : memref<!tpu.dma_semaphore, #tpu.memory_space<semaphore_mem>>)
    %dma_start3A_1014 = arith.constant 21 : i32
    %dma_start3A_1015 = arith.constant 0 : i32
    %dma_start3A_1016 = tpu.memref_slice %arg2[%dma_start3A_1014, %dma_start3A_1015] : memref<26x16384xi32, #tpu.memory_space<hbm>> -> memref<1x8192xi32, #tpu.memory_space<hbm>>
    %dma_start3A_1017 = tpu.memref_squeeze %dma_start3A_1016 : memref<1x8192xi32, #tpu.memory_space<hbm>> -> memref<8192xi32, #tpu.memory_space<hbm>>
    %dma_start3A_1018 = arith.constant 0 : i32
    %dma_start3A_1019 = tpu.memref_slice %arg2[%dma_start3A_1014, %dma_start3A_1018] : memref<26x16384xi32, #tpu.memory_space<hbm>> -> memref<1x8192xi32, #tpu.memory_space<hbm>>
    %dma_start3A_1020 = tpu.memref_squeeze %dma_start3A_1019 : memref<1x8192xi32, #tpu.memory_space<hbm>> -> memref<8192xi32, #tpu.memory_space<hbm>>
    tpu.enqueue_dma source(%dma_start3A_1020 : memref<8192xi32, #tpu.memory_space<hbm>>) target(%arg6 : memref<8192xi32, #tpu.memory_space<vmem>>) target_semaphore(%arg9 : memref<!tpu.dma_semaphore, #tpu.memory_space<semaphore_mem>>)
    %dma_wait3A_1021 = arith.constant 21 : i32
    %dma_wait3A_1022 = arith.constant 0 : i32
    %dma_wait3A_1023 = tpu.memref_slice %arg2[%dma_wait3A_1021, %dma_wait3A_1022] : memref<26x16384xi32, #tpu.memory_space<hbm>> -> memref<1x8192xi32, #tpu.memory_space<hbm>>
    %dma_wait3A_1024 = tpu.memref_squeeze %dma_wait3A_1023 : memref<1x8192xi32, #tpu.memory_space<hbm>> -> memref<8192xi32, #tpu.memory_space<hbm>>
    %dma_wait3A_1025 = arith.constant 0 : i32
    %dma_wait3A_1026 = tpu.memref_slice %arg2[%dma_wait3A_1021, %dma_wait3A_1025] : memref<26x16384xi32, #tpu.memory_space<hbm>> -> memref<1x8192xi32, #tpu.memory_space<hbm>>
    %dma_wait3A_1027 = tpu.memref_squeeze %dma_wait3A_1026 : memref<1x8192xi32, #tpu.memory_space<hbm>> -> memref<8192xi32, #tpu.memory_space<hbm>>
    tpu.wait_dma2 semaphore(%arg9 : memref<!tpu.dma_semaphore, #tpu.memory_space<semaphore_mem>>) src(%dma_wait3A_1027 : memref<8192xi32, #tpu.memory_space<hbm>>) dst(%arg6 : memref<8192xi32, #tpu.memory_space<vmem>>)
    %dma_wait3A_1028 = arith.constant 0 : i32
    %dma_wait3A_1029 = tpu.memref_slice %arg3[%add3A_1007, %dma_wait3A_1028] : memref<832x100000xf32, #tpu.memory_space<hbm>> -> memref<1x100000xf32, #tpu.memory_space<hbm>>
    %dma_wait3A_1030 = tpu.memref_squeeze %dma_wait3A_1029 : memref<1x100000xf32, #tpu.memory_space<hbm>> -> memref<100000xf32, #tpu.memory_space<hbm>>
    %dma_wait3A_1031 = arith.constant 0 : i32
    %dma_wait3A_1032 = tpu.memref_slice %arg3[%add3A_1007, %dma_wait3A_1031] : memref<832x100000xf32, #tpu.memory_space<hbm>> -> memref<1x100000xf32, #tpu.memory_space<hbm>>
    %dma_wait3A_1033 = tpu.memref_squeeze %dma_wait3A_1032 : memref<1x100000xf32, #tpu.memory_space<hbm>> -> memref<100000xf32, #tpu.memory_space<hbm>>
    tpu.wait_dma2 semaphore(%arg8 : memref<!tpu.dma_semaphore, #tpu.memory_space<semaphore_mem>>) src(%dma_wait3A_1033 : memref<100000xf32, #tpu.memory_space<hbm>>) dst(%arg5 : memref<100000xf32, #tpu.memory_space<vmem>>)
    %parallel_loop3A_1034 = arith.constant 0 : i32
    %parallel_loop3A_1035 = arith.constant 8192 : i32
    %parallel_loop3A_1036 = arith.constant 16 : i32
    scf.for %parallel_loop3A_1246 = %parallel_loop3A_1034 to %parallel_loop3A_1035 step %parallel_loop3A_1036  : i32 {
      %parallel_loop3A_1247 = arith.index_cast %parallel_loop3A_1246 : i32 to index
      %parallel_loop3A_1248 = tpu.vector_load %arg6[%parallel_loop3A_1247] {strides = array<i32>} : memref<8192xi32, #tpu.memory_space<vmem>>, vector<16xi32>,
      %parallel_loop3A_1249 = tpu.vector_load_idx %arg5[%parallel_loop3A_1248] : memref<100000xf32, #tpu.memory_space<vmem>>[vector<16xi32>], vector<16xf32>,
      %parallel_loop3A_1250 = arith.constant 0 : i32
      %parallel_loop3A_1251 = arith.addi %parallel_loop3A_1250, %parallel_loop3A_1246 : i32
      %parallel_loop3A_1252 = arith.index_cast %parallel_loop3A_1251 : i32 to index
      %parallel_loop3A_1253 = tpu.vector_load %arg7[%parallel_loop3A_1252] {strides = array<i32>} : memref<16384xf32, #tpu.memory_space<vmem>>, vector<16xf32>,
      tpu.vector_store %arg7[%parallel_loop3A_1252], %parallel_loop3A_1249 {add = true, strides = array<i32>} : memref<16384xf32, #tpu.memory_space<vmem>>, vector<16xf32>,
    } {sc.loop_unroll_factor = 8 : i64, sc.parallel_access}
    %dma_start3A_1037 = arith.constant 21 : i32
    %dma_start3A_1038 = arith.constant 8192 : i32
    %dma_start3A_1039 = tpu.memref_slice %arg2[%dma_start3A_1037, %dma_start3A_1038] : memref<26x16384xi32, #tpu.memory_space<hbm>> -> memref<1x8192xi32, #tpu.memory_space<hbm>>
    %dma_start3A_1040 = tpu.memref_squeeze %dma_start3A_1039 : memref<1x8192xi32, #tpu.memory_space<hbm>> -> memref<8192xi32, #tpu.memory_space<hbm>>
    %dma_start3A_1041 = arith.constant 8192 : i32
    %dma_start3A_1042 = tpu.memref_slice %arg2[%dma_start3A_1037, %dma_start3A_1041] : memref<26x16384xi32, #tpu.memory_space<hbm>> -> memref<1x8192xi32, #tpu.memory_space<hbm>>
    %dma_start3A_1043 = tpu.memref_squeeze %dma_start3A_1042 : memref<1x8192xi32, #tpu.memory_space<hbm>> -> memref<8192xi32, #tpu.memory_space<hbm>>
    tpu.enqueue_dma source(%dma_start3A_1043 : memref<8192xi32, #tpu.memory_space<hbm>>) target(%arg6 : memref<8192xi32, #tpu.memory_space<vmem>>) target_semaphore(%arg9 : memref<!tpu.dma_semaphore, #tpu.memory_space<semaphore_mem>>)
    %dma_wait3A_1044 = arith.constant 21 : i32
    %dma_wait3A_1045 = arith.constant 8192 : i32
    %dma_wait3A_1046 = tpu.memref_slice %arg2[%dma_wait3A_1044, %dma_wait3A_1045] : memref<26x16384xi32, #tpu.memory_space<hbm>> -> memref<1x8192xi32, #tpu.memory_space<hbm>>
    %dma_wait3A_1047 = tpu.memref_squeeze %dma_wait3A_1046 : memref<1x8192xi32, #tpu.memory_space<hbm>> -> memref<8192xi32, #tpu.memory_space<hbm>>
    %dma_wait3A_1048 = arith.constant 8192 : i32
    %dma_wait3A_1049 = tpu.memref_slice %arg2[%dma_wait3A_1044, %dma_wait3A_1048] : memref<26x16384xi32, #tpu.memory_space<hbm>> -> memref<1x8192xi32, #tpu.memory_space<hbm>>
    %dma_wait3A_1050 = tpu.memref_squeeze %dma_wait3A_1049 : memref<1x8192xi32, #tpu.memory_space<hbm>> -> memref<8192xi32, #tpu.memory_space<hbm>>
    tpu.wait_dma2 semaphore(%arg9 : memref<!tpu.dma_semaphore, #tpu.memory_space<semaphore_mem>>) src(%dma_wait3A_1050 : memref<8192xi32, #tpu.memory_space<hbm>>) dst(%arg6 : memref<8192xi32, #tpu.memory_space<vmem>>)
    %parallel_loop3A_1051 = arith.constant 0 : i32
    %parallel_loop3A_1052 = arith.constant 8192 : i32
    %parallel_loop3A_1053 = arith.constant 16 : i32
    scf.for %parallel_loop3A_1246 = %parallel_loop3A_1051 to %parallel_loop3A_1052 step %parallel_loop3A_1053  : i32 {
      %parallel_loop3A_1247 = arith.index_cast %parallel_loop3A_1246 : i32 to index
      %parallel_loop3A_1248 = tpu.vector_load %arg6[%parallel_loop3A_1247] {strides = array<i32>} : memref<8192xi32, #tpu.memory_space<vmem>>, vector<16xi32>,
      %parallel_loop3A_1249 = tpu.vector_load_idx %arg5[%parallel_loop3A_1248] : memref<100000xf32, #tpu.memory_space<vmem>>[vector<16xi32>], vector<16xf32>,
      %parallel_loop3A_1250 = arith.constant 8192 : i32
      %parallel_loop3A_1251 = arith.addi %parallel_loop3A_1250, %parallel_loop3A_1246 : i32
      %parallel_loop3A_1252 = arith.index_cast %parallel_loop3A_1251 : i32 to index
      %parallel_loop3A_1253 = tpu.vector_load %arg7[%parallel_loop3A_1252] {strides = array<i32>} : memref<16384xf32, #tpu.memory_space<vmem>>, vector<16xf32>,
      tpu.vector_store %arg7[%parallel_loop3A_1252], %parallel_loop3A_1249 {add = true, strides = array<i32>} : memref<16384xf32, #tpu.memory_space<vmem>>, vector<16xf32>,
    } {sc.loop_unroll_factor = 8 : i64, sc.parallel_access}
    %add3A_1054 = arith.constant 704 : i32
    %add3A_1055 = arith.addi %add3A_1054, %add3A : i32
    %dma_start3A_1056 = arith.constant 0 : i32
    %dma_start3A_1057 = tpu.memref_slice %arg3[%add3A_1055, %dma_start3A_1056] : memref<832x100000xf32, #tpu.memory_space<hbm>> -> memref<1x100000xf32, #tpu.memory_space<hbm>>
    %dma_start3A_1058 = tpu.memref_squeeze %dma_start3A_1057 : memref<1x100000xf32, #tpu.memory_space<hbm>> -> memref<100000xf32, #tpu.memory_space<hbm>>
    %dma_start3A_1059 = arith.constant 0 : i32
    %dma_start3A_1060 = tpu.memref_slice %arg3[%add3A_1055, %dma_start3A_1059] : memref<832x100000xf32, #tpu.memory_space<hbm>> -> memref<1x100000xf32, #tpu.memory_space<hbm>>
    %dma_start3A_1061 = tpu.memref_squeeze %dma_start3A_1060 : memref<1x100000xf32, #tpu.memory_space<hbm>> -> memref<100000xf32, #tpu.memory_space<hbm>>
    tpu.enqueue_dma source(%dma_start3A_1061 : memref<100000xf32, #tpu.memory_space<hbm>>) target(%arg5 : memref<100000xf32, #tpu.memory_space<vmem>>) target_semaphore(%arg8 : memref<!tpu.dma_semaphore, #tpu.memory_space<semaphore_mem>>)
    %dma_start3A_1062 = arith.constant 22 : i32
    %dma_start3A_1063 = arith.constant 0 : i32
    %dma_start3A_1064 = tpu.memref_slice %arg2[%dma_start3A_1062, %dma_start3A_1063] : memref<26x16384xi32, #tpu.memory_space<hbm>> -> memref<1x8192xi32, #tpu.memory_space<hbm>>
    %dma_start3A_1065 = tpu.memref_squeeze %dma_start3A_1064 : memref<1x8192xi32, #tpu.memory_space<hbm>> -> memref<8192xi32, #tpu.memory_space<hbm>>
    %dma_start3A_1066 = arith.constant 0 : i32
    %dma_start3A_1067 = tpu.memref_slice %arg2[%dma_start3A_1062, %dma_start3A_1066] : memref<26x16384xi32, #tpu.memory_space<hbm>> -> memref<1x8192xi32, #tpu.memory_space<hbm>>
    %dma_start3A_1068 = tpu.memref_squeeze %dma_start3A_1067 : memref<1x8192xi32, #tpu.memory_space<hbm>> -> memref<8192xi32, #tpu.memory_space<hbm>>
    tpu.enqueue_dma source(%dma_start3A_1068 : memref<8192xi32, #tpu.memory_space<hbm>>) target(%arg6 : memref<8192xi32, #tpu.memory_space<vmem>>) target_semaphore(%arg9 : memref<!tpu.dma_semaphore, #tpu.memory_space<semaphore_mem>>)
    %dma_wait3A_1069 = arith.constant 22 : i32
    %dma_wait3A_1070 = arith.constant 0 : i32
    %dma_wait3A_1071 = tpu.memref_slice %arg2[%dma_wait3A_1069, %dma_wait3A_1070] : memref<26x16384xi32, #tpu.memory_space<hbm>> -> memref<1x8192xi32, #tpu.memory_space<hbm>>
    %dma_wait3A_1072 = tpu.memref_squeeze %dma_wait3A_1071 : memref<1x8192xi32, #tpu.memory_space<hbm>> -> memref<8192xi32, #tpu.memory_space<hbm>>
    %dma_wait3A_1073 = arith.constant 0 : i32
    %dma_wait3A_1074 = tpu.memref_slice %arg2[%dma_wait3A_1069, %dma_wait3A_1073] : memref<26x16384xi32, #tpu.memory_space<hbm>> -> memref<1x8192xi32, #tpu.memory_space<hbm>>
    %dma_wait3A_1075 = tpu.memref_squeeze %dma_wait3A_1074 : memref<1x8192xi32, #tpu.memory_space<hbm>> -> memref<8192xi32, #tpu.memory_space<hbm>>
    tpu.wait_dma2 semaphore(%arg9 : memref<!tpu.dma_semaphore, #tpu.memory_space<semaphore_mem>>) src(%dma_wait3A_1075 : memref<8192xi32, #tpu.memory_space<hbm>>) dst(%arg6 : memref<8192xi32, #tpu.memory_space<vmem>>)
    %dma_wait3A_1076 = arith.constant 0 : i32
    %dma_wait3A_1077 = tpu.memref_slice %arg3[%add3A_1055, %dma_wait3A_1076] : memref<832x100000xf32, #tpu.memory_space<hbm>> -> memref<1x100000xf32, #tpu.memory_space<hbm>>
    %dma_wait3A_1078 = tpu.memref_squeeze %dma_wait3A_1077 : memref<1x100000xf32, #tpu.memory_space<hbm>> -> memref<100000xf32, #tpu.memory_space<hbm>>
    %dma_wait3A_1079 = arith.constant 0 : i32
    %dma_wait3A_1080 = tpu.memref_slice %arg3[%add3A_1055, %dma_wait3A_1079] : memref<832x100000xf32, #tpu.memory_space<hbm>> -> memref<1x100000xf32, #tpu.memory_space<hbm>>
    %dma_wait3A_1081 = tpu.memref_squeeze %dma_wait3A_1080 : memref<1x100000xf32, #tpu.memory_space<hbm>> -> memref<100000xf32, #tpu.memory_space<hbm>>
    tpu.wait_dma2 semaphore(%arg8 : memref<!tpu.dma_semaphore, #tpu.memory_space<semaphore_mem>>) src(%dma_wait3A_1081 : memref<100000xf32, #tpu.memory_space<hbm>>) dst(%arg5 : memref<100000xf32, #tpu.memory_space<vmem>>)
    %parallel_loop3A_1082 = arith.constant 0 : i32
    %parallel_loop3A_1083 = arith.constant 8192 : i32
    %parallel_loop3A_1084 = arith.constant 16 : i32
    scf.for %parallel_loop3A_1246 = %parallel_loop3A_1082 to %parallel_loop3A_1083 step %parallel_loop3A_1084  : i32 {
      %parallel_loop3A_1247 = arith.index_cast %parallel_loop3A_1246 : i32 to index
      %parallel_loop3A_1248 = tpu.vector_load %arg6[%parallel_loop3A_1247] {strides = array<i32>} : memref<8192xi32, #tpu.memory_space<vmem>>, vector<16xi32>,
      %parallel_loop3A_1249 = tpu.vector_load_idx %arg5[%parallel_loop3A_1248] : memref<100000xf32, #tpu.memory_space<vmem>>[vector<16xi32>], vector<16xf32>,
      %parallel_loop3A_1250 = arith.constant 0 : i32
      %parallel_loop3A_1251 = arith.addi %parallel_loop3A_1250, %parallel_loop3A_1246 : i32
      %parallel_loop3A_1252 = arith.index_cast %parallel_loop3A_1251 : i32 to index
      %parallel_loop3A_1253 = tpu.vector_load %arg7[%parallel_loop3A_1252] {strides = array<i32>} : memref<16384xf32, #tpu.memory_space<vmem>>, vector<16xf32>,
      tpu.vector_store %arg7[%parallel_loop3A_1252], %parallel_loop3A_1249 {add = true, strides = array<i32>} : memref<16384xf32, #tpu.memory_space<vmem>>, vector<16xf32>,
    } {sc.loop_unroll_factor = 8 : i64, sc.parallel_access}
    %dma_start3A_1085 = arith.constant 22 : i32
    %dma_start3A_1086 = arith.constant 8192 : i32
    %dma_start3A_1087 = tpu.memref_slice %arg2[%dma_start3A_1085, %dma_start3A_1086] : memref<26x16384xi32, #tpu.memory_space<hbm>> -> memref<1x8192xi32, #tpu.memory_space<hbm>>
    %dma_start3A_1088 = tpu.memref_squeeze %dma_start3A_1087 : memref<1x8192xi32, #tpu.memory_space<hbm>> -> memref<8192xi32, #tpu.memory_space<hbm>>
    %dma_start3A_1089 = arith.constant 8192 : i32
    %dma_start3A_1090 = tpu.memref_slice %arg2[%dma_start3A_1085, %dma_start3A_1089] : memref<26x16384xi32, #tpu.memory_space<hbm>> -> memref<1x8192xi32, #tpu.memory_space<hbm>>
    %dma_start3A_1091 = tpu.memref_squeeze %dma_start3A_1090 : memref<1x8192xi32, #tpu.memory_space<hbm>> -> memref<8192xi32, #tpu.memory_space<hbm>>
    tpu.enqueue_dma source(%dma_start3A_1091 : memref<8192xi32, #tpu.memory_space<hbm>>) target(%arg6 : memref<8192xi32, #tpu.memory_space<vmem>>) target_semaphore(%arg9 : memref<!tpu.dma_semaphore, #tpu.memory_space<semaphore_mem>>)
    %dma_wait3A_1092 = arith.constant 22 : i32
    %dma_wait3A_1093 = arith.constant 8192 : i32
    %dma_wait3A_1094 = tpu.memref_slice %arg2[%dma_wait3A_1092, %dma_wait3A_1093] : memref<26x16384xi32, #tpu.memory_space<hbm>> -> memref<1x8192xi32, #tpu.memory_space<hbm>>
    %dma_wait3A_1095 = tpu.memref_squeeze %dma_wait3A_1094 : memref<1x8192xi32, #tpu.memory_space<hbm>> -> memref<8192xi32, #tpu.memory_space<hbm>>
    %dma_wait3A_1096 = arith.constant 8192 : i32
    %dma_wait3A_1097 = tpu.memref_slice %arg2[%dma_wait3A_1092, %dma_wait3A_1096] : memref<26x16384xi32, #tpu.memory_space<hbm>> -> memref<1x8192xi32, #tpu.memory_space<hbm>>
    %dma_wait3A_1098 = tpu.memref_squeeze %dma_wait3A_1097 : memref<1x8192xi32, #tpu.memory_space<hbm>> -> memref<8192xi32, #tpu.memory_space<hbm>>
    tpu.wait_dma2 semaphore(%arg9 : memref<!tpu.dma_semaphore, #tpu.memory_space<semaphore_mem>>) src(%dma_wait3A_1098 : memref<8192xi32, #tpu.memory_space<hbm>>) dst(%arg6 : memref<8192xi32, #tpu.memory_space<vmem>>)
    %parallel_loop3A_1099 = arith.constant 0 : i32
    %parallel_loop3A_1100 = arith.constant 8192 : i32
    %parallel_loop3A_1101 = arith.constant 16 : i32
    scf.for %parallel_loop3A_1246 = %parallel_loop3A_1099 to %parallel_loop3A_1100 step %parallel_loop3A_1101  : i32 {
      %parallel_loop3A_1247 = arith.index_cast %parallel_loop3A_1246 : i32 to index
      %parallel_loop3A_1248 = tpu.vector_load %arg6[%parallel_loop3A_1247] {strides = array<i32>} : memref<8192xi32, #tpu.memory_space<vmem>>, vector<16xi32>,
      %parallel_loop3A_1249 = tpu.vector_load_idx %arg5[%parallel_loop3A_1248] : memref<100000xf32, #tpu.memory_space<vmem>>[vector<16xi32>], vector<16xf32>,
      %parallel_loop3A_1250 = arith.constant 8192 : i32
      %parallel_loop3A_1251 = arith.addi %parallel_loop3A_1250, %parallel_loop3A_1246 : i32
      %parallel_loop3A_1252 = arith.index_cast %parallel_loop3A_1251 : i32 to index
      %parallel_loop3A_1253 = tpu.vector_load %arg7[%parallel_loop3A_1252] {strides = array<i32>} : memref<16384xf32, #tpu.memory_space<vmem>>, vector<16xf32>,
      tpu.vector_store %arg7[%parallel_loop3A_1252], %parallel_loop3A_1249 {add = true, strides = array<i32>} : memref<16384xf32, #tpu.memory_space<vmem>>, vector<16xf32>,
    } {sc.loop_unroll_factor = 8 : i64, sc.parallel_access}
    %add3A_1102 = arith.constant 736 : i32
    %add3A_1103 = arith.addi %add3A_1102, %add3A : i32
    %dma_start3A_1104 = arith.constant 0 : i32
    %dma_start3A_1105 = tpu.memref_slice %arg3[%add3A_1103, %dma_start3A_1104] : memref<832x100000xf32, #tpu.memory_space<hbm>> -> memref<1x100000xf32, #tpu.memory_space<hbm>>
    %dma_start3A_1106 = tpu.memref_squeeze %dma_start3A_1105 : memref<1x100000xf32, #tpu.memory_space<hbm>> -> memref<100000xf32, #tpu.memory_space<hbm>>
    %dma_start3A_1107 = arith.constant 0 : i32
    %dma_start3A_1108 = tpu.memref_slice %arg3[%add3A_1103, %dma_start3A_1107] : memref<832x100000xf32, #tpu.memory_space<hbm>> -> memref<1x100000xf32, #tpu.memory_space<hbm>>
    %dma_start3A_1109 = tpu.memref_squeeze %dma_start3A_1108 : memref<1x100000xf32, #tpu.memory_space<hbm>> -> memref<100000xf32, #tpu.memory_space<hbm>>
    tpu.enqueue_dma source(%dma_start3A_1109 : memref<100000xf32, #tpu.memory_space<hbm>>) target(%arg5 : memref<100000xf32, #tpu.memory_space<vmem>>) target_semaphore(%arg8 : memref<!tpu.dma_semaphore, #tpu.memory_space<semaphore_mem>>)
    %dma_start3A_1110 = arith.constant 23 : i32
    %dma_start3A_1111 = arith.constant 0 : i32
    %dma_start3A_1112 = tpu.memref_slice %arg2[%dma_start3A_1110, %dma_start3A_1111] : memref<26x16384xi32, #tpu.memory_space<hbm>> -> memref<1x8192xi32, #tpu.memory_space<hbm>>
    %dma_start3A_1113 = tpu.memref_squeeze %dma_start3A_1112 : memref<1x8192xi32, #tpu.memory_space<hbm>> -> memref<8192xi32, #tpu.memory_space<hbm>>
    %dma_start3A_1114 = arith.constant 0 : i32
    %dma_start3A_1115 = tpu.memref_slice %arg2[%dma_start3A_1110, %dma_start3A_1114] : memref<26x16384xi32, #tpu.memory_space<hbm>> -> memref<1x8192xi32, #tpu.memory_space<hbm>>
    %dma_start3A_1116 = tpu.memref_squeeze %dma_start3A_1115 : memref<1x8192xi32, #tpu.memory_space<hbm>> -> memref<8192xi32, #tpu.memory_space<hbm>>
    tpu.enqueue_dma source(%dma_start3A_1116 : memref<8192xi32, #tpu.memory_space<hbm>>) target(%arg6 : memref<8192xi32, #tpu.memory_space<vmem>>) target_semaphore(%arg9 : memref<!tpu.dma_semaphore, #tpu.memory_space<semaphore_mem>>)
    %dma_wait3A_1117 = arith.constant 23 : i32
    %dma_wait3A_1118 = arith.constant 0 : i32
    %dma_wait3A_1119 = tpu.memref_slice %arg2[%dma_wait3A_1117, %dma_wait3A_1118] : memref<26x16384xi32, #tpu.memory_space<hbm>> -> memref<1x8192xi32, #tpu.memory_space<hbm>>
    %dma_wait3A_1120 = tpu.memref_squeeze %dma_wait3A_1119 : memref<1x8192xi32, #tpu.memory_space<hbm>> -> memref<8192xi32, #tpu.memory_space<hbm>>
    %dma_wait3A_1121 = arith.constant 0 : i32
    %dma_wait3A_1122 = tpu.memref_slice %arg2[%dma_wait3A_1117, %dma_wait3A_1121] : memref<26x16384xi32, #tpu.memory_space<hbm>> -> memref<1x8192xi32, #tpu.memory_space<hbm>>
    %dma_wait3A_1123 = tpu.memref_squeeze %dma_wait3A_1122 : memref<1x8192xi32, #tpu.memory_space<hbm>> -> memref<8192xi32, #tpu.memory_space<hbm>>
    tpu.wait_dma2 semaphore(%arg9 : memref<!tpu.dma_semaphore, #tpu.memory_space<semaphore_mem>>) src(%dma_wait3A_1123 : memref<8192xi32, #tpu.memory_space<hbm>>) dst(%arg6 : memref<8192xi32, #tpu.memory_space<vmem>>)
    %dma_wait3A_1124 = arith.constant 0 : i32
    %dma_wait3A_1125 = tpu.memref_slice %arg3[%add3A_1103, %dma_wait3A_1124] : memref<832x100000xf32, #tpu.memory_space<hbm>> -> memref<1x100000xf32, #tpu.memory_space<hbm>>
    %dma_wait3A_1126 = tpu.memref_squeeze %dma_wait3A_1125 : memref<1x100000xf32, #tpu.memory_space<hbm>> -> memref<100000xf32, #tpu.memory_space<hbm>>
    %dma_wait3A_1127 = arith.constant 0 : i32
    %dma_wait3A_1128 = tpu.memref_slice %arg3[%add3A_1103, %dma_wait3A_1127] : memref<832x100000xf32, #tpu.memory_space<hbm>> -> memref<1x100000xf32, #tpu.memory_space<hbm>>
    %dma_wait3A_1129 = tpu.memref_squeeze %dma_wait3A_1128 : memref<1x100000xf32, #tpu.memory_space<hbm>> -> memref<100000xf32, #tpu.memory_space<hbm>>
    tpu.wait_dma2 semaphore(%arg8 : memref<!tpu.dma_semaphore, #tpu.memory_space<semaphore_mem>>) src(%dma_wait3A_1129 : memref<100000xf32, #tpu.memory_space<hbm>>) dst(%arg5 : memref<100000xf32, #tpu.memory_space<vmem>>)
    %parallel_loop3A_1130 = arith.constant 0 : i32
    %parallel_loop3A_1131 = arith.constant 8192 : i32
    %parallel_loop3A_1132 = arith.constant 16 : i32
    scf.for %parallel_loop3A_1246 = %parallel_loop3A_1130 to %parallel_loop3A_1131 step %parallel_loop3A_1132  : i32 {
      %parallel_loop3A_1247 = arith.index_cast %parallel_loop3A_1246 : i32 to index
      %parallel_loop3A_1248 = tpu.vector_load %arg6[%parallel_loop3A_1247] {strides = array<i32>} : memref<8192xi32, #tpu.memory_space<vmem>>, vector<16xi32>,
      %parallel_loop3A_1249 = tpu.vector_load_idx %arg5[%parallel_loop3A_1248] : memref<100000xf32, #tpu.memory_space<vmem>>[vector<16xi32>], vector<16xf32>,
      %parallel_loop3A_1250 = arith.constant 0 : i32
      %parallel_loop3A_1251 = arith.addi %parallel_loop3A_1250, %parallel_loop3A_1246 : i32
      %parallel_loop3A_1252 = arith.index_cast %parallel_loop3A_1251 : i32 to index
      %parallel_loop3A_1253 = tpu.vector_load %arg7[%parallel_loop3A_1252] {strides = array<i32>} : memref<16384xf32, #tpu.memory_space<vmem>>, vector<16xf32>,
      tpu.vector_store %arg7[%parallel_loop3A_1252], %parallel_loop3A_1249 {add = true, strides = array<i32>} : memref<16384xf32, #tpu.memory_space<vmem>>, vector<16xf32>,
    } {sc.loop_unroll_factor = 8 : i64, sc.parallel_access}
    %dma_start3A_1133 = arith.constant 23 : i32
    %dma_start3A_1134 = arith.constant 8192 : i32
    %dma_start3A_1135 = tpu.memref_slice %arg2[%dma_start3A_1133, %dma_start3A_1134] : memref<26x16384xi32, #tpu.memory_space<hbm>> -> memref<1x8192xi32, #tpu.memory_space<hbm>>
    %dma_start3A_1136 = tpu.memref_squeeze %dma_start3A_1135 : memref<1x8192xi32, #tpu.memory_space<hbm>> -> memref<8192xi32, #tpu.memory_space<hbm>>
    %dma_start3A_1137 = arith.constant 8192 : i32
    %dma_start3A_1138 = tpu.memref_slice %arg2[%dma_start3A_1133, %dma_start3A_1137] : memref<26x16384xi32, #tpu.memory_space<hbm>> -> memref<1x8192xi32, #tpu.memory_space<hbm>>
    %dma_start3A_1139 = tpu.memref_squeeze %dma_start3A_1138 : memref<1x8192xi32, #tpu.memory_space<hbm>> -> memref<8192xi32, #tpu.memory_space<hbm>>
    tpu.enqueue_dma source(%dma_start3A_1139 : memref<8192xi32, #tpu.memory_space<hbm>>) target(%arg6 : memref<8192xi32, #tpu.memory_space<vmem>>) target_semaphore(%arg9 : memref<!tpu.dma_semaphore, #tpu.memory_space<semaphore_mem>>)
    %dma_wait3A_1140 = arith.constant 23 : i32
    %dma_wait3A_1141 = arith.constant 8192 : i32
    %dma_wait3A_1142 = tpu.memref_slice %arg2[%dma_wait3A_1140, %dma_wait3A_1141] : memref<26x16384xi32, #tpu.memory_space<hbm>> -> memref<1x8192xi32, #tpu.memory_space<hbm>>
    %dma_wait3A_1143 = tpu.memref_squeeze %dma_wait3A_1142 : memref<1x8192xi32, #tpu.memory_space<hbm>> -> memref<8192xi32, #tpu.memory_space<hbm>>
    %dma_wait3A_1144 = arith.constant 8192 : i32
    %dma_wait3A_1145 = tpu.memref_slice %arg2[%dma_wait3A_1140, %dma_wait3A_1144] : memref<26x16384xi32, #tpu.memory_space<hbm>> -> memref<1x8192xi32, #tpu.memory_space<hbm>>
    %dma_wait3A_1146 = tpu.memref_squeeze %dma_wait3A_1145 : memref<1x8192xi32, #tpu.memory_space<hbm>> -> memref<8192xi32, #tpu.memory_space<hbm>>
    tpu.wait_dma2 semaphore(%arg9 : memref<!tpu.dma_semaphore, #tpu.memory_space<semaphore_mem>>) src(%dma_wait3A_1146 : memref<8192xi32, #tpu.memory_space<hbm>>) dst(%arg6 : memref<8192xi32, #tpu.memory_space<vmem>>)
    %parallel_loop3A_1147 = arith.constant 0 : i32
    %parallel_loop3A_1148 = arith.constant 8192 : i32
    %parallel_loop3A_1149 = arith.constant 16 : i32
    scf.for %parallel_loop3A_1246 = %parallel_loop3A_1147 to %parallel_loop3A_1148 step %parallel_loop3A_1149  : i32 {
      %parallel_loop3A_1247 = arith.index_cast %parallel_loop3A_1246 : i32 to index
      %parallel_loop3A_1248 = tpu.vector_load %arg6[%parallel_loop3A_1247] {strides = array<i32>} : memref<8192xi32, #tpu.memory_space<vmem>>, vector<16xi32>,
      %parallel_loop3A_1249 = tpu.vector_load_idx %arg5[%parallel_loop3A_1248] : memref<100000xf32, #tpu.memory_space<vmem>>[vector<16xi32>], vector<16xf32>,
      %parallel_loop3A_1250 = arith.constant 8192 : i32
      %parallel_loop3A_1251 = arith.addi %parallel_loop3A_1250, %parallel_loop3A_1246 : i32
      %parallel_loop3A_1252 = arith.index_cast %parallel_loop3A_1251 : i32 to index
      %parallel_loop3A_1253 = tpu.vector_load %arg7[%parallel_loop3A_1252] {strides = array<i32>} : memref<16384xf32, #tpu.memory_space<vmem>>, vector<16xf32>,
      tpu.vector_store %arg7[%parallel_loop3A_1252], %parallel_loop3A_1249 {add = true, strides = array<i32>} : memref<16384xf32, #tpu.memory_space<vmem>>, vector<16xf32>,
    } {sc.loop_unroll_factor = 8 : i64, sc.parallel_access}
    %add3A_1150 = arith.constant 768 : i32
    %add3A_1151 = arith.addi %add3A_1150, %add3A : i32
    %dma_start3A_1152 = arith.constant 0 : i32
    %dma_start3A_1153 = tpu.memref_slice %arg3[%add3A_1151, %dma_start3A_1152] : memref<832x100000xf32, #tpu.memory_space<hbm>> -> memref<1x100000xf32, #tpu.memory_space<hbm>>
    %dma_start3A_1154 = tpu.memref_squeeze %dma_start3A_1153 : memref<1x100000xf32, #tpu.memory_space<hbm>> -> memref<100000xf32, #tpu.memory_space<hbm>>
    %dma_start3A_1155 = arith.constant 0 : i32
    %dma_start3A_1156 = tpu.memref_slice %arg3[%add3A_1151, %dma_start3A_1155] : memref<832x100000xf32, #tpu.memory_space<hbm>> -> memref<1x100000xf32, #tpu.memory_space<hbm>>
    %dma_start3A_1157 = tpu.memref_squeeze %dma_start3A_1156 : memref<1x100000xf32, #tpu.memory_space<hbm>> -> memref<100000xf32, #tpu.memory_space<hbm>>
    tpu.enqueue_dma source(%dma_start3A_1157 : memref<100000xf32, #tpu.memory_space<hbm>>) target(%arg5 : memref<100000xf32, #tpu.memory_space<vmem>>) target_semaphore(%arg8 : memref<!tpu.dma_semaphore, #tpu.memory_space<semaphore_mem>>)
    %dma_start3A_1158 = arith.constant 24 : i32
    %dma_start3A_1159 = arith.constant 0 : i32
    %dma_start3A_1160 = tpu.memref_slice %arg2[%dma_start3A_1158, %dma_start3A_1159] : memref<26x16384xi32, #tpu.memory_space<hbm>> -> memref<1x8192xi32, #tpu.memory_space<hbm>>
    %dma_start3A_1161 = tpu.memref_squeeze %dma_start3A_1160 : memref<1x8192xi32, #tpu.memory_space<hbm>> -> memref<8192xi32, #tpu.memory_space<hbm>>
    %dma_start3A_1162 = arith.constant 0 : i32
    %dma_start3A_1163 = tpu.memref_slice %arg2[%dma_start3A_1158, %dma_start3A_1162] : memref<26x16384xi32, #tpu.memory_space<hbm>> -> memref<1x8192xi32, #tpu.memory_space<hbm>>
    %dma_start3A_1164 = tpu.memref_squeeze %dma_start3A_1163 : memref<1x8192xi32, #tpu.memory_space<hbm>> -> memref<8192xi32, #tpu.memory_space<hbm>>
    tpu.enqueue_dma source(%dma_start3A_1164 : memref<8192xi32, #tpu.memory_space<hbm>>) target(%arg6 : memref<8192xi32, #tpu.memory_space<vmem>>) target_semaphore(%arg9 : memref<!tpu.dma_semaphore, #tpu.memory_space<semaphore_mem>>)
    %dma_wait3A_1165 = arith.constant 24 : i32
    %dma_wait3A_1166 = arith.constant 0 : i32
    %dma_wait3A_1167 = tpu.memref_slice %arg2[%dma_wait3A_1165, %dma_wait3A_1166] : memref<26x16384xi32, #tpu.memory_space<hbm>> -> memref<1x8192xi32, #tpu.memory_space<hbm>>
    %dma_wait3A_1168 = tpu.memref_squeeze %dma_wait3A_1167 : memref<1x8192xi32, #tpu.memory_space<hbm>> -> memref<8192xi32, #tpu.memory_space<hbm>>
    %dma_wait3A_1169 = arith.constant 0 : i32
    %dma_wait3A_1170 = tpu.memref_slice %arg2[%dma_wait3A_1165, %dma_wait3A_1169] : memref<26x16384xi32, #tpu.memory_space<hbm>> -> memref<1x8192xi32, #tpu.memory_space<hbm>>
    %dma_wait3A_1171 = tpu.memref_squeeze %dma_wait3A_1170 : memref<1x8192xi32, #tpu.memory_space<hbm>> -> memref<8192xi32, #tpu.memory_space<hbm>>
    tpu.wait_dma2 semaphore(%arg9 : memref<!tpu.dma_semaphore, #tpu.memory_space<semaphore_mem>>) src(%dma_wait3A_1171 : memref<8192xi32, #tpu.memory_space<hbm>>) dst(%arg6 : memref<8192xi32, #tpu.memory_space<vmem>>)
    %dma_wait3A_1172 = arith.constant 0 : i32
    %dma_wait3A_1173 = tpu.memref_slice %arg3[%add3A_1151, %dma_wait3A_1172] : memref<832x100000xf32, #tpu.memory_space<hbm>> -> memref<1x100000xf32, #tpu.memory_space<hbm>>
    %dma_wait3A_1174 = tpu.memref_squeeze %dma_wait3A_1173 : memref<1x100000xf32, #tpu.memory_space<hbm>> -> memref<100000xf32, #tpu.memory_space<hbm>>
    %dma_wait3A_1175 = arith.constant 0 : i32
    %dma_wait3A_1176 = tpu.memref_slice %arg3[%add3A_1151, %dma_wait3A_1175] : memref<832x100000xf32, #tpu.memory_space<hbm>> -> memref<1x100000xf32, #tpu.memory_space<hbm>>
    %dma_wait3A_1177 = tpu.memref_squeeze %dma_wait3A_1176 : memref<1x100000xf32, #tpu.memory_space<hbm>> -> memref<100000xf32, #tpu.memory_space<hbm>>
    tpu.wait_dma2 semaphore(%arg8 : memref<!tpu.dma_semaphore, #tpu.memory_space<semaphore_mem>>) src(%dma_wait3A_1177 : memref<100000xf32, #tpu.memory_space<hbm>>) dst(%arg5 : memref<100000xf32, #tpu.memory_space<vmem>>)
    %parallel_loop3A_1178 = arith.constant 0 : i32
    %parallel_loop3A_1179 = arith.constant 8192 : i32
    %parallel_loop3A_1180 = arith.constant 16 : i32
    scf.for %parallel_loop3A_1246 = %parallel_loop3A_1178 to %parallel_loop3A_1179 step %parallel_loop3A_1180  : i32 {
      %parallel_loop3A_1247 = arith.index_cast %parallel_loop3A_1246 : i32 to index
      %parallel_loop3A_1248 = tpu.vector_load %arg6[%parallel_loop3A_1247] {strides = array<i32>} : memref<8192xi32, #tpu.memory_space<vmem>>, vector<16xi32>,
      %parallel_loop3A_1249 = tpu.vector_load_idx %arg5[%parallel_loop3A_1248] : memref<100000xf32, #tpu.memory_space<vmem>>[vector<16xi32>], vector<16xf32>,
      %parallel_loop3A_1250 = arith.constant 0 : i32
      %parallel_loop3A_1251 = arith.addi %parallel_loop3A_1250, %parallel_loop3A_1246 : i32
      %parallel_loop3A_1252 = arith.index_cast %parallel_loop3A_1251 : i32 to index
      %parallel_loop3A_1253 = tpu.vector_load %arg7[%parallel_loop3A_1252] {strides = array<i32>} : memref<16384xf32, #tpu.memory_space<vmem>>, vector<16xf32>,
      tpu.vector_store %arg7[%parallel_loop3A_1252], %parallel_loop3A_1249 {add = true, strides = array<i32>} : memref<16384xf32, #tpu.memory_space<vmem>>, vector<16xf32>,
    } {sc.loop_unroll_factor = 8 : i64, sc.parallel_access}
    %dma_start3A_1181 = arith.constant 24 : i32
    %dma_start3A_1182 = arith.constant 8192 : i32
    %dma_start3A_1183 = tpu.memref_slice %arg2[%dma_start3A_1181, %dma_start3A_1182] : memref<26x16384xi32, #tpu.memory_space<hbm>> -> memref<1x8192xi32, #tpu.memory_space<hbm>>
    %dma_start3A_1184 = tpu.memref_squeeze %dma_start3A_1183 : memref<1x8192xi32, #tpu.memory_space<hbm>> -> memref<8192xi32, #tpu.memory_space<hbm>>
    %dma_start3A_1185 = arith.constant 8192 : i32
    %dma_start3A_1186 = tpu.memref_slice %arg2[%dma_start3A_1181, %dma_start3A_1185] : memref<26x16384xi32, #tpu.memory_space<hbm>> -> memref<1x8192xi32, #tpu.memory_space<hbm>>
    %dma_start3A_1187 = tpu.memref_squeeze %dma_start3A_1186 : memref<1x8192xi32, #tpu.memory_space<hbm>> -> memref<8192xi32, #tpu.memory_space<hbm>>
    tpu.enqueue_dma source(%dma_start3A_1187 : memref<8192xi32, #tpu.memory_space<hbm>>) target(%arg6 : memref<8192xi32, #tpu.memory_space<vmem>>) target_semaphore(%arg9 : memref<!tpu.dma_semaphore, #tpu.memory_space<semaphore_mem>>)
    %dma_wait3A_1188 = arith.constant 24 : i32
    %dma_wait3A_1189 = arith.constant 8192 : i32
    %dma_wait3A_1190 = tpu.memref_slice %arg2[%dma_wait3A_1188, %dma_wait3A_1189] : memref<26x16384xi32, #tpu.memory_space<hbm>> -> memref<1x8192xi32, #tpu.memory_space<hbm>>
    %dma_wait3A_1191 = tpu.memref_squeeze %dma_wait3A_1190 : memref<1x8192xi32, #tpu.memory_space<hbm>> -> memref<8192xi32, #tpu.memory_space<hbm>>
    %dma_wait3A_1192 = arith.constant 8192 : i32
    %dma_wait3A_1193 = tpu.memref_slice %arg2[%dma_wait3A_1188, %dma_wait3A_1192] : memref<26x16384xi32, #tpu.memory_space<hbm>> -> memref<1x8192xi32, #tpu.memory_space<hbm>>
    %dma_wait3A_1194 = tpu.memref_squeeze %dma_wait3A_1193 : memref<1x8192xi32, #tpu.memory_space<hbm>> -> memref<8192xi32, #tpu.memory_space<hbm>>
    tpu.wait_dma2 semaphore(%arg9 : memref<!tpu.dma_semaphore, #tpu.memory_space<semaphore_mem>>) src(%dma_wait3A_1194 : memref<8192xi32, #tpu.memory_space<hbm>>) dst(%arg6 : memref<8192xi32, #tpu.memory_space<vmem>>)
    %parallel_loop3A_1195 = arith.constant 0 : i32
    %parallel_loop3A_1196 = arith.constant 8192 : i32
    %parallel_loop3A_1197 = arith.constant 16 : i32
    scf.for %parallel_loop3A_1246 = %parallel_loop3A_1195 to %parallel_loop3A_1196 step %parallel_loop3A_1197  : i32 {
      %parallel_loop3A_1247 = arith.index_cast %parallel_loop3A_1246 : i32 to index
      %parallel_loop3A_1248 = tpu.vector_load %arg6[%parallel_loop3A_1247] {strides = array<i32>} : memref<8192xi32, #tpu.memory_space<vmem>>, vector<16xi32>,
      %parallel_loop3A_1249 = tpu.vector_load_idx %arg5[%parallel_loop3A_1248] : memref<100000xf32, #tpu.memory_space<vmem>>[vector<16xi32>], vector<16xf32>,
      %parallel_loop3A_1250 = arith.constant 8192 : i32
      %parallel_loop3A_1251 = arith.addi %parallel_loop3A_1250, %parallel_loop3A_1246 : i32
      %parallel_loop3A_1252 = arith.index_cast %parallel_loop3A_1251 : i32 to index
      %parallel_loop3A_1253 = tpu.vector_load %arg7[%parallel_loop3A_1252] {strides = array<i32>} : memref<16384xf32, #tpu.memory_space<vmem>>, vector<16xf32>,
      tpu.vector_store %arg7[%parallel_loop3A_1252], %parallel_loop3A_1249 {add = true, strides = array<i32>} : memref<16384xf32, #tpu.memory_space<vmem>>, vector<16xf32>,
    } {sc.loop_unroll_factor = 8 : i64, sc.parallel_access}
    %add3A_1198 = arith.constant 800 : i32
    %add3A_1199 = arith.addi %add3A_1198, %add3A : i32
    %dma_start3A_1200 = arith.constant 0 : i32
    %dma_start3A_1201 = tpu.memref_slice %arg3[%add3A_1199, %dma_start3A_1200] : memref<832x100000xf32, #tpu.memory_space<hbm>> -> memref<1x100000xf32, #tpu.memory_space<hbm>>
    %dma_start3A_1202 = tpu.memref_squeeze %dma_start3A_1201 : memref<1x100000xf32, #tpu.memory_space<hbm>> -> memref<100000xf32, #tpu.memory_space<hbm>>
    %dma_start3A_1203 = arith.constant 0 : i32
    %dma_start3A_1204 = tpu.memref_slice %arg3[%add3A_1199, %dma_start3A_1203] : memref<832x100000xf32, #tpu.memory_space<hbm>> -> memref<1x100000xf32, #tpu.memory_space<hbm>>
    %dma_start3A_1205 = tpu.memref_squeeze %dma_start3A_1204 : memref<1x100000xf32, #tpu.memory_space<hbm>> -> memref<100000xf32, #tpu.memory_space<hbm>>
    tpu.enqueue_dma source(%dma_start3A_1205 : memref<100000xf32, #tpu.memory_space<hbm>>) target(%arg5 : memref<100000xf32, #tpu.memory_space<vmem>>) target_semaphore(%arg8 : memref<!tpu.dma_semaphore, #tpu.memory_space<semaphore_mem>>)
    %dma_start3A_1206 = arith.constant 25 : i32
    %dma_start3A_1207 = arith.constant 0 : i32
    %dma_start3A_1208 = tpu.memref_slice %arg2[%dma_start3A_1206, %dma_start3A_1207] : memref<26x16384xi32, #tpu.memory_space<hbm>> -> memref<1x8192xi32, #tpu.memory_space<hbm>>
    %dma_start3A_1209 = tpu.memref_squeeze %dma_start3A_1208 : memref<1x8192xi32, #tpu.memory_space<hbm>> -> memref<8192xi32, #tpu.memory_space<hbm>>
    %dma_start3A_1210 = arith.constant 0 : i32
    %dma_start3A_1211 = tpu.memref_slice %arg2[%dma_start3A_1206, %dma_start3A_1210] : memref<26x16384xi32, #tpu.memory_space<hbm>> -> memref<1x8192xi32, #tpu.memory_space<hbm>>
    %dma_start3A_1212 = tpu.memref_squeeze %dma_start3A_1211 : memref<1x8192xi32, #tpu.memory_space<hbm>> -> memref<8192xi32, #tpu.memory_space<hbm>>
    tpu.enqueue_dma source(%dma_start3A_1212 : memref<8192xi32, #tpu.memory_space<hbm>>) target(%arg6 : memref<8192xi32, #tpu.memory_space<vmem>>) target_semaphore(%arg9 : memref<!tpu.dma_semaphore, #tpu.memory_space<semaphore_mem>>)
    %dma_wait3A_1213 = arith.constant 25 : i32
    %dma_wait3A_1214 = arith.constant 0 : i32
    %dma_wait3A_1215 = tpu.memref_slice %arg2[%dma_wait3A_1213, %dma_wait3A_1214] : memref<26x16384xi32, #tpu.memory_space<hbm>> -> memref<1x8192xi32, #tpu.memory_space<hbm>>
    %dma_wait3A_1216 = tpu.memref_squeeze %dma_wait3A_1215 : memref<1x8192xi32, #tpu.memory_space<hbm>> -> memref<8192xi32, #tpu.memory_space<hbm>>
    %dma_wait3A_1217 = arith.constant 0 : i32
    %dma_wait3A_1218 = tpu.memref_slice %arg2[%dma_wait3A_1213, %dma_wait3A_1217] : memref<26x16384xi32, #tpu.memory_space<hbm>> -> memref<1x8192xi32, #tpu.memory_space<hbm>>
    %dma_wait3A_1219 = tpu.memref_squeeze %dma_wait3A_1218 : memref<1x8192xi32, #tpu.memory_space<hbm>> -> memref<8192xi32, #tpu.memory_space<hbm>>
    tpu.wait_dma2 semaphore(%arg9 : memref<!tpu.dma_semaphore, #tpu.memory_space<semaphore_mem>>) src(%dma_wait3A_1219 : memref<8192xi32, #tpu.memory_space<hbm>>) dst(%arg6 : memref<8192xi32, #tpu.memory_space<vmem>>)
    %dma_wait3A_1220 = arith.constant 0 : i32
    %dma_wait3A_1221 = tpu.memref_slice %arg3[%add3A_1199, %dma_wait3A_1220] : memref<832x100000xf32, #tpu.memory_space<hbm>> -> memref<1x100000xf32, #tpu.memory_space<hbm>>
    %dma_wait3A_1222 = tpu.memref_squeeze %dma_wait3A_1221 : memref<1x100000xf32, #tpu.memory_space<hbm>> -> memref<100000xf32, #tpu.memory_space<hbm>>
    %dma_wait3A_1223 = arith.constant 0 : i32
    %dma_wait3A_1224 = tpu.memref_slice %arg3[%add3A_1199, %dma_wait3A_1223] : memref<832x100000xf32, #tpu.memory_space<hbm>> -> memref<1x100000xf32, #tpu.memory_space<hbm>>
    %dma_wait3A_1225 = tpu.memref_squeeze %dma_wait3A_1224 : memref<1x100000xf32, #tpu.memory_space<hbm>> -> memref<100000xf32, #tpu.memory_space<hbm>>
    tpu.wait_dma2 semaphore(%arg8 : memref<!tpu.dma_semaphore, #tpu.memory_space<semaphore_mem>>) src(%dma_wait3A_1225 : memref<100000xf32, #tpu.memory_space<hbm>>) dst(%arg5 : memref<100000xf32, #tpu.memory_space<vmem>>)
    %parallel_loop3A_1226 = arith.constant 0 : i32
    %parallel_loop3A_1227 = arith.constant 8192 : i32
    %parallel_loop3A_1228 = arith.constant 16 : i32
    scf.for %parallel_loop3A_1246 = %parallel_loop3A_1226 to %parallel_loop3A_1227 step %parallel_loop3A_1228  : i32 {
      %parallel_loop3A_1247 = arith.index_cast %parallel_loop3A_1246 : i32 to index
      %parallel_loop3A_1248 = tpu.vector_load %arg6[%parallel_loop3A_1247] {strides = array<i32>} : memref<8192xi32, #tpu.memory_space<vmem>>, vector<16xi32>,
      %parallel_loop3A_1249 = tpu.vector_load_idx %arg5[%parallel_loop3A_1248] : memref<100000xf32, #tpu.memory_space<vmem>>[vector<16xi32>], vector<16xf32>,
      %parallel_loop3A_1250 = arith.constant 0 : i32
      %parallel_loop3A_1251 = arith.addi %parallel_loop3A_1250, %parallel_loop3A_1246 : i32
      %parallel_loop3A_1252 = arith.index_cast %parallel_loop3A_1251 : i32 to index
      %parallel_loop3A_1253 = tpu.vector_load %arg7[%parallel_loop3A_1252] {strides = array<i32>} : memref<16384xf32, #tpu.memory_space<vmem>>, vector<16xf32>,
      tpu.vector_store %arg7[%parallel_loop3A_1252], %parallel_loop3A_1249 {add = true, strides = array<i32>} : memref<16384xf32, #tpu.memory_space<vmem>>, vector<16xf32>,
    } {sc.loop_unroll_factor = 8 : i64, sc.parallel_access}
    %dma_start3A_1229 = arith.constant 25 : i32
    %dma_start3A_1230 = arith.constant 8192 : i32
    %dma_start3A_1231 = tpu.memref_slice %arg2[%dma_start3A_1229, %dma_start3A_1230] : memref<26x16384xi32, #tpu.memory_space<hbm>> -> memref<1x8192xi32, #tpu.memory_space<hbm>>
    %dma_start3A_1232 = tpu.memref_squeeze %dma_start3A_1231 : memref<1x8192xi32, #tpu.memory_space<hbm>> -> memref<8192xi32, #tpu.memory_space<hbm>>
    %dma_start3A_1233 = arith.constant 8192 : i32
    %dma_start3A_1234 = tpu.memref_slice %arg2[%dma_start3A_1229, %dma_start3A_1233] : memref<26x16384xi32, #tpu.memory_space<hbm>> -> memref<1x8192xi32, #tpu.memory_space<hbm>>
    %dma_start3A_1235 = tpu.memref_squeeze %dma_start3A_1234 : memref<1x8192xi32, #tpu.memory_space<hbm>> -> memref<8192xi32, #tpu.memory_space<hbm>>
    tpu.enqueue_dma source(%dma_start3A_1235 : memref<8192xi32, #tpu.memory_space<hbm>>) target(%arg6 : memref<8192xi32, #tpu.memory_space<vmem>>) target_semaphore(%arg9 : memref<!tpu.dma_semaphore, #tpu.memory_space<semaphore_mem>>)
    %dma_wait3A_1236 = arith.constant 25 : i32
    %dma_wait3A_1237 = arith.constant 8192 : i32
    %dma_wait3A_1238 = tpu.memref_slice %arg2[%dma_wait3A_1236, %dma_wait3A_1237] : memref<26x16384xi32, #tpu.memory_space<hbm>> -> memref<1x8192xi32, #tpu.memory_space<hbm>>
    %dma_wait3A_1239 = tpu.memref_squeeze %dma_wait3A_1238 : memref<1x8192xi32, #tpu.memory_space<hbm>> -> memref<8192xi32, #tpu.memory_space<hbm>>
    %dma_wait3A_1240 = arith.constant 8192 : i32
    %dma_wait3A_1241 = tpu.memref_slice %arg2[%dma_wait3A_1236, %dma_wait3A_1240] : memref<26x16384xi32, #tpu.memory_space<hbm>> -> memref<1x8192xi32, #tpu.memory_space<hbm>>
    %dma_wait3A_1242 = tpu.memref_squeeze %dma_wait3A_1241 : memref<1x8192xi32, #tpu.memory_space<hbm>> -> memref<8192xi32, #tpu.memory_space<hbm>>
    tpu.wait_dma2 semaphore(%arg9 : memref<!tpu.dma_semaphore, #tpu.memory_space<semaphore_mem>>) src(%dma_wait3A_1242 : memref<8192xi32, #tpu.memory_space<hbm>>) dst(%arg6 : memref<8192xi32, #tpu.memory_space<vmem>>)
    %parallel_loop3A_1243 = arith.constant 0 : i32
    %parallel_loop3A_1244 = arith.constant 8192 : i32
    %parallel_loop3A_1245 = arith.constant 16 : i32
    scf.for %parallel_loop3A_1246 = %parallel_loop3A_1243 to %parallel_loop3A_1244 step %parallel_loop3A_1245  : i32 {
      %parallel_loop3A_1247 = arith.index_cast %parallel_loop3A_1246 : i32 to index
      %parallel_loop3A_1248 = tpu.vector_load %arg6[%parallel_loop3A_1247] {strides = array<i32>} : memref<8192xi32, #tpu.memory_space<vmem>>, vector<16xi32>,
      %parallel_loop3A_1249 = tpu.vector_load_idx %arg5[%parallel_loop3A_1248] : memref<100000xf32, #tpu.memory_space<vmem>>[vector<16xi32>], vector<16xf32>,
      %parallel_loop3A_1250 = arith.constant 8192 : i32
      %parallel_loop3A_1251 = arith.addi %parallel_loop3A_1250, %parallel_loop3A_1246 : i32
      %parallel_loop3A_1252 = arith.index_cast %parallel_loop3A_1251 : i32 to index
      %parallel_loop3A_1253 = tpu.vector_load %arg7[%parallel_loop3A_1252] {strides = array<i32>} : memref<16384xf32, #tpu.memory_space<vmem>>, vector<16xf32>,
      tpu.vector_store %arg7[%parallel_loop3A_1252], %parallel_loop3A_1249 {add = true, strides = array<i32>} : memref<16384xf32, #tpu.memory_space<vmem>>, vector<16xf32>,
    } {sc.loop_unroll_factor = 8 : i64, sc.parallel_access}
    "tpu.region"() ({
      %run_scoped3A = tpu.sem_alloc : memref<!tpu.dma_semaphore, #tpu.memory_space<semaphore_mem>>
      %dma_start3A_1246 = arith.constant 0 : i32
      %dma_start3A_1247 = tpu.memref_slice %arg4[%add3A, %dma_start3A_1246] : memref<32x16384xf32, #tpu.memory_space<hbm>> -> memref<1x16384xf32, #tpu.memory_space<hbm>>
      %dma_start3A_1248 = tpu.memref_squeeze %dma_start3A_1247 : memref<1x16384xf32, #tpu.memory_space<hbm>> -> memref<16384xf32, #tpu.memory_space<hbm>>
      %dma_start3A_1249 = arith.constant 0 : i32
      %dma_start3A_1250 = tpu.memref_slice %arg4[%add3A, %dma_start3A_1249] : memref<32x16384xf32, #tpu.memory_space<hbm>> -> memref<1x16384xf32, #tpu.memory_space<hbm>>
      %dma_start3A_1251 = tpu.memref_squeeze %dma_start3A_1250 : memref<1x16384xf32, #tpu.memory_space<hbm>> -> memref<16384xf32, #tpu.memory_space<hbm>>
      tpu.enqueue_dma source(%arg7 : memref<16384xf32, #tpu.memory_space<vmem>>) target(%dma_start3A_1251 : memref<16384xf32, #tpu.memory_space<hbm>>) target_semaphore(%run_scoped3A : memref<!tpu.dma_semaphore, #tpu.memory_space<semaphore_mem>>)
      %dma_wait3A_1252 = arith.constant 0 : i32
      %dma_wait3A_1253 = tpu.memref_slice %arg4[%add3A, %dma_wait3A_1252] : memref<32x16384xf32, #tpu.memory_space<hbm>> -> memref<1x16384xf32, #tpu.memory_space<hbm>>
      %dma_wait3A_1254 = tpu.memref_squeeze %dma_wait3A_1253 : memref<1x16384xf32, #tpu.memory_space<hbm>> -> memref<16384xf32, #tpu.memory_space<hbm>>
      %dma_wait3A_1255 = arith.constant 0 : i32
      %dma_wait3A_1256 = tpu.memref_slice %arg4[%add3A, %dma_wait3A_1255] : memref<32x16384xf32, #tpu.memory_space<hbm>> -> memref<1x16384xf32, #tpu.memory_space<hbm>>
      %dma_wait3A_1257 = tpu.memref_squeeze %dma_wait3A_1256 : memref<1x16384xf32, #tpu.memory_space<hbm>> -> memref<16384xf32, #tpu.memory_space<hbm>>
      tpu.wait_dma2 semaphore(%run_scoped3A : memref<!tpu.dma_semaphore, #tpu.memory_space<semaphore_mem>>) src(%arg7 : memref<16384xf32, #tpu.memory_space<vmem>>) dst(%dma_wait3A_1257 : memref<16384xf32, #tpu.memory_space<hbm>>)
      tpu.yield
    }) : () -> ()
    return
  }
}

</mosaic_0001>

<sc_bundles>
// kernel: kernel.3.cloned.1.call-start
scs
__scs_entry_jumppad:
0x0: {  	(pc) =	sbr.rel $0x88, $3  }
0x1: {  	(tag) =	ssettag $0x0;
	lr =	simm.s32 $0x1  }
0x2: {  	[smem:$0x3F9F] =	sst lr;
	_ =	strace $0xD0000000  }
0x3: {  	_ = 	snop  }
0x4: {  	_ = 	snop  }
0x5: {  	_ = 	snop  }
0x6: {  	_ = 	snop  }
0x7: {  	_ = 	snop  }
__scs_overlays_trampoline_lowered:
0x8: {  	[smem:$0x3FAE] =	sst s0  }
0x9: {  	[smem:$0x3FAF] =	sst s1  }
0xa: {  	[smem:$0x3FB0] =	sst s2  }
0xb: {  	[smem:$0x3FB1] =	sst s3  }
0xc: {  	[smem:$0x3FB2] =	sst s4  }
0xd: {  	[smem:$0x3FB3] =	sst s5  }
0xe: {  	[smem:$0x3FB4] =	sst s6  }
0xf: {  	[smem:$0x3FB5] =	sst s7  }
0x10: {  	[smem:$0x3FB6] =	sst s8  }
0x11: {  	[smem:$0x3FB7] =	sst s9;
	s0 =	simm.s32 @!p0 $0x0  }
0x12: {  	s1 =	sld [smem:$0x3F9D];
	s0 =	simm.s32 @p0 $0x1  }
0x13: {  	[smem:$0x3FB8] =	sst s0;
	s0 =	simm.s32 @!p1 $0x0  }
0x14: {  	s2 =	sld [smem:$0x3F9C];
	s0 =	simm.s32 @p1 $0x1  }
0x15: {  	[smem:$0x3FB9] =	sst s0;
	s0 =	simm.s32 @!p2 $0x0  }
0x16: {  	s3 =	sld [smem:$0x3FDB];
	s0 =	simm.s32 @p2 $0x1  }
0x17: {  	s4 =	simm.s32 $0x1BF5;
	[smem:$0x3FBB] =	sst s0  }
0x18: {  	s0 =	sld [smem:$0x3F9E];
	_ =	swait.ge [sflag:s4], $0x0  }
0x19: {  	s7 =	sld [smem:$0x3F9F]  }
0x1a: {  	s8 =	sadd.s32 $0xFFFFE003, lr  }
0x1b: {  	s9 =	sadd.s32 $0xFFFFFEF7, lr;
	s5 =	simm.s32 $0xFFFFFFFF;
	p2 =	slt.u32 s8, $0xFFFFF086  }
0x1c: {  	p1 =	slt.u32 s9, $0xF7A;
	s5 =	simm.s32 @!p2 $0x0  }
0x1d: {  	s5 =	simm.s32 @p1 $0x1;
	p0 =	seq.s32 s7, s2  }
0x1e: {  	s7 =	smul.u32 @!p0 $0xF7A, s2;
	p2 =	seq.s32 @!p0 s5, $0x0  }
0x1f: {  	s9 =	smul.u32 $0xF7A, s1;
	s8 =	simm.s32 @!p0 $0x1BF5;
	p2 =	por !p2, p0  }
0x20: {  	[sflag:s8] =	ssyncset.s32 @!p0 $0xFFFFF086;
	s6 =	sadd.s32 @!p0 s3, s7;
	s7 =	simm.s32 @!p0 $0x108  }
0x21: {  	s3 =	sadd.s32 s3, s9;
	s6 =	sadd.s32 @!p0 $0x88, s6;
	s7 =	simm.s32 @p2 $0x1082  }
0x22: {  	[simem:s7], [sflag:s8] =	dma.local @!p0 [hbm:s6], $0xF7A  }
0x23: {  	s9 =	sor.u32 $0xD0000000, s2;
	s6 =	simm.s32 $0x108;
	_ =	swait.ge @!p0 [sflag:s8], $0x0  }
0x24: {  	s3 =	sadd.s32 $0x88, s3;
	s6 =	simm.s32 @!p1 $0x1082;
	[sflag:s4] =	ssyncset.s32 $0xFFFFF086  }
0x25: {  	[simem:s6], [sflag:s4] =	dma.local [hbm:s3], $0xF7A  }
0x26: {  	[smem:$0x3F9F] =	sst s1;
	(tag) =	ssettag s2;
	_ =	strace s9  }
0x27: {  	s1 =	sld [smem:$0x3FAF]  }
0x28: {  	s2 =	sld [smem:$0x3FB0]  }
0x29: {  	s4 =	sld [smem:$0x3FB2]  }
0x2a: {  	p0 =	seq.s32 s5, $0x0;
	s5 =	sld [smem:$0x3FB3]  }
0x2b: {  	s6 =	sld [smem:$0x3FB4]  }
0x2c: {  	s7 =	sld [smem:$0x3FB5]  }
0x2d: {  	s3 =	simm.s32 $0x108;
	s8 =	sld [smem:$0x3FB6]  }
0x2e: {  	s3 =	simm.s32 @!p0 $0x1082;
	s9 =	sld [smem:$0x3FB7]  }
0x2f: {  	lr =	sadd.s32 s0, s3;
	s0 =	sld [smem:$0x3FAE]  }
0x30: {  	s3 =	sld [smem:$0x3FB1]  }
0x31: {  	[smem:$0x3FBA] =	sst s10  }
0x32: {  	s10 =	sld [smem:$0x3FB8];
	_ =	sdelay $0x3  }
0x33: {  	p0 =	seq.s32 s10, $0x1;
	s10 =	sld [smem:$0x3FBA];
	_ =	sdelay $0x3  }
0x34: {  	[smem:$0x3FBA] =	sst s10  }
0x35: {  	s10 =	sld [smem:$0x3FB9];
	_ =	sdelay $0x3  }
0x36: {  	p1 =	seq.s32 s10, $0x1;
	s10 =	sld [smem:$0x3FBA];
	_ =	sdelay $0x3  }
0x37: {  	[smem:$0x3FBA] =	sst s10  }
0x38: {  	s10 =	sld [smem:$0x3FBB]  }
0x39: {  	_ = 	snop;
	(pc) =	sbr.ind lr, $3  }
0x3a: {  	_ = 	snop  }
0x3b: {  	_ = 	snop  }
0x3c: {  	p2 =	seq.s32 s10, $0x1;
	s10 =	sld [smem:$0x3FBA]  }
0x3d: {  	_ =	shalt  }
0x3e: {  	_ =	shalt  }
0x3f: {  	_ =	shalt  }
0x40: {  	_ =	shalt  }
0x41: {  	_ =	shalt  }
0x42: {  	_ =	shalt  }
0x43: {  	_ =	shalt  }
0x44: {  	_ =	shalt  }
0x45: {  	_ =	shalt  }
0x46: {  	_ =	shalt  }
0x47: {  	_ =	shalt  }
0x48: {  	_ =	shalt  }
0x49: {  	_ =	shalt  }
0x4a: {  	_ =	shalt  }
0x4b: {  	_ =	shalt  }
0x4c: {  	_ =	shalt  }
0x4d: {  	_ =	shalt  }
0x4e: {  	_ =	shalt  }
0x4f: {  	_ =	shalt  }
0x50: {  	_ =	shalt  }
0x51: {  	_ =	shalt  }
0x52: {  	_ =	shalt  }
0x53: {  	_ =	shalt  }
0x54: {  	_ =	shalt  }
0x55: {  	_ =	shalt  }
0x56: {  	_ =	shalt  }
0x57: {  	_ =	shalt  }
0x58: {  	_ =	shalt  }
0x59: {  	_ =	shalt  }
0x5a: {  	_ =	shalt  }
0x5b: {  	_ =	shalt  }
0x5c: {  	_ =	shalt  }
0x5d: {  	_ =	shalt  }
0x5e: {  	_ =	shalt  }
0x5f: {  	_ =	shalt  }
0x60: {  	_ =	shalt  }
0x61: {  	_ =	shalt  }
0x62: {  	_ =	shalt  }
0x63: {  	_ =	shalt  }
0x64: {  	_ =	shalt  }
0x65: {  	_ =	shalt  }
0x66: {  	_ =	shalt  }
0x67: {  	_ =	shalt  }
0x68: {  	_ =	shalt  }
0x69: {  	_ =	shalt  }
0x6a: {  	_ =	shalt  }
0x6b: {  	_ =	shalt  }
0x6c: {  	_ =	shalt  }
0x6d: {  	_ =	shalt  }
0x6e: {  	_ =	shalt  }
0x6f: {  	_ =	shalt  }
0x70: {  	_ =	shalt  }
0x71: {  	_ =	shalt  }
0x72: {  	_ =	shalt  }
0x73: {  	_ =	shalt  }
0x74: {  	_ =	shalt  }
0x75: {  	_ =	shalt  }
0x76: {  	_ =	shalt  }
0x77: {  	_ =	shalt  }
0x78: {  	_ =	shalt  }
0x79: {  	_ =	shalt  }
0x7a: {  	_ =	shalt  }
0x7b: {  	_ =	shalt  }
0x7c: {  	_ =	shalt  }
0x7d: {  	_ =	shalt  }
0x7e: {  	_ =	shalt  }
0x7f: {  	_ =	shalt  }
0x80: {  	_ =	shalt  }
0x81: {  	_ =	shalt  }
0x82: {  	_ =	shalt  }
0x83: {  	_ =	shalt  }
0x84: {  	_ =	shalt  }
0x85: {  	_ =	shalt  }
0x86: {  	_ =	shalt  }
0x87: {  	_ =	shalt  }
.Lfunc_end0:
.L_simem_size_0:
called_computation_lowered:
.L_overlay_start_0:
0x88: {  	s2 =	sld [smem:$0x3FD9]  }
0x89: {  	s3 =	sld [smem:$0x3FFE];
	_ =	sdelay $0x1  }
0x8a: {  	s1 =	srdreg.scid  }
0x8b: {  	s0 =	sand.u32 $0x1, s1  }
0x8c: {  	s18 =	sshll.u32 s0, $0xA;
	s2 =	sadd.s32 s3, s2  }
0x8d: {  	s2 =	sadd.s32 s2, s18  }
0x8e: {  	[smem:$0x3FC6] =	sst s2  }
0x8f: {  	_ = 	snop  }
0x90: {  	s2 =	sld [smem:$0x3FC9]  }
0x91: {  	s19 =	sld [smem:$0x3FC8]  }
0x92: {  	s4 =	sld [smem:$0x3FD0];
	(tm) =	ssettm $0x1  }
0x93: {  	s5 =	sld [smem:$0x3FFB];
	_ =	sdelay $0x3  }
0x94: {  	_ =	strace s5  }
0x95: {  	s5 =	sld [smem:$0x3FFC];
	_ =	sdelay $0x3  }
0x96: {  	_ =	strace s5  }
0x97: {  	s5 =	sld [smem:$0x3FFD];
	_ =	sdelay $0x3  }
0x98: {  	_ =	strace s5  }
0x99: {  	_ =	strace $0x8FFFFFFF  }
0x9a: {  	s20 =	sld [smem:$0x3FDB];
	_ =	sdelay $0x1  }
0x9b: {  	s6 =	simm.s32 $_scs_section_size  }
0x9c: {  	s7 =	simm.s32 $_size__tile_overlayer_lowered;
	s8 =	simm.s32 $_tile_overlayer_lowered  }
0x9d: {  	s23 =	simm.s32 $0x1BFF;
	s22 =	sshll.u32 s8, $0x1;
	s5 =	sadd.s32 s6, s20  }
0x9e: {  	s9 =	simm.s32 $0x0;
	s21 =	sshll.u32 s7, $0x1;
	s7 =	sadd.s32 s22, s5  }
0x9f: {  	[timem:s9], [sflag:s23] =	dma.local [hbm:s7], s21  }
0xa0: {  	_ =	swait.ge [sflag:s23], s21  }
0xa1: {  	s6 =	ssub.s32 $0x0, s21;
	[sflag:s23] =	ssyncset.done $0x0  }
0xa2: {  	[sflag:s23] =	ssyncadd.s32 s6;
	_ =	sdelay $0x1  }
0xa3: {  	s24 =	simm.s32 $0x1B8B  }
0xa4: {  	_ =	swait.ge [sflag:s24], $0x1  }
0xa5: {  	[sflag:s24] =	ssyncset.done $0x0  }
0xa6: {  	s25 =	simm.s32 $0x1B8E;
	[sflag:s24] =	ssyncadd.s32 $0xFFFFFFFF  }
0xa7: {  	s26 =	simm.s32 $execute0_lowered;
	[smem:$0x3FD2] =	sst s25  }
0xa8: {  	s6 =	sshll.u32 s26, $0x1;
	_ =	strace $0x80000046;
	[dreg:$0x1] =	wrdreg $0xFFFFFFFF  }
0xa9: {  	s28 =	simm.s32 $_size_execute0_lowered;
	s5 =	sadd.s32 s5, s6;
	[dreg:$0x0] =	wrdreg $0x0  }
0xaa: {  	s6 =	sshll.u32 s28, $0x1;
	[dreg:$0x2] =	wrdreg s5  }
0xab: {  	[dreg:$0x3] =	wrdreg s6  }
0xac: {  	[dreg:$0x4] =	wrdreg $0xC0  }
0xad: {  	_ =	task [dreg:s9], $0x5FFFF  }
0xae: {  	[dreg:$0x1] =	wrdreg $0xFFFFFFFF  }
0xaf: {  	[dreg:$0x0] =	wrdreg $0x60  }
0xb0: {  	[dreg:$0x2] =	wrdreg s2  }
0xb1: {  	[dreg:$0x3] =	wrdreg s19  }
0xb2: {  	[dreg:$0x4] =	wrdreg s4  }
0xb3: {  	[dreg:$0x5] =	wrdreg $0x9  }
0xb4: {  	_ =	task.clear_ibuf [dreg:s9], $0x6FFFF;
	_ =	strace $0x90000046  }
0xb5: {  	s29 =	simm.s32 $0x9;
	_ =	strace $0x80000048  }
0xb6: {  	_ =	swait.ge [sflag:s29], $0x1  }
0xb7: {  	[sflag:s29] =	ssyncadd.s32 $0xFFFFFFFF  }
0xb8: {  	_ =	strace $0x90000048  }
0xb9: {  	_ =	sfence  }
0xba: {  	s30 =	sld [smem:$0x0];
	_ =	sdelay $0x2  }
0xbb: {  	s31 =	sshll.u32 s1, $0xD;
	s1 =	sshrl.u32 s1, $0x2  }
0xbc: {  	s3 =	sand.u32 $0x4000, s31;
	s1 =	sadd.s32 s1, s30  }
0xbd: {  	s0 =	sor.u32 s3, s0;
	s1 =	sshll.u32 s1, $0x11  }
0xbe: {  	s0 =	sor.u32 s1, s0  }
0xbf: {  	s0 =	sadd.s32 $0x8F2B, s0  }
0xc0: {  	[sflag:s0] =	ssyncadd.remote.s32 $0x1  }
0xc1: {  	_ =	sfence.sel $0xFFFF  }
0xc2: {  	[dreg:$0x0] =	wrdreg $0xFFFFFFFF;
	(pc) =	sbr.abs _section_cstart, $3  }
0xc3: {  	[dreg:$0x1] =	wrdreg $0xFFFFFFFF  }
0xc4: {  	_ =	task.clear_ibuf [dreg:s9], $0x2FFFF;
	_ =	strace $0x9FFFFFFF  }
0xc5: {  	(tm) =	ssettm $0x7FFFFFFF  }
tec
execute0_lowered:
.L_overlay_start_1:
0x0: {  	(tag) =	ssettag $0x1  }
0x1: {  	s0 =	srdreg.scid  }
0x2: {  	s2 =	stileid.u32;
	s28 =	rddreg [dreg:$0x0]  }
0x3: {  	s1 =	sand.u32 $0x1, s0;
	s4 =	sshrl.u32 s2, $0x2;
	s14 =	sshll.u32 s2, $0x8  }
0x4: {  	s0 =	rddreg [dreg:$0x1];
	s15 =	sshll.u32 s1, $0x7;
	s3 =	sand.u32 $0x300, s14  }
0x5: {  	s5 =	smul.u32 $0xC3800, s4;
	s6 =	ssub.s32 $0x2, s1;
	s1 =	simm.s32 $0x0  }
0x6: {  	s4 =	sshll.u32 s4, $0x11;
	s7 =	sor.u32 s15, s3;
	s16 =	sshrl.u32 s6, $0x1  }
0x7: {  	[smem:$0x7FF] =	sst s1;
	s3 =	sor.u32 s5, s7;
	s2 =	ssub.s32 s6, s16  }
0x8: {  	s4 =	sor.u32 s4, s7;
	s5 =	sadd.s32 $0x30E000, s3;
	s17 =	sshrl.u32 s3, $0x3  }
0x9: {  	s8 =	sadd.s32 $0x61C000, s3;
	s19 =	sadd.s32 $0x92A000, s3;
	s20 =	sadd.s32 $0xC38000, s3  }
0xa: {  	s21 =	sadd.s32 $0xF46000, s3;
	s24 =	sadd.s32 $0x1254000, s3;
	s25 =	sadd.s32 $0x1562000, s3  }
0xb: {  	s26 =	sadd.s32 $0x1870000, s3;
	s10 =	sadd.s32 $0x1B7E000, s3;
	s11 =	sadd.s32 $0x1E8C000, s3  }
0xc: {  	s12 =	sadd.s32 $0x219A000, s3;
	s15 =	sadd.s32 $0x24A8000, s3;
	s16 =	sadd.s32 $0x27B6000, s3  }
0xd: {  	s7 =	sadd.s32 $0x3D18000, s3;
	s4 =	sshrl.u32 s4, $0x3;
	s5 =	sshrl.u32 s5, $0x3  }
0xe: {  	s6 =	sadd.s32 s0, s17;
	s18 =	sshrl.u32 s8, $0x3;
	s23 =	sshrl.u32 s21, $0x3  }
0xf: {  	s9 =	sshrl.u32 s26, $0x3;
	s14 =	sshrl.u32 s12, $0x3;
	s17 =	sadd.s32 $0x2AC4000, s3  }
0x10: {  	s21 =	sadd.s32 $0x30E0000, s3;
	s26 =	sadd.s32 $0x3A0A000, s3;
	s8 =	sshrl.u32 s7, $0x3  }
0x11: {  	[dreg:$0x4] =	wrdreg s6;
	s5 =	sadd.s32 s0, s5;
	s6 =	sshrl.u32 s20, $0x3  }
0x12: {  	s20 =	sadd.s32 $0x2DD2000, s3;
	[dreg:$0x5] =	wrdreg s5;
	s5 =	sadd.s32 s0, s18  }
0x13: {  	s22 =	sadd.s32 s0, s6;
	s6 =	sshrl.u32 s25, $0x3;
	[dreg:$0x6] =	wrdreg s5  }
0x14: {  	s25 =	sadd.s32 $0x36FC000, s3;
	s5 =	sshrl.u32 s19, $0x3;
	[dreg:$0x8] =	wrdreg s22  }
0x15: {  	s19 =	sshrl.u32 s17, $0x3;
	s17 =	rddreg [dreg:$0x2];
	s5 =	sadd.s32 s0, s5  }
0x16: {  	s6 =	sadd.s32 s0, s6;
	[dreg:$0x7] =	wrdreg s5;
	s5 =	sadd.s32 s0, s23  }
0x17: {  	s22 =	sadd.s32 $0x33EE000, s3;
	[dreg:$0x9] =	wrdreg s5;
	s5 =	sshrl.u32 s24, $0x3  }
0x18: {  	[dreg:$0xb] =	wrdreg s6;
	s6 =	sshrl.u32 s11, $0x3;
	s5 =	sadd.s32 s0, s5  }
0x19: {  	s11 =	sadd.s32 $0x4334000, s3;
	[dreg:$0xa] =	wrdreg s5;
	s5 =	sadd.s32 s0, s9  }
0x1a: {  	s13 =	sadd.s32 s0, s6;
	[dreg:$0xc] =	wrdreg s5;
	s5 =	sshrl.u32 s10, $0x3  }
0x1b: {  	s6 =	sshrl.u32 s16, $0x3;
	[dreg:$0xe] =	wrdreg s13;
	s5 =	sadd.s32 s0, s5  }
0x1c: {  	s12 =	sshrl.u32 s11, $0x3;
	[dreg:$0xd] =	wrdreg s5;
	s5 =	sadd.s32 s0, s14  }
0x1d: {  	s18 =	sadd.s32 s0, s6;
	[dreg:$0xf] =	wrdreg s5;
	s5 =	sshrl.u32 s15, $0x3  }
0x1e: {  	s6 =	sshrl.u32 s21, $0x3;
	[dreg:$0x11] =	wrdreg s18;
	s5 =	sadd.s32 s0, s5  }
0x1f: {  	s24 =	sshrl.u32 s22, $0x3;
	[dreg:$0x10] =	wrdreg s5;
	s5 =	sadd.s32 s0, s19  }
0x20: {  	s23 =	sadd.s32 s0, s6;
	[dreg:$0x12] =	wrdreg s5;
	s5 =	sshrl.u32 s20, $0x3  }
0x21: {  	s13 =	sadd.s32 $0x4642000, s3;
	[dreg:$0x14] =	wrdreg s23;
	s5 =	sadd.s32 s0, s5  }
0x22: {  	s6 =	sshrl.u32 s26, $0x3;
	[dreg:$0x13] =	wrdreg s5;
	s5 =	sadd.s32 s0, s24  }
0x23: {  	s18 =	sadd.s32 s17, s4;
	[dreg:$0x15] =	wrdreg s5;
	s5 =	sshrl.u32 s25, $0x3  }
0x24: {  	s9 =	sadd.s32 $0x4026000, s3;
	[dreg:$0x1e] =	wrdreg s18;
	s5 =	sadd.s32 s0, s5  }
0x25: {  	s10 =	sshrl.u32 s9, $0x3;
	[dreg:$0x16] =	wrdreg s5;
	s5 =	sadd.s32 s0, s6  }
0x26: {  	s14 =	sshrl.u32 s13, $0x3;
	[dreg:$0x17] =	wrdreg s5;
	s5 =	sadd.s32 s0, s8  }
0x27: {  	s15 =	sadd.s32 $0x4950000, s3;
	[dreg:$0x18] =	wrdreg s5;
	s5 =	sadd.s32 s0, s10  }
0x28: {  	s3 =	sadd.s32 $0x4C5E000, s3;
	[dreg:$0x19] =	wrdreg s5;
	s5 =	sadd.s32 s0, s12  }
0x29: {  	s16 =	sshrl.u32 s15, $0x3;
	[dreg:$0x1a] =	wrdreg s5;
	s5 =	sadd.s32 s0, s14  }
0x2a: {  	s3 =	sshrl.u32 s3, $0x3;
	[dreg:$0x1b] =	wrdreg s5;
	s5 =	sadd.s32 s0, s16  }
0x2b: {  	s0 =	sadd.s32 s0, s3;
	[dreg:$0x1c] =	wrdreg s5  }
0x2c: {  	s19 =	smax.u32 s2, $0x1;
	[dreg:$0x1d] =	wrdreg s0  }
0x2d: {  	s20 =	sadd.s32 $0x2000, s28;
	_ =	strace $0x80000047;
	[dreg:$0x1f] =	wrdreg s19  }
0x2e: {  	s21 =	sadd.s32 $0x10, s28;
	[smem:$0x7DE] =	sst s20  }
0x2f: {  	s22 =	sadd.s32 $0x2010, s28;
	[smem:$0x7DF] =	sst s21  }
0x30: {  	s23 =	sadd.s32 $0x20, s28;
	[smem:$0x7E0] =	sst s22  }
0x31: {  	s24 =	sadd.s32 $0x2020, s28;
	[smem:$0x7E1] =	sst s23  }
0x32: {  	s25 =	sadd.s32 $0x30, s28;
	[smem:$0x7E2] =	sst s24  }
0x33: {  	s26 =	sadd.s32 $0x2030, s28;
	[smem:$0x7E3] =	sst s25  }
0x34: {  	s2 =	sadd.s32 $0x40, s28;
	[smem:$0x7E4] =	sst s26  }
0x35: {  	s3 =	sadd.s32 $0x2040, s28;
	[smem:$0x7E5] =	sst s2  }
0x36: {  	s4 =	sadd.s32 $0x50, s28;
	[smem:$0x7E6] =	sst s3  }
0x37: {  	s5 =	sadd.s32 $0x2050, s28;
	[smem:$0x7E7] =	sst s4  }
0x38: {  	s6 =	sadd.s32 $0x60, s28;
	[smem:$0x7E8] =	sst s5  }
0x39: {  	s7 =	sadd.s32 $0x2060, s28;
	[smem:$0x7E9] =	sst s6  }
0x3a: {  	s8 =	sadd.s32 $0x70, s28;
	[smem:$0x7EA] =	sst s7  }
0x3b: {  	s9 =	sadd.s32 $0x2070, s28;
	[smem:$0x7EB] =	sst s8  }
0x3c: {  	s10 =	sadd.s32 $0x4000, s28;
	[smem:$0x7EC] =	sst s9  }
0x3d: {  	s11 =	sadd.s32 $0x6000, s28;
	[smem:$0x7ED] =	sst s10  }
0x3e: {  	s12 =	sadd.s32 $0x4010, s28;
	[smem:$0x7EE] =	sst s11  }
0x3f: {  	s13 =	sadd.s32 $0x6010, s28;
	[smem:$0x7EF] =	sst s12  }
0x40: {  	s14 =	sadd.s32 $0x4020, s28;
	[smem:$0x7F0] =	sst s13  }
0x41: {  	s15 =	sadd.s32 $0x6020, s28;
	[smem:$0x7F1] =	sst s14  }
0x42: {  	s16 =	sadd.s32 $0x4030, s28;
	[smem:$0x7F2] =	sst s15  }
0x43: {  	s17 =	sadd.s32 $0x6030, s28;
	[smem:$0x7F3] =	sst s16  }
0x44: {  	s29 =	simm.s32 $0x2;
	s18 =	sadd.s32 $0x4040, s28;
	[smem:$0x7F4] =	sst s17  }
0x45: {  	s30 =	simm.s32 $0x1;
	s31 =	simm.s32 $0x3;
	[smem:$0x7F5] =	sst s18  }
0x46: {  	s19 =	sadd.s32 $0x6040, s28;
	s20 =	sadd.s32 $0x4050, s28;
	s21 =	sadd.s32 $0x6050, s28  }
0x47: {  	s22 =	sadd.s32 $0x4060, s28;
	s23 =	sadd.s32 $0x6060, s28;
	s24 =	sadd.s32 $0x4070, s28  }
0x48: {  	s25 =	sadd.s32 $0x6070, s28;
	s26 =	sadd.s32 $0x8000, s28;
	s4 =	sadd.s32 $0xA000, s28  }
0x49: {  	s5 =	sadd.s32 $0x8010, s28;
	s6 =	sadd.s32 $0xA010, s28;
	[smem:$0x7F6] =	sst s19  }
0x4a: {  	s7 =	sadd.s32 $0x8020, s28;
	s8 =	sadd.s32 $0xA020, s28;
	[smem:$0x7F7] =	sst s20  }
0x4b: {  	s9 =	sadd.s32 $0x8030, s28;
	s10 =	sadd.s32 $0xA030, s28;
	[smem:$0x7F8] =	sst s21  }
0x4c: {  	s11 =	sadd.s32 $0x8040, s28;
	s12 =	sadd.s32 $0xA040, s28;
	[smem:$0x7F9] =	sst s22  }
0x4d: {  	s13 =	sadd.s32 $0x8050, s28;
	s14 =	sadd.s32 $0xA050, s28;
	[smem:$0x7FA] =	sst s23  }
0x4e: {  	s15 =	sadd.s32 $0x8060, s28;
	s16 =	sadd.s32 $0xA060, s28;
	[smem:$0x7FB] =	sst s24  }
0x4f: {  	s17 =	sadd.s32 $0x8070, s28;
	s18 =	sadd.s32 $0xA070, s28;
	[smem:$0x7FC] =	sst s25  }
0x50: {  	[smem:$0x7FD] =	sst s26;
	s19 =	sadd.s32 $0xC000, s28;
	s20 =	sadd.s32 $0xE000, s28  }
0x51: {  	s21 =	sadd.s32 $0xC010, s28;
	s22 =	sadd.s32 $0xE010, s28;
	s23 =	simm.s32 $0x80  }
0x52: {  	s24 =	simm.s32 $0x400;
	s25 =	simm.s32 $0x18700;
	s26 =	simm.s32 $0x0  }
.LBB2_1:
0x53: {  	s0 =	rddreg [dreg:$0x4]  }
0x54: {  	[tilespmem:s1], [sflag:$0x1] =	stream.strided.gather [hbm4b:s0+s23], $0x18700, s24, s23, $0x38;
	[tilespmem:$0x1E700] =	vst v63  }
0x55: {  	_ = 	snop  }
0x56: {  	[tilespmem:s25], [sflag:$0x2] =	stream.strided.gather [hbm4b:s28+s23], $0x2000, s24, s23, $0x38;
	[tilespmem:$0x1E700] =	vst v63  }
0x57: {  	_ =	swait.ge [sflag:s29], $0x2000  }
0x58: {  	[sflag:s29] =	ssyncset.done $0x0  }
0x59: {  	[sflag:s29] =	ssyncadd.s32 $0xFFFFE000  }
0x5a: {  	_ =	swait.ge [sflag:s30], $0x18700  }
0x5b: {  	[sflag:s30] =	ssyncset.done $0x0  }
0x5c: {  	s3 =	simm.s32 $0x18740;
	[sflag:s30] =	ssyncadd.s32 $0xFFFE7900  }
0x5d: {  	v0 =	vld [tilespmem:s3+$0x30]  }
0x5e: {  	v1 =	vld [tilespmem:s3+$0xFFFFFFD0]  }
0x5f: {  	v2 =	vld [tilespmem:s3+$0xFFFFFFE0]  }
0x60: {  	v3 =	vld [tilespmem:s3+$0xFFFFFFF0]  }
0x61: {  	v4 =	vld [tilespmem:s3+$0x0]  }
0x62: {  	v6 =	vld [tilespmem:s3+$0x10]  }
0x63: {  	v7 =	vld [tilespmem:s3+$0x20]  }
0x64: {  	v8 =	vld [tilespmem:s3+$0xFFFFFFC0]  }
0x65: {  	v9 =	vld.idx.msk [tilespmem:v0+s1+$0x0], $0xffff  }
0x66: {  	v10 =	vld.idx.msk [tilespmem:v1+s1+$0x0], $0xffff  }
0x67: {  	v5 =	vld.idx.msk [tilespmem:v2+s1+$0x0], $0xffff  }
0x68: {  	v3 =	vld.idx.msk [tilespmem:v3+s1+$0x0], $0xffff  }
0x69: {  	v0 =	vld.idx.msk [tilespmem:v4+s1+$0x0], $0xffff  }
0x6a: {  	s0 =	simm.s32 $0x1A740;
	v1 =	vld.idx.msk [tilespmem:v6+s1+$0x0], $0xffff  }
0x6b: {  	v2 =	vld.idx.msk [tilespmem:v7+s1+$0x0], $0xffff;
	[tilespmem:s0+$0x30] =	vst v9  }
0x6c: {  	s2 =	simm.s32 $0x0;
	s3 =	simm.s32 $0x187C0;
	v4 =	vld.idx.msk [tilespmem:v8+s1+$0x0], $0xffff;
	[tilespmem:s0+$0xFFFFFFD0] =	vst v10  }
.LBB2_2:
0x6d: {  	v6 =	vld [tilespmem:s3+$0x30];
	s2 =	sadd.s32 $0x80, s2;
	[tilespmem:s0+$0xFFFFFFE0] =	vst v5  }
0x6e: {  	v5 =	vld [tilespmem:s3+$0xFFFFFFD0];
	p0 =	slt.u32 s2, $0x1F80;
	[tilespmem:s0+$0xFFFFFFF0] =	vst v3  }
0x6f: {  	v3 =	vld [tilespmem:s3+$0xFFFFFFE0];
	[tilespmem:s0+$0x0] =	vst v0  }
0x70: {  	v0 =	vld [tilespmem:s3+$0xFFFFFFF0];
	[tilespmem:s0+$0x10] =	vst v1  }
0x71: {  	v1 =	vld [tilespmem:s3+$0x0];
	[tilespmem:s0+$0x20] =	vst v2  }
0x72: {  	v2 =	vld [tilespmem:s3+$0x10];
	[tilespmem:s0+$0xFFFFFFC0] =	vst v4  }
0x73: {  	v4 =	vld [tilespmem:s3+$0x20]  }
0x74: {  	v7 =	vld [tilespmem:s3+$0xFFFFFFC0]  }
0x75: {  	v6 =	vld.idx.msk [tilespmem:v6+s1+$0x0], $0xffff  }
0x76: {  	v8 =	vld.idx.msk [tilespmem:v5+s1+$0x0], $0xffff  }
0x77: {  	v5 =	vld.idx.msk [tilespmem:v3+s1+$0x0], $0xffff  }
.Ltmp0:
0x78: {  	v3 =	vld.idx.msk [tilespmem:v0+s1+$0x0], $0xffff;
	(pc) =	sbr.rel @p0 .LBB2_2-.Ltmp0, $4  }
0x79: {  	v0 =	vld.idx.msk [tilespmem:v1+s1+$0x0], $0xffff  }
0x7a: {  	s0 =	sadd.s32 $0x80, s0;
	v1 =	vld.idx.msk [tilespmem:v2+s1+$0x0], $0xffff  }
0x7b: {  	v2 =	vld.idx.msk [tilespmem:v4+s1+$0x0], $0xffff;
	[tilespmem:s0+$0x30] =	vst v6  }
0x7c: {  	s3 =	sadd.s32 $0x80, s3;
	v4 =	vld.idx.msk [tilespmem:v7+s1+$0x0], $0xffff;
	[tilespmem:s0+$0xFFFFFFD0] =	vst v8  }
0x7d: {  	[tilespmem:s0+$0xFFFFFFE0] =	vst v5  }
0x7e: {  	[tilespmem:s0+$0xFFFFFFF0] =	vst v3  }
0x7f: {  	[tilespmem:s0+$0x0] =	vst v0  }
0x80: {  	[tilespmem:s0+$0x10] =	vst v1  }
0x81: {  	[tilespmem:s0+$0x20] =	vst v2  }
0x82: {  	[tilespmem:s0+$0xFFFFFFC0] =	vst v4  }
0x83: {  	s0 =	sld [smem:$0x7DE];
	_ =	sdelay $0x2  }
0x84: {  	[tilespmem:s25], [sflag:$0x2] =	stream.strided.gather [hbm4b:s0+s23], $0x2000, s24, s23, $0x38;
	[tilespmem:$0x1E700] =	vst v63  }
0x85: {  	_ =	swait.ge [sflag:s29], $0x2000  }
0x86: {  	[sflag:s29] =	ssyncset.done $0x0  }
0x87: {  	s3 =	simm.s32 $0x18740;
	[sflag:s29] =	ssyncadd.s32 $0xFFFFE000  }
0x88: {  	v0 =	vld [tilespmem:s3+$0x30]  }
0x89: {  	v1 =	vld [tilespmem:s3+$0xFFFFFFD0]  }
0x8a: {  	v2 =	vld [tilespmem:s3+$0xFFFFFFE0]  }
0x8b: {  	v3 =	vld [tilespmem:s3+$0xFFFFFFF0]  }
0x8c: {  	v4 =	vld [tilespmem:s3+$0x0]  }
0x8d: {  	v6 =	vld [tilespmem:s3+$0x10]  }
0x8e: {  	v7 =	vld [tilespmem:s3+$0x20]  }
0x8f: {  	v8 =	vld [tilespmem:s3+$0xFFFFFFC0]  }
0x90: {  	v9 =	vld.idx.msk [tilespmem:v0+s1+$0x0], $0xffff  }
0x91: {  	v10 =	vld.idx.msk [tilespmem:v1+s1+$0x0], $0xffff  }
0x92: {  	v5 =	vld.idx.msk [tilespmem:v2+s1+$0x0], $0xffff  }
0x93: {  	v3 =	vld.idx.msk [tilespmem:v3+s1+$0x0], $0xffff  }
0x94: {  	v0 =	vld.idx.msk [tilespmem:v4+s1+$0x0], $0xffff  }
0x95: {  	s0 =	simm.s32 $0x1C770;
	v1 =	vld.idx.msk [tilespmem:v6+s1+$0x0], $0xffff  }
0x96: {  	v2 =	vld.idx.msk [tilespmem:v7+s1+$0x0], $0xffff;
	[tilespmem:s0+$0x0] =	vst v9  }
0x97: {  	s2 =	simm.s32 $0x0;
	s3 =	simm.s32 $0x187C0;
	v4 =	vld.idx.msk [tilespmem:v8+s1+$0x0], $0xffff;
	[tilespmem:s0+$0xFFFFFFA0] =	vst v10  }
.LBB2_4:
0x98: {  	v6 =	vld [tilespmem:s3+$0x30];
	s2 =	sadd.s32 $0x80, s2;
	[tilespmem:s0+$0xFFFFFFB0] =	vst v5  }
0x99: {  	v5 =	vld [tilespmem:s3+$0xFFFFFFD0];
	p0 =	slt.u32 s2, $0x1F80;
	[tilespmem:s0+$0xFFFFFFC0] =	vst v3  }
0x9a: {  	v3 =	vld [tilespmem:s3+$0xFFFFFFE0];
	[tilespmem:s0+$0xFFFFFFD0] =	vst v0  }
0x9b: {  	v0 =	vld [tilespmem:s3+$0xFFFFFFF0];
	[tilespmem:s0+$0xFFFFFFE0] =	vst v1  }
0x9c: {  	v1 =	vld [tilespmem:s3+$0x0];
	[tilespmem:s0+$0xFFFFFFF0] =	vst v2  }
0x9d: {  	v2 =	vld [tilespmem:s3+$0x10];
	[tilespmem:s0+$0xFFFFFF90] =	vst v4  }
0x9e: {  	v4 =	vld [tilespmem:s3+$0x20]  }
0x9f: {  	v7 =	vld [tilespmem:s3+$0xFFFFFFC0]  }
0xa0: {  	v6 =	vld.idx.msk [tilespmem:v6+s1+$0x0], $0xffff  }
0xa1: {  	v8 =	vld.idx.msk [tilespmem:v5+s1+$0x0], $0xffff  }
0xa2: {  	v5 =	vld.idx.msk [tilespmem:v3+s1+$0x0], $0xffff  }
.Ltmp1:
0xa3: {  	v3 =	vld.idx.msk [tilespmem:v0+s1+$0x0], $0xffff;
	(pc) =	sbr.rel @p0 .LBB2_4-.Ltmp1, $4  }
0xa4: {  	v0 =	vld.idx.msk [tilespmem:v1+s1+$0x0], $0xffff  }
0xa5: {  	s0 =	sadd.s32 $0x80, s0;
	v1 =	vld.idx.msk [tilespmem:v2+s1+$0x0], $0xffff  }
0xa6: {  	v2 =	vld.idx.msk [tilespmem:v4+s1+$0x0], $0xffff;
	[tilespmem:s0+$0x0] =	vst v6  }
0xa7: {  	s3 =	sadd.s32 $0x80, s3;
	v4 =	vld.idx.msk [tilespmem:v7+s1+$0x0], $0xffff;
	[tilespmem:s0+$0xFFFFFFA0] =	vst v8  }
0xa8: {  	[tilespmem:s0+$0xFFFFFFB0] =	vst v5  }
0xa9: {  	[tilespmem:s0+$0xFFFFFFC0] =	vst v3  }
0xaa: {  	[tilespmem:s0+$0xFFFFFFD0] =	vst v0  }
0xab: {  	[tilespmem:s0+$0xFFFFFFE0] =	vst v1  }
0xac: {  	[tilespmem:s0+$0xFFFFFFF0] =	vst v2  }
0xad: {  	[tilespmem:s0+$0xFFFFFF90] =	vst v4  }
0xae: {  	s3 =	simm.s32 $0x0;
	s2 =	rddreg [dreg:$0x5]  }
0xaf: {  	[tilespmem:s3], [sflag:$0x1] =	stream.strided.gather [hbm4b:s2+s23], $0x18700, s24, s23, $0x38;
	[tilespmem:$0x1E700] =	vst v63  }
0xb0: {  	s3 =	sld [smem:$0x7DF];
	_ =	sdelay $0x2  }
0xb1: {  	[tilespmem:s25], [sflag:$0x2] =	stream.strided.gather [hbm4b:s3+s23], $0x2000, s24, s23, $0x38;
	[tilespmem:$0x1E700] =	vst v63  }
0xb2: {  	_ =	swait.ge [sflag:s29], $0x2000  }
0xb3: {  	[sflag:s29] =	ssyncset.done $0x0  }
0xb4: {  	[sflag:s29] =	ssyncadd.s32 $0xFFFFE000  }
0xb5: {  	_ =	swait.ge [sflag:s30], $0x18700  }
0xb6: {  	[sflag:s30] =	ssyncset.done $0x0  }
0xb7: {  	s0 =	simm.s32 $0x0;
	[sflag:s30] =	ssyncadd.s32 $0xFFFE7900  }
0xb8: {  	v0 =	vld [tilespmem:s0+$0x18770]  }
0xb9: {  	v1 =	vld [tilespmem:s0+$0x18700]  }
0xba: {  	v2 =	vld [tilespmem:s0+$0x18710]  }
0xbb: {  	v3 =	vld [tilespmem:s0+$0x18720]  }
0xbc: {  	v62 =	vld [tilespmem:s0+$0x18730]  }
0xbd: {  	v63 =	vld [tilespmem:s0+$0x18740]  }
0xbe: {  	v6 =	vld [tilespmem:s0+$0x18750]  }
0xbf: {  	v7 =	vld [tilespmem:s0+$0x18760]  }
0xc0: {  	v0 =	vld.idx.msk [tilespmem:v0+s1+$0x0], $0xffff  }
0xc1: {  	v1 =	vld.idx.msk [tilespmem:v1+s1+$0x0], $0xffff  }
0xc2: {  	v2 =	vld.idx.msk [tilespmem:v2+s1+$0x0], $0xffff  }
0xc3: {  	v3 =	vld.idx.msk [tilespmem:v3+s1+$0x0], $0xffff  }
0xc4: {  	v4 =	vld.idx.msk [tilespmem:v62+s1+$0x0], $0xffff  }
0xc5: {  	v5 =	vld.idx.msk [tilespmem:v63+s1+$0x0], $0xffff  }
0xc6: {  	v6 =	vld.idx.msk [tilespmem:v6+s1+$0x0], $0xffff  }
0xc7: {  	[tilespmem:s0+$0x1A770] =	vst.add.f32.msk $0xffff, v0  }
0xc8: {  	v0 =	vld.idx.msk [tilespmem:v7+s1+$0x0], $0xffff  }
0xc9: {  	[tilespmem:s0+$0x1A700] =	vst.add.f32.msk $0xffff, v1  }
0xca: {  	[tilespmem:s0+$0x1A710] =	vst.add.f32.msk $0xffff, v2  }
0xcb: {  	[tilespmem:s0+$0x1A720] =	vst.add.f32.msk $0xffff, v3  }
0xcc: {  	[tilespmem:s0+$0x1A730] =	vst.add.f32.msk $0xffff, v4  }
0xcd: {  	[tilespmem:s0+$0x1A740] =	vst.add.f32.msk $0xffff, v5  }
0xce: {  	s2 =	simm.s32 $0x0;
	s3 =	simm.s32 $0x200;
	[tilespmem:s0+$0x1A750] =	vst.add.f32.msk $0xffff, v6  }
.LBB2_6:
0xcf: {  	s2 =	sadd.s32 $0x80, s2;
	[tilespmem:s0+$0x1A760] =	vst.add.f32.msk $0xffff, v0;
	s0 =	sshra.s32 s3, $0x2  }
0xd0: {  	v0 =	vld [tilespmem:s0+$0x18770];
	p0 =	slt.u32 s2, $0x1F80  }
0xd1: {  	v1 =	vld [tilespmem:s0+$0x18700]  }
0xd2: {  	v2 =	vld [tilespmem:s0+$0x18710]  }
0xd3: {  	v3 =	vld [tilespmem:s0+$0x18720]  }
0xd4: {  	v4 =	vld [tilespmem:s0+$0x18730]  }
0xd5: {  	v5 =	vld [tilespmem:s0+$0x18740]  }
0xd6: {  	v6 =	vld [tilespmem:s0+$0x18750]  }
0xd7: {  	v7 =	vld [tilespmem:s0+$0x18760]  }
0xd8: {  	v0 =	vld.idx.msk [tilespmem:v0+s1+$0x0], $0xffff  }
0xd9: {  	v1 =	vld.idx.msk [tilespmem:v1+s1+$0x0], $0xffff  }
0xda: {  	v2 =	vld.idx.msk [tilespmem:v2+s1+$0x0], $0xffff  }
0xdb: {  	v3 =	vld.idx.msk [tilespmem:v3+s1+$0x0], $0xffff  }
0xdc: {  	v4 =	vld.idx.msk [tilespmem:v4+s1+$0x0], $0xffff  }
0xdd: {  	v5 =	vld.idx.msk [tilespmem:v5+s1+$0x0], $0xffff  }
0xde: {  	[tilespmem:s0+$0x1A770] =	vst.add.f32.msk $0xffff, v0  }
0xdf: {  	v6 =	vld.idx.msk [tilespmem:v6+s1+$0x0], $0xffff  }
0xe0: {  	v0 =	vld.idx.msk [tilespmem:v7+s1+$0x0], $0xffff  }
0xe1: {  	[tilespmem:s0+$0x1A700] =	vst.add.f32.msk $0xffff, v1  }
.Ltmp2:
0xe2: {  	[tilespmem:s0+$0x1A710] =	vst.add.f32.msk $0xffff, v2;
	(pc) =	sbr.rel @p0 .LBB2_6-.Ltmp2, $4  }
0xe3: {  	[tilespmem:s0+$0x1A720] =	vst.add.f32.msk $0xffff, v3  }
0xe4: {  	[tilespmem:s0+$0x1A730] =	vst.add.f32.msk $0xffff, v4  }
0xe5: {  	[tilespmem:s0+$0x1A740] =	vst.add.f32.msk $0xffff, v5  }
0xe6: {  	s3 =	sadd.s32 $0x200, s3;
	[tilespmem:s0+$0x1A750] =	vst.add.f32.msk $0xffff, v6  }
0xe7: {  	[tilespmem:s0+$0x1A760] =	vst.add.f32.msk $0xffff, v0  }
0xe8: {  	s0 =	sld [smem:$0x7E0];
	_ =	sdelay $0x2  }
0xe9: {  	[tilespmem:s25], [sflag:$0x2] =	stream.strided.gather [hbm4b:s0+s23], $0x2000, s24, s23, $0x38;
	[tilespmem:$0x1E700] =	vst v63  }
0xea: {  	_ =	swait.ge [sflag:s29], $0x2000  }
0xeb: {  	[sflag:s29] =	ssyncset.done $0x0  }
0xec: {  	s0 =	simm.s32 $0x0;
	[sflag:s29] =	ssyncadd.s32 $0xFFFFE000  }
0xed: {  	v0 =	vld [tilespmem:s0+$0x18770]  }
0xee: {  	v1 =	vld [tilespmem:s0+$0x18700]  }
0xef: {  	v2 =	vld [tilespmem:s0+$0x18710]  }
0xf0: {  	v3 =	vld [tilespmem:s0+$0x18720]  }
0xf1: {  	v4 =	vld [tilespmem:s0+$0x18730]  }
0xf2: {  	v5 =	vld [tilespmem:s0+$0x18740]  }
0xf3: {  	v6 =	vld [tilespmem:s0+$0x18750]  }
0xf4: {  	v7 =	vld [tilespmem:s0+$0x18760]  }
0xf5: {  	v0 =	vld.idx.msk [tilespmem:v0+s1+$0x0], $0xffff  }
0xf6: {  	v1 =	vld.idx.msk [tilespmem:v1+s1+$0x0], $0xffff  }
0xf7: {  	v2 =	vld.idx.msk [tilespmem:v2+s1+$0x0], $0xffff  }
0xf8: {  	v3 =	vld.idx.msk [tilespmem:v3+s1+$0x0], $0xffff  }
0xf9: {  	v4 =	vld.idx.msk [tilespmem:v4+s1+$0x0], $0xffff  }
0xfa: {  	v5 =	vld.idx.msk [tilespmem:v5+s1+$0x0], $0xffff  }
0xfb: {  	v6 =	vld.idx.msk [tilespmem:v6+s1+$0x0], $0xffff  }
0xfc: {  	[tilespmem:s0+$0x1C770] =	vst.add.f32.msk $0xffff, v0  }
0xfd: {  	v0 =	vld.idx.msk [tilespmem:v7+s1+$0x0], $0xffff  }
0xfe: {  	[tilespmem:s0+$0x1C700] =	vst.add.f32.msk $0xffff, v1  }
0xff: {  	[tilespmem:s0+$0x1C710] =	vst.add.f32.msk $0xffff, v2  }
0x100: {  	[tilespmem:s0+$0x1C720] =	vst.add.f32.msk $0xffff, v3  }
0x101: {  	[tilespmem:s0+$0x1C730] =	vst.add.f32.msk $0xffff, v4  }
0x102: {  	[tilespmem:s0+$0x1C740] =	vst.add.f32.msk $0xffff, v5  }
0x103: {  	s2 =	simm.s32 $0x0;
	s3 =	simm.s32 $0x200;
	[tilespmem:s0+$0x1C750] =	vst.add.f32.msk $0xffff, v6  }
.LBB2_8:
0x104: {  	s2 =	sadd.s32 $0x80, s2;
	[tilespmem:s0+$0x1C760] =	vst.add.f32.msk $0xffff, v0;
	s0 =	sshra.s32 s3, $0x2  }
0x105: {  	v0 =	vld [tilespmem:s0+$0x18770];
	p0 =	slt.u32 s2, $0x1F80  }
0x106: {  	v1 =	vld [tilespmem:s0+$0x18700]  }
0x107: {  	v2 =	vld [tilespmem:s0+$0x18710]  }
0x108: {  	v3 =	vld [tilespmem:s0+$0x18720]  }
0x109: {  	v4 =	vld [tilespmem:s0+$0x18730]  }
0x10a: {  	v5 =	vld [tilespmem:s0+$0x18740]  }
0x10b: {  	v6 =	vld [tilespmem:s0+$0x18750]  }
0x10c: {  	v7 =	vld [tilespmem:s0+$0x18760]  }
0x10d: {  	v0 =	vld.idx.msk [tilespmem:v0+s1+$0x0], $0xffff  }
0x10e: {  	v1 =	vld.idx.msk [tilespmem:v1+s1+$0x0], $0xffff  }
0x10f: {  	v2 =	vld.idx.msk [tilespmem:v2+s1+$0x0], $0xffff  }
0x110: {  	v3 =	vld.idx.msk [tilespmem:v3+s1+$0x0], $0xffff  }
0x111: {  	v4 =	vld.idx.msk [tilespmem:v4+s1+$0x0], $0xffff  }
0x112: {  	v5 =	vld.idx.msk [tilespmem:v5+s1+$0x0], $0xffff  }
0x113: {  	[tilespmem:s0+$0x1C770] =	vst.add.f32.msk $0xffff, v0  }
0x114: {  	v6 =	vld.idx.msk [tilespmem:v6+s1+$0x0], $0xffff  }
0x115: {  	v0 =	vld.idx.msk [tilespmem:v7+s1+$0x0], $0xffff  }
0x116: {  	[tilespmem:s0+$0x1C700] =	vst.add.f32.msk $0xffff, v1  }
.Ltmp3:
0x117: {  	[tilespmem:s0+$0x1C710] =	vst.add.f32.msk $0xffff, v2;
	(pc) =	sbr.rel @p0 .LBB2_8-.Ltmp3, $4  }
0x118: {  	[tilespmem:s0+$0x1C720] =	vst.add.f32.msk $0xffff, v3  }
0x119: {  	[tilespmem:s0+$0x1C730] =	vst.add.f32.msk $0xffff, v4  }
0x11a: {  	[tilespmem:s0+$0x1C740] =	vst.add.f32.msk $0xffff, v5  }
0x11b: {  	s3 =	sadd.s32 $0x200, s3;
	[tilespmem:s0+$0x1C750] =	vst.add.f32.msk $0xffff, v6  }
0x11c: {  	[tilespmem:s0+$0x1C760] =	vst.add.f32.msk $0xffff, v0  }
0x11d: {  	s3 =	simm.s32 $0x0;
	s2 =	rddreg [dreg:$0x6]  }
0x11e: {  	[tilespmem:s3], [sflag:$0x1] =	stream.strided.gather [hbm4b:s2+s23], $0x18700, s24, s23, $0x38;
	[tilespmem:$0x1E700] =	vst v63  }
0x11f: {  	s3 =	sld [smem:$0x7E1];
	_ =	sdelay $0x2  }
0x120: {  	[tilespmem:s25], [sflag:$0x2] =	stream.strided.gather [hbm4b:s3+s23], $0x2000, s24, s23, $0x38;
	[tilespmem:$0x1E700] =	vst v63  }
0x121: {  	_ =	swait.ge [sflag:s29], $0x2000  }
0x122: {  	[sflag:s29] =	ssyncset.done $0x0  }
0x123: {  	[sflag:s29] =	ssyncadd.s32 $0xFFFFE000  }
0x124: {  	_ =	swait.ge [sflag:s30], $0x18700  }
0x125: {  	[sflag:s30] =	ssyncset.done $0x0  }
0x126: {  	s0 =	simm.s32 $0x0;
	[sflag:s30] =	ssyncadd.s32 $0xFFFE7900  }
0x127: {  	v0 =	vld [tilespmem:s0+$0x18770]  }
0x128: {  	v1 =	vld [tilespmem:s0+$0x18700]  }
0x129: {  	v2 =	vld [tilespmem:s0+$0x18710]  }
0x12a: {  	v3 =	vld [tilespmem:s0+$0x18720]  }
0x12b: {  	v4 =	vld [tilespmem:s0+$0x18730]  }
0x12c: {  	v5 =	vld [tilespmem:s0+$0x18740]  }
0x12d: {  	v6 =	vld [tilespmem:s0+$0x18750]  }
0x12e: {  	v7 =	vld [tilespmem:s0+$0x18760]  }
0x12f: {  	v0 =	vld.idx.msk [tilespmem:v0+s1+$0x0], $0xffff  }
0x130: {  	v1 =	vld.idx.msk [tilespmem:v1+s1+$0x0], $0xffff  }
0x131: {  	v2 =	vld.idx.msk [tilespmem:v2+s1+$0x0], $0xffff  }
0x132: {  	v3 =	vld.idx.msk [tilespmem:v3+s1+$0x0], $0xffff  }
0x133: {  	v4 =	vld.idx.msk [tilespmem:v4+s1+$0x0], $0xffff  }
0x134: {  	v5 =	vld.idx.msk [tilespmem:v5+s1+$0x0], $0xffff  }
0x135: {  	v6 =	vld.idx.msk [tilespmem:v6+s1+$0x0], $0xffff  }
0x136: {  	[tilespmem:s0+$0x1A770] =	vst.add.f32.msk $0xffff, v0  }
0x137: {  	v0 =	vld.idx.msk [tilespmem:v7+s1+$0x0], $0xffff  }
0x138: {  	[tilespmem:s0+$0x1A700] =	vst.add.f32.msk $0xffff, v1  }
0x139: {  	[tilespmem:s0+$0x1A710] =	vst.add.f32.msk $0xffff, v2  }
0x13a: {  	[tilespmem:s0+$0x1A720] =	vst.add.f32.msk $0xffff, v3  }
0x13b: {  	[tilespmem:s0+$0x1A730] =	vst.add.f32.msk $0xffff, v4  }
0x13c: {  	[tilespmem:s0+$0x1A740] =	vst.add.f32.msk $0xffff, v5  }
0x13d: {  	s2 =	simm.s32 $0x0;
	s3 =	simm.s32 $0x200;
	[tilespmem:s0+$0x1A750] =	vst.add.f32.msk $0xffff, v6  }
.LBB2_10:
0x13e: {  	s2 =	sadd.s32 $0x80, s2;
	[tilespmem:s0+$0x1A760] =	vst.add.f32.msk $0xffff, v0;
	s0 =	sshra.s32 s3, $0x2  }
0x13f: {  	v0 =	vld [tilespmem:s0+$0x18770];
	p0 =	slt.u32 s2, $0x1F80  }
0x140: {  	v1 =	vld [tilespmem:s0+$0x18700]  }
0x141: {  	v2 =	vld [tilespmem:s0+$0x18710]  }
0x142: {  	v3 =	vld [tilespmem:s0+$0x18720]  }
0x143: {  	v4 =	vld [tilespmem:s0+$0x18730]  }
0x144: {  	v5 =	vld [tilespmem:s0+$0x18740]  }
0x145: {  	v6 =	vld [tilespmem:s0+$0x18750]  }
0x146: {  	v7 =	vld [tilespmem:s0+$0x18760]  }
0x147: {  	v0 =	vld.idx.msk [tilespmem:v0+s1+$0x0], $0xffff  }
0x148: {  	v1 =	vld.idx.msk [tilespmem:v1+s1+$0x0], $0xffff  }
0x149: {  	v2 =	vld.idx.msk [tilespmem:v2+s1+$0x0], $0xffff  }
0x14a: {  	v3 =	vld.idx.msk [tilespmem:v3+s1+$0x0], $0xffff  }
0x14b: {  	v4 =	vld.idx.msk [tilespmem:v4+s1+$0x0], $0xffff  }
0x14c: {  	v5 =	vld.idx.msk [tilespmem:v5+s1+$0x0], $0xffff  }
0x14d: {  	[tilespmem:s0+$0x1A770] =	vst.add.f32.msk $0xffff, v0  }
0x14e: {  	v6 =	vld.idx.msk [tilespmem:v6+s1+$0x0], $0xffff  }
0x14f: {  	v0 =	vld.idx.msk [tilespmem:v7+s1+$0x0], $0xffff  }
0x150: {  	[tilespmem:s0+$0x1A700] =	vst.add.f32.msk $0xffff, v1  }
.Ltmp4:
0x151: {  	[tilespmem:s0+$0x1A710] =	vst.add.f32.msk $0xffff, v2;
	(pc) =	sbr.rel @p0 .LBB2_10-.Ltmp4, $4  }
0x152: {  	[tilespmem:s0+$0x1A720] =	vst.add.f32.msk $0xffff, v3  }
0x153: {  	[tilespmem:s0+$0x1A730] =	vst.add.f32.msk $0xffff, v4  }
0x154: {  	[tilespmem:s0+$0x1A740] =	vst.add.f32.msk $0xffff, v5  }
0x155: {  	s3 =	sadd.s32 $0x200, s3;
	[tilespmem:s0+$0x1A750] =	vst.add.f32.msk $0xffff, v6  }
0x156: {  	[tilespmem:s0+$0x1A760] =	vst.add.f32.msk $0xffff, v0  }
0x157: {  	s0 =	sld [smem:$0x7E2];
	_ =	sdelay $0x2  }
0x158: {  	[tilespmem:s25], [sflag:$0x2] =	stream.strided.gather [hbm4b:s0+s23], $0x2000, s24, s23, $0x38;
	[tilespmem:$0x1E700] =	vst v63  }
0x159: {  	_ =	swait.ge [sflag:s29], $0x2000  }
0x15a: {  	[sflag:s29] =	ssyncset.done $0x0  }
0x15b: {  	s0 =	simm.s32 $0x0;
	[sflag:s29] =	ssyncadd.s32 $0xFFFFE000  }
0x15c: {  	v0 =	vld [tilespmem:s0+$0x18770]  }
0x15d: {  	v1 =	vld [tilespmem:s0+$0x18700]  }
0x15e: {  	v2 =	vld [tilespmem:s0+$0x18710]  }
0x15f: {  	v3 =	vld [tilespmem:s0+$0x18720]  }
0x160: {  	v4 =	vld [tilespmem:s0+$0x18730]  }
0x161: {  	v5 =	vld [tilespmem:s0+$0x18740]  }
0x162: {  	v6 =	vld [tilespmem:s0+$0x18750]  }
0x163: {  	v7 =	vld [tilespmem:s0+$0x18760]  }
0x164: {  	v0 =	vld.idx.msk [tilespmem:v0+s1+$0x0], $0xffff  }
0x165: {  	v1 =	vld.idx.msk [tilespmem:v1+s1+$0x0], $0xffff  }
0x166: {  	v2 =	vld.idx.msk [tilespmem:v2+s1+$0x0], $0xffff  }
0x167: {  	v3 =	vld.idx.msk [tilespmem:v3+s1+$0x0], $0xffff  }
0x168: {  	v4 =	vld.idx.msk [tilespmem:v4+s1+$0x0], $0xffff  }
0x169: {  	v5 =	vld.idx.msk [tilespmem:v5+s1+$0x0], $0xffff  }
0x16a: {  	v6 =	vld.idx.msk [tilespmem:v6+s1+$0x0], $0xffff  }
0x16b: {  	[tilespmem:s0+$0x1C770] =	vst.add.f32.msk $0xffff, v0  }
0x16c: {  	v0 =	vld.idx.msk [tilespmem:v7+s1+$0x0], $0xffff  }
0x16d: {  	[tilespmem:s0+$0x1C700] =	vst.add.f32.msk $0xffff, v1  }
0x16e: {  	[tilespmem:s0+$0x1C710] =	vst.add.f32.msk $0xffff, v2  }
0x16f: {  	[tilespmem:s0+$0x1C720] =	vst.add.f32.msk $0xffff, v3  }
0x170: {  	[tilespmem:s0+$0x1C730] =	vst.add.f32.msk $0xffff, v4  }
0x171: {  	[tilespmem:s0+$0x1C740] =	vst.add.f32.msk $0xffff, v5  }
0x172: {  	s2 =	simm.s32 $0x0;
	s3 =	simm.s32 $0x200;
	[tilespmem:s0+$0x1C750] =	vst.add.f32.msk $0xffff, v6  }
.LBB2_12:
0x173: {  	s2 =	sadd.s32 $0x80, s2;
	[tilespmem:s0+$0x1C760] =	vst.add.f32.msk $0xffff, v0;
	s0 =	sshra.s32 s3, $0x2  }
0x174: {  	v0 =	vld [tilespmem:s0+$0x18770];
	p0 =	slt.u32 s2, $0x1F80  }
0x175: {  	v1 =	vld [tilespmem:s0+$0x18700]  }
0x176: {  	v2 =	vld [tilespmem:s0+$0x18710]  }
0x177: {  	v3 =	vld [tilespmem:s0+$0x18720]  }
0x178: {  	v4 =	vld [tilespmem:s0+$0x18730]  }
0x179: {  	v5 =	vld [tilespmem:s0+$0x18740]  }
0x17a: {  	v6 =	vld [tilespmem:s0+$0x18750]  }
0x17b: {  	v7 =	vld [tilespmem:s0+$0x18760]  }
0x17c: {  	v0 =	vld.idx.msk [tilespmem:v0+s1+$0x0], $0xffff  }
0x17d: {  	v1 =	vld.idx.msk [tilespmem:v1+s1+$0x0], $0xffff  }
0x17e: {  	v2 =	vld.idx.msk [tilespmem:v2+s1+$0x0], $0xffff  }
0x17f: {  	v3 =	vld.idx.msk [tilespmem:v3+s1+$0x0], $0xffff  }
0x180: {  	v4 =	vld.idx.msk [tilespmem:v4+s1+$0x0], $0xffff  }
0x181: {  	v5 =	vld.idx.msk [tilespmem:v5+s1+$0x0], $0xffff  }
0x182: {  	[tilespmem:s0+$0x1C770] =	vst.add.f32.msk $0xffff, v0  }
0x183: {  	v6 =	vld.idx.msk [tilespmem:v6+s1+$0x0], $0xffff  }
0x184: {  	v0 =	vld.idx.msk [tilespmem:v7+s1+$0x0], $0xffff  }
0x185: {  	[tilespmem:s0+$0x1C700] =	vst.add.f32.msk $0xffff, v1  }
.Ltmp5:
0x186: {  	[tilespmem:s0+$0x1C710] =	vst.add.f32.msk $0xffff, v2;
	(pc) =	sbr.rel @p0 .LBB2_12-.Ltmp5, $4  }
0x187: {  	[tilespmem:s0+$0x1C720] =	vst.add.f32.msk $0xffff, v3  }
0x188: {  	[tilespmem:s0+$0x1C730] =	vst.add.f32.msk $0xffff, v4  }
0x189: {  	[tilespmem:s0+$0x1C740] =	vst.add.f32.msk $0xffff, v5  }
0x18a: {  	s3 =	sadd.s32 $0x200, s3;
	[tilespmem:s0+$0x1C750] =	vst.add.f32.msk $0xffff, v6  }
0x18b: {  	[tilespmem:s0+$0x1C760] =	vst.add.f32.msk $0xffff, v0  }
0x18c: {  	s3 =	simm.s32 $0x0;
	s2 =	rddreg [dreg:$0x7]  }
0x18d: {  	[tilespmem:s3], [sflag:$0x1] =	stream.strided.gather [hbm4b:s2+s23], $0x18700, s24, s23, $0x38;
	[tilespmem:$0x1E700] =	vst v63  }
0x18e: {  	s3 =	sld [smem:$0x7E3];
	_ =	sdelay $0x2  }
0x18f: {  	[tilespmem:s25], [sflag:$0x2] =	stream.strided.gather [hbm4b:s3+s23], $0x2000, s24, s23, $0x38;
	[tilespmem:$0x1E700] =	vst v63  }
0x190: {  	_ =	swait.ge [sflag:s29], $0x2000  }
0x191: {  	[sflag:s29] =	ssyncset.done $0x0  }
0x192: {  	[sflag:s29] =	ssyncadd.s32 $0xFFFFE000  }
0x193: {  	_ =	swait.ge [sflag:s30], $0x18700  }
0x194: {  	[sflag:s30] =	ssyncset.done $0x0  }
0x195: {  	s0 =	simm.s32 $0x0;
	[sflag:s30] =	ssyncadd.s32 $0xFFFE7900  }
0x196: {  	v0 =	vld [tilespmem:s0+$0x18770]  }
0x197: {  	v1 =	vld [tilespmem:s0+$0x18700]  }
0x198: {  	v2 =	vld [tilespmem:s0+$0x18710]  }
0x199: {  	v3 =	vld [tilespmem:s0+$0x18720]  }
0x19a: {  	v4 =	vld [tilespmem:s0+$0x18730]  }
0x19b: {  	v5 =	vld [tilespmem:s0+$0x18740]  }
0x19c: {  	v6 =	vld [tilespmem:s0+$0x18750]  }
0x19d: {  	v7 =	vld [tilespmem:s0+$0x18760]  }
0x19e: {  	v0 =	vld.idx.msk [tilespmem:v0+s1+$0x0], $0xffff  }
0x19f: {  	v1 =	vld.idx.msk [tilespmem:v1+s1+$0x0], $0xffff  }
0x1a0: {  	v2 =	vld.idx.msk [tilespmem:v2+s1+$0x0], $0xffff  }
0x1a1: {  	v3 =	vld.idx.msk [tilespmem:v3+s1+$0x0], $0xffff  }
0x1a2: {  	v4 =	vld.idx.msk [tilespmem:v4+s1+$0x0], $0xffff  }
0x1a3: {  	v5 =	vld.idx.msk [tilespmem:v5+s1+$0x0], $0xffff  }
0x1a4: {  	v6 =	vld.idx.msk [tilespmem:v6+s1+$0x0], $0xffff  }
0x1a5: {  	[tilespmem:s0+$0x1A770] =	vst.add.f32.msk $0xffff, v0  }
0x1a6: {  	v0 =	vld.idx.msk [tilespmem:v7+s1+$0x0], $0xffff  }
0x1a7: {  	[tilespmem:s0+$0x1A700] =	vst.add.f32.msk $0xffff, v1  }
0x1a8: {  	[tilespmem:s0+$0x1A710] =	vst.add.f32.msk $0xffff, v2  }
0x1a9: {  	[tilespmem:s0+$0x1A720] =	vst.add.f32.msk $0xffff, v3  }
0x1aa: {  	[tilespmem:s0+$0x1A730] =	vst.add.f32.msk $0xffff, v4  }
0x1ab: {  	[tilespmem:s0+$0x1A740] =	vst.add.f32.msk $0xffff, v5  }
0x1ac: {  	s2 =	simm.s32 $0x0;
	s3 =	simm.s32 $0x200;
	[tilespmem:s0+$0x1A750] =	vst.add.f32.msk $0xffff, v6  }
.LBB2_14:
0x1ad: {  	s2 =	sadd.s32 $0x80, s2;
	[tilespmem:s0+$0x1A760] =	vst.add.f32.msk $0xffff, v0;
	s0 =	sshra.s32 s3, $0x2  }
0x1ae: {  	v0 =	vld [tilespmem:s0+$0x18770];
	p0 =	slt.u32 s2, $0x1F80  }
0x1af: {  	v1 =	vld [tilespmem:s0+$0x18700]  }
0x1b0: {  	v2 =	vld [tilespmem:s0+$0x18710]  }
0x1b1: {  	v3 =	vld [tilespmem:s0+$0x18720]  }
0x1b2: {  	v4 =	vld [tilespmem:s0+$0x18730]  }
0x1b3: {  	v5 =	vld [tilespmem:s0+$0x18740]  }
0x1b4: {  	v6 =	vld [tilespmem:s0+$0x18750]  }
0x1b5: {  	v7 =	vld [tilespmem:s0+$0x18760]  }
0x1b6: {  	v0 =	vld.idx.msk [tilespmem:v0+s1+$0x0], $0xffff  }
0x1b7: {  	v1 =	vld.idx.msk [tilespmem:v1+s1+$0x0], $0xffff  }
0x1b8: {  	v2 =	vld.idx.msk [tilespmem:v2+s1+$0x0], $0xffff  }
0x1b9: {  	v3 =	vld.idx.msk [tilespmem:v3+s1+$0x0], $0xffff  }
0x1ba: {  	v4 =	vld.idx.msk [tilespmem:v4+s1+$0x0], $0xffff  }
0x1bb: {  	v5 =	vld.idx.msk [tilespmem:v5+s1+$0x0], $0xffff  }
0x1bc: {  	[tilespmem:s0+$0x1A770] =	vst.add.f32.msk $0xffff, v0  }
0x1bd: {  	v6 =	vld.idx.msk [tilespmem:v6+s1+$0x0], $0xffff  }
0x1be: {  	v0 =	vld.idx.msk [tilespmem:v7+s1+$0x0], $0xffff  }
0x1bf: {  	[tilespmem:s0+$0x1A700] =	vst.add.f32.msk $0xffff, v1  }
.Ltmp6:
0x1c0: {  	[tilespmem:s0+$0x1A710] =	vst.add.f32.msk $0xffff, v2;
	(pc) =	sbr.rel @p0 .LBB2_14-.Ltmp6, $4  }
0x1c1: {  	[tilespmem:s0+$0x1A720] =	vst.add.f32.msk $0xffff, v3  }
0x1c2: {  	[tilespmem:s0+$0x1A730] =	vst.add.f32.msk $0xffff, v4  }
0x1c3: {  	[tilespmem:s0+$0x1A740] =	vst.add.f32.msk $0xffff, v5  }
0x1c4: {  	s3 =	sadd.s32 $0x200, s3;
	[tilespmem:s0+$0x1A750] =	vst.add.f32.msk $0xffff, v6  }
0x1c5: {  	[tilespmem:s0+$0x1A760] =	vst.add.f32.msk $0xffff, v0  }
0x1c6: {  	s0 =	sld [smem:$0x7E4];
	_ =	sdelay $0x2  }
0x1c7: {  	[tilespmem:s25], [sflag:$0x2] =	stream.strided.gather [hbm4b:s0+s23], $0x2000, s24, s23, $0x38;
	[tilespmem:$0x1E700] =	vst v63  }
0x1c8: {  	_ =	swait.ge [sflag:s29], $0x2000  }
0x1c9: {  	[sflag:s29] =	ssyncset.done $0x0  }
0x1ca: {  	s0 =	simm.s32 $0x0;
	[sflag:s29] =	ssyncadd.s32 $0xFFFFE000  }
0x1cb: {  	v0 =	vld [tilespmem:s0+$0x18770]  }
0x1cc: {  	v1 =	vld [tilespmem:s0+$0x18700]  }
0x1cd: {  	v2 =	vld [tilespmem:s0+$0x18710]  }
0x1ce: {  	v3 =	vld [tilespmem:s0+$0x18720]  }
0x1cf: {  	v4 =	vld [tilespmem:s0+$0x18730]  }
0x1d0: {  	v5 =	vld [tilespmem:s0+$0x18740]  }
0x1d1: {  	v6 =	vld [tilespmem:s0+$0x18750]  }
0x1d2: {  	v7 =	vld [tilespmem:s0+$0x18760]  }
0x1d3: {  	v0 =	vld.idx.msk [tilespmem:v0+s1+$0x0], $0xffff  }
0x1d4: {  	v1 =	vld.idx.msk [tilespmem:v1+s1+$0x0], $0xffff  }
0x1d5: {  	v2 =	vld.idx.msk [tilespmem:v2+s1+$0x0], $0xffff  }
0x1d6: {  	v3 =	vld.idx.msk [tilespmem:v3+s1+$0x0], $0xffff  }
0x1d7: {  	v4 =	vld.idx.msk [tilespmem:v4+s1+$0x0], $0xffff  }
0x1d8: {  	v5 =	vld.idx.msk [tilespmem:v5+s1+$0x0], $0xffff  }
0x1d9: {  	v6 =	vld.idx.msk [tilespmem:v6+s1+$0x0], $0xffff  }
0x1da: {  	[tilespmem:s0+$0x1C770] =	vst.add.f32.msk $0xffff, v0  }
0x1db: {  	v0 =	vld.idx.msk [tilespmem:v7+s1+$0x0], $0xffff  }
0x1dc: {  	[tilespmem:s0+$0x1C700] =	vst.add.f32.msk $0xffff, v1  }
0x1dd: {  	[tilespmem:s0+$0x1C710] =	vst.add.f32.msk $0xffff, v2  }
0x1de: {  	[tilespmem:s0+$0x1C720] =	vst.add.f32.msk $0xffff, v3  }
0x1df: {  	[tilespmem:s0+$0x1C730] =	vst.add.f32.msk $0xffff, v4  }
0x1e0: {  	[tilespmem:s0+$0x1C740] =	vst.add.f32.msk $0xffff, v5  }
0x1e1: {  	s2 =	simm.s32 $0x0;
	s3 =	simm.s32 $0x200;
	[tilespmem:s0+$0x1C750] =	vst.add.f32.msk $0xffff, v6  }
.LBB2_16:
0x1e2: {  	s2 =	sadd.s32 $0x80, s2;
	[tilespmem:s0+$0x1C760] =	vst.add.f32.msk $0xffff, v0;
	s0 =	sshra.s32 s3, $0x2  }
0x1e3: {  	v0 =	vld [tilespmem:s0+$0x18770];
	p0 =	slt.u32 s2, $0x1F80  }
0x1e4: {  	v1 =	vld [tilespmem:s0+$0x18700]  }
0x1e5: {  	v2 =	vld [tilespmem:s0+$0x18710]  }
0x1e6: {  	v3 =	vld [tilespmem:s0+$0x18720]  }
0x1e7: {  	v4 =	vld [tilespmem:s0+$0x18730]  }
0x1e8: {  	v5 =	vld [tilespmem:s0+$0x18740]  }
0x1e9: {  	v6 =	vld [tilespmem:s0+$0x18750]  }
0x1ea: {  	v7 =	vld [tilespmem:s0+$0x18760]  }
0x1eb: {  	v0 =	vld.idx.msk [tilespmem:v0+s1+$0x0], $0xffff  }
0x1ec: {  	v1 =	vld.idx.msk [tilespmem:v1+s1+$0x0], $0xffff  }
0x1ed: {  	v2 =	vld.idx.msk [tilespmem:v2+s1+$0x0], $0xffff  }
0x1ee: {  	v3 =	vld.idx.msk [tilespmem:v3+s1+$0x0], $0xffff  }
0x1ef: {  	v4 =	vld.idx.msk [tilespmem:v4+s1+$0x0], $0xffff  }
0x1f0: {  	v5 =	vld.idx.msk [tilespmem:v5+s1+$0x0], $0xffff  }
0x1f1: {  	[tilespmem:s0+$0x1C770] =	vst.add.f32.msk $0xffff, v0  }
0x1f2: {  	v6 =	vld.idx.msk [tilespmem:v6+s1+$0x0], $0xffff  }
0x1f3: {  	v0 =	vld.idx.msk [tilespmem:v7+s1+$0x0], $0xffff  }
0x1f4: {  	[tilespmem:s0+$0x1C700] =	vst.add.f32.msk $0xffff, v1  }
.Ltmp7:
0x1f5: {  	[tilespmem:s0+$0x1C710] =	vst.add.f32.msk $0xffff, v2;
	(pc) =	sbr.rel @p0 .LBB2_16-.Ltmp7, $4  }
0x1f6: {  	[tilespmem:s0+$0x1C720] =	vst.add.f32.msk $0xffff, v3  }
0x1f7: {  	[tilespmem:s0+$0x1C730] =	vst.add.f32.msk $0xffff, v4  }
0x1f8: {  	[tilespmem:s0+$0x1C740] =	vst.add.f32.msk $0xffff, v5  }
0x1f9: {  	s3 =	sadd.s32 $0x200, s3;
	[tilespmem:s0+$0x1C750] =	vst.add.f32.msk $0xffff, v6  }
0x1fa: {  	[tilespmem:s0+$0x1C760] =	vst.add.f32.msk $0xffff, v0  }
0x1fb: {  	s3 =	simm.s32 $0x0;
	s2 =	rddreg [dreg:$0x8]  }
0x1fc: {  	[tilespmem:s3], [sflag:$0x1] =	stream.strided.gather [hbm4b:s2+s23], $0x18700, s24, s23, $0x38;
	[tilespmem:$0x1E700] =	vst v63  }
0x1fd: {  	s3 =	sld [smem:$0x7E5];
	_ =	sdelay $0x2  }
0x1fe: {  	[tilespmem:s25], [sflag:$0x2] =	stream.strided.gather [hbm4b:s3+s23], $0x2000, s24, s23, $0x38;
	[tilespmem:$0x1E700] =	vst v63  }
0x1ff: {  	_ =	swait.ge [sflag:s29], $0x2000  }
0x200: {  	[sflag:s29] =	ssyncset.done $0x0  }
0x201: {  	[sflag:s29] =	ssyncadd.s32 $0xFFFFE000  }
0x202: {  	_ =	swait.ge [sflag:s30], $0x18700  }
0x203: {  	[sflag:s30] =	ssyncset.done $0x0  }
0x204: {  	s0 =	simm.s32 $0x0;
	[sflag:s30] =	ssyncadd.s32 $0xFFFE7900  }
0x205: {  	v0 =	vld [tilespmem:s0+$0x18770]  }
0x206: {  	v1 =	vld [tilespmem:s0+$0x18700]  }
0x207: {  	v2 =	vld [tilespmem:s0+$0x18710]  }
0x208: {  	v3 =	vld [tilespmem:s0+$0x18720]  }
0x209: {  	v4 =	vld [tilespmem:s0+$0x18730]  }
0x20a: {  	v5 =	vld [tilespmem:s0+$0x18740]  }
0x20b: {  	v6 =	vld [tilespmem:s0+$0x18750]  }
0x20c: {  	v7 =	vld [tilespmem:s0+$0x18760]  }
0x20d: {  	v0 =	vld.idx.msk [tilespmem:v0+s1+$0x0], $0xffff  }
0x20e: {  	v1 =	vld.idx.msk [tilespmem:v1+s1+$0x0], $0xffff  }
0x20f: {  	v2 =	vld.idx.msk [tilespmem:v2+s1+$0x0], $0xffff  }
0x210: {  	v3 =	vld.idx.msk [tilespmem:v3+s1+$0x0], $0xffff  }
0x211: {  	v4 =	vld.idx.msk [tilespmem:v4+s1+$0x0], $0xffff  }
0x212: {  	v5 =	vld.idx.msk [tilespmem:v5+s1+$0x0], $0xffff  }
0x213: {  	v6 =	vld.idx.msk [tilespmem:v6+s1+$0x0], $0xffff  }
0x214: {  	[tilespmem:s0+$0x1A770] =	vst.add.f32.msk $0xffff, v0  }
0x215: {  	v0 =	vld.idx.msk [tilespmem:v7+s1+$0x0], $0xffff  }
0x216: {  	[tilespmem:s0+$0x1A700] =	vst.add.f32.msk $0xffff, v1  }
0x217: {  	[tilespmem:s0+$0x1A710] =	vst.add.f32.msk $0xffff, v2  }
0x218: {  	[tilespmem:s0+$0x1A720] =	vst.add.f32.msk $0xffff, v3  }
0x219: {  	[tilespmem:s0+$0x1A730] =	vst.add.f32.msk $0xffff, v4  }
0x21a: {  	[tilespmem:s0+$0x1A740] =	vst.add.f32.msk $0xffff, v5  }
0x21b: {  	s2 =	simm.s32 $0x0;
	s3 =	simm.s32 $0x200;
	[tilespmem:s0+$0x1A750] =	vst.add.f32.msk $0xffff, v6  }
.LBB2_18:
0x21c: {  	s2 =	sadd.s32 $0x80, s2;
	[tilespmem:s0+$0x1A760] =	vst.add.f32.msk $0xffff, v0;
	s0 =	sshra.s32 s3, $0x2  }
0x21d: {  	v0 =	vld [tilespmem:s0+$0x18770];
	p0 =	slt.u32 s2, $0x1F80  }
0x21e: {  	v1 =	vld [tilespmem:s0+$0x18700]  }
0x21f: {  	v2 =	vld [tilespmem:s0+$0x18710]  }
0x220: {  	v3 =	vld [tilespmem:s0+$0x18720]  }
0x221: {  	v4 =	vld [tilespmem:s0+$0x18730]  }
0x222: {  	v5 =	vld [tilespmem:s0+$0x18740]  }
0x223: {  	v6 =	vld [tilespmem:s0+$0x18750]  }
0x224: {  	v7 =	vld [tilespmem:s0+$0x18760]  }
0x225: {  	v0 =	vld.idx.msk [tilespmem:v0+s1+$0x0], $0xffff  }
0x226: {  	v1 =	vld.idx.msk [tilespmem:v1+s1+$0x0], $0xffff  }
0x227: {  	v2 =	vld.idx.msk [tilespmem:v2+s1+$0x0], $0xffff  }
0x228: {  	v3 =	vld.idx.msk [tilespmem:v3+s1+$0x0], $0xffff  }
0x229: {  	v4 =	vld.idx.msk [tilespmem:v4+s1+$0x0], $0xffff  }
0x22a: {  	v5 =	vld.idx.msk [tilespmem:v5+s1+$0x0], $0xffff  }
0x22b: {  	[tilespmem:s0+$0x1A770] =	vst.add.f32.msk $0xffff, v0  }
0x22c: {  	v6 =	vld.idx.msk [tilespmem:v6+s1+$0x0], $0xffff  }
0x22d: {  	v0 =	vld.idx.msk [tilespmem:v7+s1+$0x0], $0xffff  }
0x22e: {  	[tilespmem:s0+$0x1A700] =	vst.add.f32.msk $0xffff, v1  }
.Ltmp8:
0x22f: {  	[tilespmem:s0+$0x1A710] =	vst.add.f32.msk $0xffff, v2;
	(pc) =	sbr.rel @p0 .LBB2_18-.Ltmp8, $4  }
0x230: {  	[tilespmem:s0+$0x1A720] =	vst.add.f32.msk $0xffff, v3  }
0x231: {  	[tilespmem:s0+$0x1A730] =	vst.add.f32.msk $0xffff, v4  }
0x232: {  	[tilespmem:s0+$0x1A740] =	vst.add.f32.msk $0xffff, v5  }
0x233: {  	s3 =	sadd.s32 $0x200, s3;
	[tilespmem:s0+$0x1A750] =	vst.add.f32.msk $0xffff, v6  }
0x234: {  	[tilespmem:s0+$0x1A760] =	vst.add.f32.msk $0xffff, v0  }
0x235: {  	s0 =	sld [smem:$0x7E6];
	_ =	sdelay $0x2  }
0x236: {  	[tilespmem:s25], [sflag:$0x2] =	stream.strided.gather [hbm4b:s0+s23], $0x2000, s24, s23, $0x38;
	[tilespmem:$0x1E700] =	vst v63  }
0x237: {  	_ =	swait.ge [sflag:s29], $0x2000  }
0x238: {  	[sflag:s29] =	ssyncset.done $0x0  }
0x239: {  	s0 =	simm.s32 $0x0;
	[sflag:s29] =	ssyncadd.s32 $0xFFFFE000  }
0x23a: {  	v0 =	vld [tilespmem:s0+$0x18770]  }
0x23b: {  	v1 =	vld [tilespmem:s0+$0x18700]  }
0x23c: {  	v2 =	vld [tilespmem:s0+$0x18710]  }
0x23d: {  	v3 =	vld [tilespmem:s0+$0x18720]  }
0x23e: {  	v4 =	vld [tilespmem:s0+$0x18730]  }
0x23f: {  	v5 =	vld [tilespmem:s0+$0x18740]  }
0x240: {  	v6 =	vld [tilespmem:s0+$0x18750]  }
0x241: {  	v7 =	vld [tilespmem:s0+$0x18760]  }
0x242: {  	v0 =	vld.idx.msk [tilespmem:v0+s1+$0x0], $0xffff  }
0x243: {  	v1 =	vld.idx.msk [tilespmem:v1+s1+$0x0], $0xffff  }
0x244: {  	v2 =	vld.idx.msk [tilespmem:v2+s1+$0x0], $0xffff  }
0x245: {  	v3 =	vld.idx.msk [tilespmem:v3+s1+$0x0], $0xffff  }
0x246: {  	v4 =	vld.idx.msk [tilespmem:v4+s1+$0x0], $0xffff  }
0x247: {  	v5 =	vld.idx.msk [tilespmem:v5+s1+$0x0], $0xffff  }
0x248: {  	v6 =	vld.idx.msk [tilespmem:v6+s1+$0x0], $0xffff  }
0x249: {  	[tilespmem:s0+$0x1C770] =	vst.add.f32.msk $0xffff, v0  }
0x24a: {  	v0 =	vld.idx.msk [tilespmem:v7+s1+$0x0], $0xffff  }
0x24b: {  	[tilespmem:s0+$0x1C700] =	vst.add.f32.msk $0xffff, v1  }
0x24c: {  	[tilespmem:s0+$0x1C710] =	vst.add.f32.msk $0xffff, v2  }
0x24d: {  	[tilespmem:s0+$0x1C720] =	vst.add.f32.msk $0xffff, v3  }
0x24e: {  	[tilespmem:s0+$0x1C730] =	vst.add.f32.msk $0xffff, v4  }
0x24f: {  	[tilespmem:s0+$0x1C740] =	vst.add.f32.msk $0xffff, v5  }
0x250: {  	s2 =	simm.s32 $0x0;
	s3 =	simm.s32 $0x200;
	[tilespmem:s0+$0x1C750] =	vst.add.f32.msk $0xffff, v6  }
.LBB2_20:
0x251: {  	s2 =	sadd.s32 $0x80, s2;
	[tilespmem:s0+$0x1C760] =	vst.add.f32.msk $0xffff, v0;
	s0 =	sshra.s32 s3, $0x2  }
0x252: {  	v0 =	vld [tilespmem:s0+$0x18770];
	p0 =	slt.u32 s2, $0x1F80  }
0x253: {  	v1 =	vld [tilespmem:s0+$0x18700]  }
0x254: {  	v2 =	vld [tilespmem:s0+$0x18710]  }
0x255: {  	v3 =	vld [tilespmem:s0+$0x18720]  }
0x256: {  	v4 =	vld [tilespmem:s0+$0x18730]  }
0x257: {  	v5 =	vld [tilespmem:s0+$0x18740]  }
0x258: {  	v6 =	vld [tilespmem:s0+$0x18750]  }
0x259: {  	v7 =	vld [tilespmem:s0+$0x18760]  }
0x25a: {  	v0 =	vld.idx.msk [tilespmem:v0+s1+$0x0], $0xffff  }
0x25b: {  	v1 =	vld.idx.msk [tilespmem:v1+s1+$0x0], $0xffff  }
0x25c: {  	v2 =	vld.idx.msk [tilespmem:v2+s1+$0x0], $0xffff  }
0x25d: {  	v3 =	vld.idx.msk [tilespmem:v3+s1+$0x0], $0xffff  }
0x25e: {  	v4 =	vld.idx.msk [tilespmem:v4+s1+$0x0], $0xffff  }
0x25f: {  	v5 =	vld.idx.msk [tilespmem:v5+s1+$0x0], $0xffff  }
0x260: {  	[tilespmem:s0+$0x1C770] =	vst.add.f32.msk $0xffff, v0  }
0x261: {  	v6 =	vld.idx.msk [tilespmem:v6+s1+$0x0], $0xffff  }
0x262: {  	v0 =	vld.idx.msk [tilespmem:v7+s1+$0x0], $0xffff  }
0x263: {  	[tilespmem:s0+$0x1C700] =	vst.add.f32.msk $0xffff, v1  }
.Ltmp9:
0x264: {  	[tilespmem:s0+$0x1C710] =	vst.add.f32.msk $0xffff, v2;
	(pc) =	sbr.rel @p0 .LBB2_20-.Ltmp9, $4  }
0x265: {  	[tilespmem:s0+$0x1C720] =	vst.add.f32.msk $0xffff, v3  }
0x266: {  	[tilespmem:s0+$0x1C730] =	vst.add.f32.msk $0xffff, v4  }
0x267: {  	[tilespmem:s0+$0x1C740] =	vst.add.f32.msk $0xffff, v5  }
0x268: {  	s3 =	sadd.s32 $0x200, s3;
	[tilespmem:s0+$0x1C750] =	vst.add.f32.msk $0xffff, v6  }
0x269: {  	[tilespmem:s0+$0x1C760] =	vst.add.f32.msk $0xffff, v0  }
0x26a: {  	s3 =	simm.s32 $0x0;
	s2 =	rddreg [dreg:$0x9]  }
0x26b: {  	[tilespmem:s3], [sflag:$0x1] =	stream.strided.gather [hbm4b:s2+s23], $0x18700, s24, s23, $0x38;
	[tilespmem:$0x1E700] =	vst v63  }
0x26c: {  	s3 =	sld [smem:$0x7E7];
	_ =	sdelay $0x2  }
0x26d: {  	[tilespmem:s25], [sflag:$0x2] =	stream.strided.gather [hbm4b:s3+s23], $0x2000, s24, s23, $0x38;
	[tilespmem:$0x1E700] =	vst v63  }
0x26e: {  	_ =	swait.ge [sflag:s29], $0x2000  }
0x26f: {  	[sflag:s29] =	ssyncset.done $0x0  }
0x270: {  	[sflag:s29] =	ssyncadd.s32 $0xFFFFE000  }
0x271: {  	_ =	swait.ge [sflag:s30], $0x18700  }
0x272: {  	[sflag:s30] =	ssyncset.done $0x0  }
0x273: {  	s0 =	simm.s32 $0x0;
	[sflag:s30] =	ssyncadd.s32 $0xFFFE7900  }
0x274: {  	v0 =	vld [tilespmem:s0+$0x18770]  }
0x275: {  	v1 =	vld [tilespmem:s0+$0x18700]  }
0x276: {  	v2 =	vld [tilespmem:s0+$0x18710]  }
0x277: {  	v3 =	vld [tilespmem:s0+$0x18720]  }
0x278: {  	v4 =	vld [tilespmem:s0+$0x18730]  }
0x279: {  	v5 =	vld [tilespmem:s0+$0x18740]  }
0x27a: {  	v6 =	vld [tilespmem:s0+$0x18750]  }
0x27b: {  	v7 =	vld [tilespmem:s0+$0x18760]  }
0x27c: {  	v0 =	vld.idx.msk [tilespmem:v0+s1+$0x0], $0xffff  }
0x27d: {  	v1 =	vld.idx.msk [tilespmem:v1+s1+$0x0], $0xffff  }
0x27e: {  	v2 =	vld.idx.msk [tilespmem:v2+s1+$0x0], $0xffff  }
0x27f: {  	v3 =	vld.idx.msk [tilespmem:v3+s1+$0x0], $0xffff  }
0x280: {  	v4 =	vld.idx.msk [tilespmem:v4+s1+$0x0], $0xffff  }
0x281: {  	v5 =	vld.idx.msk [tilespmem:v5+s1+$0x0], $0xffff  }
0x282: {  	v6 =	vld.idx.msk [tilespmem:v6+s1+$0x0], $0xffff  }
0x283: {  	[tilespmem:s0+$0x1A770] =	vst.add.f32.msk $0xffff, v0  }
0x284: {  	v0 =	vld.idx.msk [tilespmem:v7+s1+$0x0], $0xffff  }
0x285: {  	[tilespmem:s0+$0x1A700] =	vst.add.f32.msk $0xffff, v1  }
0x286: {  	[tilespmem:s0+$0x1A710] =	vst.add.f32.msk $0xffff, v2  }
0x287: {  	[tilespmem:s0+$0x1A720] =	vst.add.f32.msk $0xffff, v3  }
0x288: {  	[tilespmem:s0+$0x1A730] =	vst.add.f32.msk $0xffff, v4  }
0x289: {  	[tilespmem:s0+$0x1A740] =	vst.add.f32.msk $0xffff, v5  }
0x28a: {  	s2 =	simm.s32 $0x0;
	s3 =	simm.s32 $0x200;
	[tilespmem:s0+$0x1A750] =	vst.add.f32.msk $0xffff, v6  }
.LBB2_22:
0x28b: {  	s2 =	sadd.s32 $0x80, s2;
	[tilespmem:s0+$0x1A760] =	vst.add.f32.msk $0xffff, v0;
	s0 =	sshra.s32 s3, $0x2  }
0x28c: {  	v0 =	vld [tilespmem:s0+$0x18770];
	p0 =	slt.u32 s2, $0x1F80  }
0x28d: {  	v1 =	vld [tilespmem:s0+$0x18700]  }
0x28e: {  	v2 =	vld [tilespmem:s0+$0x18710]  }
0x28f: {  	v3 =	vld [tilespmem:s0+$0x18720]  }
0x290: {  	v4 =	vld [tilespmem:s0+$0x18730]  }
0x291: {  	v5 =	vld [tilespmem:s0+$0x18740]  }
0x292: {  	v6 =	vld [tilespmem:s0+$0x18750]  }
0x293: {  	v7 =	vld [tilespmem:s0+$0x18760]  }
0x294: {  	v0 =	vld.idx.msk [tilespmem:v0+s1+$0x0], $0xffff  }
0x295: {  	v1 =	vld.idx.msk [tilespmem:v1+s1+$0x0], $0xffff  }
0x296: {  	v2 =	vld.idx.msk [tilespmem:v2+s1+$0x0], $0xffff  }
0x297: {  	v3 =	vld.idx.msk [tilespmem:v3+s1+$0x0], $0xffff  }
0x298: {  	v4 =	vld.idx.msk [tilespmem:v4+s1+$0x0], $0xffff  }
0x299: {  	v5 =	vld.idx.msk [tilespmem:v5+s1+$0x0], $0xffff  }
0x29a: {  	[tilespmem:s0+$0x1A770] =	vst.add.f32.msk $0xffff, v0  }
0x29b: {  	v6 =	vld.idx.msk [tilespmem:v6+s1+$0x0], $0xffff  }
0x29c: {  	v0 =	vld.idx.msk [tilespmem:v7+s1+$0x0], $0xffff  }
0x29d: {  	[tilespmem:s0+$0x1A700] =	vst.add.f32.msk $0xffff, v1  }
.Ltmp10:
0x29e: {  	[tilespmem:s0+$0x1A710] =	vst.add.f32.msk $0xffff, v2;
	(pc) =	sbr.rel @p0 .LBB2_22-.Ltmp10, $4  }
0x29f: {  	[tilespmem:s0+$0x1A720] =	vst.add.f32.msk $0xffff, v3  }
0x2a0: {  	[tilespmem:s0+$0x1A730] =	vst.add.f32.msk $0xffff, v4  }
0x2a1: {  	[tilespmem:s0+$0x1A740] =	vst.add.f32.msk $0xffff, v5  }
0x2a2: {  	s3 =	sadd.s32 $0x200, s3;
	[tilespmem:s0+$0x1A750] =	vst.add.f32.msk $0xffff, v6  }
0x2a3: {  	[tilespmem:s0+$0x1A760] =	vst.add.f32.msk $0xffff, v0  }
0x2a4: {  	s0 =	sld [smem:$0x7E8];
	_ =	sdelay $0x2  }
0x2a5: {  	[tilespmem:s25], [sflag:$0x2] =	stream.strided.gather [hbm4b:s0+s23], $0x2000, s24, s23, $0x38;
	[tilespmem:$0x1E700] =	vst v63  }
0x2a6: {  	_ =	swait.ge [sflag:s29], $0x2000  }
0x2a7: {  	[sflag:s29] =	ssyncset.done $0x0  }
0x2a8: {  	s0 =	simm.s32 $0x0;
	[sflag:s29] =	ssyncadd.s32 $0xFFFFE000  }
0x2a9: {  	v0 =	vld [tilespmem:s0+$0x18770]  }
0x2aa: {  	v1 =	vld [tilespmem:s0+$0x18700]  }
0x2ab: {  	v2 =	vld [tilespmem:s0+$0x18710]  }
0x2ac: {  	v3 =	vld [tilespmem:s0+$0x18720]  }
0x2ad: {  	v4 =	vld [tilespmem:s0+$0x18730]  }
0x2ae: {  	v5 =	vld [tilespmem:s0+$0x18740]  }
0x2af: {  	v6 =	vld [tilespmem:s0+$0x18750]  }
0x2b0: {  	v7 =	vld [tilespmem:s0+$0x18760]  }
0x2b1: {  	v0 =	vld.idx.msk [tilespmem:v0+s1+$0x0], $0xffff  }
0x2b2: {  	v1 =	vld.idx.msk [tilespmem:v1+s1+$0x0], $0xffff  }
0x2b3: {  	v2 =	vld.idx.msk [tilespmem:v2+s1+$0x0], $0xffff  }
0x2b4: {  	v3 =	vld.idx.msk [tilespmem:v3+s1+$0x0], $0xffff  }
0x2b5: {  	v4 =	vld.idx.msk [tilespmem:v4+s1+$0x0], $0xffff  }
0x2b6: {  	v5 =	vld.idx.msk [tilespmem:v5+s1+$0x0], $0xffff  }
0x2b7: {  	v6 =	vld.idx.msk [tilespmem:v6+s1+$0x0], $0xffff  }
0x2b8: {  	[tilespmem:s0+$0x1C770] =	vst.add.f32.msk $0xffff, v0  }
0x2b9: {  	v0 =	vld.idx.msk [tilespmem:v7+s1+$0x0], $0xffff  }
0x2ba: {  	[tilespmem:s0+$0x1C700] =	vst.add.f32.msk $0xffff, v1  }
0x2bb: {  	[tilespmem:s0+$0x1C710] =	vst.add.f32.msk $0xffff, v2  }
0x2bc: {  	[tilespmem:s0+$0x1C720] =	vst.add.f32.msk $0xffff, v3  }
0x2bd: {  	[tilespmem:s0+$0x1C730] =	vst.add.f32.msk $0xffff, v4  }
0x2be: {  	[tilespmem:s0+$0x1C740] =	vst.add.f32.msk $0xffff, v5  }
0x2bf: {  	s2 =	simm.s32 $0x0;
	s3 =	simm.s32 $0x200;
	[tilespmem:s0+$0x1C750] =	vst.add.f32.msk $0xffff, v6  }
.LBB2_24:
0x2c0: {  	s2 =	sadd.s32 $0x80, s2;
	[tilespmem:s0+$0x1C760] =	vst.add.f32.msk $0xffff, v0;
	s0 =	sshra.s32 s3, $0x2  }
0x2c1: {  	v0 =	vld [tilespmem:s0+$0x18770];
	p0 =	slt.u32 s2, $0x1F80  }
0x2c2: {  	v1 =	vld [tilespmem:s0+$0x18700]  }
0x2c3: {  	v2 =	vld [tilespmem:s0+$0x18710]  }
0x2c4: {  	v3 =	vld [tilespmem:s0+$0x18720]  }
0x2c5: {  	v4 =	vld [tilespmem:s0+$0x18730]  }
0x2c6: {  	v5 =	vld [tilespmem:s0+$0x18740]  }
0x2c7: {  	v6 =	vld [tilespmem:s0+$0x18750]  }
0x2c8: {  	v7 =	vld [tilespmem:s0+$0x18760]  }
0x2c9: {  	v0 =	vld.idx.msk [tilespmem:v0+s1+$0x0], $0xffff  }
0x2ca: {  	v1 =	vld.idx.msk [tilespmem:v1+s1+$0x0], $0xffff  }
0x2cb: {  	v2 =	vld.idx.msk [tilespmem:v2+s1+$0x0], $0xffff  }
0x2cc: {  	v3 =	vld.idx.msk [tilespmem:v3+s1+$0x0], $0xffff  }
0x2cd: {  	v4 =	vld.idx.msk [tilespmem:v4+s1+$0x0], $0xffff  }
0x2ce: {  	v5 =	vld.idx.msk [tilespmem:v5+s1+$0x0], $0xffff  }
0x2cf: {  	[tilespmem:s0+$0x1C770] =	vst.add.f32.msk $0xffff, v0  }
0x2d0: {  	v6 =	vld.idx.msk [tilespmem:v6+s1+$0x0], $0xffff  }
0x2d1: {  	v0 =	vld.idx.msk [tilespmem:v7+s1+$0x0], $0xffff  }
0x2d2: {  	[tilespmem:s0+$0x1C700] =	vst.add.f32.msk $0xffff, v1  }
.Ltmp11:
0x2d3: {  	[tilespmem:s0+$0x1C710] =	vst.add.f32.msk $0xffff, v2;
	(pc) =	sbr.rel @p0 .LBB2_24-.Ltmp11, $4  }
0x2d4: {  	[tilespmem:s0+$0x1C720] =	vst.add.f32.msk $0xffff, v3  }
0x2d5: {  	[tilespmem:s0+$0x1C730] =	vst.add.f32.msk $0xffff, v4  }
0x2d6: {  	[tilespmem:s0+$0x1C740] =	vst.add.f32.msk $0xffff, v5  }
0x2d7: {  	s3 =	sadd.s32 $0x200, s3;
	[tilespmem:s0+$0x1C750] =	vst.add.f32.msk $0xffff, v6  }
0x2d8: {  	[tilespmem:s0+$0x1C760] =	vst.add.f32.msk $0xffff, v0  }
0x2d9: {  	s3 =	simm.s32 $0x0;
	s2 =	rddreg [dreg:$0xa]  }
0x2da: {  	[tilespmem:s3], [sflag:$0x1] =	stream.strided.gather [hbm4b:s2+s23], $0x18700, s24, s23, $0x38;
	[tilespmem:$0x1E700] =	vst v63  }
0x2db: {  	s3 =	sld [smem:$0x7E9];
	_ =	sdelay $0x2  }
0x2dc: {  	[tilespmem:s25], [sflag:$0x2] =	stream.strided.gather [hbm4b:s3+s23], $0x2000, s24, s23, $0x38;
	[tilespmem:$0x1E700] =	vst v63  }
0x2dd: {  	_ =	swait.ge [sflag:s29], $0x2000  }
0x2de: {  	[sflag:s29] =	ssyncset.done $0x0  }
0x2df: {  	[sflag:s29] =	ssyncadd.s32 $0xFFFFE000  }
0x2e0: {  	_ =	swait.ge [sflag:s30], $0x18700  }
0x2e1: {  	[sflag:s30] =	ssyncset.done $0x0  }
0x2e2: {  	s0 =	simm.s32 $0x0;
	[sflag:s30] =	ssyncadd.s32 $0xFFFE7900  }
0x2e3: {  	v0 =	vld [tilespmem:s0+$0x18770]  }
0x2e4: {  	v1 =	vld [tilespmem:s0+$0x18700]  }
0x2e5: {  	v2 =	vld [tilespmem:s0+$0x18710]  }
0x2e6: {  	v3 =	vld [tilespmem:s0+$0x18720]  }
0x2e7: {  	v4 =	vld [tilespmem:s0+$0x18730]  }
0x2e8: {  	v5 =	vld [tilespmem:s0+$0x18740]  }
0x2e9: {  	v6 =	vld [tilespmem:s0+$0x18750]  }
0x2ea: {  	v7 =	vld [tilespmem:s0+$0x18760]  }
0x2eb: {  	v0 =	vld.idx.msk [tilespmem:v0+s1+$0x0], $0xffff  }
0x2ec: {  	v1 =	vld.idx.msk [tilespmem:v1+s1+$0x0], $0xffff  }
0x2ed: {  	v2 =	vld.idx.msk [tilespmem:v2+s1+$0x0], $0xffff  }
0x2ee: {  	v3 =	vld.idx.msk [tilespmem:v3+s1+$0x0], $0xffff  }
0x2ef: {  	v4 =	vld.idx.msk [tilespmem:v4+s1+$0x0], $0xffff  }
0x2f0: {  	v5 =	vld.idx.msk [tilespmem:v5+s1+$0x0], $0xffff  }
0x2f1: {  	v6 =	vld.idx.msk [tilespmem:v6+s1+$0x0], $0xffff  }
0x2f2: {  	[tilespmem:s0+$0x1A770] =	vst.add.f32.msk $0xffff, v0  }
0x2f3: {  	v0 =	vld.idx.msk [tilespmem:v7+s1+$0x0], $0xffff  }
0x2f4: {  	[tilespmem:s0+$0x1A700] =	vst.add.f32.msk $0xffff, v1  }
0x2f5: {  	[tilespmem:s0+$0x1A710] =	vst.add.f32.msk $0xffff, v2  }
0x2f6: {  	[tilespmem:s0+$0x1A720] =	vst.add.f32.msk $0xffff, v3  }
0x2f7: {  	[tilespmem:s0+$0x1A730] =	vst.add.f32.msk $0xffff, v4  }
0x2f8: {  	[tilespmem:s0+$0x1A740] =	vst.add.f32.msk $0xffff, v5  }
0x2f9: {  	s2 =	simm.s32 $0x0;
	s3 =	simm.s32 $0x200;
	[tilespmem:s0+$0x1A750] =	vst.add.f32.msk $0xffff, v6  }
.LBB2_26:
0x2fa: {  	s2 =	sadd.s32 $0x80, s2;
	[tilespmem:s0+$0x1A760] =	vst.add.f32.msk $0xffff, v0;
	s0 =	sshra.s32 s3, $0x2  }
0x2fb: {  	v0 =	vld [tilespmem:s0+$0x18770];
	p0 =	slt.u32 s2, $0x1F80  }
0x2fc: {  	v1 =	vld [tilespmem:s0+$0x18700]  }
0x2fd: {  	v2 =	vld [tilespmem:s0+$0x18710]  }
0x2fe: {  	v3 =	vld [tilespmem:s0+$0x18720]  }
0x2ff: {  	v4 =	vld [tilespmem:s0+$0x18730]  }
0x300: {  	v5 =	vld [tilespmem:s0+$0x18740]  }
0x301: {  	v6 =	vld [tilespmem:s0+$0x18750]  }
0x302: {  	v7 =	vld [tilespmem:s0+$0x18760]  }
0x303: {  	v0 =	vld.idx.msk [tilespmem:v0+s1+$0x0], $0xffff  }
0x304: {  	v1 =	vld.idx.msk [tilespmem:v1+s1+$0x0], $0xffff  }
0x305: {  	v2 =	vld.idx.msk [tilespmem:v2+s1+$0x0], $0xffff  }
0x306: {  	v3 =	vld.idx.msk [tilespmem:v3+s1+$0x0], $0xffff  }
0x307: {  	v4 =	vld.idx.msk [tilespmem:v4+s1+$0x0], $0xffff  }
0x308: {  	v5 =	vld.idx.msk [tilespmem:v5+s1+$0x0], $0xffff  }
0x309: {  	[tilespmem:s0+$0x1A770] =	vst.add.f32.msk $0xffff, v0  }
0x30a: {  	v6 =	vld.idx.msk [tilespmem:v6+s1+$0x0], $0xffff  }
0x30b: {  	v0 =	vld.idx.msk [tilespmem:v7+s1+$0x0], $0xffff  }
0x30c: {  	[tilespmem:s0+$0x1A700] =	vst.add.f32.msk $0xffff, v1  }
.Ltmp12:
0x30d: {  	[tilespmem:s0+$0x1A710] =	vst.add.f32.msk $0xffff, v2;
	(pc) =	sbr.rel @p0 .LBB2_26-.Ltmp12, $4  }
0x30e: {  	[tilespmem:s0+$0x1A720] =	vst.add.f32.msk $0xffff, v3  }
0x30f: {  	[tilespmem:s0+$0x1A730] =	vst.add.f32.msk $0xffff, v4  }
0x310: {  	[tilespmem:s0+$0x1A740] =	vst.add.f32.msk $0xffff, v5  }
0x311: {  	s3 =	sadd.s32 $0x200, s3;
	[tilespmem:s0+$0x1A750] =	vst.add.f32.msk $0xffff, v6  }
0x312: {  	[tilespmem:s0+$0x1A760] =	vst.add.f32.msk $0xffff, v0  }
0x313: {  	s0 =	sld [smem:$0x7EA];
	_ =	sdelay $0x2  }
0x314: {  	[tilespmem:s25], [sflag:$0x2] =	stream.strided.gather [hbm4b:s0+s23], $0x2000, s24, s23, $0x38;
	[tilespmem:$0x1E700] =	vst v63  }
0x315: {  	_ =	swait.ge [sflag:s29], $0x2000  }
0x316: {  	[sflag:s29] =	ssyncset.done $0x0  }
0x317: {  	s0 =	simm.s32 $0x0;
	[sflag:s29] =	ssyncadd.s32 $0xFFFFE000  }
0x318: {  	v0 =	vld [tilespmem:s0+$0x18770]  }
0x319: {  	v1 =	vld [tilespmem:s0+$0x18700]  }
0x31a: {  	v2 =	vld [tilespmem:s0+$0x18710]  }
0x31b: {  	v3 =	vld [tilespmem:s0+$0x18720]  }
0x31c: {  	v4 =	vld [tilespmem:s0+$0x18730]  }
0x31d: {  	v5 =	vld [tilespmem:s0+$0x18740]  }
0x31e: {  	v6 =	vld [tilespmem:s0+$0x18750]  }
0x31f: {  	v7 =	vld [tilespmem:s0+$0x18760]  }
0x320: {  	v0 =	vld.idx.msk [tilespmem:v0+s1+$0x0], $0xffff  }
0x321: {  	v1 =	vld.idx.msk [tilespmem:v1+s1+$0x0], $0xffff  }
0x322: {  	v2 =	vld.idx.msk [tilespmem:v2+s1+$0x0], $0xffff  }
0x323: {  	v3 =	vld.idx.msk [tilespmem:v3+s1+$0x0], $0xffff  }
0x324: {  	v4 =	vld.idx.msk [tilespmem:v4+s1+$0x0], $0xffff  }
0x325: {  	v5 =	vld.idx.msk [tilespmem:v5+s1+$0x0], $0xffff  }
0x326: {  	v6 =	vld.idx.msk [tilespmem:v6+s1+$0x0], $0xffff  }
0x327: {  	[tilespmem:s0+$0x1C770] =	vst.add.f32.msk $0xffff, v0  }
0x328: {  	v0 =	vld.idx.msk [tilespmem:v7+s1+$0x0], $0xffff  }
0x329: {  	[tilespmem:s0+$0x1C700] =	vst.add.f32.msk $0xffff, v1  }
0x32a: {  	[tilespmem:s0+$0x1C710] =	vst.add.f32.msk $0xffff, v2  }
0x32b: {  	[tilespmem:s0+$0x1C720] =	vst.add.f32.msk $0xffff, v3  }
0x32c: {  	[tilespmem:s0+$0x1C730] =	vst.add.f32.msk $0xffff, v4  }
0x32d: {  	[tilespmem:s0+$0x1C740] =	vst.add.f32.msk $0xffff, v5  }
0x32e: {  	s2 =	simm.s32 $0x0;
	s3 =	simm.s32 $0x200;
	[tilespmem:s0+$0x1C750] =	vst.add.f32.msk $0xffff, v6  }
.LBB2_28:
0x32f: {  	s2 =	sadd.s32 $0x80, s2;
	[tilespmem:s0+$0x1C760] =	vst.add.f32.msk $0xffff, v0;
	s0 =	sshra.s32 s3, $0x2  }
0x330: {  	v0 =	vld [tilespmem:s0+$0x18770];
	p0 =	slt.u32 s2, $0x1F80  }
0x331: {  	v1 =	vld [tilespmem:s0+$0x18700]  }
0x332: {  	v2 =	vld [tilespmem:s0+$0x18710]  }
0x333: {  	v3 =	vld [tilespmem:s0+$0x18720]  }
0x334: {  	v4 =	vld [tilespmem:s0+$0x18730]  }
0x335: {  	v5 =	vld [tilespmem:s0+$0x18740]  }
0x336: {  	v6 =	vld [tilespmem:s0+$0x18750]  }
0x337: {  	v7 =	vld [tilespmem:s0+$0x18760]  }
0x338: {  	v0 =	vld.idx.msk [tilespmem:v0+s1+$0x0], $0xffff  }
0x339: {  	v1 =	vld.idx.msk [tilespmem:v1+s1+$0x0], $0xffff  }
0x33a: {  	v2 =	vld.idx.msk [tilespmem:v2+s1+$0x0], $0xffff  }
0x33b: {  	v3 =	vld.idx.msk [tilespmem:v3+s1+$0x0], $0xffff  }
0x33c: {  	v4 =	vld.idx.msk [tilespmem:v4+s1+$0x0], $0xffff  }
0x33d: {  	v5 =	vld.idx.msk [tilespmem:v5+s1+$0x0], $0xffff  }
0x33e: {  	[tilespmem:s0+$0x1C770] =	vst.add.f32.msk $0xffff, v0  }
0x33f: {  	v6 =	vld.idx.msk [tilespmem:v6+s1+$0x0], $0xffff  }
0x340: {  	v0 =	vld.idx.msk [tilespmem:v7+s1+$0x0], $0xffff  }
0x341: {  	[tilespmem:s0+$0x1C700] =	vst.add.f32.msk $0xffff, v1  }
.Ltmp13:
0x342: {  	[tilespmem:s0+$0x1C710] =	vst.add.f32.msk $0xffff, v2;
	(pc) =	sbr.rel @p0 .LBB2_28-.Ltmp13, $4  }
0x343: {  	[tilespmem:s0+$0x1C720] =	vst.add.f32.msk $0xffff, v3  }
0x344: {  	[tilespmem:s0+$0x1C730] =	vst.add.f32.msk $0xffff, v4  }
0x345: {  	[tilespmem:s0+$0x1C740] =	vst.add.f32.msk $0xffff, v5  }
0x346: {  	s3 =	sadd.s32 $0x200, s3;
	[tilespmem:s0+$0x1C750] =	vst.add.f32.msk $0xffff, v6  }
0x347: {  	[tilespmem:s0+$0x1C760] =	vst.add.f32.msk $0xffff, v0  }
0x348: {  	s3 =	simm.s32 $0x0;
	s2 =	rddreg [dreg:$0xb]  }
0x349: {  	[tilespmem:s3], [sflag:$0x1] =	stream.strided.gather [hbm4b:s2+s23], $0x18700, s24, s23, $0x38;
	[tilespmem:$0x1E700] =	vst v63  }
0x34a: {  	s3 =	sld [smem:$0x7EB];
	_ =	sdelay $0x2  }
0x34b: {  	[tilespmem:s25], [sflag:$0x2] =	stream.strided.gather [hbm4b:s3+s23], $0x2000, s24, s23, $0x38;
	[tilespmem:$0x1E700] =	vst v63  }
0x34c: {  	_ =	swait.ge [sflag:s29], $0x2000  }
0x34d: {  	[sflag:s29] =	ssyncset.done $0x0  }
0x34e: {  	[sflag:s29] =	ssyncadd.s32 $0xFFFFE000  }
0x34f: {  	_ =	swait.ge [sflag:s30], $0x18700  }
0x350: {  	[sflag:s30] =	ssyncset.done $0x0  }
0x351: {  	s0 =	simm.s32 $0x0;
	[sflag:s30] =	ssyncadd.s32 $0xFFFE7900  }
0x352: {  	v0 =	vld [tilespmem:s0+$0x18770]  }
0x353: {  	v1 =	vld [tilespmem:s0+$0x18700]  }
0x354: {  	v2 =	vld [tilespmem:s0+$0x18710]  }
0x355: {  	v3 =	vld [tilespmem:s0+$0x18720]  }
0x356: {  	v4 =	vld [tilespmem:s0+$0x18730]  }
0x357: {  	v5 =	vld [tilespmem:s0+$0x18740]  }
0x358: {  	v6 =	vld [tilespmem:s0+$0x18750]  }
0x359: {  	v7 =	vld [tilespmem:s0+$0x18760]  }
0x35a: {  	v0 =	vld.idx.msk [tilespmem:v0+s1+$0x0], $0xffff  }
0x35b: {  	v1 =	vld.idx.msk [tilespmem:v1+s1+$0x0], $0xffff  }
0x35c: {  	v2 =	vld.idx.msk [tilespmem:v2+s1+$0x0], $0xffff  }
0x35d: {  	v3 =	vld.idx.msk [tilespmem:v3+s1+$0x0], $0xffff  }
0x35e: {  	v4 =	vld.idx.msk [tilespmem:v4+s1+$0x0], $0xffff  }
0x35f: {  	v5 =	vld.idx.msk [tilespmem:v5+s1+$0x0], $0xffff  }
0x360: {  	v6 =	vld.idx.msk [tilespmem:v6+s1+$0x0], $0xffff  }
0x361: {  	[tilespmem:s0+$0x1A770] =	vst.add.f32.msk $0xffff, v0  }
0x362: {  	v0 =	vld.idx.msk [tilespmem:v7+s1+$0x0], $0xffff  }
0x363: {  	[tilespmem:s0+$0x1A700] =	vst.add.f32.msk $0xffff, v1  }
0x364: {  	[tilespmem:s0+$0x1A710] =	vst.add.f32.msk $0xffff, v2  }
0x365: {  	[tilespmem:s0+$0x1A720] =	vst.add.f32.msk $0xffff, v3  }
0x366: {  	[tilespmem:s0+$0x1A730] =	vst.add.f32.msk $0xffff, v4  }
0x367: {  	[tilespmem:s0+$0x1A740] =	vst.add.f32.msk $0xffff, v5  }
0x368: {  	s2 =	simm.s32 $0x0;
	s3 =	simm.s32 $0x200;
	[tilespmem:s0+$0x1A750] =	vst.add.f32.msk $0xffff, v6  }
.LBB2_30:
0x369: {  	s2 =	sadd.s32 $0x80, s2;
	[tilespmem:s0+$0x1A760] =	vst.add.f32.msk $0xffff, v0;
	s0 =	sshra.s32 s3, $0x2  }
0x36a: {  	v0 =	vld [tilespmem:s0+$0x18770];
	p0 =	slt.u32 s2, $0x1F80  }
0x36b: {  	v1 =	vld [tilespmem:s0+$0x18700]  }
0x36c: {  	v2 =	vld [tilespmem:s0+$0x18710]  }
0x36d: {  	v3 =	vld [tilespmem:s0+$0x18720]  }
0x36e: {  	v4 =	vld [tilespmem:s0+$0x18730]  }
0x36f: {  	v5 =	vld [tilespmem:s0+$0x18740]  }
0x370: {  	v6 =	vld [tilespmem:s0+$0x18750]  }
0x371: {  	v7 =	vld [tilespmem:s0+$0x18760]  }
0x372: {  	v0 =	vld.idx.msk [tilespmem:v0+s1+$0x0], $0xffff  }
0x373: {  	v1 =	vld.idx.msk [tilespmem:v1+s1+$0x0], $0xffff  }
0x374: {  	v2 =	vld.idx.msk [tilespmem:v2+s1+$0x0], $0xffff  }
0x375: {  	v3 =	vld.idx.msk [tilespmem:v3+s1+$0x0], $0xffff  }
0x376: {  	v4 =	vld.idx.msk [tilespmem:v4+s1+$0x0], $0xffff  }
0x377: {  	v5 =	vld.idx.msk [tilespmem:v5+s1+$0x0], $0xffff  }
0x378: {  	[tilespmem:s0+$0x1A770] =	vst.add.f32.msk $0xffff, v0  }
0x379: {  	v6 =	vld.idx.msk [tilespmem:v6+s1+$0x0], $0xffff  }
0x37a: {  	v0 =	vld.idx.msk [tilespmem:v7+s1+$0x0], $0xffff  }
0x37b: {  	[tilespmem:s0+$0x1A700] =	vst.add.f32.msk $0xffff, v1  }
.Ltmp14:
0x37c: {  	[tilespmem:s0+$0x1A710] =	vst.add.f32.msk $0xffff, v2;
	(pc) =	sbr.rel @p0 .LBB2_30-.Ltmp14, $4  }
0x37d: {  	[tilespmem:s0+$0x1A720] =	vst.add.f32.msk $0xffff, v3  }
0x37e: {  	[tilespmem:s0+$0x1A730] =	vst.add.f32.msk $0xffff, v4  }
0x37f: {  	[tilespmem:s0+$0x1A740] =	vst.add.f32.msk $0xffff, v5  }
0x380: {  	s3 =	sadd.s32 $0x200, s3;
	[tilespmem:s0+$0x1A750] =	vst.add.f32.msk $0xffff, v6  }
0x381: {  	[tilespmem:s0+$0x1A760] =	vst.add.f32.msk $0xffff, v0  }
0x382: {  	s0 =	sld [smem:$0x7EC];
	_ =	sdelay $0x2  }
0x383: {  	[tilespmem:s25], [sflag:$0x2] =	stream.strided.gather [hbm4b:s0+s23], $0x2000, s24, s23, $0x38;
	[tilespmem:$0x1E700] =	vst v63  }
0x384: {  	_ =	swait.ge [sflag:s29], $0x2000  }
0x385: {  	[sflag:s29] =	ssyncset.done $0x0  }
0x386: {  	s0 =	simm.s32 $0x0;
	[sflag:s29] =	ssyncadd.s32 $0xFFFFE000  }
0x387: {  	v0 =	vld [tilespmem:s0+$0x18770]  }
0x388: {  	v1 =	vld [tilespmem:s0+$0x18700]  }
0x389: {  	v2 =	vld [tilespmem:s0+$0x18710]  }
0x38a: {  	v3 =	vld [tilespmem:s0+$0x18720]  }
0x38b: {  	v4 =	vld [tilespmem:s0+$0x18730]  }
0x38c: {  	v5 =	vld [tilespmem:s0+$0x18740]  }
0x38d: {  	v6 =	vld [tilespmem:s0+$0x18750]  }
0x38e: {  	v7 =	vld [tilespmem:s0+$0x18760]  }
0x38f: {  	v0 =	vld.idx.msk [tilespmem:v0+s1+$0x0], $0xffff  }
0x390: {  	v1 =	vld.idx.msk [tilespmem:v1+s1+$0x0], $0xffff  }
0x391: {  	v2 =	vld.idx.msk [tilespmem:v2+s1+$0x0], $0xffff  }
0x392: {  	v3 =	vld.idx.msk [tilespmem:v3+s1+$0x0], $0xffff  }
0x393: {  	v4 =	vld.idx.msk [tilespmem:v4+s1+$0x0], $0xffff  }
0x394: {  	v5 =	vld.idx.msk [tilespmem:v5+s1+$0x0], $0xffff  }
0x395: {  	v6 =	vld.idx.msk [tilespmem:v6+s1+$0x0], $0xffff  }
0x396: {  	[tilespmem:s0+$0x1C770] =	vst.add.f32.msk $0xffff, v0  }
0x397: {  	v0 =	vld.idx.msk [tilespmem:v7+s1+$0x0], $0xffff  }
0x398: {  	[tilespmem:s0+$0x1C700] =	vst.add.f32.msk $0xffff, v1  }
0x399: {  	[tilespmem:s0+$0x1C710] =	vst.add.f32.msk $0xffff, v2  }
0x39a: {  	[tilespmem:s0+$0x1C720] =	vst.add.f32.msk $0xffff, v3  }
0x39b: {  	[tilespmem:s0+$0x1C730] =	vst.add.f32.msk $0xffff, v4  }
0x39c: {  	[tilespmem:s0+$0x1C740] =	vst.add.f32.msk $0xffff, v5  }
0x39d: {  	s2 =	simm.s32 $0x0;
	s3 =	simm.s32 $0x200;
	[tilespmem:s0+$0x1C750] =	vst.add.f32.msk $0xffff, v6  }
.LBB2_32:
0x39e: {  	s2 =	sadd.s32 $0x80, s2;
	[tilespmem:s0+$0x1C760] =	vst.add.f32.msk $0xffff, v0;
	s0 =	sshra.s32 s3, $0x2  }
0x39f: {  	v0 =	vld [tilespmem:s0+$0x18770];
	p0 =	slt.u32 s2, $0x1F80  }
0x3a0: {  	v1 =	vld [tilespmem:s0+$0x18700]  }
0x3a1: {  	v2 =	vld [tilespmem:s0+$0x18710]  }
0x3a2: {  	v3 =	vld [tilespmem:s0+$0x18720]  }
0x3a3: {  	v4 =	vld [tilespmem:s0+$0x18730]  }
0x3a4: {  	v5 =	vld [tilespmem:s0+$0x18740]  }
0x3a5: {  	v6 =	vld [tilespmem:s0+$0x18750]  }
0x3a6: {  	v7 =	vld [tilespmem:s0+$0x18760]  }
0x3a7: {  	v0 =	vld.idx.msk [tilespmem:v0+s1+$0x0], $0xffff  }
0x3a8: {  	v1 =	vld.idx.msk [tilespmem:v1+s1+$0x0], $0xffff  }
0x3a9: {  	v2 =	vld.idx.msk [tilespmem:v2+s1+$0x0], $0xffff  }
0x3aa: {  	v3 =	vld.idx.msk [tilespmem:v3+s1+$0x0], $0xffff  }
0x3ab: {  	v4 =	vld.idx.msk [tilespmem:v4+s1+$0x0], $0xffff  }
0x3ac: {  	v5 =	vld.idx.msk [tilespmem:v5+s1+$0x0], $0xffff  }
0x3ad: {  	[tilespmem:s0+$0x1C770] =	vst.add.f32.msk $0xffff, v0  }
0x3ae: {  	v6 =	vld.idx.msk [tilespmem:v6+s1+$0x0], $0xffff  }
0x3af: {  	v0 =	vld.idx.msk [tilespmem:v7+s1+$0x0], $0xffff  }
0x3b0: {  	[tilespmem:s0+$0x1C700] =	vst.add.f32.msk $0xffff, v1  }
.Ltmp15:
0x3b1: {  	[tilespmem:s0+$0x1C710] =	vst.add.f32.msk $0xffff, v2;
	(pc) =	sbr.rel @p0 .LBB2_32-.Ltmp15, $4  }
0x3b2: {  	[tilespmem:s0+$0x1C720] =	vst.add.f32.msk $0xffff, v3  }
0x3b3: {  	[tilespmem:s0+$0x1C730] =	vst.add.f32.msk $0xffff, v4  }
0x3b4: {  	[tilespmem:s0+$0x1C740] =	vst.add.f32.msk $0xffff, v5  }
0x3b5: {  	s3 =	sadd.s32 $0x200, s3;
	[tilespmem:s0+$0x1C750] =	vst.add.f32.msk $0xffff, v6  }
0x3b6: {  	[tilespmem:s0+$0x1C760] =	vst.add.f32.msk $0xffff, v0  }
0x3b7: {  	s3 =	simm.s32 $0x0;
	s2 =	rddreg [dreg:$0xc]  }
0x3b8: {  	[tilespmem:s3], [sflag:$0x1] =	stream.strided.gather [hbm4b:s2+s23], $0x18700, s24, s23, $0x38;
	[tilespmem:$0x1E700] =	vst v63  }
0x3b9: {  	s3 =	sld [smem:$0x7ED];
	_ =	sdelay $0x2  }
0x3ba: {  	[tilespmem:s25], [sflag:$0x2] =	stream.strided.gather [hbm4b:s3+s23], $0x2000, s24, s23, $0x38;
	[tilespmem:$0x1E700] =	vst v63  }
0x3bb: {  	_ =	swait.ge [sflag:s29], $0x2000  }
0x3bc: {  	[sflag:s29] =	ssyncset.done $0x0  }
0x3bd: {  	[sflag:s29] =	ssyncadd.s32 $0xFFFFE000  }
0x3be: {  	_ =	swait.ge [sflag:s30], $0x18700  }
0x3bf: {  	[sflag:s30] =	ssyncset.done $0x0  }
0x3c0: {  	s0 =	simm.s32 $0x0;
	[sflag:s30] =	ssyncadd.s32 $0xFFFE7900  }
0x3c1: {  	v0 =	vld [tilespmem:s0+$0x18770]  }
0x3c2: {  	v1 =	vld [tilespmem:s0+$0x18700]  }
0x3c3: {  	v2 =	vld [tilespmem:s0+$0x18710]  }
0x3c4: {  	v3 =	vld [tilespmem:s0+$0x18720]  }
0x3c5: {  	v4 =	vld [tilespmem:s0+$0x18730]  }
0x3c6: {  	v5 =	vld [tilespmem:s0+$0x18740]  }
0x3c7: {  	v6 =	vld [tilespmem:s0+$0x18750]  }
0x3c8: {  	v7 =	vld [tilespmem:s0+$0x18760]  }
0x3c9: {  	v0 =	vld.idx.msk [tilespmem:v0+s1+$0x0], $0xffff  }
0x3ca: {  	v1 =	vld.idx.msk [tilespmem:v1+s1+$0x0], $0xffff  }
0x3cb: {  	v2 =	vld.idx.msk [tilespmem:v2+s1+$0x0], $0xffff  }
0x3cc: {  	v3 =	vld.idx.msk [tilespmem:v3+s1+$0x0], $0xffff  }
0x3cd: {  	v4 =	vld.idx.msk [tilespmem:v4+s1+$0x0], $0xffff  }
0x3ce: {  	v5 =	vld.idx.msk [tilespmem:v5+s1+$0x0], $0xffff  }
0x3cf: {  	v6 =	vld.idx.msk [tilespmem:v6+s1+$0x0], $0xffff  }
0x3d0: {  	[tilespmem:s0+$0x1A770] =	vst.add.f32.msk $0xffff, v0  }
0x3d1: {  	v0 =	vld.idx.msk [tilespmem:v7+s1+$0x0], $0xffff  }
0x3d2: {  	[tilespmem:s0+$0x1A700] =	vst.add.f32.msk $0xffff, v1  }
0x3d3: {  	[tilespmem:s0+$0x1A710] =	vst.add.f32.msk $0xffff, v2  }
0x3d4: {  	[tilespmem:s0+$0x1A720] =	vst.add.f32.msk $0xffff, v3  }
0x3d5: {  	[tilespmem:s0+$0x1A730] =	vst.add.f32.msk $0xffff, v4  }
0x3d6: {  	[tilespmem:s0+$0x1A740] =	vst.add.f32.msk $0xffff, v5  }
0x3d7: {  	s2 =	simm.s32 $0x0;
	s3 =	simm.s32 $0x200;
	[tilespmem:s0+$0x1A750] =	vst.add.f32.msk $0xffff, v6  }
.LBB2_34:
0x3d8: {  	s2 =	sadd.s32 $0x80, s2;
	[tilespmem:s0+$0x1A760] =	vst.add.f32.msk $0xffff, v0;
	s0 =	sshra.s32 s3, $0x2  }
0x3d9: {  	v0 =	vld [tilespmem:s0+$0x18770];
	p0 =	slt.u32 s2, $0x1F80  }
0x3da: {  	v1 =	vld [tilespmem:s0+$0x18700]  }
0x3db: {  	v2 =	vld [tilespmem:s0+$0x18710]  }
0x3dc: {  	v3 =	vld [tilespmem:s0+$0x18720]  }
0x3dd: {  	v4 =	vld [tilespmem:s0+$0x18730]  }
0x3de: {  	v5 =	vld [tilespmem:s0+$0x18740]  }
0x3df: {  	v6 =	vld [tilespmem:s0+$0x18750]  }
0x3e0: {  	v7 =	vld [tilespmem:s0+$0x18760]  }
0x3e1: {  	v0 =	vld.idx.msk [tilespmem:v0+s1+$0x0], $0xffff  }
0x3e2: {  	v1 =	vld.idx.msk [tilespmem:v1+s1+$0x0], $0xffff  }
0x3e3: {  	v2 =	vld.idx.msk [tilespmem:v2+s1+$0x0], $0xffff  }
0x3e4: {  	v3 =	vld.idx.msk [tilespmem:v3+s1+$0x0], $0xffff  }
0x3e5: {  	v4 =	vld.idx.msk [tilespmem:v4+s1+$0x0], $0xffff  }
0x3e6: {  	v5 =	vld.idx.msk [tilespmem:v5+s1+$0x0], $0xffff  }
0x3e7: {  	[tilespmem:s0+$0x1A770] =	vst.add.f32.msk $0xffff, v0  }
0x3e8: {  	v6 =	vld.idx.msk [tilespmem:v6+s1+$0x0], $0xffff  }
0x3e9: {  	v0 =	vld.idx.msk [tilespmem:v7+s1+$0x0], $0xffff  }
0x3ea: {  	[tilespmem:s0+$0x1A700] =	vst.add.f32.msk $0xffff, v1  }
.Ltmp16:
0x3eb: {  	[tilespmem:s0+$0x1A710] =	vst.add.f32.msk $0xffff, v2;
	(pc) =	sbr.rel @p0 .LBB2_34-.Ltmp16, $4  }
0x3ec: {  	[tilespmem:s0+$0x1A720] =	vst.add.f32.msk $0xffff, v3  }
0x3ed: {  	[tilespmem:s0+$0x1A730] =	vst.add.f32.msk $0xffff, v4  }
0x3ee: {  	[tilespmem:s0+$0x1A740] =	vst.add.f32.msk $0xffff, v5  }
0x3ef: {  	s3 =	sadd.s32 $0x200, s3;
	[tilespmem:s0+$0x1A750] =	vst.add.f32.msk $0xffff, v6  }
0x3f0: {  	[tilespmem:s0+$0x1A760] =	vst.add.f32.msk $0xffff, v0  }
0x3f1: {  	s0 =	sld [smem:$0x7EE];
	_ =	sdelay $0x2  }
0x3f2: {  	[tilespmem:s25], [sflag:$0x2] =	stream.strided.gather [hbm4b:s0+s23], $0x2000, s24, s23, $0x38;
	[tilespmem:$0x1E700] =	vst v63  }
0x3f3: {  	_ =	swait.ge [sflag:s29], $0x2000  }
0x3f4: {  	[sflag:s29] =	ssyncset.done $0x0  }
0x3f5: {  	s0 =	simm.s32 $0x0;
	[sflag:s29] =	ssyncadd.s32 $0xFFFFE000  }
0x3f6: {  	v0 =	vld [tilespmem:s0+$0x18770]  }
0x3f7: {  	v1 =	vld [tilespmem:s0+$0x18700]  }
0x3f8: {  	v2 =	vld [tilespmem:s0+$0x18710]  }
0x3f9: {  	v3 =	vld [tilespmem:s0+$0x18720]  }
0x3fa: {  	v4 =	vld [tilespmem:s0+$0x18730]  }
0x3fb: {  	v5 =	vld [tilespmem:s0+$0x18740]  }
0x3fc: {  	v6 =	vld [tilespmem:s0+$0x18750]  }
0x3fd: {  	v7 =	vld [tilespmem:s0+$0x18760]  }
0x3fe: {  	v0 =	vld.idx.msk [tilespmem:v0+s1+$0x0], $0xffff  }
0x3ff: {  	v1 =	vld.idx.msk [tilespmem:v1+s1+$0x0], $0xffff  }
0x400: {  	v2 =	vld.idx.msk [tilespmem:v2+s1+$0x0], $0xffff  }
0x401: {  	v3 =	vld.idx.msk [tilespmem:v3+s1+$0x0], $0xffff  }
0x402: {  	v4 =	vld.idx.msk [tilespmem:v4+s1+$0x0], $0xffff  }
0x403: {  	v5 =	vld.idx.msk [tilespmem:v5+s1+$0x0], $0xffff  }
0x404: {  	v6 =	vld.idx.msk [tilespmem:v6+s1+$0x0], $0xffff  }
0x405: {  	[tilespmem:s0+$0x1C770] =	vst.add.f32.msk $0xffff, v0  }
0x406: {  	v0 =	vld.idx.msk [tilespmem:v7+s1+$0x0], $0xffff  }
0x407: {  	[tilespmem:s0+$0x1C700] =	vst.add.f32.msk $0xffff, v1  }
0x408: {  	[tilespmem:s0+$0x1C710] =	vst.add.f32.msk $0xffff, v2  }
0x409: {  	[tilespmem:s0+$0x1C720] =	vst.add.f32.msk $0xffff, v3  }
0x40a: {  	[tilespmem:s0+$0x1C730] =	vst.add.f32.msk $0xffff, v4  }
0x40b: {  	[tilespmem:s0+$0x1C740] =	vst.add.f32.msk $0xffff, v5  }
0x40c: {  	s2 =	simm.s32 $0x0;
	s3 =	simm.s32 $0x200;
	[tilespmem:s0+$0x1C750] =	vst.add.f32.msk $0xffff, v6  }
.LBB2_36:
0x40d: {  	s2 =	sadd.s32 $0x80, s2;
	[tilespmem:s0+$0x1C760] =	vst.add.f32.msk $0xffff, v0;
	s0 =	sshra.s32 s3, $0x2  }
0x40e: {  	v0 =	vld [tilespmem:s0+$0x18770];
	p0 =	slt.u32 s2, $0x1F80  }
0x40f: {  	v1 =	vld [tilespmem:s0+$0x18700]  }
0x410: {  	v2 =	vld [tilespmem:s0+$0x18710]  }
0x411: {  	v3 =	vld [tilespmem:s0+$0x18720]  }
0x412: {  	v4 =	vld [tilespmem:s0+$0x18730]  }
0x413: {  	v5 =	vld [tilespmem:s0+$0x18740]  }
0x414: {  	v6 =	vld [tilespmem:s0+$0x18750]  }
0x415: {  	v7 =	vld [tilespmem:s0+$0x18760]  }
0x416: {  	v0 =	vld.idx.msk [tilespmem:v0+s1+$0x0], $0xffff  }
0x417: {  	v1 =	vld.idx.msk [tilespmem:v1+s1+$0x0], $0xffff  }
0x418: {  	v2 =	vld.idx.msk [tilespmem:v2+s1+$0x0], $0xffff  }
0x419: {  	v3 =	vld.idx.msk [tilespmem:v3+s1+$0x0], $0xffff  }
0x41a: {  	v4 =	vld.idx.msk [tilespmem:v4+s1+$0x0], $0xffff  }
0x41b: {  	v5 =	vld.idx.msk [tilespmem:v5+s1+$0x0], $0xffff  }
0x41c: {  	[tilespmem:s0+$0x1C770] =	vst.add.f32.msk $0xffff, v0  }
0x41d: {  	v6 =	vld.idx.msk [tilespmem:v6+s1+$0x0], $0xffff  }
0x41e: {  	v0 =	vld.idx.msk [tilespmem:v7+s1+$0x0], $0xffff  }
0x41f: {  	[tilespmem:s0+$0x1C700] =	vst.add.f32.msk $0xffff, v1  }
.Ltmp17:
0x420: {  	[tilespmem:s0+$0x1C710] =	vst.add.f32.msk $0xffff, v2;
	(pc) =	sbr.rel @p0 .LBB2_36-.Ltmp17, $4  }
0x421: {  	[tilespmem:s0+$0x1C720] =	vst.add.f32.msk $0xffff, v3  }
0x422: {  	[tilespmem:s0+$0x1C730] =	vst.add.f32.msk $0xffff, v4  }
0x423: {  	[tilespmem:s0+$0x1C740] =	vst.add.f32.msk $0xffff, v5  }
0x424: {  	s3 =	sadd.s32 $0x200, s3;
	[tilespmem:s0+$0x1C750] =	vst.add.f32.msk $0xffff, v6  }
0x425: {  	[tilespmem:s0+$0x1C760] =	vst.add.f32.msk $0xffff, v0  }
0x426: {  	s3 =	simm.s32 $0x0;
	s2 =	rddreg [dreg:$0xd]  }
0x427: {  	[tilespmem:s3], [sflag:$0x1] =	stream.strided.gather [hbm4b:s2+s23], $0x18700, s24, s23, $0x38;
	[tilespmem:$0x1E700] =	vst v63  }
0x428: {  	s3 =	sld [smem:$0x7EF];
	_ =	sdelay $0x2  }
0x429: {  	[tilespmem:s25], [sflag:$0x2] =	stream.strided.gather [hbm4b:s3+s23], $0x2000, s24, s23, $0x38;
	[tilespmem:$0x1E700] =	vst v63  }
0x42a: {  	_ =	swait.ge [sflag:s29], $0x2000  }
0x42b: {  	[sflag:s29] =	ssyncset.done $0x0  }
0x42c: {  	[sflag:s29] =	ssyncadd.s32 $0xFFFFE000  }
0x42d: {  	_ =	swait.ge [sflag:s30], $0x18700  }
0x42e: {  	[sflag:s30] =	ssyncset.done $0x0  }
0x42f: {  	s0 =	simm.s32 $0x0;
	[sflag:s30] =	ssyncadd.s32 $0xFFFE7900  }
0x430: {  	v0 =	vld [tilespmem:s0+$0x18770]  }
0x431: {  	v1 =	vld [tilespmem:s0+$0x18700]  }
0x432: {  	v2 =	vld [tilespmem:s0+$0x18710]  }
0x433: {  	v3 =	vld [tilespmem:s0+$0x18720]  }
0x434: {  	v4 =	vld [tilespmem:s0+$0x18730]  }
0x435: {  	v5 =	vld [tilespmem:s0+$0x18740]  }
0x436: {  	v6 =	vld [tilespmem:s0+$0x18750]  }
0x437: {  	v7 =	vld [tilespmem:s0+$0x18760]  }
0x438: {  	v0 =	vld.idx.msk [tilespmem:v0+s1+$0x0], $0xffff  }
0x439: {  	v1 =	vld.idx.msk [tilespmem:v1+s1+$0x0], $0xffff  }
0x43a: {  	v2 =	vld.idx.msk [tilespmem:v2+s1+$0x0], $0xffff  }
0x43b: {  	v3 =	vld.idx.msk [tilespmem:v3+s1+$0x0], $0xffff  }
0x43c: {  	v4 =	vld.idx.msk [tilespmem:v4+s1+$0x0], $0xffff  }
0x43d: {  	v5 =	vld.idx.msk [tilespmem:v5+s1+$0x0], $0xffff  }
0x43e: {  	v6 =	vld.idx.msk [tilespmem:v6+s1+$0x0], $0xffff  }
0x43f: {  	[tilespmem:s0+$0x1A770] =	vst.add.f32.msk $0xffff, v0  }
0x440: {  	v0 =	vld.idx.msk [tilespmem:v7+s1+$0x0], $0xffff  }
0x441: {  	[tilespmem:s0+$0x1A700] =	vst.add.f32.msk $0xffff, v1  }
0x442: {  	[tilespmem:s0+$0x1A710] =	vst.add.f32.msk $0xffff, v2  }
0x443: {  	[tilespmem:s0+$0x1A720] =	vst.add.f32.msk $0xffff, v3  }
0x444: {  	[tilespmem:s0+$0x1A730] =	vst.add.f32.msk $0xffff, v4  }
0x445: {  	[tilespmem:s0+$0x1A740] =	vst.add.f32.msk $0xffff, v5  }
0x446: {  	s2 =	simm.s32 $0x0;
	s3 =	simm.s32 $0x200;
	[tilespmem:s0+$0x1A750] =	vst.add.f32.msk $0xffff, v6  }
.LBB2_38:
0x447: {  	s2 =	sadd.s32 $0x80, s2;
	[tilespmem:s0+$0x1A760] =	vst.add.f32.msk $0xffff, v0;
	s0 =	sshra.s32 s3, $0x2  }
0x448: {  	v0 =	vld [tilespmem:s0+$0x18770];
	p0 =	slt.u32 s2, $0x1F80  }
0x449: {  	v1 =	vld [tilespmem:s0+$0x18700]  }
0x44a: {  	v2 =	vld [tilespmem:s0+$0x18710]  }
0x44b: {  	v3 =	vld [tilespmem:s0+$0x18720]  }
0x44c: {  	v4 =	vld [tilespmem:s0+$0x18730]  }
0x44d: {  	v5 =	vld [tilespmem:s0+$0x18740]  }
0x44e: {  	v6 =	vld [tilespmem:s0+$0x18750]  }
0x44f: {  	v7 =	vld [tilespmem:s0+$0x18760]  }
0x450: {  	v0 =	vld.idx.msk [tilespmem:v0+s1+$0x0], $0xffff  }
0x451: {  	v1 =	vld.idx.msk [tilespmem:v1+s1+$0x0], $0xffff  }
0x452: {  	v2 =	vld.idx.msk [tilespmem:v2+s1+$0x0], $0xffff  }
0x453: {  	v3 =	vld.idx.msk [tilespmem:v3+s1+$0x0], $0xffff  }
0x454: {  	v4 =	vld.idx.msk [tilespmem:v4+s1+$0x0], $0xffff  }
0x455: {  	v5 =	vld.idx.msk [tilespmem:v5+s1+$0x0], $0xffff  }
0x456: {  	[tilespmem:s0+$0x1A770] =	vst.add.f32.msk $0xffff, v0  }
0x457: {  	v6 =	vld.idx.msk [tilespmem:v6+s1+$0x0], $0xffff  }
0x458: {  	v0 =	vld.idx.msk [tilespmem:v7+s1+$0x0], $0xffff  }
0x459: {  	[tilespmem:s0+$0x1A700] =	vst.add.f32.msk $0xffff, v1  }
.Ltmp18:
0x45a: {  	[tilespmem:s0+$0x1A710] =	vst.add.f32.msk $0xffff, v2;
	(pc) =	sbr.rel @p0 .LBB2_38-.Ltmp18, $4  }
0x45b: {  	[tilespmem:s0+$0x1A720] =	vst.add.f32.msk $0xffff, v3  }
0x45c: {  	[tilespmem:s0+$0x1A730] =	vst.add.f32.msk $0xffff, v4  }
0x45d: {  	[tilespmem:s0+$0x1A740] =	vst.add.f32.msk $0xffff, v5  }
0x45e: {  	s3 =	sadd.s32 $0x200, s3;
	[tilespmem:s0+$0x1A750] =	vst.add.f32.msk $0xffff, v6  }
0x45f: {  	[tilespmem:s0+$0x1A760] =	vst.add.f32.msk $0xffff, v0  }
0x460: {  	s0 =	sld [smem:$0x7F0];
	_ =	sdelay $0x2  }
0x461: {  	[tilespmem:s25], [sflag:$0x2] =	stream.strided.gather [hbm4b:s0+s23], $0x2000, s24, s23, $0x38;
	[tilespmem:$0x1E700] =	vst v63  }
0x462: {  	_ =	swait.ge [sflag:s29], $0x2000  }
0x463: {  	[sflag:s29] =	ssyncset.done $0x0  }
0x464: {  	s0 =	simm.s32 $0x0;
	[sflag:s29] =	ssyncadd.s32 $0xFFFFE000  }
0x465: {  	v0 =	vld [tilespmem:s0+$0x18770]  }
0x466: {  	v1 =	vld [tilespmem:s0+$0x18700]  }
0x467: {  	v2 =	vld [tilespmem:s0+$0x18710]  }
0x468: {  	v3 =	vld [tilespmem:s0+$0x18720]  }
0x469: {  	v4 =	vld [tilespmem:s0+$0x18730]  }
0x46a: {  	v5 =	vld [tilespmem:s0+$0x18740]  }
0x46b: {  	v6 =	vld [tilespmem:s0+$0x18750]  }
0x46c: {  	v7 =	vld [tilespmem:s0+$0x18760]  }
0x46d: {  	v0 =	vld.idx.msk [tilespmem:v0+s1+$0x0], $0xffff  }
0x46e: {  	v1 =	vld.idx.msk [tilespmem:v1+s1+$0x0], $0xffff  }
0x46f: {  	v2 =	vld.idx.msk [tilespmem:v2+s1+$0x0], $0xffff  }
0x470: {  	v3 =	vld.idx.msk [tilespmem:v3+s1+$0x0], $0xffff  }
0x471: {  	v4 =	vld.idx.msk [tilespmem:v4+s1+$0x0], $0xffff  }
0x472: {  	v5 =	vld.idx.msk [tilespmem:v5+s1+$0x0], $0xffff  }
0x473: {  	v6 =	vld.idx.msk [tilespmem:v6+s1+$0x0], $0xffff  }
0x474: {  	[tilespmem:s0+$0x1C770] =	vst.add.f32.msk $0xffff, v0  }
0x475: {  	v0 =	vld.idx.msk [tilespmem:v7+s1+$0x0], $0xffff  }
0x476: {  	[tilespmem:s0+$0x1C700] =	vst.add.f32.msk $0xffff, v1  }
0x477: {  	[tilespmem:s0+$0x1C710] =	vst.add.f32.msk $0xffff, v2  }
0x478: {  	[tilespmem:s0+$0x1C720] =	vst.add.f32.msk $0xffff, v3  }
0x479: {  	[tilespmem:s0+$0x1C730] =	vst.add.f32.msk $0xffff, v4  }
0x47a: {  	[tilespmem:s0+$0x1C740] =	vst.add.f32.msk $0xffff, v5  }
0x47b: {  	s2 =	simm.s32 $0x0;
	s3 =	simm.s32 $0x200;
	[tilespmem:s0+$0x1C750] =	vst.add.f32.msk $0xffff, v6  }
.LBB2_40:
0x47c: {  	s2 =	sadd.s32 $0x80, s2;
	[tilespmem:s0+$0x1C760] =	vst.add.f32.msk $0xffff, v0;
	s0 =	sshra.s32 s3, $0x2  }
0x47d: {  	v0 =	vld [tilespmem:s0+$0x18770];
	p0 =	slt.u32 s2, $0x1F80  }
0x47e: {  	v1 =	vld [tilespmem:s0+$0x18700]  }
0x47f: {  	v2 =	vld [tilespmem:s0+$0x18710]  }
0x480: {  	v3 =	vld [tilespmem:s0+$0x18720]  }
0x481: {  	v4 =	vld [tilespmem:s0+$0x18730]  }
0x482: {  	v5 =	vld [tilespmem:s0+$0x18740]  }
0x483: {  	v6 =	vld [tilespmem:s0+$0x18750]  }
0x484: {  	v7 =	vld [tilespmem:s0+$0x18760]  }
0x485: {  	v0 =	vld.idx.msk [tilespmem:v0+s1+$0x0], $0xffff  }
0x486: {  	v1 =	vld.idx.msk [tilespmem:v1+s1+$0x0], $0xffff  }
0x487: {  	v2 =	vld.idx.msk [tilespmem:v2+s1+$0x0], $0xffff  }
0x488: {  	v3 =	vld.idx.msk [tilespmem:v3+s1+$0x0], $0xffff  }
0x489: {  	v4 =	vld.idx.msk [tilespmem:v4+s1+$0x0], $0xffff  }
0x48a: {  	v5 =	vld.idx.msk [tilespmem:v5+s1+$0x0], $0xffff  }
0x48b: {  	[tilespmem:s0+$0x1C770] =	vst.add.f32.msk $0xffff, v0  }
0x48c: {  	v6 =	vld.idx.msk [tilespmem:v6+s1+$0x0], $0xffff  }
0x48d: {  	v0 =	vld.idx.msk [tilespmem:v7+s1+$0x0], $0xffff  }
0x48e: {  	[tilespmem:s0+$0x1C700] =	vst.add.f32.msk $0xffff, v1  }
.Ltmp19:
0x48f: {  	[tilespmem:s0+$0x1C710] =	vst.add.f32.msk $0xffff, v2;
	(pc) =	sbr.rel @p0 .LBB2_40-.Ltmp19, $4  }
0x490: {  	[tilespmem:s0+$0x1C720] =	vst.add.f32.msk $0xffff, v3  }
0x491: {  	[tilespmem:s0+$0x1C730] =	vst.add.f32.msk $0xffff, v4  }
0x492: {  	[tilespmem:s0+$0x1C740] =	vst.add.f32.msk $0xffff, v5  }
0x493: {  	s3 =	sadd.s32 $0x200, s3;
	[tilespmem:s0+$0x1C750] =	vst.add.f32.msk $0xffff, v6  }
0x494: {  	[tilespmem:s0+$0x1C760] =	vst.add.f32.msk $0xffff, v0  }
0x495: {  	s3 =	simm.s32 $0x0;
	s2 =	rddreg [dreg:$0xe]  }
0x496: {  	[tilespmem:s3], [sflag:$0x1] =	stream.strided.gather [hbm4b:s2+s23], $0x18700, s24, s23, $0x38;
	[tilespmem:$0x1E700] =	vst v63  }
0x497: {  	s3 =	sld [smem:$0x7F1];
	_ =	sdelay $0x2  }
0x498: {  	[tilespmem:s25], [sflag:$0x2] =	stream.strided.gather [hbm4b:s3+s23], $0x2000, s24, s23, $0x38;
	[tilespmem:$0x1E700] =	vst v63  }
0x499: {  	_ =	swait.ge [sflag:s29], $0x2000  }
0x49a: {  	[sflag:s29] =	ssyncset.done $0x0  }
0x49b: {  	[sflag:s29] =	ssyncadd.s32 $0xFFFFE000  }
0x49c: {  	_ =	swait.ge [sflag:s30], $0x18700  }
0x49d: {  	[sflag:s30] =	ssyncset.done $0x0  }
0x49e: {  	s0 =	simm.s32 $0x0;
	[sflag:s30] =	ssyncadd.s32 $0xFFFE7900  }
0x49f: {  	v0 =	vld [tilespmem:s0+$0x18770]  }
0x4a0: {  	v1 =	vld [tilespmem:s0+$0x18700]  }
0x4a1: {  	v2 =	vld [tilespmem:s0+$0x18710]  }
0x4a2: {  	v3 =	vld [tilespmem:s0+$0x18720]  }
0x4a3: {  	v4 =	vld [tilespmem:s0+$0x18730]  }
0x4a4: {  	v5 =	vld [tilespmem:s0+$0x18740]  }
0x4a5: {  	v6 =	vld [tilespmem:s0+$0x18750]  }
0x4a6: {  	v7 =	vld [tilespmem:s0+$0x18760]  }
0x4a7: {  	v0 =	vld.idx.msk [tilespmem:v0+s1+$0x0], $0xffff  }
0x4a8: {  	v1 =	vld.idx.msk [tilespmem:v1+s1+$0x0], $0xffff  }
0x4a9: {  	v2 =	vld.idx.msk [tilespmem:v2+s1+$0x0], $0xffff  }
0x4aa: {  	v3 =	vld.idx.msk [tilespmem:v3+s1+$0x0], $0xffff  }
0x4ab: {  	v4 =	vld.idx.msk [tilespmem:v4+s1+$0x0], $0xffff  }
0x4ac: {  	v5 =	vld.idx.msk [tilespmem:v5+s1+$0x0], $0xffff  }
0x4ad: {  	v6 =	vld.idx.msk [tilespmem:v6+s1+$0x0], $0xffff  }
0x4ae: {  	[tilespmem:s0+$0x1A770] =	vst.add.f32.msk $0xffff, v0  }
0x4af: {  	v0 =	vld.idx.msk [tilespmem:v7+s1+$0x0], $0xffff  }
0x4b0: {  	[tilespmem:s0+$0x1A700] =	vst.add.f32.msk $0xffff, v1  }
0x4b1: {  	[tilespmem:s0+$0x1A710] =	vst.add.f32.msk $0xffff, v2  }
0x4b2: {  	[tilespmem:s0+$0x1A720] =	vst.add.f32.msk $0xffff, v3  }
0x4b3: {  	[tilespmem:s0+$0x1A730] =	vst.add.f32.msk $0xffff, v4  }
0x4b4: {  	[tilespmem:s0+$0x1A740] =	vst.add.f32.msk $0xffff, v5  }
0x4b5: {  	s2 =	simm.s32 $0x0;
	s3 =	simm.s32 $0x200;
	[tilespmem:s0+$0x1A750] =	vst.add.f32.msk $0xffff, v6  }
.LBB2_42:
0x4b6: {  	s2 =	sadd.s32 $0x80, s2;
	[tilespmem:s0+$0x1A760] =	vst.add.f32.msk $0xffff, v0;
	s0 =	sshra.s32 s3, $0x2  }
0x4b7: {  	v0 =	vld [tilespmem:s0+$0x18770];
	p0 =	slt.u32 s2, $0x1F80  }
0x4b8: {  	v1 =	vld [tilespmem:s0+$0x18700]  }
0x4b9: {  	v2 =	vld [tilespmem:s0+$0x18710]  }
0x4ba: {  	v3 =	vld [tilespmem:s0+$0x18720]  }
0x4bb: {  	v4 =	vld [tilespmem:s0+$0x18730]  }
0x4bc: {  	v5 =	vld [tilespmem:s0+$0x18740]  }
0x4bd: {  	v6 =	vld [tilespmem:s0+$0x18750]  }
0x4be: {  	v7 =	vld [tilespmem:s0+$0x18760]  }
0x4bf: {  	v0 =	vld.idx.msk [tilespmem:v0+s1+$0x0], $0xffff  }
0x4c0: {  	v1 =	vld.idx.msk [tilespmem:v1+s1+$0x0], $0xffff  }
0x4c1: {  	v2 =	vld.idx.msk [tilespmem:v2+s1+$0x0], $0xffff  }
0x4c2: {  	v3 =	vld.idx.msk [tilespmem:v3+s1+$0x0], $0xffff  }
0x4c3: {  	v4 =	vld.idx.msk [tilespmem:v4+s1+$0x0], $0xffff  }
0x4c4: {  	v5 =	vld.idx.msk [tilespmem:v5+s1+$0x0], $0xffff  }
0x4c5: {  	[tilespmem:s0+$0x1A770] =	vst.add.f32.msk $0xffff, v0  }
0x4c6: {  	v6 =	vld.idx.msk [tilespmem:v6+s1+$0x0], $0xffff  }
0x4c7: {  	v0 =	vld.idx.msk [tilespmem:v7+s1+$0x0], $0xffff  }
0x4c8: {  	[tilespmem:s0+$0x1A700] =	vst.add.f32.msk $0xffff, v1  }
.Ltmp20:
0x4c9: {  	[tilespmem:s0+$0x1A710] =	vst.add.f32.msk $0xffff, v2;
	(pc) =	sbr.rel @p0 .LBB2_42-.Ltmp20, $4  }
0x4ca: {  	[tilespmem:s0+$0x1A720] =	vst.add.f32.msk $0xffff, v3  }
0x4cb: {  	[tilespmem:s0+$0x1A730] =	vst.add.f32.msk $0xffff, v4  }
0x4cc: {  	[tilespmem:s0+$0x1A740] =	vst.add.f32.msk $0xffff, v5  }
0x4cd: {  	s3 =	sadd.s32 $0x200, s3;
	[tilespmem:s0+$0x1A750] =	vst.add.f32.msk $0xffff, v6  }
0x4ce: {  	[tilespmem:s0+$0x1A760] =	vst.add.f32.msk $0xffff, v0  }
0x4cf: {  	s0 =	sld [smem:$0x7F2];
	_ =	sdelay $0x2  }
0x4d0: {  	[tilespmem:s25], [sflag:$0x2] =	stream.strided.gather [hbm4b:s0+s23], $0x2000, s24, s23, $0x38;
	[tilespmem:$0x1E700] =	vst v63  }
0x4d1: {  	_ =	swait.ge [sflag:s29], $0x2000  }
0x4d2: {  	[sflag:s29] =	ssyncset.done $0x0  }
0x4d3: {  	s0 =	simm.s32 $0x0;
	[sflag:s29] =	ssyncadd.s32 $0xFFFFE000  }
0x4d4: {  	v0 =	vld [tilespmem:s0+$0x18770]  }
0x4d5: {  	v1 =	vld [tilespmem:s0+$0x18700]  }
0x4d6: {  	v2 =	vld [tilespmem:s0+$0x18710]  }
0x4d7: {  	v3 =	vld [tilespmem:s0+$0x18720]  }
0x4d8: {  	v4 =	vld [tilespmem:s0+$0x18730]  }
0x4d9: {  	v5 =	vld [tilespmem:s0+$0x18740]  }
0x4da: {  	v6 =	vld [tilespmem:s0+$0x18750]  }
0x4db: {  	v7 =	vld [tilespmem:s0+$0x18760]  }
0x4dc: {  	v0 =	vld.idx.msk [tilespmem:v0+s1+$0x0], $0xffff  }
0x4dd: {  	v1 =	vld.idx.msk [tilespmem:v1+s1+$0x0], $0xffff  }
0x4de: {  	v2 =	vld.idx.msk [tilespmem:v2+s1+$0x0], $0xffff  }
0x4df: {  	v3 =	vld.idx.msk [tilespmem:v3+s1+$0x0], $0xffff  }
0x4e0: {  	v4 =	vld.idx.msk [tilespmem:v4+s1+$0x0], $0xffff  }
0x4e1: {  	v5 =	vld.idx.msk [tilespmem:v5+s1+$0x0], $0xffff  }
0x4e2: {  	v6 =	vld.idx.msk [tilespmem:v6+s1+$0x0], $0xffff  }
0x4e3: {  	[tilespmem:s0+$0x1C770] =	vst.add.f32.msk $0xffff, v0  }
0x4e4: {  	v0 =	vld.idx.msk [tilespmem:v7+s1+$0x0], $0xffff  }
0x4e5: {  	[tilespmem:s0+$0x1C700] =	vst.add.f32.msk $0xffff, v1  }
0x4e6: {  	[tilespmem:s0+$0x1C710] =	vst.add.f32.msk $0xffff, v2  }
0x4e7: {  	[tilespmem:s0+$0x1C720] =	vst.add.f32.msk $0xffff, v3  }
0x4e8: {  	[tilespmem:s0+$0x1C730] =	vst.add.f32.msk $0xffff, v4  }
0x4e9: {  	[tilespmem:s0+$0x1C740] =	vst.add.f32.msk $0xffff, v5  }
0x4ea: {  	s2 =	simm.s32 $0x0;
	s3 =	simm.s32 $0x200;
	[tilespmem:s0+$0x1C750] =	vst.add.f32.msk $0xffff, v6  }
.LBB2_44:
0x4eb: {  	s2 =	sadd.s32 $0x80, s2;
	[tilespmem:s0+$0x1C760] =	vst.add.f32.msk $0xffff, v0;
	s0 =	sshra.s32 s3, $0x2  }
0x4ec: {  	v0 =	vld [tilespmem:s0+$0x18770];
	p0 =	slt.u32 s2, $0x1F80  }
0x4ed: {  	v1 =	vld [tilespmem:s0+$0x18700]  }
0x4ee: {  	v2 =	vld [tilespmem:s0+$0x18710]  }
0x4ef: {  	v3 =	vld [tilespmem:s0+$0x18720]  }
0x4f0: {  	v4 =	vld [tilespmem:s0+$0x18730]  }
0x4f1: {  	v5 =	vld [tilespmem:s0+$0x18740]  }
0x4f2: {  	v6 =	vld [tilespmem:s0+$0x18750]  }
0x4f3: {  	v7 =	vld [tilespmem:s0+$0x18760]  }
0x4f4: {  	v0 =	vld.idx.msk [tilespmem:v0+s1+$0x0], $0xffff  }
0x4f5: {  	v1 =	vld.idx.msk [tilespmem:v1+s1+$0x0], $0xffff  }
0x4f6: {  	v2 =	vld.idx.msk [tilespmem:v2+s1+$0x0], $0xffff  }
0x4f7: {  	v3 =	vld.idx.msk [tilespmem:v3+s1+$0x0], $0xffff  }
0x4f8: {  	v4 =	vld.idx.msk [tilespmem:v4+s1+$0x0], $0xffff  }
0x4f9: {  	v5 =	vld.idx.msk [tilespmem:v5+s1+$0x0], $0xffff  }
0x4fa: {  	[tilespmem:s0+$0x1C770] =	vst.add.f32.msk $0xffff, v0  }
0x4fb: {  	v6 =	vld.idx.msk [tilespmem:v6+s1+$0x0], $0xffff  }
0x4fc: {  	v0 =	vld.idx.msk [tilespmem:v7+s1+$0x0], $0xffff  }
0x4fd: {  	[tilespmem:s0+$0x1C700] =	vst.add.f32.msk $0xffff, v1  }
.Ltmp21:
0x4fe: {  	[tilespmem:s0+$0x1C710] =	vst.add.f32.msk $0xffff, v2;
	(pc) =	sbr.rel @p0 .LBB2_44-.Ltmp21, $4  }
0x4ff: {  	[tilespmem:s0+$0x1C720] =	vst.add.f32.msk $0xffff, v3  }
0x500: {  	[tilespmem:s0+$0x1C730] =	vst.add.f32.msk $0xffff, v4  }
0x501: {  	[tilespmem:s0+$0x1C740] =	vst.add.f32.msk $0xffff, v5  }
0x502: {  	s3 =	sadd.s32 $0x200, s3;
	[tilespmem:s0+$0x1C750] =	vst.add.f32.msk $0xffff, v6  }
0x503: {  	[tilespmem:s0+$0x1C760] =	vst.add.f32.msk $0xffff, v0  }
0x504: {  	s3 =	simm.s32 $0x0;
	s2 =	rddreg [dreg:$0xf]  }
0x505: {  	[tilespmem:s3], [sflag:$0x1] =	stream.strided.gather [hbm4b:s2+s23], $0x18700, s24, s23, $0x38;
	[tilespmem:$0x1E700] =	vst v63  }
0x506: {  	s3 =	sld [smem:$0x7F3];
	_ =	sdelay $0x2  }
0x507: {  	[tilespmem:s25], [sflag:$0x2] =	stream.strided.gather [hbm4b:s3+s23], $0x2000, s24, s23, $0x38;
	[tilespmem:$0x1E700] =	vst v63  }
0x508: {  	_ =	swait.ge [sflag:s29], $0x2000  }
0x509: {  	[sflag:s29] =	ssyncset.done $0x0  }
0x50a: {  	[sflag:s29] =	ssyncadd.s32 $0xFFFFE000  }
0x50b: {  	_ =	swait.ge [sflag:s30], $0x18700  }
0x50c: {  	[sflag:s30] =	ssyncset.done $0x0  }
0x50d: {  	s0 =	simm.s32 $0x0;
	[sflag:s30] =	ssyncadd.s32 $0xFFFE7900  }
0x50e: {  	v0 =	vld [tilespmem:s0+$0x18770]  }
0x50f: {  	v1 =	vld [tilespmem:s0+$0x18700]  }
0x510: {  	v2 =	vld [tilespmem:s0+$0x18710]  }
0x511: {  	v3 =	vld [tilespmem:s0+$0x18720]  }
0x512: {  	v4 =	vld [tilespmem:s0+$0x18730]  }
0x513: {  	v5 =	vld [tilespmem:s0+$0x18740]  }
0x514: {  	v6 =	vld [tilespmem:s0+$0x18750]  }
0x515: {  	v7 =	vld [tilespmem:s0+$0x18760]  }
0x516: {  	v0 =	vld.idx.msk [tilespmem:v0+s1+$0x0], $0xffff  }
0x517: {  	v1 =	vld.idx.msk [tilespmem:v1+s1+$0x0], $0xffff  }
0x518: {  	v2 =	vld.idx.msk [tilespmem:v2+s1+$0x0], $0xffff  }
0x519: {  	v3 =	vld.idx.msk [tilespmem:v3+s1+$0x0], $0xffff  }
0x51a: {  	v4 =	vld.idx.msk [tilespmem:v4+s1+$0x0], $0xffff  }
0x51b: {  	v5 =	vld.idx.msk [tilespmem:v5+s1+$0x0], $0xffff  }
0x51c: {  	v6 =	vld.idx.msk [tilespmem:v6+s1+$0x0], $0xffff  }
0x51d: {  	[tilespmem:s0+$0x1A770] =	vst.add.f32.msk $0xffff, v0  }
0x51e: {  	v0 =	vld.idx.msk [tilespmem:v7+s1+$0x0], $0xffff  }
0x51f: {  	[tilespmem:s0+$0x1A700] =	vst.add.f32.msk $0xffff, v1  }
0x520: {  	[tilespmem:s0+$0x1A710] =	vst.add.f32.msk $0xffff, v2  }
0x521: {  	[tilespmem:s0+$0x1A720] =	vst.add.f32.msk $0xffff, v3  }
0x522: {  	[tilespmem:s0+$0x1A730] =	vst.add.f32.msk $0xffff, v4  }
0x523: {  	[tilespmem:s0+$0x1A740] =	vst.add.f32.msk $0xffff, v5  }
0x524: {  	s2 =	simm.s32 $0x0;
	s3 =	simm.s32 $0x200;
	[tilespmem:s0+$0x1A750] =	vst.add.f32.msk $0xffff, v6  }
.LBB2_46:
0x525: {  	s2 =	sadd.s32 $0x80, s2;
	[tilespmem:s0+$0x1A760] =	vst.add.f32.msk $0xffff, v0;
	s0 =	sshra.s32 s3, $0x2  }
0x526: {  	v0 =	vld [tilespmem:s0+$0x18770];
	p0 =	slt.u32 s2, $0x1F80  }
0x527: {  	v1 =	vld [tilespmem:s0+$0x18700]  }
0x528: {  	v2 =	vld [tilespmem:s0+$0x18710]  }
0x529: {  	v3 =	vld [tilespmem:s0+$0x18720]  }
0x52a: {  	v4 =	vld [tilespmem:s0+$0x18730]  }
0x52b: {  	v5 =	vld [tilespmem:s0+$0x18740]  }
0x52c: {  	v6 =	vld [tilespmem:s0+$0x18750]  }
0x52d: {  	v7 =	vld [tilespmem:s0+$0x18760]  }
0x52e: {  	v0 =	vld.idx.msk [tilespmem:v0+s1+$0x0], $0xffff  }
0x52f: {  	v1 =	vld.idx.msk [tilespmem:v1+s1+$0x0], $0xffff  }
0x530: {  	v2 =	vld.idx.msk [tilespmem:v2+s1+$0x0], $0xffff  }
0x531: {  	v3 =	vld.idx.msk [tilespmem:v3+s1+$0x0], $0xffff  }
0x532: {  	v4 =	vld.idx.msk [tilespmem:v4+s1+$0x0], $0xffff  }
0x533: {  	v5 =	vld.idx.msk [tilespmem:v5+s1+$0x0], $0xffff  }
0x534: {  	[tilespmem:s0+$0x1A770] =	vst.add.f32.msk $0xffff, v0  }
0x535: {  	v6 =	vld.idx.msk [tilespmem:v6+s1+$0x0], $0xffff  }
0x536: {  	v0 =	vld.idx.msk [tilespmem:v7+s1+$0x0], $0xffff  }
0x537: {  	[tilespmem:s0+$0x1A700] =	vst.add.f32.msk $0xffff, v1  }
.Ltmp22:
0x538: {  	[tilespmem:s0+$0x1A710] =	vst.add.f32.msk $0xffff, v2;
	(pc) =	sbr.rel @p0 .LBB2_46-.Ltmp22, $4  }
0x539: {  	[tilespmem:s0+$0x1A720] =	vst.add.f32.msk $0xffff, v3  }
0x53a: {  	[tilespmem:s0+$0x1A730] =	vst.add.f32.msk $0xffff, v4  }
0x53b: {  	[tilespmem:s0+$0x1A740] =	vst.add.f32.msk $0xffff, v5  }
0x53c: {  	s3 =	sadd.s32 $0x200, s3;
	[tilespmem:s0+$0x1A750] =	vst.add.f32.msk $0xffff, v6  }
0x53d: {  	[tilespmem:s0+$0x1A760] =	vst.add.f32.msk $0xffff, v0  }
0x53e: {  	s0 =	sld [smem:$0x7F4];
	_ =	sdelay $0x2  }
0x53f: {  	[tilespmem:s25], [sflag:$0x2] =	stream.strided.gather [hbm4b:s0+s23], $0x2000, s24, s23, $0x38;
	[tilespmem:$0x1E700] =	vst v63  }
0x540: {  	_ =	swait.ge [sflag:s29], $0x2000  }
0x541: {  	[sflag:s29] =	ssyncset.done $0x0  }
0x542: {  	s0 =	simm.s32 $0x0;
	[sflag:s29] =	ssyncadd.s32 $0xFFFFE000  }
0x543: {  	v0 =	vld [tilespmem:s0+$0x18770]  }
0x544: {  	v1 =	vld [tilespmem:s0+$0x18700]  }
0x545: {  	v2 =	vld [tilespmem:s0+$0x18710]  }
0x546: {  	v3 =	vld [tilespmem:s0+$0x18720]  }
0x547: {  	v4 =	vld [tilespmem:s0+$0x18730]  }
0x548: {  	v5 =	vld [tilespmem:s0+$0x18740]  }
0x549: {  	v6 =	vld [tilespmem:s0+$0x18750]  }
0x54a: {  	v7 =	vld [tilespmem:s0+$0x18760]  }
0x54b: {  	v0 =	vld.idx.msk [tilespmem:v0+s1+$0x0], $0xffff  }
0x54c: {  	v1 =	vld.idx.msk [tilespmem:v1+s1+$0x0], $0xffff  }
0x54d: {  	v2 =	vld.idx.msk [tilespmem:v2+s1+$0x0], $0xffff  }
0x54e: {  	v3 =	vld.idx.msk [tilespmem:v3+s1+$0x0], $0xffff  }
0x54f: {  	v4 =	vld.idx.msk [tilespmem:v4+s1+$0x0], $0xffff  }
0x550: {  	v5 =	vld.idx.msk [tilespmem:v5+s1+$0x0], $0xffff  }
0x551: {  	v6 =	vld.idx.msk [tilespmem:v6+s1+$0x0], $0xffff  }
0x552: {  	[tilespmem:s0+$0x1C770] =	vst.add.f32.msk $0xffff, v0  }
0x553: {  	v0 =	vld.idx.msk [tilespmem:v7+s1+$0x0], $0xffff  }
0x554: {  	[tilespmem:s0+$0x1C700] =	vst.add.f32.msk $0xffff, v1  }
0x555: {  	[tilespmem:s0+$0x1C710] =	vst.add.f32.msk $0xffff, v2  }
0x556: {  	[tilespmem:s0+$0x1C720] =	vst.add.f32.msk $0xffff, v3  }
0x557: {  	[tilespmem:s0+$0x1C730] =	vst.add.f32.msk $0xffff, v4  }
0x558: {  	[tilespmem:s0+$0x1C740] =	vst.add.f32.msk $0xffff, v5  }
0x559: {  	s2 =	simm.s32 $0x0;
	s3 =	simm.s32 $0x200;
	[tilespmem:s0+$0x1C750] =	vst.add.f32.msk $0xffff, v6  }
.LBB2_48:
0x55a: {  	s2 =	sadd.s32 $0x80, s2;
	[tilespmem:s0+$0x1C760] =	vst.add.f32.msk $0xffff, v0;
	s0 =	sshra.s32 s3, $0x2  }
0x55b: {  	v0 =	vld [tilespmem:s0+$0x18770];
	p0 =	slt.u32 s2, $0x1F80  }
0x55c: {  	v1 =	vld [tilespmem:s0+$0x18700]  }
0x55d: {  	v2 =	vld [tilespmem:s0+$0x18710]  }
0x55e: {  	v3 =	vld [tilespmem:s0+$0x18720]  }
0x55f: {  	v4 =	vld [tilespmem:s0+$0x18730]  }
0x560: {  	v5 =	vld [tilespmem:s0+$0x18740]  }
0x561: {  	v6 =	vld [tilespmem:s0+$0x18750]  }
0x562: {  	v7 =	vld [tilespmem:s0+$0x18760]  }
0x563: {  	v0 =	vld.idx.msk [tilespmem:v0+s1+$0x0], $0xffff  }
0x564: {  	v1 =	vld.idx.msk [tilespmem:v1+s1+$0x0], $0xffff  }
0x565: {  	v2 =	vld.idx.msk [tilespmem:v2+s1+$0x0], $0xffff  }
0x566: {  	v3 =	vld.idx.msk [tilespmem:v3+s1+$0x0], $0xffff  }
0x567: {  	v4 =	vld.idx.msk [tilespmem:v4+s1+$0x0], $0xffff  }
0x568: {  	v5 =	vld.idx.msk [tilespmem:v5+s1+$0x0], $0xffff  }
0x569: {  	[tilespmem:s0+$0x1C770] =	vst.add.f32.msk $0xffff, v0  }
0x56a: {  	v6 =	vld.idx.msk [tilespmem:v6+s1+$0x0], $0xffff  }
0x56b: {  	v0 =	vld.idx.msk [tilespmem:v7+s1+$0x0], $0xffff  }
0x56c: {  	[tilespmem:s0+$0x1C700] =	vst.add.f32.msk $0xffff, v1  }
.Ltmp23:
0x56d: {  	[tilespmem:s0+$0x1C710] =	vst.add.f32.msk $0xffff, v2;
	(pc) =	sbr.rel @p0 .LBB2_48-.Ltmp23, $4  }
0x56e: {  	[tilespmem:s0+$0x1C720] =	vst.add.f32.msk $0xffff, v3  }
0x56f: {  	[tilespmem:s0+$0x1C730] =	vst.add.f32.msk $0xffff, v4  }
0x570: {  	[tilespmem:s0+$0x1C740] =	vst.add.f32.msk $0xffff, v5  }
0x571: {  	s3 =	sadd.s32 $0x200, s3;
	[tilespmem:s0+$0x1C750] =	vst.add.f32.msk $0xffff, v6  }
0x572: {  	[tilespmem:s0+$0x1C760] =	vst.add.f32.msk $0xffff, v0  }
0x573: {  	s3 =	simm.s32 $0x0;
	s2 =	rddreg [dreg:$0x10]  }
0x574: {  	[tilespmem:s3], [sflag:$0x1] =	stream.strided.gather [hbm4b:s2+s23], $0x18700, s24, s23, $0x38;
	[tilespmem:$0x1E700] =	vst v63  }
0x575: {  	s3 =	sld [smem:$0x7F5];
	_ =	sdelay $0x2  }
0x576: {  	[tilespmem:s25], [sflag:$0x2] =	stream.strided.gather [hbm4b:s3+s23], $0x2000, s24, s23, $0x38;
	[tilespmem:$0x1E700] =	vst v63  }
0x577: {  	_ =	swait.ge [sflag:s29], $0x2000  }
0x578: {  	[sflag:s29] =	ssyncset.done $0x0  }
0x579: {  	[sflag:s29] =	ssyncadd.s32 $0xFFFFE000  }
0x57a: {  	_ =	swait.ge [sflag:s30], $0x18700  }
0x57b: {  	[sflag:s30] =	ssyncset.done $0x0  }
0x57c: {  	s0 =	simm.s32 $0x0;
	[sflag:s30] =	ssyncadd.s32 $0xFFFE7900  }
0x57d: {  	v0 =	vld [tilespmem:s0+$0x18770]  }
0x57e: {  	v1 =	vld [tilespmem:s0+$0x18700]  }
0x57f: {  	v2 =	vld [tilespmem:s0+$0x18710]  }
0x580: {  	v3 =	vld [tilespmem:s0+$0x18720]  }
0x581: {  	v4 =	vld [tilespmem:s0+$0x18730]  }
0x582: {  	v5 =	vld [tilespmem:s0+$0x18740]  }
0x583: {  	v6 =	vld [tilespmem:s0+$0x18750]  }
0x584: {  	v7 =	vld [tilespmem:s0+$0x18760]  }
0x585: {  	v0 =	vld.idx.msk [tilespmem:v0+s1+$0x0], $0xffff  }
0x586: {  	v1 =	vld.idx.msk [tilespmem:v1+s1+$0x0], $0xffff  }
0x587: {  	v2 =	vld.idx.msk [tilespmem:v2+s1+$0x0], $0xffff  }
0x588: {  	v3 =	vld.idx.msk [tilespmem:v3+s1+$0x0], $0xffff  }
0x589: {  	v4 =	vld.idx.msk [tilespmem:v4+s1+$0x0], $0xffff  }
0x58a: {  	v5 =	vld.idx.msk [tilespmem:v5+s1+$0x0], $0xffff  }
0x58b: {  	v6 =	vld.idx.msk [tilespmem:v6+s1+$0x0], $0xffff  }
0x58c: {  	[tilespmem:s0+$0x1A770] =	vst.add.f32.msk $0xffff, v0  }
0x58d: {  	v0 =	vld.idx.msk [tilespmem:v7+s1+$0x0], $0xffff  }
0x58e: {  	[tilespmem:s0+$0x1A700] =	vst.add.f32.msk $0xffff, v1  }
0x58f: {  	[tilespmem:s0+$0x1A710] =	vst.add.f32.msk $0xffff, v2  }
0x590: {  	[tilespmem:s0+$0x1A720] =	vst.add.f32.msk $0xffff, v3  }
0x591: {  	[tilespmem:s0+$0x1A730] =	vst.add.f32.msk $0xffff, v4  }
0x592: {  	[tilespmem:s0+$0x1A740] =	vst.add.f32.msk $0xffff, v5  }
0x593: {  	s2 =	simm.s32 $0x0;
	s3 =	simm.s32 $0x200;
	[tilespmem:s0+$0x1A750] =	vst.add.f32.msk $0xffff, v6  }
.LBB2_50:
0x594: {  	s2 =	sadd.s32 $0x80, s2;
	[tilespmem:s0+$0x1A760] =	vst.add.f32.msk $0xffff, v0;
	s0 =	sshra.s32 s3, $0x2  }
0x595: {  	v0 =	vld [tilespmem:s0+$0x18770];
	p0 =	slt.u32 s2, $0x1F80  }
0x596: {  	v1 =	vld [tilespmem:s0+$0x18700]  }
0x597: {  	v2 =	vld [tilespmem:s0+$0x18710]  }
0x598: {  	v3 =	vld [tilespmem:s0+$0x18720]  }
0x599: {  	v4 =	vld [tilespmem:s0+$0x18730]  }
0x59a: {  	v5 =	vld [tilespmem:s0+$0x18740]  }
0x59b: {  	v6 =	vld [tilespmem:s0+$0x18750]  }
0x59c: {  	v7 =	vld [tilespmem:s0+$0x18760]  }
0x59d: {  	v0 =	vld.idx.msk [tilespmem:v0+s1+$0x0], $0xffff  }
0x59e: {  	v1 =	vld.idx.msk [tilespmem:v1+s1+$0x0], $0xffff  }
0x59f: {  	v2 =	vld.idx.msk [tilespmem:v2+s1+$0x0], $0xffff  }
0x5a0: {  	v3 =	vld.idx.msk [tilespmem:v3+s1+$0x0], $0xffff  }
0x5a1: {  	v4 =	vld.idx.msk [tilespmem:v4+s1+$0x0], $0xffff  }
0x5a2: {  	v5 =	vld.idx.msk [tilespmem:v5+s1+$0x0], $0xffff  }
0x5a3: {  	[tilespmem:s0+$0x1A770] =	vst.add.f32.msk $0xffff, v0  }
0x5a4: {  	v6 =	vld.idx.msk [tilespmem:v6+s1+$0x0], $0xffff  }
0x5a5: {  	v0 =	vld.idx.msk [tilespmem:v7+s1+$0x0], $0xffff  }
0x5a6: {  	[tilespmem:s0+$0x1A700] =	vst.add.f32.msk $0xffff, v1  }
.Ltmp24:
0x5a7: {  	[tilespmem:s0+$0x1A710] =	vst.add.f32.msk $0xffff, v2;
	(pc) =	sbr.rel @p0 .LBB2_50-.Ltmp24, $4  }
0x5a8: {  	[tilespmem:s0+$0x1A720] =	vst.add.f32.msk $0xffff, v3  }
0x5a9: {  	[tilespmem:s0+$0x1A730] =	vst.add.f32.msk $0xffff, v4  }
0x5aa: {  	[tilespmem:s0+$0x1A740] =	vst.add.f32.msk $0xffff, v5  }
0x5ab: {  	s3 =	sadd.s32 $0x200, s3;
	[tilespmem:s0+$0x1A750] =	vst.add.f32.msk $0xffff, v6  }
0x5ac: {  	[tilespmem:s0+$0x1A760] =	vst.add.f32.msk $0xffff, v0  }
0x5ad: {  	s0 =	sld [smem:$0x7F6];
	_ =	sdelay $0x2  }
0x5ae: {  	[tilespmem:s25], [sflag:$0x2] =	stream.strided.gather [hbm4b:s0+s23], $0x2000, s24, s23, $0x38;
	[tilespmem:$0x1E700] =	vst v63  }
0x5af: {  	_ =	swait.ge [sflag:s29], $0x2000  }
0x5b0: {  	[sflag:s29] =	ssyncset.done $0x0  }
0x5b1: {  	s0 =	simm.s32 $0x0;
	[sflag:s29] =	ssyncadd.s32 $0xFFFFE000  }
0x5b2: {  	v0 =	vld [tilespmem:s0+$0x18770]  }
0x5b3: {  	v1 =	vld [tilespmem:s0+$0x18700]  }
0x5b4: {  	v2 =	vld [tilespmem:s0+$0x18710]  }
0x5b5: {  	v3 =	vld [tilespmem:s0+$0x18720]  }
0x5b6: {  	v4 =	vld [tilespmem:s0+$0x18730]  }
0x5b7: {  	v5 =	vld [tilespmem:s0+$0x18740]  }
0x5b8: {  	v6 =	vld [tilespmem:s0+$0x18750]  }
0x5b9: {  	v7 =	vld [tilespmem:s0+$0x18760]  }
0x5ba: {  	v0 =	vld.idx.msk [tilespmem:v0+s1+$0x0], $0xffff  }
0x5bb: {  	v1 =	vld.idx.msk [tilespmem:v1+s1+$0x0], $0xffff  }
0x5bc: {  	v2 =	vld.idx.msk [tilespmem:v2+s1+$0x0], $0xffff  }
0x5bd: {  	v3 =	vld.idx.msk [tilespmem:v3+s1+$0x0], $0xffff  }
0x5be: {  	v4 =	vld.idx.msk [tilespmem:v4+s1+$0x0], $0xffff  }
0x5bf: {  	v5 =	vld.idx.msk [tilespmem:v5+s1+$0x0], $0xffff  }
0x5c0: {  	v6 =	vld.idx.msk [tilespmem:v6+s1+$0x0], $0xffff  }
0x5c1: {  	[tilespmem:s0+$0x1C770] =	vst.add.f32.msk $0xffff, v0  }
0x5c2: {  	v0 =	vld.idx.msk [tilespmem:v7+s1+$0x0], $0xffff  }
0x5c3: {  	[tilespmem:s0+$0x1C700] =	vst.add.f32.msk $0xffff, v1  }
0x5c4: {  	[tilespmem:s0+$0x1C710] =	vst.add.f32.msk $0xffff, v2  }
0x5c5: {  	[tilespmem:s0+$0x1C720] =	vst.add.f32.msk $0xffff, v3  }
0x5c6: {  	[tilespmem:s0+$0x1C730] =	vst.add.f32.msk $0xffff, v4  }
0x5c7: {  	[tilespmem:s0+$0x1C740] =	vst.add.f32.msk $0xffff, v5  }
0x5c8: {  	s2 =	simm.s32 $0x0;
	s3 =	simm.s32 $0x200;
	[tilespmem:s0+$0x1C750] =	vst.add.f32.msk $0xffff, v6  }
.LBB2_52:
0x5c9: {  	s2 =	sadd.s32 $0x80, s2;
	[tilespmem:s0+$0x1C760] =	vst.add.f32.msk $0xffff, v0;
	s0 =	sshra.s32 s3, $0x2  }
0x5ca: {  	v0 =	vld [tilespmem:s0+$0x18770];
	p0 =	slt.u32 s2, $0x1F80  }
0x5cb: {  	v1 =	vld [tilespmem:s0+$0x18700]  }
0x5cc: {  	v2 =	vld [tilespmem:s0+$0x18710]  }
0x5cd: {  	v3 =	vld [tilespmem:s0+$0x18720]  }
0x5ce: {  	v4 =	vld [tilespmem:s0+$0x18730]  }
0x5cf: {  	v5 =	vld [tilespmem:s0+$0x18740]  }
0x5d0: {  	v6 =	vld [tilespmem:s0+$0x18750]  }
0x5d1: {  	v7 =	vld [tilespmem:s0+$0x18760]  }
0x5d2: {  	v0 =	vld.idx.msk [tilespmem:v0+s1+$0x0], $0xffff  }
0x5d3: {  	v1 =	vld.idx.msk [tilespmem:v1+s1+$0x0], $0xffff  }
0x5d4: {  	v2 =	vld.idx.msk [tilespmem:v2+s1+$0x0], $0xffff  }
0x5d5: {  	v3 =	vld.idx.msk [tilespmem:v3+s1+$0x0], $0xffff  }
0x5d6: {  	v4 =	vld.idx.msk [tilespmem:v4+s1+$0x0], $0xffff  }
0x5d7: {  	v5 =	vld.idx.msk [tilespmem:v5+s1+$0x0], $0xffff  }
0x5d8: {  	[tilespmem:s0+$0x1C770] =	vst.add.f32.msk $0xffff, v0  }
0x5d9: {  	v6 =	vld.idx.msk [tilespmem:v6+s1+$0x0], $0xffff  }
0x5da: {  	v0 =	vld.idx.msk [tilespmem:v7+s1+$0x0], $0xffff  }
0x5db: {  	[tilespmem:s0+$0x1C700] =	vst.add.f32.msk $0xffff, v1  }
.Ltmp25:
0x5dc: {  	[tilespmem:s0+$0x1C710] =	vst.add.f32.msk $0xffff, v2;
	(pc) =	sbr.rel @p0 .LBB2_52-.Ltmp25, $4  }
0x5dd: {  	[tilespmem:s0+$0x1C720] =	vst.add.f32.msk $0xffff, v3  }
0x5de: {  	[tilespmem:s0+$0x1C730] =	vst.add.f32.msk $0xffff, v4  }
0x5df: {  	[tilespmem:s0+$0x1C740] =	vst.add.f32.msk $0xffff, v5  }
0x5e0: {  	s3 =	sadd.s32 $0x200, s3;
	[tilespmem:s0+$0x1C750] =	vst.add.f32.msk $0xffff, v6  }
0x5e1: {  	[tilespmem:s0+$0x1C760] =	vst.add.f32.msk $0xffff, v0  }
0x5e2: {  	s3 =	simm.s32 $0x0;
	s2 =	rddreg [dreg:$0x11]  }
0x5e3: {  	[tilespmem:s3], [sflag:$0x1] =	stream.strided.gather [hbm4b:s2+s23], $0x18700, s24, s23, $0x38;
	[tilespmem:$0x1E700] =	vst v63  }
0x5e4: {  	s3 =	sld [smem:$0x7F7];
	_ =	sdelay $0x2  }
0x5e5: {  	[tilespmem:s25], [sflag:$0x2] =	stream.strided.gather [hbm4b:s3+s23], $0x2000, s24, s23, $0x38;
	[tilespmem:$0x1E700] =	vst v63  }
0x5e6: {  	_ =	swait.ge [sflag:s29], $0x2000  }
0x5e7: {  	[sflag:s29] =	ssyncset.done $0x0  }
0x5e8: {  	[sflag:s29] =	ssyncadd.s32 $0xFFFFE000  }
0x5e9: {  	_ =	swait.ge [sflag:s30], $0x18700  }
0x5ea: {  	[sflag:s30] =	ssyncset.done $0x0  }
0x5eb: {  	s0 =	simm.s32 $0x0;
	[sflag:s30] =	ssyncadd.s32 $0xFFFE7900  }
0x5ec: {  	v0 =	vld [tilespmem:s0+$0x18770]  }
0x5ed: {  	v1 =	vld [tilespmem:s0+$0x18700]  }
0x5ee: {  	v2 =	vld [tilespmem:s0+$0x18710]  }
0x5ef: {  	v3 =	vld [tilespmem:s0+$0x18720]  }
0x5f0: {  	v4 =	vld [tilespmem:s0+$0x18730]  }
0x5f1: {  	v5 =	vld [tilespmem:s0+$0x18740]  }
0x5f2: {  	v6 =	vld [tilespmem:s0+$0x18750]  }
0x5f3: {  	v7 =	vld [tilespmem:s0+$0x18760]  }
0x5f4: {  	v0 =	vld.idx.msk [tilespmem:v0+s1+$0x0], $0xffff  }
0x5f5: {  	v1 =	vld.idx.msk [tilespmem:v1+s1+$0x0], $0xffff  }
0x5f6: {  	v2 =	vld.idx.msk [tilespmem:v2+s1+$0x0], $0xffff  }
0x5f7: {  	v3 =	vld.idx.msk [tilespmem:v3+s1+$0x0], $0xffff  }
0x5f8: {  	v4 =	vld.idx.msk [tilespmem:v4+s1+$0x0], $0xffff  }
0x5f9: {  	v5 =	vld.idx.msk [tilespmem:v5+s1+$0x0], $0xffff  }
0x5fa: {  	v6 =	vld.idx.msk [tilespmem:v6+s1+$0x0], $0xffff  }
0x5fb: {  	[tilespmem:s0+$0x1A770] =	vst.add.f32.msk $0xffff, v0  }
0x5fc: {  	v0 =	vld.idx.msk [tilespmem:v7+s1+$0x0], $0xffff  }
0x5fd: {  	[tilespmem:s0+$0x1A700] =	vst.add.f32.msk $0xffff, v1  }
0x5fe: {  	[tilespmem:s0+$0x1A710] =	vst.add.f32.msk $0xffff, v2  }
0x5ff: {  	[tilespmem:s0+$0x1A720] =	vst.add.f32.msk $0xffff, v3  }
0x600: {  	[tilespmem:s0+$0x1A730] =	vst.add.f32.msk $0xffff, v4  }
0x601: {  	[tilespmem:s0+$0x1A740] =	vst.add.f32.msk $0xffff, v5  }
0x602: {  	s2 =	simm.s32 $0x0;
	s3 =	simm.s32 $0x200;
	[tilespmem:s0+$0x1A750] =	vst.add.f32.msk $0xffff, v6  }
.LBB2_54:
0x603: {  	s2 =	sadd.s32 $0x80, s2;
	[tilespmem:s0+$0x1A760] =	vst.add.f32.msk $0xffff, v0;
	s0 =	sshra.s32 s3, $0x2  }
0x604: {  	v0 =	vld [tilespmem:s0+$0x18770];
	p0 =	slt.u32 s2, $0x1F80  }
0x605: {  	v1 =	vld [tilespmem:s0+$0x18700]  }
0x606: {  	v2 =	vld [tilespmem:s0+$0x18710]  }
0x607: {  	v3 =	vld [tilespmem:s0+$0x18720]  }
0x608: {  	v4 =	vld [tilespmem:s0+$0x18730]  }
0x609: {  	v5 =	vld [tilespmem:s0+$0x18740]  }
0x60a: {  	v6 =	vld [tilespmem:s0+$0x18750]  }
0x60b: {  	v7 =	vld [tilespmem:s0+$0x18760]  }
0x60c: {  	v0 =	vld.idx.msk [tilespmem:v0+s1+$0x0], $0xffff  }
0x60d: {  	v1 =	vld.idx.msk [tilespmem:v1+s1+$0x0], $0xffff  }
0x60e: {  	v2 =	vld.idx.msk [tilespmem:v2+s1+$0x0], $0xffff  }
0x60f: {  	v3 =	vld.idx.msk [tilespmem:v3+s1+$0x0], $0xffff  }
0x610: {  	v4 =	vld.idx.msk [tilespmem:v4+s1+$0x0], $0xffff  }
0x611: {  	v5 =	vld.idx.msk [tilespmem:v5+s1+$0x0], $0xffff  }
0x612: {  	[tilespmem:s0+$0x1A770] =	vst.add.f32.msk $0xffff, v0  }
0x613: {  	v6 =	vld.idx.msk [tilespmem:v6+s1+$0x0], $0xffff  }
0x614: {  	v0 =	vld.idx.msk [tilespmem:v7+s1+$0x0], $0xffff  }
0x615: {  	[tilespmem:s0+$0x1A700] =	vst.add.f32.msk $0xffff, v1  }
.Ltmp26:
0x616: {  	[tilespmem:s0+$0x1A710] =	vst.add.f32.msk $0xffff, v2;
	(pc) =	sbr.rel @p0 .LBB2_54-.Ltmp26, $4  }
0x617: {  	[tilespmem:s0+$0x1A720] =	vst.add.f32.msk $0xffff, v3  }
0x618: {  	[tilespmem:s0+$0x1A730] =	vst.add.f32.msk $0xffff, v4  }
0x619: {  	[tilespmem:s0+$0x1A740] =	vst.add.f32.msk $0xffff, v5  }
0x61a: {  	s3 =	sadd.s32 $0x200, s3;
	[tilespmem:s0+$0x1A750] =	vst.add.f32.msk $0xffff, v6  }
0x61b: {  	[tilespmem:s0+$0x1A760] =	vst.add.f32.msk $0xffff, v0  }
0x61c: {  	s0 =	sld [smem:$0x7F8];
	_ =	sdelay $0x2  }
0x61d: {  	[tilespmem:s25], [sflag:$0x2] =	stream.strided.gather [hbm4b:s0+s23], $0x2000, s24, s23, $0x38;
	[tilespmem:$0x1E700] =	vst v63  }
0x61e: {  	_ =	swait.ge [sflag:s29], $0x2000  }
0x61f: {  	[sflag:s29] =	ssyncset.done $0x0  }
0x620: {  	s0 =	simm.s32 $0x0;
	[sflag:s29] =	ssyncadd.s32 $0xFFFFE000  }
0x621: {  	v0 =	vld [tilespmem:s0+$0x18770]  }
0x622: {  	v1 =	vld [tilespmem:s0+$0x18700]  }
0x623: {  	v2 =	vld [tilespmem:s0+$0x18710]  }
0x624: {  	v3 =	vld [tilespmem:s0+$0x18720]  }
0x625: {  	v4 =	vld [tilespmem:s0+$0x18730]  }
0x626: {  	v5 =	vld [tilespmem:s0+$0x18740]  }
0x627: {  	v6 =	vld [tilespmem:s0+$0x18750]  }
0x628: {  	v7 =	vld [tilespmem:s0+$0x18760]  }
0x629: {  	v0 =	vld.idx.msk [tilespmem:v0+s1+$0x0], $0xffff  }
0x62a: {  	v1 =	vld.idx.msk [tilespmem:v1+s1+$0x0], $0xffff  }
0x62b: {  	v2 =	vld.idx.msk [tilespmem:v2+s1+$0x0], $0xffff  }
0x62c: {  	v3 =	vld.idx.msk [tilespmem:v3+s1+$0x0], $0xffff  }
0x62d: {  	v4 =	vld.idx.msk [tilespmem:v4+s1+$0x0], $0xffff  }
0x62e: {  	v5 =	vld.idx.msk [tilespmem:v5+s1+$0x0], $0xffff  }
0x62f: {  	v6 =	vld.idx.msk [tilespmem:v6+s1+$0x0], $0xffff  }
0x630: {  	[tilespmem:s0+$0x1C770] =	vst.add.f32.msk $0xffff, v0  }
0x631: {  	v0 =	vld.idx.msk [tilespmem:v7+s1+$0x0], $0xffff  }
0x632: {  	[tilespmem:s0+$0x1C700] =	vst.add.f32.msk $0xffff, v1  }
0x633: {  	[tilespmem:s0+$0x1C710] =	vst.add.f32.msk $0xffff, v2  }
0x634: {  	[tilespmem:s0+$0x1C720] =	vst.add.f32.msk $0xffff, v3  }
0x635: {  	[tilespmem:s0+$0x1C730] =	vst.add.f32.msk $0xffff, v4  }
0x636: {  	[tilespmem:s0+$0x1C740] =	vst.add.f32.msk $0xffff, v5  }
0x637: {  	s2 =	simm.s32 $0x0;
	s3 =	simm.s32 $0x200;
	[tilespmem:s0+$0x1C750] =	vst.add.f32.msk $0xffff, v6  }
.LBB2_56:
0x638: {  	s2 =	sadd.s32 $0x80, s2;
	[tilespmem:s0+$0x1C760] =	vst.add.f32.msk $0xffff, v0;
	s0 =	sshra.s32 s3, $0x2  }
0x639: {  	v0 =	vld [tilespmem:s0+$0x18770];
	p0 =	slt.u32 s2, $0x1F80  }
0x63a: {  	v1 =	vld [tilespmem:s0+$0x18700]  }
0x63b: {  	v2 =	vld [tilespmem:s0+$0x18710]  }
0x63c: {  	v3 =	vld [tilespmem:s0+$0x18720]  }
0x63d: {  	v4 =	vld [tilespmem:s0+$0x18730]  }
0x63e: {  	v5 =	vld [tilespmem:s0+$0x18740]  }
0x63f: {  	v6 =	vld [tilespmem:s0+$0x18750]  }
0x640: {  	v7 =	vld [tilespmem:s0+$0x18760]  }
0x641: {  	v0 =	vld.idx.msk [tilespmem:v0+s1+$0x0], $0xffff  }
0x642: {  	v1 =	vld.idx.msk [tilespmem:v1+s1+$0x0], $0xffff  }
0x643: {  	v2 =	vld.idx.msk [tilespmem:v2+s1+$0x0], $0xffff  }
0x644: {  	v3 =	vld.idx.msk [tilespmem:v3+s1+$0x0], $0xffff  }
0x645: {  	v4 =	vld.idx.msk [tilespmem:v4+s1+$0x0], $0xffff  }
0x646: {  	v5 =	vld.idx.msk [tilespmem:v5+s1+$0x0], $0xffff  }
0x647: {  	[tilespmem:s0+$0x1C770] =	vst.add.f32.msk $0xffff, v0  }
0x648: {  	v6 =	vld.idx.msk [tilespmem:v6+s1+$0x0], $0xffff  }
0x649: {  	v0 =	vld.idx.msk [tilespmem:v7+s1+$0x0], $0xffff  }
0x64a: {  	[tilespmem:s0+$0x1C700] =	vst.add.f32.msk $0xffff, v1  }
.Ltmp27:
0x64b: {  	[tilespmem:s0+$0x1C710] =	vst.add.f32.msk $0xffff, v2;
	(pc) =	sbr.rel @p0 .LBB2_56-.Ltmp27, $4  }
0x64c: {  	[tilespmem:s0+$0x1C720] =	vst.add.f32.msk $0xffff, v3  }
0x64d: {  	[tilespmem:s0+$0x1C730] =	vst.add.f32.msk $0xffff, v4  }
0x64e: {  	[tilespmem:s0+$0x1C740] =	vst.add.f32.msk $0xffff, v5  }
0x64f: {  	s3 =	sadd.s32 $0x200, s3;
	[tilespmem:s0+$0x1C750] =	vst.add.f32.msk $0xffff, v6  }
0x650: {  	[tilespmem:s0+$0x1C760] =	vst.add.f32.msk $0xffff, v0  }
0x651: {  	s3 =	simm.s32 $0x0;
	s2 =	rddreg [dreg:$0x12]  }
0x652: {  	[tilespmem:s3], [sflag:$0x1] =	stream.strided.gather [hbm4b:s2+s23], $0x18700, s24, s23, $0x38;
	[tilespmem:$0x1E700] =	vst v63  }
0x653: {  	s3 =	sld [smem:$0x7F9];
	_ =	sdelay $0x2  }
0x654: {  	[tilespmem:s25], [sflag:$0x2] =	stream.strided.gather [hbm4b:s3+s23], $0x2000, s24, s23, $0x38;
	[tilespmem:$0x1E700] =	vst v63  }
0x655: {  	_ =	swait.ge [sflag:s29], $0x2000  }
0x656: {  	[sflag:s29] =	ssyncset.done $0x0  }
0x657: {  	[sflag:s29] =	ssyncadd.s32 $0xFFFFE000  }
0x658: {  	_ =	swait.ge [sflag:s30], $0x18700  }
0x659: {  	[sflag:s30] =	ssyncset.done $0x0  }
0x65a: {  	s0 =	simm.s32 $0x0;
	[sflag:s30] =	ssyncadd.s32 $0xFFFE7900  }
0x65b: {  	v0 =	vld [tilespmem:s0+$0x18770]  }
0x65c: {  	v1 =	vld [tilespmem:s0+$0x18700]  }
0x65d: {  	v2 =	vld [tilespmem:s0+$0x18710]  }
0x65e: {  	v3 =	vld [tilespmem:s0+$0x18720]  }
0x65f: {  	v4 =	vld [tilespmem:s0+$0x18730]  }
0x660: {  	v5 =	vld [tilespmem:s0+$0x18740]  }
0x661: {  	v6 =	vld [tilespmem:s0+$0x18750]  }
0x662: {  	v7 =	vld [tilespmem:s0+$0x18760]  }
0x663: {  	v0 =	vld.idx.msk [tilespmem:v0+s1+$0x0], $0xffff  }
0x664: {  	v1 =	vld.idx.msk [tilespmem:v1+s1+$0x0], $0xffff  }
0x665: {  	v2 =	vld.idx.msk [tilespmem:v2+s1+$0x0], $0xffff  }
0x666: {  	v3 =	vld.idx.msk [tilespmem:v3+s1+$0x0], $0xffff  }
0x667: {  	v4 =	vld.idx.msk [tilespmem:v4+s1+$0x0], $0xffff  }
0x668: {  	v5 =	vld.idx.msk [tilespmem:v5+s1+$0x0], $0xffff  }
0x669: {  	v6 =	vld.idx.msk [tilespmem:v6+s1+$0x0], $0xffff  }
0x66a: {  	[tilespmem:s0+$0x1A770] =	vst.add.f32.msk $0xffff, v0  }
0x66b: {  	v0 =	vld.idx.msk [tilespmem:v7+s1+$0x0], $0xffff  }
0x66c: {  	[tilespmem:s0+$0x1A700] =	vst.add.f32.msk $0xffff, v1  }
0x66d: {  	[tilespmem:s0+$0x1A710] =	vst.add.f32.msk $0xffff, v2  }
0x66e: {  	[tilespmem:s0+$0x1A720] =	vst.add.f32.msk $0xffff, v3  }
0x66f: {  	[tilespmem:s0+$0x1A730] =	vst.add.f32.msk $0xffff, v4  }
0x670: {  	[tilespmem:s0+$0x1A740] =	vst.add.f32.msk $0xffff, v5  }
0x671: {  	s2 =	simm.s32 $0x0;
	s3 =	simm.s32 $0x200;
	[tilespmem:s0+$0x1A750] =	vst.add.f32.msk $0xffff, v6  }
.LBB2_58:
0x672: {  	s2 =	sadd.s32 $0x80, s2;
	[tilespmem:s0+$0x1A760] =	vst.add.f32.msk $0xffff, v0;
	s0 =	sshra.s32 s3, $0x2  }
0x673: {  	v0 =	vld [tilespmem:s0+$0x18770];
	p0 =	slt.u32 s2, $0x1F80  }
0x674: {  	v1 =	vld [tilespmem:s0+$0x18700]  }
0x675: {  	v2 =	vld [tilespmem:s0+$0x18710]  }
0x676: {  	v3 =	vld [tilespmem:s0+$0x18720]  }
0x677: {  	v4 =	vld [tilespmem:s0+$0x18730]  }
0x678: {  	v5 =	vld [tilespmem:s0+$0x18740]  }
0x679: {  	v6 =	vld [tilespmem:s0+$0x18750]  }
0x67a: {  	v7 =	vld [tilespmem:s0+$0x18760]  }
0x67b: {  	v0 =	vld.idx.msk [tilespmem:v0+s1+$0x0], $0xffff  }
0x67c: {  	v1 =	vld.idx.msk [tilespmem:v1+s1+$0x0], $0xffff  }
0x67d: {  	v2 =	vld.idx.msk [tilespmem:v2+s1+$0x0], $0xffff  }
0x67e: {  	v3 =	vld.idx.msk [tilespmem:v3+s1+$0x0], $0xffff  }
0x67f: {  	v4 =	vld.idx.msk [tilespmem:v4+s1+$0x0], $0xffff  }
0x680: {  	v5 =	vld.idx.msk [tilespmem:v5+s1+$0x0], $0xffff  }
0x681: {  	[tilespmem:s0+$0x1A770] =	vst.add.f32.msk $0xffff, v0  }
0x682: {  	v6 =	vld.idx.msk [tilespmem:v6+s1+$0x0], $0xffff  }
0x683: {  	v0 =	vld.idx.msk [tilespmem:v7+s1+$0x0], $0xffff  }
0x684: {  	[tilespmem:s0+$0x1A700] =	vst.add.f32.msk $0xffff, v1  }
.Ltmp28:
0x685: {  	[tilespmem:s0+$0x1A710] =	vst.add.f32.msk $0xffff, v2;
	(pc) =	sbr.rel @p0 .LBB2_58-.Ltmp28, $4  }
0x686: {  	[tilespmem:s0+$0x1A720] =	vst.add.f32.msk $0xffff, v3  }
0x687: {  	[tilespmem:s0+$0x1A730] =	vst.add.f32.msk $0xffff, v4  }
0x688: {  	[tilespmem:s0+$0x1A740] =	vst.add.f32.msk $0xffff, v5  }
0x689: {  	s3 =	sadd.s32 $0x200, s3;
	[tilespmem:s0+$0x1A750] =	vst.add.f32.msk $0xffff, v6  }
0x68a: {  	[tilespmem:s0+$0x1A760] =	vst.add.f32.msk $0xffff, v0  }
0x68b: {  	s0 =	sld [smem:$0x7FA];
	_ =	sdelay $0x2  }
0x68c: {  	[tilespmem:s25], [sflag:$0x2] =	stream.strided.gather [hbm4b:s0+s23], $0x2000, s24, s23, $0x38;
	[tilespmem:$0x1E700] =	vst v63  }
0x68d: {  	_ =	swait.ge [sflag:s29], $0x2000  }
0x68e: {  	[sflag:s29] =	ssyncset.done $0x0  }
0x68f: {  	s0 =	simm.s32 $0x0;
	[sflag:s29] =	ssyncadd.s32 $0xFFFFE000  }
0x690: {  	v0 =	vld [tilespmem:s0+$0x18770]  }
0x691: {  	v1 =	vld [tilespmem:s0+$0x18700]  }
0x692: {  	v2 =	vld [tilespmem:s0+$0x18710]  }
0x693: {  	v3 =	vld [tilespmem:s0+$0x18720]  }
0x694: {  	v4 =	vld [tilespmem:s0+$0x18730]  }
0x695: {  	v5 =	vld [tilespmem:s0+$0x18740]  }
0x696: {  	v6 =	vld [tilespmem:s0+$0x18750]  }
0x697: {  	v7 =	vld [tilespmem:s0+$0x18760]  }
0x698: {  	v0 =	vld.idx.msk [tilespmem:v0+s1+$0x0], $0xffff  }
0x699: {  	v1 =	vld.idx.msk [tilespmem:v1+s1+$0x0], $0xffff  }
0x69a: {  	v2 =	vld.idx.msk [tilespmem:v2+s1+$0x0], $0xffff  }
0x69b: {  	v3 =	vld.idx.msk [tilespmem:v3+s1+$0x0], $0xffff  }
0x69c: {  	v4 =	vld.idx.msk [tilespmem:v4+s1+$0x0], $0xffff  }
0x69d: {  	v5 =	vld.idx.msk [tilespmem:v5+s1+$0x0], $0xffff  }
0x69e: {  	v6 =	vld.idx.msk [tilespmem:v6+s1+$0x0], $0xffff  }
0x69f: {  	[tilespmem:s0+$0x1C770] =	vst.add.f32.msk $0xffff, v0  }
0x6a0: {  	v0 =	vld.idx.msk [tilespmem:v7+s1+$0x0], $0xffff  }
0x6a1: {  	[tilespmem:s0+$0x1C700] =	vst.add.f32.msk $0xffff, v1  }
0x6a2: {  	[tilespmem:s0+$0x1C710] =	vst.add.f32.msk $0xffff, v2  }
0x6a3: {  	[tilespmem:s0+$0x1C720] =	vst.add.f32.msk $0xffff, v3  }
0x6a4: {  	[tilespmem:s0+$0x1C730] =	vst.add.f32.msk $0xffff, v4  }
0x6a5: {  	[tilespmem:s0+$0x1C740] =	vst.add.f32.msk $0xffff, v5  }
0x6a6: {  	s2 =	simm.s32 $0x0;
	s3 =	simm.s32 $0x200;
	[tilespmem:s0+$0x1C750] =	vst.add.f32.msk $0xffff, v6  }
.LBB2_60:
0x6a7: {  	s2 =	sadd.s32 $0x80, s2;
	[tilespmem:s0+$0x1C760] =	vst.add.f32.msk $0xffff, v0;
	s0 =	sshra.s32 s3, $0x2  }
0x6a8: {  	v0 =	vld [tilespmem:s0+$0x18770];
	p0 =	slt.u32 s2, $0x1F80  }
0x6a9: {  	v1 =	vld [tilespmem:s0+$0x18700]  }
0x6aa: {  	v2 =	vld [tilespmem:s0+$0x18710]  }
0x6ab: {  	v3 =	vld [tilespmem:s0+$0x18720]  }
0x6ac: {  	v4 =	vld [tilespmem:s0+$0x18730]  }
0x6ad: {  	v5 =	vld [tilespmem:s0+$0x18740]  }
0x6ae: {  	v6 =	vld [tilespmem:s0+$0x18750]  }
0x6af: {  	v7 =	vld [tilespmem:s0+$0x18760]  }
0x6b0: {  	v0 =	vld.idx.msk [tilespmem:v0+s1+$0x0], $0xffff  }
0x6b1: {  	v1 =	vld.idx.msk [tilespmem:v1+s1+$0x0], $0xffff  }
0x6b2: {  	v2 =	vld.idx.msk [tilespmem:v2+s1+$0x0], $0xffff  }
0x6b3: {  	v3 =	vld.idx.msk [tilespmem:v3+s1+$0x0], $0xffff  }
0x6b4: {  	v4 =	vld.idx.msk [tilespmem:v4+s1+$0x0], $0xffff  }
0x6b5: {  	v5 =	vld.idx.msk [tilespmem:v5+s1+$0x0], $0xffff  }
0x6b6: {  	[tilespmem:s0+$0x1C770] =	vst.add.f32.msk $0xffff, v0  }
0x6b7: {  	v6 =	vld.idx.msk [tilespmem:v6+s1+$0x0], $0xffff  }
0x6b8: {  	v0 =	vld.idx.msk [tilespmem:v7+s1+$0x0], $0xffff  }
0x6b9: {  	[tilespmem:s0+$0x1C700] =	vst.add.f32.msk $0xffff, v1  }
.Ltmp29:
0x6ba: {  	[tilespmem:s0+$0x1C710] =	vst.add.f32.msk $0xffff, v2;
	(pc) =	sbr.rel @p0 .LBB2_60-.Ltmp29, $4  }
0x6bb: {  	[tilespmem:s0+$0x1C720] =	vst.add.f32.msk $0xffff, v3  }
0x6bc: {  	[tilespmem:s0+$0x1C730] =	vst.add.f32.msk $0xffff, v4  }
0x6bd: {  	[tilespmem:s0+$0x1C740] =	vst.add.f32.msk $0xffff, v5  }
0x6be: {  	s3 =	sadd.s32 $0x200, s3;
	[tilespmem:s0+$0x1C750] =	vst.add.f32.msk $0xffff, v6  }
0x6bf: {  	[tilespmem:s0+$0x1C760] =	vst.add.f32.msk $0xffff, v0  }
0x6c0: {  	s3 =	simm.s32 $0x0;
	s2 =	rddreg [dreg:$0x13]  }
0x6c1: {  	[tilespmem:s3], [sflag:$0x1] =	stream.strided.gather [hbm4b:s2+s23], $0x18700, s24, s23, $0x38;
	[tilespmem:$0x1E700] =	vst v63  }
0x6c2: {  	s3 =	sld [smem:$0x7FB];
	_ =	sdelay $0x2  }
0x6c3: {  	[tilespmem:s25], [sflag:$0x2] =	stream.strided.gather [hbm4b:s3+s23], $0x2000, s24, s23, $0x38;
	[tilespmem:$0x1E700] =	vst v63  }
0x6c4: {  	_ =	swait.ge [sflag:s29], $0x2000  }
0x6c5: {  	[sflag:s29] =	ssyncset.done $0x0  }
0x6c6: {  	[sflag:s29] =	ssyncadd.s32 $0xFFFFE000  }
0x6c7: {  	_ =	swait.ge [sflag:s30], $0x18700  }
0x6c8: {  	[sflag:s30] =	ssyncset.done $0x0  }
0x6c9: {  	s0 =	simm.s32 $0x0;
	[sflag:s30] =	ssyncadd.s32 $0xFFFE7900  }
0x6ca: {  	v0 =	vld [tilespmem:s0+$0x18770]  }
0x6cb: {  	v1 =	vld [tilespmem:s0+$0x18700]  }
0x6cc: {  	v2 =	vld [tilespmem:s0+$0x18710]  }
0x6cd: {  	v3 =	vld [tilespmem:s0+$0x18720]  }
0x6ce: {  	v4 =	vld [tilespmem:s0+$0x18730]  }
0x6cf: {  	v5 =	vld [tilespmem:s0+$0x18740]  }
0x6d0: {  	v6 =	vld [tilespmem:s0+$0x18750]  }
0x6d1: {  	v7 =	vld [tilespmem:s0+$0x18760]  }
0x6d2: {  	v0 =	vld.idx.msk [tilespmem:v0+s1+$0x0], $0xffff  }
0x6d3: {  	v1 =	vld.idx.msk [tilespmem:v1+s1+$0x0], $0xffff  }
0x6d4: {  	v2 =	vld.idx.msk [tilespmem:v2+s1+$0x0], $0xffff  }
0x6d5: {  	v3 =	vld.idx.msk [tilespmem:v3+s1+$0x0], $0xffff  }
0x6d6: {  	v4 =	vld.idx.msk [tilespmem:v4+s1+$0x0], $0xffff  }
0x6d7: {  	v5 =	vld.idx.msk [tilespmem:v5+s1+$0x0], $0xffff  }
0x6d8: {  	v6 =	vld.idx.msk [tilespmem:v6+s1+$0x0], $0xffff  }
0x6d9: {  	[tilespmem:s0+$0x1A770] =	vst.add.f32.msk $0xffff, v0  }
0x6da: {  	v0 =	vld.idx.msk [tilespmem:v7+s1+$0x0], $0xffff  }
0x6db: {  	[tilespmem:s0+$0x1A700] =	vst.add.f32.msk $0xffff, v1  }
0x6dc: {  	[tilespmem:s0+$0x1A710] =	vst.add.f32.msk $0xffff, v2  }
0x6dd: {  	[tilespmem:s0+$0x1A720] =	vst.add.f32.msk $0xffff, v3  }
0x6de: {  	[tilespmem:s0+$0x1A730] =	vst.add.f32.msk $0xffff, v4  }
0x6df: {  	[tilespmem:s0+$0x1A740] =	vst.add.f32.msk $0xffff, v5  }
0x6e0: {  	s2 =	simm.s32 $0x0;
	s3 =	simm.s32 $0x200;
	[tilespmem:s0+$0x1A750] =	vst.add.f32.msk $0xffff, v6  }
.LBB2_62:
0x6e1: {  	s2 =	sadd.s32 $0x80, s2;
	[tilespmem:s0+$0x1A760] =	vst.add.f32.msk $0xffff, v0;
	s0 =	sshra.s32 s3, $0x2  }
0x6e2: {  	v0 =	vld [tilespmem:s0+$0x18770];
	p0 =	slt.u32 s2, $0x1F80  }
0x6e3: {  	v1 =	vld [tilespmem:s0+$0x18700]  }
0x6e4: {  	v2 =	vld [tilespmem:s0+$0x18710]  }
0x6e5: {  	v3 =	vld [tilespmem:s0+$0x18720]  }
0x6e6: {  	v4 =	vld [tilespmem:s0+$0x18730]  }
0x6e7: {  	v5 =	vld [tilespmem:s0+$0x18740]  }
0x6e8: {  	v6 =	vld [tilespmem:s0+$0x18750]  }
0x6e9: {  	v7 =	vld [tilespmem:s0+$0x18760]  }
0x6ea: {  	v0 =	vld.idx.msk [tilespmem:v0+s1+$0x0], $0xffff  }
0x6eb: {  	v1 =	vld.idx.msk [tilespmem:v1+s1+$0x0], $0xffff  }
0x6ec: {  	v2 =	vld.idx.msk [tilespmem:v2+s1+$0x0], $0xffff  }
0x6ed: {  	v3 =	vld.idx.msk [tilespmem:v3+s1+$0x0], $0xffff  }
0x6ee: {  	v4 =	vld.idx.msk [tilespmem:v4+s1+$0x0], $0xffff  }
0x6ef: {  	v5 =	vld.idx.msk [tilespmem:v5+s1+$0x0], $0xffff  }
0x6f0: {  	[tilespmem:s0+$0x1A770] =	vst.add.f32.msk $0xffff, v0  }
0x6f1: {  	v6 =	vld.idx.msk [tilespmem:v6+s1+$0x0], $0xffff  }
0x6f2: {  	v0 =	vld.idx.msk [tilespmem:v7+s1+$0x0], $0xffff  }
0x6f3: {  	[tilespmem:s0+$0x1A700] =	vst.add.f32.msk $0xffff, v1  }
.Ltmp30:
0x6f4: {  	[tilespmem:s0+$0x1A710] =	vst.add.f32.msk $0xffff, v2;
	(pc) =	sbr.rel @p0 .LBB2_62-.Ltmp30, $4  }
0x6f5: {  	[tilespmem:s0+$0x1A720] =	vst.add.f32.msk $0xffff, v3  }
0x6f6: {  	[tilespmem:s0+$0x1A730] =	vst.add.f32.msk $0xffff, v4  }
0x6f7: {  	[tilespmem:s0+$0x1A740] =	vst.add.f32.msk $0xffff, v5  }
0x6f8: {  	s3 =	sadd.s32 $0x200, s3;
	[tilespmem:s0+$0x1A750] =	vst.add.f32.msk $0xffff, v6  }
0x6f9: {  	[tilespmem:s0+$0x1A760] =	vst.add.f32.msk $0xffff, v0  }
0x6fa: {  	s0 =	sld [smem:$0x7FC];
	_ =	sdelay $0x2  }
0x6fb: {  	[tilespmem:s25], [sflag:$0x2] =	stream.strided.gather [hbm4b:s0+s23], $0x2000, s24, s23, $0x38;
	[tilespmem:$0x1E700] =	vst v63  }
0x6fc: {  	_ =	swait.ge [sflag:s29], $0x2000  }
0x6fd: {  	[sflag:s29] =	ssyncset.done $0x0  }
0x6fe: {  	s0 =	simm.s32 $0x0;
	[sflag:s29] =	ssyncadd.s32 $0xFFFFE000  }
0x6ff: {  	v0 =	vld [tilespmem:s0+$0x18770]  }
0x700: {  	v1 =	vld [tilespmem:s0+$0x18700]  }
0x701: {  	v2 =	vld [tilespmem:s0+$0x18710]  }
0x702: {  	v3 =	vld [tilespmem:s0+$0x18720]  }
0x703: {  	v4 =	vld [tilespmem:s0+$0x18730]  }
0x704: {  	v5 =	vld [tilespmem:s0+$0x18740]  }
0x705: {  	v6 =	vld [tilespmem:s0+$0x18750]  }
0x706: {  	v7 =	vld [tilespmem:s0+$0x18760]  }
0x707: {  	v0 =	vld.idx.msk [tilespmem:v0+s1+$0x0], $0xffff  }
0x708: {  	v1 =	vld.idx.msk [tilespmem:v1+s1+$0x0], $0xffff  }
0x709: {  	v2 =	vld.idx.msk [tilespmem:v2+s1+$0x0], $0xffff  }
0x70a: {  	v3 =	vld.idx.msk [tilespmem:v3+s1+$0x0], $0xffff  }
0x70b: {  	v4 =	vld.idx.msk [tilespmem:v4+s1+$0x0], $0xffff  }
0x70c: {  	v5 =	vld.idx.msk [tilespmem:v5+s1+$0x0], $0xffff  }
0x70d: {  	v6 =	vld.idx.msk [tilespmem:v6+s1+$0x0], $0xffff  }
0x70e: {  	[tilespmem:s0+$0x1C770] =	vst.add.f32.msk $0xffff, v0  }
0x70f: {  	v0 =	vld.idx.msk [tilespmem:v7+s1+$0x0], $0xffff  }
0x710: {  	[tilespmem:s0+$0x1C700] =	vst.add.f32.msk $0xffff, v1  }
0x711: {  	[tilespmem:s0+$0x1C710] =	vst.add.f32.msk $0xffff, v2  }
0x712: {  	[tilespmem:s0+$0x1C720] =	vst.add.f32.msk $0xffff, v3  }
0x713: {  	[tilespmem:s0+$0x1C730] =	vst.add.f32.msk $0xffff, v4  }
0x714: {  	[tilespmem:s0+$0x1C740] =	vst.add.f32.msk $0xffff, v5  }
0x715: {  	s2 =	simm.s32 $0x0;
	s3 =	simm.s32 $0x200;
	[tilespmem:s0+$0x1C750] =	vst.add.f32.msk $0xffff, v6  }
.LBB2_64:
0x716: {  	s2 =	sadd.s32 $0x80, s2;
	[tilespmem:s0+$0x1C760] =	vst.add.f32.msk $0xffff, v0;
	s0 =	sshra.s32 s3, $0x2  }
0x717: {  	v0 =	vld [tilespmem:s0+$0x18770];
	p0 =	slt.u32 s2, $0x1F80  }
0x718: {  	v1 =	vld [tilespmem:s0+$0x18700]  }
0x719: {  	v2 =	vld [tilespmem:s0+$0x18710]  }
0x71a: {  	v3 =	vld [tilespmem:s0+$0x18720]  }
0x71b: {  	v4 =	vld [tilespmem:s0+$0x18730]  }
0x71c: {  	v5 =	vld [tilespmem:s0+$0x18740]  }
0x71d: {  	v6 =	vld [tilespmem:s0+$0x18750]  }
0x71e: {  	v7 =	vld [tilespmem:s0+$0x18760]  }
0x71f: {  	v0 =	vld.idx.msk [tilespmem:v0+s1+$0x0], $0xffff  }
0x720: {  	v1 =	vld.idx.msk [tilespmem:v1+s1+$0x0], $0xffff  }
0x721: {  	v2 =	vld.idx.msk [tilespmem:v2+s1+$0x0], $0xffff  }
0x722: {  	v3 =	vld.idx.msk [tilespmem:v3+s1+$0x0], $0xffff  }
0x723: {  	v4 =	vld.idx.msk [tilespmem:v4+s1+$0x0], $0xffff  }
0x724: {  	v5 =	vld.idx.msk [tilespmem:v5+s1+$0x0], $0xffff  }
0x725: {  	[tilespmem:s0+$0x1C770] =	vst.add.f32.msk $0xffff, v0  }
0x726: {  	v6 =	vld.idx.msk [tilespmem:v6+s1+$0x0], $0xffff  }
0x727: {  	v0 =	vld.idx.msk [tilespmem:v7+s1+$0x0], $0xffff  }
0x728: {  	[tilespmem:s0+$0x1C700] =	vst.add.f32.msk $0xffff, v1  }
.Ltmp31:
0x729: {  	[tilespmem:s0+$0x1C710] =	vst.add.f32.msk $0xffff, v2;
	(pc) =	sbr.rel @p0 .LBB2_64-.Ltmp31, $4  }
0x72a: {  	[tilespmem:s0+$0x1C720] =	vst.add.f32.msk $0xffff, v3  }
0x72b: {  	[tilespmem:s0+$0x1C730] =	vst.add.f32.msk $0xffff, v4  }
0x72c: {  	[tilespmem:s0+$0x1C740] =	vst.add.f32.msk $0xffff, v5  }
0x72d: {  	s3 =	sadd.s32 $0x200, s3;
	[tilespmem:s0+$0x1C750] =	vst.add.f32.msk $0xffff, v6  }
0x72e: {  	[tilespmem:s0+$0x1C760] =	vst.add.f32.msk $0xffff, v0  }
0x72f: {  	s3 =	simm.s32 $0x0;
	s2 =	rddreg [dreg:$0x14]  }
0x730: {  	[tilespmem:s3], [sflag:$0x1] =	stream.strided.gather [hbm4b:s2+s23], $0x18700, s24, s23, $0x38;
	[tilespmem:$0x1E700] =	vst v63  }
0x731: {  	s3 =	sld [smem:$0x7FD];
	_ =	sdelay $0x2  }
0x732: {  	[tilespmem:s25], [sflag:$0x2] =	stream.strided.gather [hbm4b:s3+s23], $0x2000, s24, s23, $0x38;
	[tilespmem:$0x1E700] =	vst v63  }
0x733: {  	_ =	swait.ge [sflag:s29], $0x2000  }
0x734: {  	[sflag:s29] =	ssyncset.done $0x0  }
0x735: {  	[sflag:s29] =	ssyncadd.s32 $0xFFFFE000  }
0x736: {  	_ =	swait.ge [sflag:s30], $0x18700  }
0x737: {  	[sflag:s30] =	ssyncset.done $0x0  }
0x738: {  	s0 =	simm.s32 $0x0;
	[sflag:s30] =	ssyncadd.s32 $0xFFFE7900  }
0x739: {  	v0 =	vld [tilespmem:s0+$0x18770]  }
0x73a: {  	v1 =	vld [tilespmem:s0+$0x18700]  }
0x73b: {  	v2 =	vld [tilespmem:s0+$0x18710]  }
0x73c: {  	v3 =	vld [tilespmem:s0+$0x18720]  }
0x73d: {  	v4 =	vld [tilespmem:s0+$0x18730]  }
0x73e: {  	v5 =	vld [tilespmem:s0+$0x18740]  }
0x73f: {  	v6 =	vld [tilespmem:s0+$0x18750]  }
0x740: {  	v7 =	vld [tilespmem:s0+$0x18760]  }
0x741: {  	v0 =	vld.idx.msk [tilespmem:v0+s1+$0x0], $0xffff  }
0x742: {  	v1 =	vld.idx.msk [tilespmem:v1+s1+$0x0], $0xffff  }
0x743: {  	v2 =	vld.idx.msk [tilespmem:v2+s1+$0x0], $0xffff  }
0x744: {  	v3 =	vld.idx.msk [tilespmem:v3+s1+$0x0], $0xffff  }
0x745: {  	v4 =	vld.idx.msk [tilespmem:v4+s1+$0x0], $0xffff  }
0x746: {  	v5 =	vld.idx.msk [tilespmem:v5+s1+$0x0], $0xffff  }
0x747: {  	v6 =	vld.idx.msk [tilespmem:v6+s1+$0x0], $0xffff  }
0x748: {  	[tilespmem:s0+$0x1A770] =	vst.add.f32.msk $0xffff, v0  }
0x749: {  	v0 =	vld.idx.msk [tilespmem:v7+s1+$0x0], $0xffff  }
0x74a: {  	[tilespmem:s0+$0x1A700] =	vst.add.f32.msk $0xffff, v1  }
0x74b: {  	[tilespmem:s0+$0x1A710] =	vst.add.f32.msk $0xffff, v2  }
0x74c: {  	[tilespmem:s0+$0x1A720] =	vst.add.f32.msk $0xffff, v3  }
0x74d: {  	[tilespmem:s0+$0x1A730] =	vst.add.f32.msk $0xffff, v4  }
0x74e: {  	[tilespmem:s0+$0x1A740] =	vst.add.f32.msk $0xffff, v5  }
0x74f: {  	s2 =	simm.s32 $0x0;
	s3 =	simm.s32 $0x200;
	[tilespmem:s0+$0x1A750] =	vst.add.f32.msk $0xffff, v6  }
.LBB2_66:
0x750: {  	s2 =	sadd.s32 $0x80, s2;
	[tilespmem:s0+$0x1A760] =	vst.add.f32.msk $0xffff, v0;
	s0 =	sshra.s32 s3, $0x2  }
0x751: {  	v0 =	vld [tilespmem:s0+$0x18770];
	p0 =	slt.u32 s2, $0x1F80  }
0x752: {  	v1 =	vld [tilespmem:s0+$0x18700]  }
0x753: {  	v2 =	vld [tilespmem:s0+$0x18710]  }
0x754: {  	v3 =	vld [tilespmem:s0+$0x18720]  }
0x755: {  	v4 =	vld [tilespmem:s0+$0x18730]  }
0x756: {  	v5 =	vld [tilespmem:s0+$0x18740]  }
0x757: {  	v6 =	vld [tilespmem:s0+$0x18750]  }
0x758: {  	v7 =	vld [tilespmem:s0+$0x18760]  }
0x759: {  	v0 =	vld.idx.msk [tilespmem:v0+s1+$0x0], $0xffff  }
0x75a: {  	v1 =	vld.idx.msk [tilespmem:v1+s1+$0x0], $0xffff  }
0x75b: {  	v2 =	vld.idx.msk [tilespmem:v2+s1+$0x0], $0xffff  }
0x75c: {  	v3 =	vld.idx.msk [tilespmem:v3+s1+$0x0], $0xffff  }
0x75d: {  	v4 =	vld.idx.msk [tilespmem:v4+s1+$0x0], $0xffff  }
0x75e: {  	v5 =	vld.idx.msk [tilespmem:v5+s1+$0x0], $0xffff  }
0x75f: {  	[tilespmem:s0+$0x1A770] =	vst.add.f32.msk $0xffff, v0  }
0x760: {  	v6 =	vld.idx.msk [tilespmem:v6+s1+$0x0], $0xffff  }
0x761: {  	v0 =	vld.idx.msk [tilespmem:v7+s1+$0x0], $0xffff  }
0x762: {  	[tilespmem:s0+$0x1A700] =	vst.add.f32.msk $0xffff, v1  }
.Ltmp32:
0x763: {  	[tilespmem:s0+$0x1A710] =	vst.add.f32.msk $0xffff, v2;
	(pc) =	sbr.rel @p0 .LBB2_66-.Ltmp32, $4  }
0x764: {  	[tilespmem:s0+$0x1A720] =	vst.add.f32.msk $0xffff, v3  }
0x765: {  	[tilespmem:s0+$0x1A730] =	vst.add.f32.msk $0xffff, v4  }
0x766: {  	[tilespmem:s0+$0x1A740] =	vst.add.f32.msk $0xffff, v5  }
0x767: {  	s3 =	sadd.s32 $0x200, s3;
	[tilespmem:s0+$0x1A750] =	vst.add.f32.msk $0xffff, v6  }
0x768: {  	[tilespmem:s0+$0x1A760] =	vst.add.f32.msk $0xffff, v0  }
0x769: {  	[tilespmem:s25], [sflag:$0x2] =	stream.strided.gather [hbm4b:s4+s23], $0x2000, s24, s23, $0x38;
	[tilespmem:$0x1E700] =	vst v63  }
0x76a: {  	_ =	swait.ge [sflag:s29], $0x2000  }
0x76b: {  	[sflag:s29] =	ssyncset.done $0x0  }
0x76c: {  	s0 =	simm.s32 $0x0;
	[sflag:s29] =	ssyncadd.s32 $0xFFFFE000  }
0x76d: {  	v0 =	vld [tilespmem:s0+$0x18770]  }
0x76e: {  	v1 =	vld [tilespmem:s0+$0x18700]  }
0x76f: {  	v2 =	vld [tilespmem:s0+$0x18710]  }
0x770: {  	v3 =	vld [tilespmem:s0+$0x18720]  }
0x771: {  	v4 =	vld [tilespmem:s0+$0x18730]  }
0x772: {  	v5 =	vld [tilespmem:s0+$0x18740]  }
0x773: {  	v6 =	vld [tilespmem:s0+$0x18750]  }
0x774: {  	v7 =	vld [tilespmem:s0+$0x18760]  }
0x775: {  	v0 =	vld.idx.msk [tilespmem:v0+s1+$0x0], $0xffff  }
0x776: {  	v1 =	vld.idx.msk [tilespmem:v1+s1+$0x0], $0xffff  }
0x777: {  	v2 =	vld.idx.msk [tilespmem:v2+s1+$0x0], $0xffff  }
0x778: {  	v3 =	vld.idx.msk [tilespmem:v3+s1+$0x0], $0xffff  }
0x779: {  	v4 =	vld.idx.msk [tilespmem:v4+s1+$0x0], $0xffff  }
0x77a: {  	v5 =	vld.idx.msk [tilespmem:v5+s1+$0x0], $0xffff  }
0x77b: {  	v6 =	vld.idx.msk [tilespmem:v6+s1+$0x0], $0xffff  }
0x77c: {  	[tilespmem:s0+$0x1C770] =	vst.add.f32.msk $0xffff, v0  }
0x77d: {  	v0 =	vld.idx.msk [tilespmem:v7+s1+$0x0], $0xffff  }
0x77e: {  	[tilespmem:s0+$0x1C700] =	vst.add.f32.msk $0xffff, v1  }
0x77f: {  	[tilespmem:s0+$0x1C710] =	vst.add.f32.msk $0xffff, v2  }
0x780: {  	[tilespmem:s0+$0x1C720] =	vst.add.f32.msk $0xffff, v3  }
0x781: {  	[tilespmem:s0+$0x1C730] =	vst.add.f32.msk $0xffff, v4  }
0x782: {  	[tilespmem:s0+$0x1C740] =	vst.add.f32.msk $0xffff, v5  }
0x783: {  	s2 =	simm.s32 $0x0;
	s3 =	simm.s32 $0x200;
	[tilespmem:s0+$0x1C750] =	vst.add.f32.msk $0xffff, v6  }
.LBB2_68:
0x784: {  	s2 =	sadd.s32 $0x80, s2;
	[tilespmem:s0+$0x1C760] =	vst.add.f32.msk $0xffff, v0;
	s0 =	sshra.s32 s3, $0x2  }
0x785: {  	v0 =	vld [tilespmem:s0+$0x18770];
	p0 =	slt.u32 s2, $0x1F80  }
0x786: {  	v1 =	vld [tilespmem:s0+$0x18700]  }
0x787: {  	v2 =	vld [tilespmem:s0+$0x18710]  }
0x788: {  	v3 =	vld [tilespmem:s0+$0x18720]  }
0x789: {  	v4 =	vld [tilespmem:s0+$0x18730]  }
0x78a: {  	v5 =	vld [tilespmem:s0+$0x18740]  }
0x78b: {  	v6 =	vld [tilespmem:s0+$0x18750]  }
0x78c: {  	v7 =	vld [tilespmem:s0+$0x18760]  }
0x78d: {  	v0 =	vld.idx.msk [tilespmem:v0+s1+$0x0], $0xffff  }
0x78e: {  	v1 =	vld.idx.msk [tilespmem:v1+s1+$0x0], $0xffff  }
0x78f: {  	v2 =	vld.idx.msk [tilespmem:v2+s1+$0x0], $0xffff  }
0x790: {  	v3 =	vld.idx.msk [tilespmem:v3+s1+$0x0], $0xffff  }
0x791: {  	v4 =	vld.idx.msk [tilespmem:v4+s1+$0x0], $0xffff  }
0x792: {  	v5 =	vld.idx.msk [tilespmem:v5+s1+$0x0], $0xffff  }
0x793: {  	[tilespmem:s0+$0x1C770] =	vst.add.f32.msk $0xffff, v0  }
0x794: {  	v6 =	vld.idx.msk [tilespmem:v6+s1+$0x0], $0xffff  }
0x795: {  	v0 =	vld.idx.msk [tilespmem:v7+s1+$0x0], $0xffff  }
0x796: {  	[tilespmem:s0+$0x1C700] =	vst.add.f32.msk $0xffff, v1  }
.Ltmp33:
0x797: {  	[tilespmem:s0+$0x1C710] =	vst.add.f32.msk $0xffff, v2;
	(pc) =	sbr.rel @p0 .LBB2_68-.Ltmp33, $4  }
0x798: {  	[tilespmem:s0+$0x1C720] =	vst.add.f32.msk $0xffff, v3  }
0x799: {  	[tilespmem:s0+$0x1C730] =	vst.add.f32.msk $0xffff, v4  }
0x79a: {  	[tilespmem:s0+$0x1C740] =	vst.add.f32.msk $0xffff, v5  }
0x79b: {  	s3 =	sadd.s32 $0x200, s3;
	[tilespmem:s0+$0x1C750] =	vst.add.f32.msk $0xffff, v6  }
0x79c: {  	[tilespmem:s0+$0x1C760] =	vst.add.f32.msk $0xffff, v0  }
0x79d: {  	s3 =	simm.s32 $0x0;
	s2 =	rddreg [dreg:$0x15]  }
0x79e: {  	[tilespmem:s3], [sflag:$0x1] =	stream.strided.gather [hbm4b:s2+s23], $0x18700, s24, s23, $0x38;
	[tilespmem:$0x1E700] =	vst v63  }
0x79f: {  	_ = 	snop  }
0x7a0: {  	[tilespmem:s25], [sflag:$0x2] =	stream.strided.gather [hbm4b:s5+s23], $0x2000, s24, s23, $0x38;
	[tilespmem:$0x1E700] =	vst v63  }
0x7a1: {  	_ =	swait.ge [sflag:s29], $0x2000  }
0x7a2: {  	[sflag:s29] =	ssyncset.done $0x0  }
0x7a3: {  	[sflag:s29] =	ssyncadd.s32 $0xFFFFE000  }
0x7a4: {  	_ =	swait.ge [sflag:s30], $0x18700  }
0x7a5: {  	[sflag:s30] =	ssyncset.done $0x0  }
0x7a6: {  	s0 =	simm.s32 $0x0;
	[sflag:s30] =	ssyncadd.s32 $0xFFFE7900  }
0x7a7: {  	v0 =	vld [tilespmem:s0+$0x18770]  }
0x7a8: {  	v1 =	vld [tilespmem:s0+$0x18700]  }
0x7a9: {  	v2 =	vld [tilespmem:s0+$0x18710]  }
0x7aa: {  	v3 =	vld [tilespmem:s0+$0x18720]  }
0x7ab: {  	v4 =	vld [tilespmem:s0+$0x18730]  }
0x7ac: {  	v5 =	vld [tilespmem:s0+$0x18740]  }
0x7ad: {  	v6 =	vld [tilespmem:s0+$0x18750]  }
0x7ae: {  	v7 =	vld [tilespmem:s0+$0x18760]  }
0x7af: {  	v0 =	vld.idx.msk [tilespmem:v0+s1+$0x0], $0xffff  }
0x7b0: {  	v1 =	vld.idx.msk [tilespmem:v1+s1+$0x0], $0xffff  }
0x7b1: {  	v2 =	vld.idx.msk [tilespmem:v2+s1+$0x0], $0xffff  }
0x7b2: {  	v3 =	vld.idx.msk [tilespmem:v3+s1+$0x0], $0xffff  }
0x7b3: {  	v4 =	vld.idx.msk [tilespmem:v4+s1+$0x0], $0xffff  }
0x7b4: {  	v5 =	vld.idx.msk [tilespmem:v5+s1+$0x0], $0xffff  }
0x7b5: {  	v6 =	vld.idx.msk [tilespmem:v6+s1+$0x0], $0xffff  }
0x7b6: {  	[tilespmem:s0+$0x1A770] =	vst.add.f32.msk $0xffff, v0  }
0x7b7: {  	v0 =	vld.idx.msk [tilespmem:v7+s1+$0x0], $0xffff  }
0x7b8: {  	[tilespmem:s0+$0x1A700] =	vst.add.f32.msk $0xffff, v1  }
0x7b9: {  	[tilespmem:s0+$0x1A710] =	vst.add.f32.msk $0xffff, v2  }
0x7ba: {  	[tilespmem:s0+$0x1A720] =	vst.add.f32.msk $0xffff, v3  }
0x7bb: {  	[tilespmem:s0+$0x1A730] =	vst.add.f32.msk $0xffff, v4  }
0x7bc: {  	[tilespmem:s0+$0x1A740] =	vst.add.f32.msk $0xffff, v5  }
0x7bd: {  	s2 =	simm.s32 $0x0;
	s3 =	simm.s32 $0x200;
	[tilespmem:s0+$0x1A750] =	vst.add.f32.msk $0xffff, v6  }
.LBB2_70:
0x7be: {  	s2 =	sadd.s32 $0x80, s2;
	[tilespmem:s0+$0x1A760] =	vst.add.f32.msk $0xffff, v0;
	s0 =	sshra.s32 s3, $0x2  }
0x7bf: {  	v0 =	vld [tilespmem:s0+$0x18770];
	p0 =	slt.u32 s2, $0x1F80  }
0x7c0: {  	v1 =	vld [tilespmem:s0+$0x18700]  }
0x7c1: {  	v2 =	vld [tilespmem:s0+$0x18710]  }
0x7c2: {  	v3 =	vld [tilespmem:s0+$0x18720]  }
0x7c3: {  	v4 =	vld [tilespmem:s0+$0x18730]  }
0x7c4: {  	v5 =	vld [tilespmem:s0+$0x18740]  }
0x7c5: {  	v6 =	vld [tilespmem:s0+$0x18750]  }
0x7c6: {  	v7 =	vld [tilespmem:s0+$0x18760]  }
0x7c7: {  	v0 =	vld.idx.msk [tilespmem:v0+s1+$0x0], $0xffff  }
0x7c8: {  	v1 =	vld.idx.msk [tilespmem:v1+s1+$0x0], $0xffff  }
0x7c9: {  	v2 =	vld.idx.msk [tilespmem:v2+s1+$0x0], $0xffff  }
0x7ca: {  	v3 =	vld.idx.msk [tilespmem:v3+s1+$0x0], $0xffff  }
0x7cb: {  	v4 =	vld.idx.msk [tilespmem:v4+s1+$0x0], $0xffff  }
0x7cc: {  	v5 =	vld.idx.msk [tilespmem:v5+s1+$0x0], $0xffff  }
0x7cd: {  	[tilespmem:s0+$0x1A770] =	vst.add.f32.msk $0xffff, v0  }
0x7ce: {  	v6 =	vld.idx.msk [tilespmem:v6+s1+$0x0], $0xffff  }
0x7cf: {  	v0 =	vld.idx.msk [tilespmem:v7+s1+$0x0], $0xffff  }
0x7d0: {  	[tilespmem:s0+$0x1A700] =	vst.add.f32.msk $0xffff, v1  }
.Ltmp34:
0x7d1: {  	[tilespmem:s0+$0x1A710] =	vst.add.f32.msk $0xffff, v2;
	(pc) =	sbr.rel @p0 .LBB2_70-.Ltmp34, $4  }
0x7d2: {  	[tilespmem:s0+$0x1A720] =	vst.add.f32.msk $0xffff, v3  }
0x7d3: {  	[tilespmem:s0+$0x1A730] =	vst.add.f32.msk $0xffff, v4  }
0x7d4: {  	[tilespmem:s0+$0x1A740] =	vst.add.f32.msk $0xffff, v5  }
0x7d5: {  	s3 =	sadd.s32 $0x200, s3;
	[tilespmem:s0+$0x1A750] =	vst.add.f32.msk $0xffff, v6  }
0x7d6: {  	[tilespmem:s0+$0x1A760] =	vst.add.f32.msk $0xffff, v0  }
0x7d7: {  	[tilespmem:s25], [sflag:$0x2] =	stream.strided.gather [hbm4b:s6+s23], $0x2000, s24, s23, $0x38;
	[tilespmem:$0x1E700] =	vst v63  }
0x7d8: {  	_ =	swait.ge [sflag:s29], $0x2000  }
0x7d9: {  	[sflag:s29] =	ssyncset.done $0x0  }
0x7da: {  	s0 =	simm.s32 $0x0;
	[sflag:s29] =	ssyncadd.s32 $0xFFFFE000  }
0x7db: {  	v0 =	vld [tilespmem:s0+$0x18770]  }
0x7dc: {  	v1 =	vld [tilespmem:s0+$0x18700]  }
0x7dd: {  	v2 =	vld [tilespmem:s0+$0x18710]  }
0x7de: {  	v3 =	vld [tilespmem:s0+$0x18720]  }
0x7df: {  	v4 =	vld [tilespmem:s0+$0x18730]  }
0x7e0: {  	v5 =	vld [tilespmem:s0+$0x18740]  }
0x7e1: {  	v6 =	vld [tilespmem:s0+$0x18750]  }
0x7e2: {  	v7 =	vld [tilespmem:s0+$0x18760]  }
0x7e3: {  	v0 =	vld.idx.msk [tilespmem:v0+s1+$0x0], $0xffff  }
0x7e4: {  	v1 =	vld.idx.msk [tilespmem:v1+s1+$0x0], $0xffff  }
0x7e5: {  	v2 =	vld.idx.msk [tilespmem:v2+s1+$0x0], $0xffff  }
0x7e6: {  	v3 =	vld.idx.msk [tilespmem:v3+s1+$0x0], $0xffff  }
0x7e7: {  	v4 =	vld.idx.msk [tilespmem:v4+s1+$0x0], $0xffff  }
0x7e8: {  	v5 =	vld.idx.msk [tilespmem:v5+s1+$0x0], $0xffff  }
0x7e9: {  	v6 =	vld.idx.msk [tilespmem:v6+s1+$0x0], $0xffff  }
0x7ea: {  	[tilespmem:s0+$0x1C770] =	vst.add.f32.msk $0xffff, v0  }
0x7eb: {  	v0 =	vld.idx.msk [tilespmem:v7+s1+$0x0], $0xffff  }
0x7ec: {  	[tilespmem:s0+$0x1C700] =	vst.add.f32.msk $0xffff, v1  }
0x7ed: {  	[tilespmem:s0+$0x1C710] =	vst.add.f32.msk $0xffff, v2  }
0x7ee: {  	[tilespmem:s0+$0x1C720] =	vst.add.f32.msk $0xffff, v3  }
0x7ef: {  	[tilespmem:s0+$0x1C730] =	vst.add.f32.msk $0xffff, v4  }
0x7f0: {  	[tilespmem:s0+$0x1C740] =	vst.add.f32.msk $0xffff, v5  }
0x7f1: {  	s2 =	simm.s32 $0x0;
	s3 =	simm.s32 $0x200;
	[tilespmem:s0+$0x1C750] =	vst.add.f32.msk $0xffff, v6  }
.LBB2_72:
0x7f2: {  	s2 =	sadd.s32 $0x80, s2;
	[tilespmem:s0+$0x1C760] =	vst.add.f32.msk $0xffff, v0;
	s0 =	sshra.s32 s3, $0x2  }
0x7f3: {  	v0 =	vld [tilespmem:s0+$0x18770];
	p0 =	slt.u32 s2, $0x1F80  }
0x7f4: {  	v1 =	vld [tilespmem:s0+$0x18700]  }
0x7f5: {  	v2 =	vld [tilespmem:s0+$0x18710]  }
0x7f6: {  	v3 =	vld [tilespmem:s0+$0x18720]  }
0x7f7: {  	v4 =	vld [tilespmem:s0+$0x18730]  }
0x7f8: {  	v5 =	vld [tilespmem:s0+$0x18740]  }
0x7f9: {  	v6 =	vld [tilespmem:s0+$0x18750]  }
0x7fa: {  	v7 =	vld [tilespmem:s0+$0x18760]  }
0x7fb: {  	v0 =	vld.idx.msk [tilespmem:v0+s1+$0x0], $0xffff  }
0x7fc: {  	v1 =	vld.idx.msk [tilespmem:v1+s1+$0x0], $0xffff  }
0x7fd: {  	v2 =	vld.idx.msk [tilespmem:v2+s1+$0x0], $0xffff  }
0x7fe: {  	v3 =	vld.idx.msk [tilespmem:v3+s1+$0x0], $0xffff  }
0x7ff: {  	v4 =	vld.idx.msk [tilespmem:v4+s1+$0x0], $0xffff  }
0x800: {  	v5 =	vld.idx.msk [tilespmem:v5+s1+$0x0], $0xffff  }
0x801: {  	[tilespmem:s0+$0x1C770] =	vst.add.f32.msk $0xffff, v0  }
0x802: {  	v6 =	vld.idx.msk [tilespmem:v6+s1+$0x0], $0xffff  }
0x803: {  	v0 =	vld.idx.msk [tilespmem:v7+s1+$0x0], $0xffff  }
0x804: {  	[tilespmem:s0+$0x1C700] =	vst.add.f32.msk $0xffff, v1  }
.Ltmp35:
0x805: {  	[tilespmem:s0+$0x1C710] =	vst.add.f32.msk $0xffff, v2;
	(pc) =	sbr.rel @p0 .LBB2_72-.Ltmp35, $4  }
0x806: {  	[tilespmem:s0+$0x1C720] =	vst.add.f32.msk $0xffff, v3  }
0x807: {  	[tilespmem:s0+$0x1C730] =	vst.add.f32.msk $0xffff, v4  }
0x808: {  	[tilespmem:s0+$0x1C740] =	vst.add.f32.msk $0xffff, v5  }
0x809: {  	s3 =	sadd.s32 $0x200, s3;
	[tilespmem:s0+$0x1C750] =	vst.add.f32.msk $0xffff, v6  }
0x80a: {  	[tilespmem:s0+$0x1C760] =	vst.add.f32.msk $0xffff, v0  }
0x80b: {  	s3 =	simm.s32 $0x0;
	s2 =	rddreg [dreg:$0x16]  }
0x80c: {  	[tilespmem:s3], [sflag:$0x1] =	stream.strided.gather [hbm4b:s2+s23], $0x18700, s24, s23, $0x38;
	[tilespmem:$0x1E700] =	vst v63  }
0x80d: {  	_ = 	snop  }
0x80e: {  	[tilespmem:s25], [sflag:$0x2] =	stream.strided.gather [hbm4b:s7+s23], $0x2000, s24, s23, $0x38;
	[tilespmem:$0x1E700] =	vst v63  }
0x80f: {  	_ =	swait.ge [sflag:s29], $0x2000  }
0x810: {  	[sflag:s29] =	ssyncset.done $0x0  }
0x811: {  	[sflag:s29] =	ssyncadd.s32 $0xFFFFE000  }
0x812: {  	_ =	swait.ge [sflag:s30], $0x18700  }
0x813: {  	[sflag:s30] =	ssyncset.done $0x0  }
0x814: {  	s0 =	simm.s32 $0x0;
	[sflag:s30] =	ssyncadd.s32 $0xFFFE7900  }
0x815: {  	v0 =	vld [tilespmem:s0+$0x18770]  }
0x816: {  	v1 =	vld [tilespmem:s0+$0x18700]  }
0x817: {  	v2 =	vld [tilespmem:s0+$0x18710]  }
0x818: {  	v3 =	vld [tilespmem:s0+$0x18720]  }
0x819: {  	v4 =	vld [tilespmem:s0+$0x18730]  }
0x81a: {  	v5 =	vld [tilespmem:s0+$0x18740]  }
0x81b: {  	v6 =	vld [tilespmem:s0+$0x18750]  }
0x81c: {  	v7 =	vld [tilespmem:s0+$0x18760]  }
0x81d: {  	v0 =	vld.idx.msk [tilespmem:v0+s1+$0x0], $0xffff  }
0x81e: {  	v1 =	vld.idx.msk [tilespmem:v1+s1+$0x0], $0xffff  }
0x81f: {  	v2 =	vld.idx.msk [tilespmem:v2+s1+$0x0], $0xffff  }
0x820: {  	v3 =	vld.idx.msk [tilespmem:v3+s1+$0x0], $0xffff  }
0x821: {  	v4 =	vld.idx.msk [tilespmem:v4+s1+$0x0], $0xffff  }
0x822: {  	v5 =	vld.idx.msk [tilespmem:v5+s1+$0x0], $0xffff  }
0x823: {  	v6 =	vld.idx.msk [tilespmem:v6+s1+$0x0], $0xffff  }
0x824: {  	[tilespmem:s0+$0x1A770] =	vst.add.f32.msk $0xffff, v0  }
0x825: {  	v0 =	vld.idx.msk [tilespmem:v7+s1+$0x0], $0xffff  }
0x826: {  	[tilespmem:s0+$0x1A700] =	vst.add.f32.msk $0xffff, v1  }
0x827: {  	[tilespmem:s0+$0x1A710] =	vst.add.f32.msk $0xffff, v2  }
0x828: {  	[tilespmem:s0+$0x1A720] =	vst.add.f32.msk $0xffff, v3  }
0x829: {  	[tilespmem:s0+$0x1A730] =	vst.add.f32.msk $0xffff, v4  }
0x82a: {  	[tilespmem:s0+$0x1A740] =	vst.add.f32.msk $0xffff, v5  }
0x82b: {  	s2 =	simm.s32 $0x0;
	s3 =	simm.s32 $0x200;
	[tilespmem:s0+$0x1A750] =	vst.add.f32.msk $0xffff, v6  }
.LBB2_74:
0x82c: {  	s2 =	sadd.s32 $0x80, s2;
	[tilespmem:s0+$0x1A760] =	vst.add.f32.msk $0xffff, v0;
	s0 =	sshra.s32 s3, $0x2  }
0x82d: {  	v0 =	vld [tilespmem:s0+$0x18770];
	p0 =	slt.u32 s2, $0x1F80  }
0x82e: {  	v1 =	vld [tilespmem:s0+$0x18700]  }
0x82f: {  	v2 =	vld [tilespmem:s0+$0x18710]  }
0x830: {  	v3 =	vld [tilespmem:s0+$0x18720]  }
0x831: {  	v4 =	vld [tilespmem:s0+$0x18730]  }
0x832: {  	v5 =	vld [tilespmem:s0+$0x18740]  }
0x833: {  	v6 =	vld [tilespmem:s0+$0x18750]  }
0x834: {  	v7 =	vld [tilespmem:s0+$0x18760]  }
0x835: {  	v0 =	vld.idx.msk [tilespmem:v0+s1+$0x0], $0xffff  }
0x836: {  	v1 =	vld.idx.msk [tilespmem:v1+s1+$0x0], $0xffff  }
0x837: {  	v2 =	vld.idx.msk [tilespmem:v2+s1+$0x0], $0xffff  }
0x838: {  	v3 =	vld.idx.msk [tilespmem:v3+s1+$0x0], $0xffff  }
0x839: {  	v4 =	vld.idx.msk [tilespmem:v4+s1+$0x0], $0xffff  }
0x83a: {  	v5 =	vld.idx.msk [tilespmem:v5+s1+$0x0], $0xffff  }
0x83b: {  	[tilespmem:s0+$0x1A770] =	vst.add.f32.msk $0xffff, v0  }
0x83c: {  	v6 =	vld.idx.msk [tilespmem:v6+s1+$0x0], $0xffff  }
0x83d: {  	v0 =	vld.idx.msk [tilespmem:v7+s1+$0x0], $0xffff  }
0x83e: {  	[tilespmem:s0+$0x1A700] =	vst.add.f32.msk $0xffff, v1  }
.Ltmp36:
0x83f: {  	[tilespmem:s0+$0x1A710] =	vst.add.f32.msk $0xffff, v2;
	(pc) =	sbr.rel @p0 .LBB2_74-.Ltmp36, $4  }
0x840: {  	[tilespmem:s0+$0x1A720] =	vst.add.f32.msk $0xffff, v3  }
0x841: {  	[tilespmem:s0+$0x1A730] =	vst.add.f32.msk $0xffff, v4  }
0x842: {  	[tilespmem:s0+$0x1A740] =	vst.add.f32.msk $0xffff, v5  }
0x843: {  	s3 =	sadd.s32 $0x200, s3;
	[tilespmem:s0+$0x1A750] =	vst.add.f32.msk $0xffff, v6  }
0x844: {  	[tilespmem:s0+$0x1A760] =	vst.add.f32.msk $0xffff, v0  }
0x845: {  	[tilespmem:s25], [sflag:$0x2] =	stream.strided.gather [hbm4b:s8+s23], $0x2000, s24, s23, $0x38;
	[tilespmem:$0x1E700] =	vst v63  }
0x846: {  	_ =	swait.ge [sflag:s29], $0x2000  }
0x847: {  	[sflag:s29] =	ssyncset.done $0x0  }
0x848: {  	s0 =	simm.s32 $0x0;
	[sflag:s29] =	ssyncadd.s32 $0xFFFFE000  }
0x849: {  	v0 =	vld [tilespmem:s0+$0x18770]  }
0x84a: {  	v1 =	vld [tilespmem:s0+$0x18700]  }
0x84b: {  	v2 =	vld [tilespmem:s0+$0x18710]  }
0x84c: {  	v3 =	vld [tilespmem:s0+$0x18720]  }
0x84d: {  	v4 =	vld [tilespmem:s0+$0x18730]  }
0x84e: {  	v5 =	vld [tilespmem:s0+$0x18740]  }
0x84f: {  	v6 =	vld [tilespmem:s0+$0x18750]  }
0x850: {  	v7 =	vld [tilespmem:s0+$0x18760]  }
0x851: {  	v0 =	vld.idx.msk [tilespmem:v0+s1+$0x0], $0xffff  }
0x852: {  	v1 =	vld.idx.msk [tilespmem:v1+s1+$0x0], $0xffff  }
0x853: {  	v2 =	vld.idx.msk [tilespmem:v2+s1+$0x0], $0xffff  }
0x854: {  	v3 =	vld.idx.msk [tilespmem:v3+s1+$0x0], $0xffff  }
0x855: {  	v4 =	vld.idx.msk [tilespmem:v4+s1+$0x0], $0xffff  }
0x856: {  	v5 =	vld.idx.msk [tilespmem:v5+s1+$0x0], $0xffff  }
0x857: {  	v6 =	vld.idx.msk [tilespmem:v6+s1+$0x0], $0xffff  }
0x858: {  	[tilespmem:s0+$0x1C770] =	vst.add.f32.msk $0xffff, v0  }
0x859: {  	v0 =	vld.idx.msk [tilespmem:v7+s1+$0x0], $0xffff  }
0x85a: {  	[tilespmem:s0+$0x1C700] =	vst.add.f32.msk $0xffff, v1  }
0x85b: {  	[tilespmem:s0+$0x1C710] =	vst.add.f32.msk $0xffff, v2  }
0x85c: {  	[tilespmem:s0+$0x1C720] =	vst.add.f32.msk $0xffff, v3  }
0x85d: {  	[tilespmem:s0+$0x1C730] =	vst.add.f32.msk $0xffff, v4  }
0x85e: {  	[tilespmem:s0+$0x1C740] =	vst.add.f32.msk $0xffff, v5  }
0x85f: {  	s2 =	simm.s32 $0x0;
	s3 =	simm.s32 $0x200;
	[tilespmem:s0+$0x1C750] =	vst.add.f32.msk $0xffff, v6  }
.LBB2_76:
0x860: {  	s2 =	sadd.s32 $0x80, s2;
	[tilespmem:s0+$0x1C760] =	vst.add.f32.msk $0xffff, v0;
	s0 =	sshra.s32 s3, $0x2  }
0x861: {  	v0 =	vld [tilespmem:s0+$0x18770];
	p0 =	slt.u32 s2, $0x1F80  }
0x862: {  	v1 =	vld [tilespmem:s0+$0x18700]  }
0x863: {  	v2 =	vld [tilespmem:s0+$0x18710]  }
0x864: {  	v3 =	vld [tilespmem:s0+$0x18720]  }
0x865: {  	v4 =	vld [tilespmem:s0+$0x18730]  }
0x866: {  	v5 =	vld [tilespmem:s0+$0x18740]  }
0x867: {  	v6 =	vld [tilespmem:s0+$0x18750]  }
0x868: {  	v7 =	vld [tilespmem:s0+$0x18760]  }
0x869: {  	v0 =	vld.idx.msk [tilespmem:v0+s1+$0x0], $0xffff  }
0x86a: {  	v1 =	vld.idx.msk [tilespmem:v1+s1+$0x0], $0xffff  }
0x86b: {  	v2 =	vld.idx.msk [tilespmem:v2+s1+$0x0], $0xffff  }
0x86c: {  	v3 =	vld.idx.msk [tilespmem:v3+s1+$0x0], $0xffff  }
0x86d: {  	v4 =	vld.idx.msk [tilespmem:v4+s1+$0x0], $0xffff  }
0x86e: {  	v5 =	vld.idx.msk [tilespmem:v5+s1+$0x0], $0xffff  }
0x86f: {  	[tilespmem:s0+$0x1C770] =	vst.add.f32.msk $0xffff, v0  }
0x870: {  	v6 =	vld.idx.msk [tilespmem:v6+s1+$0x0], $0xffff  }
0x871: {  	v0 =	vld.idx.msk [tilespmem:v7+s1+$0x0], $0xffff  }
0x872: {  	[tilespmem:s0+$0x1C700] =	vst.add.f32.msk $0xffff, v1  }
.Ltmp37:
0x873: {  	[tilespmem:s0+$0x1C710] =	vst.add.f32.msk $0xffff, v2;
	(pc) =	sbr.rel @p0 .LBB2_76-.Ltmp37, $4  }
0x874: {  	[tilespmem:s0+$0x1C720] =	vst.add.f32.msk $0xffff, v3  }
0x875: {  	[tilespmem:s0+$0x1C730] =	vst.add.f32.msk $0xffff, v4  }
0x876: {  	[tilespmem:s0+$0x1C740] =	vst.add.f32.msk $0xffff, v5  }
0x877: {  	s3 =	sadd.s32 $0x200, s3;
	[tilespmem:s0+$0x1C750] =	vst.add.f32.msk $0xffff, v6  }
0x878: {  	[tilespmem:s0+$0x1C760] =	vst.add.f32.msk $0xffff, v0  }
0x879: {  	s3 =	simm.s32 $0x0;
	s2 =	rddreg [dreg:$0x17]  }
0x87a: {  	[tilespmem:s3], [sflag:$0x1] =	stream.strided.gather [hbm4b:s2+s23], $0x18700, s24, s23, $0x38;
	[tilespmem:$0x1E700] =	vst v63  }
0x87b: {  	_ = 	snop  }
0x87c: {  	[tilespmem:s25], [sflag:$0x2] =	stream.strided.gather [hbm4b:s9+s23], $0x2000, s24, s23, $0x38;
	[tilespmem:$0x1E700] =	vst v63  }
0x87d: {  	_ =	swait.ge [sflag:s29], $0x2000  }
0x87e: {  	[sflag:s29] =	ssyncset.done $0x0  }
0x87f: {  	[sflag:s29] =	ssyncadd.s32 $0xFFFFE000  }
0x880: {  	_ =	swait.ge [sflag:s30], $0x18700  }
0x881: {  	[sflag:s30] =	ssyncset.done $0x0  }
0x882: {  	s0 =	simm.s32 $0x0;
	[sflag:s30] =	ssyncadd.s32 $0xFFFE7900  }
0x883: {  	v0 =	vld [tilespmem:s0+$0x18770]  }
0x884: {  	v1 =	vld [tilespmem:s0+$0x18700]  }
0x885: {  	v2 =	vld [tilespmem:s0+$0x18710]  }
0x886: {  	v3 =	vld [tilespmem:s0+$0x18720]  }
0x887: {  	v4 =	vld [tilespmem:s0+$0x18730]  }
0x888: {  	v5 =	vld [tilespmem:s0+$0x18740]  }
0x889: {  	v6 =	vld [tilespmem:s0+$0x18750]  }
0x88a: {  	v7 =	vld [tilespmem:s0+$0x18760]  }
0x88b: {  	v0 =	vld.idx.msk [tilespmem:v0+s1+$0x0], $0xffff  }
0x88c: {  	v1 =	vld.idx.msk [tilespmem:v1+s1+$0x0], $0xffff  }
0x88d: {  	v2 =	vld.idx.msk [tilespmem:v2+s1+$0x0], $0xffff  }
0x88e: {  	v3 =	vld.idx.msk [tilespmem:v3+s1+$0x0], $0xffff  }
0x88f: {  	v4 =	vld.idx.msk [tilespmem:v4+s1+$0x0], $0xffff  }
0x890: {  	v5 =	vld.idx.msk [tilespmem:v5+s1+$0x0], $0xffff  }
0x891: {  	v6 =	vld.idx.msk [tilespmem:v6+s1+$0x0], $0xffff  }
0x892: {  	[tilespmem:s0+$0x1A770] =	vst.add.f32.msk $0xffff, v0  }
0x893: {  	v0 =	vld.idx.msk [tilespmem:v7+s1+$0x0], $0xffff  }
0x894: {  	[tilespmem:s0+$0x1A700] =	vst.add.f32.msk $0xffff, v1  }
0x895: {  	[tilespmem:s0+$0x1A710] =	vst.add.f32.msk $0xffff, v2  }
0x896: {  	[tilespmem:s0+$0x1A720] =	vst.add.f32.msk $0xffff, v3  }
0x897: {  	[tilespmem:s0+$0x1A730] =	vst.add.f32.msk $0xffff, v4  }
0x898: {  	[tilespmem:s0+$0x1A740] =	vst.add.f32.msk $0xffff, v5  }
0x899: {  	s2 =	simm.s32 $0x0;
	s3 =	simm.s32 $0x200;
	[tilespmem:s0+$0x1A750] =	vst.add.f32.msk $0xffff, v6  }
.LBB2_78:
0x89a: {  	s2 =	sadd.s32 $0x80, s2;
	[tilespmem:s0+$0x1A760] =	vst.add.f32.msk $0xffff, v0;
	s0 =	sshra.s32 s3, $0x2  }
0x89b: {  	v0 =	vld [tilespmem:s0+$0x18770];
	p0 =	slt.u32 s2, $0x1F80  }
0x89c: {  	v1 =	vld [tilespmem:s0+$0x18700]  }
0x89d: {  	v2 =	vld [tilespmem:s0+$0x18710]  }
0x89e: {  	v3 =	vld [tilespmem:s0+$0x18720]  }
0x89f: {  	v4 =	vld [tilespmem:s0+$0x18730]  }
0x8a0: {  	v5 =	vld [tilespmem:s0+$0x18740]  }
0x8a1: {  	v6 =	vld [tilespmem:s0+$0x18750]  }
0x8a2: {  	v7 =	vld [tilespmem:s0+$0x18760]  }
0x8a3: {  	v0 =	vld.idx.msk [tilespmem:v0+s1+$0x0], $0xffff  }
0x8a4: {  	v1 =	vld.idx.msk [tilespmem:v1+s1+$0x0], $0xffff  }
0x8a5: {  	v2 =	vld.idx.msk [tilespmem:v2+s1+$0x0], $0xffff  }
0x8a6: {  	v3 =	vld.idx.msk [tilespmem:v3+s1+$0x0], $0xffff  }
0x8a7: {  	v4 =	vld.idx.msk [tilespmem:v4+s1+$0x0], $0xffff  }
0x8a8: {  	v5 =	vld.idx.msk [tilespmem:v5+s1+$0x0], $0xffff  }
0x8a9: {  	[tilespmem:s0+$0x1A770] =	vst.add.f32.msk $0xffff, v0  }
0x8aa: {  	v6 =	vld.idx.msk [tilespmem:v6+s1+$0x0], $0xffff  }
0x8ab: {  	v0 =	vld.idx.msk [tilespmem:v7+s1+$0x0], $0xffff  }
0x8ac: {  	[tilespmem:s0+$0x1A700] =	vst.add.f32.msk $0xffff, v1  }
.Ltmp38:
0x8ad: {  	[tilespmem:s0+$0x1A710] =	vst.add.f32.msk $0xffff, v2;
	(pc) =	sbr.rel @p0 .LBB2_78-.Ltmp38, $4  }
0x8ae: {  	[tilespmem:s0+$0x1A720] =	vst.add.f32.msk $0xffff, v3  }
0x8af: {  	[tilespmem:s0+$0x1A730] =	vst.add.f32.msk $0xffff, v4  }
0x8b0: {  	[tilespmem:s0+$0x1A740] =	vst.add.f32.msk $0xffff, v5  }
0x8b1: {  	s3 =	sadd.s32 $0x200, s3;
	[tilespmem:s0+$0x1A750] =	vst.add.f32.msk $0xffff, v6  }
0x8b2: {  	[tilespmem:s0+$0x1A760] =	vst.add.f32.msk $0xffff, v0  }
0x8b3: {  	[tilespmem:s25], [sflag:$0x2] =	stream.strided.gather [hbm4b:s10+s23], $0x2000, s24, s23, $0x38;
	[tilespmem:$0x1E700] =	vst v63  }
0x8b4: {  	_ =	swait.ge [sflag:s29], $0x2000  }
0x8b5: {  	[sflag:s29] =	ssyncset.done $0x0  }
0x8b6: {  	s0 =	simm.s32 $0x0;
	[sflag:s29] =	ssyncadd.s32 $0xFFFFE000  }
0x8b7: {  	v0 =	vld [tilespmem:s0+$0x18770]  }
0x8b8: {  	v1 =	vld [tilespmem:s0+$0x18700]  }
0x8b9: {  	v2 =	vld [tilespmem:s0+$0x18710]  }
0x8ba: {  	v3 =	vld [tilespmem:s0+$0x18720]  }
0x8bb: {  	v4 =	vld [tilespmem:s0+$0x18730]  }
0x8bc: {  	v5 =	vld [tilespmem:s0+$0x18740]  }
0x8bd: {  	v6 =	vld [tilespmem:s0+$0x18750]  }
0x8be: {  	v7 =	vld [tilespmem:s0+$0x18760]  }
0x8bf: {  	v0 =	vld.idx.msk [tilespmem:v0+s1+$0x0], $0xffff  }
0x8c0: {  	v1 =	vld.idx.msk [tilespmem:v1+s1+$0x0], $0xffff  }
0x8c1: {  	v2 =	vld.idx.msk [tilespmem:v2+s1+$0x0], $0xffff  }
0x8c2: {  	v3 =	vld.idx.msk [tilespmem:v3+s1+$0x0], $0xffff  }
0x8c3: {  	v4 =	vld.idx.msk [tilespmem:v4+s1+$0x0], $0xffff  }
0x8c4: {  	v5 =	vld.idx.msk [tilespmem:v5+s1+$0x0], $0xffff  }
0x8c5: {  	v6 =	vld.idx.msk [tilespmem:v6+s1+$0x0], $0xffff  }
0x8c6: {  	[tilespmem:s0+$0x1C770] =	vst.add.f32.msk $0xffff, v0  }
0x8c7: {  	v0 =	vld.idx.msk [tilespmem:v7+s1+$0x0], $0xffff  }
0x8c8: {  	[tilespmem:s0+$0x1C700] =	vst.add.f32.msk $0xffff, v1  }
0x8c9: {  	[tilespmem:s0+$0x1C710] =	vst.add.f32.msk $0xffff, v2  }
0x8ca: {  	[tilespmem:s0+$0x1C720] =	vst.add.f32.msk $0xffff, v3  }
0x8cb: {  	[tilespmem:s0+$0x1C730] =	vst.add.f32.msk $0xffff, v4  }
0x8cc: {  	[tilespmem:s0+$0x1C740] =	vst.add.f32.msk $0xffff, v5  }
0x8cd: {  	s2 =	simm.s32 $0x0;
	s3 =	simm.s32 $0x200;
	[tilespmem:s0+$0x1C750] =	vst.add.f32.msk $0xffff, v6  }
.LBB2_80:
0x8ce: {  	s2 =	sadd.s32 $0x80, s2;
	[tilespmem:s0+$0x1C760] =	vst.add.f32.msk $0xffff, v0;
	s0 =	sshra.s32 s3, $0x2  }
0x8cf: {  	v0 =	vld [tilespmem:s0+$0x18770];
	p0 =	slt.u32 s2, $0x1F80  }
0x8d0: {  	v1 =	vld [tilespmem:s0+$0x18700]  }
0x8d1: {  	v2 =	vld [tilespmem:s0+$0x18710]  }
0x8d2: {  	v3 =	vld [tilespmem:s0+$0x18720]  }
0x8d3: {  	v4 =	vld [tilespmem:s0+$0x18730]  }
0x8d4: {  	v5 =	vld [tilespmem:s0+$0x18740]  }
0x8d5: {  	v6 =	vld [tilespmem:s0+$0x18750]  }
0x8d6: {  	v7 =	vld [tilespmem:s0+$0x18760]  }
0x8d7: {  	v0 =	vld.idx.msk [tilespmem:v0+s1+$0x0], $0xffff  }
0x8d8: {  	v1 =	vld.idx.msk [tilespmem:v1+s1+$0x0], $0xffff  }
0x8d9: {  	v2 =	vld.idx.msk [tilespmem:v2+s1+$0x0], $0xffff  }
0x8da: {  	v3 =	vld.idx.msk [tilespmem:v3+s1+$0x0], $0xffff  }
0x8db: {  	v4 =	vld.idx.msk [tilespmem:v4+s1+$0x0], $0xffff  }
0x8dc: {  	v5 =	vld.idx.msk [tilespmem:v5+s1+$0x0], $0xffff  }
0x8dd: {  	[tilespmem:s0+$0x1C770] =	vst.add.f32.msk $0xffff, v0  }
0x8de: {  	v6 =	vld.idx.msk [tilespmem:v6+s1+$0x0], $0xffff  }
0x8df: {  	v0 =	vld.idx.msk [tilespmem:v7+s1+$0x0], $0xffff  }
0x8e0: {  	[tilespmem:s0+$0x1C700] =	vst.add.f32.msk $0xffff, v1  }
.Ltmp39:
0x8e1: {  	[tilespmem:s0+$0x1C710] =	vst.add.f32.msk $0xffff, v2;
	(pc) =	sbr.rel @p0 .LBB2_80-.Ltmp39, $4  }
0x8e2: {  	[tilespmem:s0+$0x1C720] =	vst.add.f32.msk $0xffff, v3  }
0x8e3: {  	[tilespmem:s0+$0x1C730] =	vst.add.f32.msk $0xffff, v4  }
0x8e4: {  	[tilespmem:s0+$0x1C740] =	vst.add.f32.msk $0xffff, v5  }
0x8e5: {  	s3 =	sadd.s32 $0x200, s3;
	[tilespmem:s0+$0x1C750] =	vst.add.f32.msk $0xffff, v6  }
0x8e6: {  	[tilespmem:s0+$0x1C760] =	vst.add.f32.msk $0xffff, v0  }
0x8e7: {  	s3 =	simm.s32 $0x0;
	s2 =	rddreg [dreg:$0x18]  }
0x8e8: {  	[tilespmem:s3], [sflag:$0x1] =	stream.strided.gather [hbm4b:s2+s23], $0x18700, s24, s23, $0x38;
	[tilespmem:$0x1E700] =	vst v63  }
0x8e9: {  	_ = 	snop  }
0x8ea: {  	[tilespmem:s25], [sflag:$0x2] =	stream.strided.gather [hbm4b:s11+s23], $0x2000, s24, s23, $0x38;
	[tilespmem:$0x1E700] =	vst v63  }
0x8eb: {  	_ =	swait.ge [sflag:s29], $0x2000  }
0x8ec: {  	[sflag:s29] =	ssyncset.done $0x0  }
0x8ed: {  	[sflag:s29] =	ssyncadd.s32 $0xFFFFE000  }
0x8ee: {  	_ =	swait.ge [sflag:s30], $0x18700  }
0x8ef: {  	[sflag:s30] =	ssyncset.done $0x0  }
0x8f0: {  	s0 =	simm.s32 $0x0;
	[sflag:s30] =	ssyncadd.s32 $0xFFFE7900  }
0x8f1: {  	v0 =	vld [tilespmem:s0+$0x18770]  }
0x8f2: {  	v1 =	vld [tilespmem:s0+$0x18700]  }
0x8f3: {  	v2 =	vld [tilespmem:s0+$0x18710]  }
0x8f4: {  	v3 =	vld [tilespmem:s0+$0x18720]  }
0x8f5: {  	v4 =	vld [tilespmem:s0+$0x18730]  }
0x8f6: {  	v5 =	vld [tilespmem:s0+$0x18740]  }
0x8f7: {  	v6 =	vld [tilespmem:s0+$0x18750]  }
0x8f8: {  	v7 =	vld [tilespmem:s0+$0x18760]  }
0x8f9: {  	v0 =	vld.idx.msk [tilespmem:v0+s1+$0x0], $0xffff  }
0x8fa: {  	v1 =	vld.idx.msk [tilespmem:v1+s1+$0x0], $0xffff  }
0x8fb: {  	v2 =	vld.idx.msk [tilespmem:v2+s1+$0x0], $0xffff  }
0x8fc: {  	v3 =	vld.idx.msk [tilespmem:v3+s1+$0x0], $0xffff  }
0x8fd: {  	v4 =	vld.idx.msk [tilespmem:v4+s1+$0x0], $0xffff  }
0x8fe: {  	v5 =	vld.idx.msk [tilespmem:v5+s1+$0x0], $0xffff  }
0x8ff: {  	v6 =	vld.idx.msk [tilespmem:v6+s1+$0x0], $0xffff  }
0x900: {  	[tilespmem:s0+$0x1A770] =	vst.add.f32.msk $0xffff, v0  }
0x901: {  	v0 =	vld.idx.msk [tilespmem:v7+s1+$0x0], $0xffff  }
0x902: {  	[tilespmem:s0+$0x1A700] =	vst.add.f32.msk $0xffff, v1  }
0x903: {  	[tilespmem:s0+$0x1A710] =	vst.add.f32.msk $0xffff, v2  }
0x904: {  	[tilespmem:s0+$0x1A720] =	vst.add.f32.msk $0xffff, v3  }
0x905: {  	[tilespmem:s0+$0x1A730] =	vst.add.f32.msk $0xffff, v4  }
0x906: {  	[tilespmem:s0+$0x1A740] =	vst.add.f32.msk $0xffff, v5  }
0x907: {  	s2 =	simm.s32 $0x0;
	s3 =	simm.s32 $0x200;
	[tilespmem:s0+$0x1A750] =	vst.add.f32.msk $0xffff, v6  }
.LBB2_82:
0x908: {  	s2 =	sadd.s32 $0x80, s2;
	[tilespmem:s0+$0x1A760] =	vst.add.f32.msk $0xffff, v0;
	s0 =	sshra.s32 s3, $0x2  }
0x909: {  	v0 =	vld [tilespmem:s0+$0x18770];
	p0 =	slt.u32 s2, $0x1F80  }
0x90a: {  	v1 =	vld [tilespmem:s0+$0x18700]  }
0x90b: {  	v2 =	vld [tilespmem:s0+$0x18710]  }
0x90c: {  	v3 =	vld [tilespmem:s0+$0x18720]  }
0x90d: {  	v4 =	vld [tilespmem:s0+$0x18730]  }
0x90e: {  	v5 =	vld [tilespmem:s0+$0x18740]  }
0x90f: {  	v6 =	vld [tilespmem:s0+$0x18750]  }
0x910: {  	v7 =	vld [tilespmem:s0+$0x18760]  }
0x911: {  	v0 =	vld.idx.msk [tilespmem:v0+s1+$0x0], $0xffff  }
0x912: {  	v1 =	vld.idx.msk [tilespmem:v1+s1+$0x0], $0xffff  }
0x913: {  	v2 =	vld.idx.msk [tilespmem:v2+s1+$0x0], $0xffff  }
0x914: {  	v3 =	vld.idx.msk [tilespmem:v3+s1+$0x0], $0xffff  }
0x915: {  	v4 =	vld.idx.msk [tilespmem:v4+s1+$0x0], $0xffff  }
0x916: {  	v5 =	vld.idx.msk [tilespmem:v5+s1+$0x0], $0xffff  }
0x917: {  	[tilespmem:s0+$0x1A770] =	vst.add.f32.msk $0xffff, v0  }
0x918: {  	v6 =	vld.idx.msk [tilespmem:v6+s1+$0x0], $0xffff  }
0x919: {  	v0 =	vld.idx.msk [tilespmem:v7+s1+$0x0], $0xffff  }
0x91a: {  	[tilespmem:s0+$0x1A700] =	vst.add.f32.msk $0xffff, v1  }
.Ltmp40:
0x91b: {  	[tilespmem:s0+$0x1A710] =	vst.add.f32.msk $0xffff, v2;
	(pc) =	sbr.rel @p0 .LBB2_82-.Ltmp40, $4  }
0x91c: {  	[tilespmem:s0+$0x1A720] =	vst.add.f32.msk $0xffff, v3  }
0x91d: {  	[tilespmem:s0+$0x1A730] =	vst.add.f32.msk $0xffff, v4  }
0x91e: {  	[tilespmem:s0+$0x1A740] =	vst.add.f32.msk $0xffff, v5  }
0x91f: {  	s3 =	sadd.s32 $0x200, s3;
	[tilespmem:s0+$0x1A750] =	vst.add.f32.msk $0xffff, v6  }
0x920: {  	[tilespmem:s0+$0x1A760] =	vst.add.f32.msk $0xffff, v0  }
0x921: {  	[tilespmem:s25], [sflag:$0x2] =	stream.strided.gather [hbm4b:s12+s23], $0x2000, s24, s23, $0x38;
	[tilespmem:$0x1E700] =	vst v63  }
0x922: {  	_ =	swait.ge [sflag:s29], $0x2000  }
0x923: {  	[sflag:s29] =	ssyncset.done $0x0  }
0x924: {  	s0 =	simm.s32 $0x0;
	[sflag:s29] =	ssyncadd.s32 $0xFFFFE000  }
0x925: {  	v0 =	vld [tilespmem:s0+$0x18770]  }
0x926: {  	v1 =	vld [tilespmem:s0+$0x18700]  }
0x927: {  	v2 =	vld [tilespmem:s0+$0x18710]  }
0x928: {  	v3 =	vld [tilespmem:s0+$0x18720]  }
0x929: {  	v4 =	vld [tilespmem:s0+$0x18730]  }
0x92a: {  	v5 =	vld [tilespmem:s0+$0x18740]  }
0x92b: {  	v6 =	vld [tilespmem:s0+$0x18750]  }
0x92c: {  	v7 =	vld [tilespmem:s0+$0x18760]  }
0x92d: {  	v0 =	vld.idx.msk [tilespmem:v0+s1+$0x0], $0xffff  }
0x92e: {  	v1 =	vld.idx.msk [tilespmem:v1+s1+$0x0], $0xffff  }
0x92f: {  	v2 =	vld.idx.msk [tilespmem:v2+s1+$0x0], $0xffff  }
0x930: {  	v3 =	vld.idx.msk [tilespmem:v3+s1+$0x0], $0xffff  }
0x931: {  	v4 =	vld.idx.msk [tilespmem:v4+s1+$0x0], $0xffff  }
0x932: {  	v5 =	vld.idx.msk [tilespmem:v5+s1+$0x0], $0xffff  }
0x933: {  	v6 =	vld.idx.msk [tilespmem:v6+s1+$0x0], $0xffff  }
0x934: {  	[tilespmem:s0+$0x1C770] =	vst.add.f32.msk $0xffff, v0  }
0x935: {  	v0 =	vld.idx.msk [tilespmem:v7+s1+$0x0], $0xffff  }
0x936: {  	[tilespmem:s0+$0x1C700] =	vst.add.f32.msk $0xffff, v1  }
0x937: {  	[tilespmem:s0+$0x1C710] =	vst.add.f32.msk $0xffff, v2  }
0x938: {  	[tilespmem:s0+$0x1C720] =	vst.add.f32.msk $0xffff, v3  }
0x939: {  	[tilespmem:s0+$0x1C730] =	vst.add.f32.msk $0xffff, v4  }
0x93a: {  	[tilespmem:s0+$0x1C740] =	vst.add.f32.msk $0xffff, v5  }
0x93b: {  	s2 =	simm.s32 $0x0;
	s3 =	simm.s32 $0x200;
	[tilespmem:s0+$0x1C750] =	vst.add.f32.msk $0xffff, v6  }
.LBB2_84:
0x93c: {  	s2 =	sadd.s32 $0x80, s2;
	[tilespmem:s0+$0x1C760] =	vst.add.f32.msk $0xffff, v0;
	s0 =	sshra.s32 s3, $0x2  }
0x93d: {  	v0 =	vld [tilespmem:s0+$0x18770];
	p0 =	slt.u32 s2, $0x1F80  }
0x93e: {  	v1 =	vld [tilespmem:s0+$0x18700]  }
0x93f: {  	v2 =	vld [tilespmem:s0+$0x18710]  }
0x940: {  	v3 =	vld [tilespmem:s0+$0x18720]  }
0x941: {  	v4 =	vld [tilespmem:s0+$0x18730]  }
0x942: {  	v5 =	vld [tilespmem:s0+$0x18740]  }
0x943: {  	v6 =	vld [tilespmem:s0+$0x18750]  }
0x944: {  	v7 =	vld [tilespmem:s0+$0x18760]  }
0x945: {  	v0 =	vld.idx.msk [tilespmem:v0+s1+$0x0], $0xffff  }
0x946: {  	v1 =	vld.idx.msk [tilespmem:v1+s1+$0x0], $0xffff  }
0x947: {  	v2 =	vld.idx.msk [tilespmem:v2+s1+$0x0], $0xffff  }
0x948: {  	v3 =	vld.idx.msk [tilespmem:v3+s1+$0x0], $0xffff  }
0x949: {  	v4 =	vld.idx.msk [tilespmem:v4+s1+$0x0], $0xffff  }
0x94a: {  	v5 =	vld.idx.msk [tilespmem:v5+s1+$0x0], $0xffff  }
0x94b: {  	[tilespmem:s0+$0x1C770] =	vst.add.f32.msk $0xffff, v0  }
0x94c: {  	v6 =	vld.idx.msk [tilespmem:v6+s1+$0x0], $0xffff  }
0x94d: {  	v0 =	vld.idx.msk [tilespmem:v7+s1+$0x0], $0xffff  }
0x94e: {  	[tilespmem:s0+$0x1C700] =	vst.add.f32.msk $0xffff, v1  }
.Ltmp41:
0x94f: {  	[tilespmem:s0+$0x1C710] =	vst.add.f32.msk $0xffff, v2;
	(pc) =	sbr.rel @p0 .LBB2_84-.Ltmp41, $4  }
0x950: {  	[tilespmem:s0+$0x1C720] =	vst.add.f32.msk $0xffff, v3  }
0x951: {  	[tilespmem:s0+$0x1C730] =	vst.add.f32.msk $0xffff, v4  }
0x952: {  	[tilespmem:s0+$0x1C740] =	vst.add.f32.msk $0xffff, v5  }
0x953: {  	s3 =	sadd.s32 $0x200, s3;
	[tilespmem:s0+$0x1C750] =	vst.add.f32.msk $0xffff, v6  }
0x954: {  	[tilespmem:s0+$0x1C760] =	vst.add.f32.msk $0xffff, v0  }
0x955: {  	s3 =	simm.s32 $0x0;
	s2 =	rddreg [dreg:$0x19]  }
0x956: {  	[tilespmem:s3], [sflag:$0x1] =	stream.strided.gather [hbm4b:s2+s23], $0x18700, s24, s23, $0x38;
	[tilespmem:$0x1E700] =	vst v63  }
0x957: {  	_ = 	snop  }
0x958: {  	[tilespmem:s25], [sflag:$0x2] =	stream.strided.gather [hbm4b:s13+s23], $0x2000, s24, s23, $0x38;
	[tilespmem:$0x1E700] =	vst v63  }
0x959: {  	_ =	swait.ge [sflag:s29], $0x2000  }
0x95a: {  	[sflag:s29] =	ssyncset.done $0x0  }
0x95b: {  	[sflag:s29] =	ssyncadd.s32 $0xFFFFE000  }
0x95c: {  	_ =	swait.ge [sflag:s30], $0x18700  }
0x95d: {  	[sflag:s30] =	ssyncset.done $0x0  }
0x95e: {  	s0 =	simm.s32 $0x0;
	[sflag:s30] =	ssyncadd.s32 $0xFFFE7900  }
0x95f: {  	v0 =	vld [tilespmem:s0+$0x18770]  }
0x960: {  	v1 =	vld [tilespmem:s0+$0x18700]  }
0x961: {  	v2 =	vld [tilespmem:s0+$0x18710]  }
0x962: {  	v3 =	vld [tilespmem:s0+$0x18720]  }
0x963: {  	v4 =	vld [tilespmem:s0+$0x18730]  }
0x964: {  	v5 =	vld [tilespmem:s0+$0x18740]  }
0x965: {  	v6 =	vld [tilespmem:s0+$0x18750]  }
0x966: {  	v7 =	vld [tilespmem:s0+$0x18760]  }
0x967: {  	v0 =	vld.idx.msk [tilespmem:v0+s1+$0x0], $0xffff  }
0x968: {  	v1 =	vld.idx.msk [tilespmem:v1+s1+$0x0], $0xffff  }
0x969: {  	v2 =	vld.idx.msk [tilespmem:v2+s1+$0x0], $0xffff  }
0x96a: {  	v3 =	vld.idx.msk [tilespmem:v3+s1+$0x0], $0xffff  }
0x96b: {  	v4 =	vld.idx.msk [tilespmem:v4+s1+$0x0], $0xffff  }
0x96c: {  	v5 =	vld.idx.msk [tilespmem:v5+s1+$0x0], $0xffff  }
0x96d: {  	v6 =	vld.idx.msk [tilespmem:v6+s1+$0x0], $0xffff  }
0x96e: {  	[tilespmem:s0+$0x1A770] =	vst.add.f32.msk $0xffff, v0  }
0x96f: {  	v0 =	vld.idx.msk [tilespmem:v7+s1+$0x0], $0xffff  }
0x970: {  	[tilespmem:s0+$0x1A700] =	vst.add.f32.msk $0xffff, v1  }
0x971: {  	[tilespmem:s0+$0x1A710] =	vst.add.f32.msk $0xffff, v2  }
0x972: {  	[tilespmem:s0+$0x1A720] =	vst.add.f32.msk $0xffff, v3  }
0x973: {  	[tilespmem:s0+$0x1A730] =	vst.add.f32.msk $0xffff, v4  }
0x974: {  	[tilespmem:s0+$0x1A740] =	vst.add.f32.msk $0xffff, v5  }
0x975: {  	s2 =	simm.s32 $0x0;
	s3 =	simm.s32 $0x200;
	[tilespmem:s0+$0x1A750] =	vst.add.f32.msk $0xffff, v6  }
.LBB2_86:
0x976: {  	s2 =	sadd.s32 $0x80, s2;
	[tilespmem:s0+$0x1A760] =	vst.add.f32.msk $0xffff, v0;
	s0 =	sshra.s32 s3, $0x2  }
0x977: {  	v0 =	vld [tilespmem:s0+$0x18770];
	p0 =	slt.u32 s2, $0x1F80  }
0x978: {  	v1 =	vld [tilespmem:s0+$0x18700]  }
0x979: {  	v2 =	vld [tilespmem:s0+$0x18710]  }
0x97a: {  	v3 =	vld [tilespmem:s0+$0x18720]  }
0x97b: {  	v4 =	vld [tilespmem:s0+$0x18730]  }
0x97c: {  	v5 =	vld [tilespmem:s0+$0x18740]  }
0x97d: {  	v6 =	vld [tilespmem:s0+$0x18750]  }
0x97e: {  	v7 =	vld [tilespmem:s0+$0x18760]  }
0x97f: {  	v0 =	vld.idx.msk [tilespmem:v0+s1+$0x0], $0xffff  }
0x980: {  	v1 =	vld.idx.msk [tilespmem:v1+s1+$0x0], $0xffff  }
0x981: {  	v2 =	vld.idx.msk [tilespmem:v2+s1+$0x0], $0xffff  }
0x982: {  	v3 =	vld.idx.msk [tilespmem:v3+s1+$0x0], $0xffff  }
0x983: {  	v4 =	vld.idx.msk [tilespmem:v4+s1+$0x0], $0xffff  }
0x984: {  	v5 =	vld.idx.msk [tilespmem:v5+s1+$0x0], $0xffff  }
0x985: {  	[tilespmem:s0+$0x1A770] =	vst.add.f32.msk $0xffff, v0  }
0x986: {  	v6 =	vld.idx.msk [tilespmem:v6+s1+$0x0], $0xffff  }
0x987: {  	v0 =	vld.idx.msk [tilespmem:v7+s1+$0x0], $0xffff  }
0x988: {  	[tilespmem:s0+$0x1A700] =	vst.add.f32.msk $0xffff, v1  }
.Ltmp42:
0x989: {  	[tilespmem:s0+$0x1A710] =	vst.add.f32.msk $0xffff, v2;
	(pc) =	sbr.rel @p0 .LBB2_86-.Ltmp42, $4  }
0x98a: {  	[tilespmem:s0+$0x1A720] =	vst.add.f32.msk $0xffff, v3  }
0x98b: {  	[tilespmem:s0+$0x1A730] =	vst.add.f32.msk $0xffff, v4  }
0x98c: {  	[tilespmem:s0+$0x1A740] =	vst.add.f32.msk $0xffff, v5  }
0x98d: {  	s3 =	sadd.s32 $0x200, s3;
	[tilespmem:s0+$0x1A750] =	vst.add.f32.msk $0xffff, v6  }
0x98e: {  	[tilespmem:s0+$0x1A760] =	vst.add.f32.msk $0xffff, v0  }
0x98f: {  	[tilespmem:s25], [sflag:$0x2] =	stream.strided.gather [hbm4b:s14+s23], $0x2000, s24, s23, $0x38;
	[tilespmem:$0x1E700] =	vst v63  }
0x990: {  	_ =	swait.ge [sflag:s29], $0x2000  }
0x991: {  	[sflag:s29] =	ssyncset.done $0x0  }
0x992: {  	s0 =	simm.s32 $0x0;
	[sflag:s29] =	ssyncadd.s32 $0xFFFFE000  }
0x993: {  	v0 =	vld [tilespmem:s0+$0x18770]  }
0x994: {  	v1 =	vld [tilespmem:s0+$0x18700]  }
0x995: {  	v2 =	vld [tilespmem:s0+$0x18710]  }
0x996: {  	v3 =	vld [tilespmem:s0+$0x18720]  }
0x997: {  	v4 =	vld [tilespmem:s0+$0x18730]  }
0x998: {  	v5 =	vld [tilespmem:s0+$0x18740]  }
0x999: {  	v6 =	vld [tilespmem:s0+$0x18750]  }
0x99a: {  	v7 =	vld [tilespmem:s0+$0x18760]  }
0x99b: {  	v0 =	vld.idx.msk [tilespmem:v0+s1+$0x0], $0xffff  }
0x99c: {  	v1 =	vld.idx.msk [tilespmem:v1+s1+$0x0], $0xffff  }
0x99d: {  	v2 =	vld.idx.msk [tilespmem:v2+s1+$0x0], $0xffff  }
0x99e: {  	v3 =	vld.idx.msk [tilespmem:v3+s1+$0x0], $0xffff  }
0x99f: {  	v4 =	vld.idx.msk [tilespmem:v4+s1+$0x0], $0xffff  }
0x9a0: {  	v5 =	vld.idx.msk [tilespmem:v5+s1+$0x0], $0xffff  }
0x9a1: {  	v6 =	vld.idx.msk [tilespmem:v6+s1+$0x0], $0xffff  }
0x9a2: {  	[tilespmem:s0+$0x1C770] =	vst.add.f32.msk $0xffff, v0  }
0x9a3: {  	v0 =	vld.idx.msk [tilespmem:v7+s1+$0x0], $0xffff  }
0x9a4: {  	[tilespmem:s0+$0x1C700] =	vst.add.f32.msk $0xffff, v1  }
0x9a5: {  	[tilespmem:s0+$0x1C710] =	vst.add.f32.msk $0xffff, v2  }
0x9a6: {  	[tilespmem:s0+$0x1C720] =	vst.add.f32.msk $0xffff, v3  }
0x9a7: {  	[tilespmem:s0+$0x1C730] =	vst.add.f32.msk $0xffff, v4  }
0x9a8: {  	[tilespmem:s0+$0x1C740] =	vst.add.f32.msk $0xffff, v5  }
0x9a9: {  	s2 =	simm.s32 $0x0;
	s3 =	simm.s32 $0x200;
	[tilespmem:s0+$0x1C750] =	vst.add.f32.msk $0xffff, v6  }
.LBB2_88:
0x9aa: {  	s2 =	sadd.s32 $0x80, s2;
	[tilespmem:s0+$0x1C760] =	vst.add.f32.msk $0xffff, v0;
	s0 =	sshra.s32 s3, $0x2  }
0x9ab: {  	v0 =	vld [tilespmem:s0+$0x18770];
	p0 =	slt.u32 s2, $0x1F80  }
0x9ac: {  	v1 =	vld [tilespmem:s0+$0x18700]  }
0x9ad: {  	v2 =	vld [tilespmem:s0+$0x18710]  }
0x9ae: {  	v3 =	vld [tilespmem:s0+$0x18720]  }
0x9af: {  	v4 =	vld [tilespmem:s0+$0x18730]  }
0x9b0: {  	v5 =	vld [tilespmem:s0+$0x18740]  }
0x9b1: {  	v6 =	vld [tilespmem:s0+$0x18750]  }
0x9b2: {  	v7 =	vld [tilespmem:s0+$0x18760]  }
0x9b3: {  	v0 =	vld.idx.msk [tilespmem:v0+s1+$0x0], $0xffff  }
0x9b4: {  	v1 =	vld.idx.msk [tilespmem:v1+s1+$0x0], $0xffff  }
0x9b5: {  	v2 =	vld.idx.msk [tilespmem:v2+s1+$0x0], $0xffff  }
0x9b6: {  	v3 =	vld.idx.msk [tilespmem:v3+s1+$0x0], $0xffff  }
0x9b7: {  	v4 =	vld.idx.msk [tilespmem:v4+s1+$0x0], $0xffff  }
0x9b8: {  	v5 =	vld.idx.msk [tilespmem:v5+s1+$0x0], $0xffff  }
0x9b9: {  	[tilespmem:s0+$0x1C770] =	vst.add.f32.msk $0xffff, v0  }
0x9ba: {  	v6 =	vld.idx.msk [tilespmem:v6+s1+$0x0], $0xffff  }
0x9bb: {  	v0 =	vld.idx.msk [tilespmem:v7+s1+$0x0], $0xffff  }
0x9bc: {  	[tilespmem:s0+$0x1C700] =	vst.add.f32.msk $0xffff, v1  }
.Ltmp43:
0x9bd: {  	[tilespmem:s0+$0x1C710] =	vst.add.f32.msk $0xffff, v2;
	(pc) =	sbr.rel @p0 .LBB2_88-.Ltmp43, $4  }
0x9be: {  	[tilespmem:s0+$0x1C720] =	vst.add.f32.msk $0xffff, v3  }
0x9bf: {  	[tilespmem:s0+$0x1C730] =	vst.add.f32.msk $0xffff, v4  }
0x9c0: {  	[tilespmem:s0+$0x1C740] =	vst.add.f32.msk $0xffff, v5  }
0x9c1: {  	s3 =	sadd.s32 $0x200, s3;
	[tilespmem:s0+$0x1C750] =	vst.add.f32.msk $0xffff, v6  }
0x9c2: {  	[tilespmem:s0+$0x1C760] =	vst.add.f32.msk $0xffff, v0  }
0x9c3: {  	s3 =	simm.s32 $0x0;
	s2 =	rddreg [dreg:$0x1a]  }
0x9c4: {  	[tilespmem:s3], [sflag:$0x1] =	stream.strided.gather [hbm4b:s2+s23], $0x18700, s24, s23, $0x38;
	[tilespmem:$0x1E700] =	vst v63  }
0x9c5: {  	_ = 	snop  }
0x9c6: {  	[tilespmem:s25], [sflag:$0x2] =	stream.strided.gather [hbm4b:s15+s23], $0x2000, s24, s23, $0x38;
	[tilespmem:$0x1E700] =	vst v63  }
0x9c7: {  	_ =	swait.ge [sflag:s29], $0x2000  }
0x9c8: {  	[sflag:s29] =	ssyncset.done $0x0  }
0x9c9: {  	[sflag:s29] =	ssyncadd.s32 $0xFFFFE000  }
0x9ca: {  	_ =	swait.ge [sflag:s30], $0x18700  }
0x9cb: {  	[sflag:s30] =	ssyncset.done $0x0  }
0x9cc: {  	s0 =	simm.s32 $0x0;
	[sflag:s30] =	ssyncadd.s32 $0xFFFE7900  }
0x9cd: {  	v0 =	vld [tilespmem:s0+$0x18770]  }
0x9ce: {  	v1 =	vld [tilespmem:s0+$0x18700]  }
0x9cf: {  	v2 =	vld [tilespmem:s0+$0x18710]  }
0x9d0: {  	v3 =	vld [tilespmem:s0+$0x18720]  }
0x9d1: {  	v4 =	vld [tilespmem:s0+$0x18730]  }
0x9d2: {  	v5 =	vld [tilespmem:s0+$0x18740]  }
0x9d3: {  	v6 =	vld [tilespmem:s0+$0x18750]  }
0x9d4: {  	v7 =	vld [tilespmem:s0+$0x18760]  }
0x9d5: {  	v0 =	vld.idx.msk [tilespmem:v0+s1+$0x0], $0xffff  }
0x9d6: {  	v1 =	vld.idx.msk [tilespmem:v1+s1+$0x0], $0xffff  }
0x9d7: {  	v2 =	vld.idx.msk [tilespmem:v2+s1+$0x0], $0xffff  }
0x9d8: {  	v3 =	vld.idx.msk [tilespmem:v3+s1+$0x0], $0xffff  }
0x9d9: {  	v4 =	vld.idx.msk [tilespmem:v4+s1+$0x0], $0xffff  }
0x9da: {  	v5 =	vld.idx.msk [tilespmem:v5+s1+$0x0], $0xffff  }
0x9db: {  	v6 =	vld.idx.msk [tilespmem:v6+s1+$0x0], $0xffff  }
0x9dc: {  	[tilespmem:s0+$0x1A770] =	vst.add.f32.msk $0xffff, v0  }
0x9dd: {  	v0 =	vld.idx.msk [tilespmem:v7+s1+$0x0], $0xffff  }
0x9de: {  	[tilespmem:s0+$0x1A700] =	vst.add.f32.msk $0xffff, v1  }
0x9df: {  	[tilespmem:s0+$0x1A710] =	vst.add.f32.msk $0xffff, v2  }
0x9e0: {  	[tilespmem:s0+$0x1A720] =	vst.add.f32.msk $0xffff, v3  }
0x9e1: {  	[tilespmem:s0+$0x1A730] =	vst.add.f32.msk $0xffff, v4  }
0x9e2: {  	[tilespmem:s0+$0x1A740] =	vst.add.f32.msk $0xffff, v5  }
0x9e3: {  	s2 =	simm.s32 $0x0;
	s3 =	simm.s32 $0x200;
	[tilespmem:s0+$0x1A750] =	vst.add.f32.msk $0xffff, v6  }
.LBB2_90:
0x9e4: {  	s2 =	sadd.s32 $0x80, s2;
	[tilespmem:s0+$0x1A760] =	vst.add.f32.msk $0xffff, v0;
	s0 =	sshra.s32 s3, $0x2  }
0x9e5: {  	v0 =	vld [tilespmem:s0+$0x18770];
	p0 =	slt.u32 s2, $0x1F80  }
0x9e6: {  	v1 =	vld [tilespmem:s0+$0x18700]  }
0x9e7: {  	v2 =	vld [tilespmem:s0+$0x18710]  }
0x9e8: {  	v3 =	vld [tilespmem:s0+$0x18720]  }
0x9e9: {  	v4 =	vld [tilespmem:s0+$0x18730]  }
0x9ea: {  	v5 =	vld [tilespmem:s0+$0x18740]  }
0x9eb: {  	v6 =	vld [tilespmem:s0+$0x18750]  }
0x9ec: {  	v7 =	vld [tilespmem:s0+$0x18760]  }
0x9ed: {  	v0 =	vld.idx.msk [tilespmem:v0+s1+$0x0], $0xffff  }
0x9ee: {  	v1 =	vld.idx.msk [tilespmem:v1+s1+$0x0], $0xffff  }
0x9ef: {  	v2 =	vld.idx.msk [tilespmem:v2+s1+$0x0], $0xffff  }
0x9f0: {  	v3 =	vld.idx.msk [tilespmem:v3+s1+$0x0], $0xffff  }
0x9f1: {  	v4 =	vld.idx.msk [tilespmem:v4+s1+$0x0], $0xffff  }
0x9f2: {  	v5 =	vld.idx.msk [tilespmem:v5+s1+$0x0], $0xffff  }
0x9f3: {  	[tilespmem:s0+$0x1A770] =	vst.add.f32.msk $0xffff, v0  }
0x9f4: {  	v6 =	vld.idx.msk [tilespmem:v6+s1+$0x0], $0xffff  }
0x9f5: {  	v0 =	vld.idx.msk [tilespmem:v7+s1+$0x0], $0xffff  }
0x9f6: {  	[tilespmem:s0+$0x1A700] =	vst.add.f32.msk $0xffff, v1  }
.Ltmp44:
0x9f7: {  	[tilespmem:s0+$0x1A710] =	vst.add.f32.msk $0xffff, v2;
	(pc) =	sbr.rel @p0 .LBB2_90-.Ltmp44, $4  }
0x9f8: {  	[tilespmem:s0+$0x1A720] =	vst.add.f32.msk $0xffff, v3  }
0x9f9: {  	[tilespmem:s0+$0x1A730] =	vst.add.f32.msk $0xffff, v4  }
0x9fa: {  	[tilespmem:s0+$0x1A740] =	vst.add.f32.msk $0xffff, v5  }
0x9fb: {  	s3 =	sadd.s32 $0x200, s3;
	[tilespmem:s0+$0x1A750] =	vst.add.f32.msk $0xffff, v6  }
0x9fc: {  	[tilespmem:s0+$0x1A760] =	vst.add.f32.msk $0xffff, v0  }
0x9fd: {  	[tilespmem:s25], [sflag:$0x2] =	stream.strided.gather [hbm4b:s16+s23], $0x2000, s24, s23, $0x38;
	[tilespmem:$0x1E700] =	vst v63  }
0x9fe: {  	_ =	swait.ge [sflag:s29], $0x2000  }
0x9ff: {  	[sflag:s29] =	ssyncset.done $0x0  }
0xa00: {  	s0 =	simm.s32 $0x0;
	[sflag:s29] =	ssyncadd.s32 $0xFFFFE000  }
0xa01: {  	v0 =	vld [tilespmem:s0+$0x18770]  }
0xa02: {  	v1 =	vld [tilespmem:s0+$0x18700]  }
0xa03: {  	v2 =	vld [tilespmem:s0+$0x18710]  }
0xa04: {  	v3 =	vld [tilespmem:s0+$0x18720]  }
0xa05: {  	v4 =	vld [tilespmem:s0+$0x18730]  }
0xa06: {  	v5 =	vld [tilespmem:s0+$0x18740]  }
0xa07: {  	v6 =	vld [tilespmem:s0+$0x18750]  }
0xa08: {  	v7 =	vld [tilespmem:s0+$0x18760]  }
0xa09: {  	v0 =	vld.idx.msk [tilespmem:v0+s1+$0x0], $0xffff  }
0xa0a: {  	v1 =	vld.idx.msk [tilespmem:v1+s1+$0x0], $0xffff  }
0xa0b: {  	v2 =	vld.idx.msk [tilespmem:v2+s1+$0x0], $0xffff  }
0xa0c: {  	v3 =	vld.idx.msk [tilespmem:v3+s1+$0x0], $0xffff  }
0xa0d: {  	v4 =	vld.idx.msk [tilespmem:v4+s1+$0x0], $0xffff  }
0xa0e: {  	v5 =	vld.idx.msk [tilespmem:v5+s1+$0x0], $0xffff  }
0xa0f: {  	v6 =	vld.idx.msk [tilespmem:v6+s1+$0x0], $0xffff  }
0xa10: {  	[tilespmem:s0+$0x1C770] =	vst.add.f32.msk $0xffff, v0  }
0xa11: {  	v0 =	vld.idx.msk [tilespmem:v7+s1+$0x0], $0xffff  }
0xa12: {  	[tilespmem:s0+$0x1C700] =	vst.add.f32.msk $0xffff, v1  }
0xa13: {  	[tilespmem:s0+$0x1C710] =	vst.add.f32.msk $0xffff, v2  }
0xa14: {  	[tilespmem:s0+$0x1C720] =	vst.add.f32.msk $0xffff, v3  }
0xa15: {  	[tilespmem:s0+$0x1C730] =	vst.add.f32.msk $0xffff, v4  }
0xa16: {  	[tilespmem:s0+$0x1C740] =	vst.add.f32.msk $0xffff, v5  }
0xa17: {  	s2 =	simm.s32 $0x0;
	s3 =	simm.s32 $0x200;
	[tilespmem:s0+$0x1C750] =	vst.add.f32.msk $0xffff, v6  }
.LBB2_92:
0xa18: {  	s2 =	sadd.s32 $0x80, s2;
	[tilespmem:s0+$0x1C760] =	vst.add.f32.msk $0xffff, v0;
	s0 =	sshra.s32 s3, $0x2  }
0xa19: {  	v0 =	vld [tilespmem:s0+$0x18770];
	p0 =	slt.u32 s2, $0x1F80  }
0xa1a: {  	v1 =	vld [tilespmem:s0+$0x18700]  }
0xa1b: {  	v2 =	vld [tilespmem:s0+$0x18710]  }
0xa1c: {  	v3 =	vld [tilespmem:s0+$0x18720]  }
0xa1d: {  	v4 =	vld [tilespmem:s0+$0x18730]  }
0xa1e: {  	v5 =	vld [tilespmem:s0+$0x18740]  }
0xa1f: {  	v6 =	vld [tilespmem:s0+$0x18750]  }
0xa20: {  	v7 =	vld [tilespmem:s0+$0x18760]  }
0xa21: {  	v0 =	vld.idx.msk [tilespmem:v0+s1+$0x0], $0xffff  }
0xa22: {  	v1 =	vld.idx.msk [tilespmem:v1+s1+$0x0], $0xffff  }
0xa23: {  	v2 =	vld.idx.msk [tilespmem:v2+s1+$0x0], $0xffff  }
0xa24: {  	v3 =	vld.idx.msk [tilespmem:v3+s1+$0x0], $0xffff  }
0xa25: {  	v4 =	vld.idx.msk [tilespmem:v4+s1+$0x0], $0xffff  }
0xa26: {  	v5 =	vld.idx.msk [tilespmem:v5+s1+$0x0], $0xffff  }
0xa27: {  	[tilespmem:s0+$0x1C770] =	vst.add.f32.msk $0xffff, v0  }
0xa28: {  	v6 =	vld.idx.msk [tilespmem:v6+s1+$0x0], $0xffff  }
0xa29: {  	v0 =	vld.idx.msk [tilespmem:v7+s1+$0x0], $0xffff  }
0xa2a: {  	[tilespmem:s0+$0x1C700] =	vst.add.f32.msk $0xffff, v1  }
.Ltmp45:
0xa2b: {  	[tilespmem:s0+$0x1C710] =	vst.add.f32.msk $0xffff, v2;
	(pc) =	sbr.rel @p0 .LBB2_92-.Ltmp45, $4  }
0xa2c: {  	[tilespmem:s0+$0x1C720] =	vst.add.f32.msk $0xffff, v3  }
0xa2d: {  	[tilespmem:s0+$0x1C730] =	vst.add.f32.msk $0xffff, v4  }
0xa2e: {  	[tilespmem:s0+$0x1C740] =	vst.add.f32.msk $0xffff, v5  }
0xa2f: {  	s3 =	sadd.s32 $0x200, s3;
	[tilespmem:s0+$0x1C750] =	vst.add.f32.msk $0xffff, v6  }
0xa30: {  	[tilespmem:s0+$0x1C760] =	vst.add.f32.msk $0xffff, v0  }
0xa31: {  	s3 =	simm.s32 $0x0;
	s2 =	rddreg [dreg:$0x1b]  }
0xa32: {  	[tilespmem:s3], [sflag:$0x1] =	stream.strided.gather [hbm4b:s2+s23], $0x18700, s24, s23, $0x38;
	[tilespmem:$0x1E700] =	vst v63  }
0xa33: {  	_ = 	snop  }
0xa34: {  	[tilespmem:s25], [sflag:$0x2] =	stream.strided.gather [hbm4b:s17+s23], $0x2000, s24, s23, $0x38;
	[tilespmem:$0x1E700] =	vst v63  }
0xa35: {  	_ =	swait.ge [sflag:s29], $0x2000  }
0xa36: {  	[sflag:s29] =	ssyncset.done $0x0  }
0xa37: {  	[sflag:s29] =	ssyncadd.s32 $0xFFFFE000  }
0xa38: {  	_ =	swait.ge [sflag:s30], $0x18700  }
0xa39: {  	[sflag:s30] =	ssyncset.done $0x0  }
0xa3a: {  	s0 =	simm.s32 $0x0;
	[sflag:s30] =	ssyncadd.s32 $0xFFFE7900  }
0xa3b: {  	v0 =	vld [tilespmem:s0+$0x18770]  }
0xa3c: {  	v1 =	vld [tilespmem:s0+$0x18700]  }
0xa3d: {  	v2 =	vld [tilespmem:s0+$0x18710]  }
0xa3e: {  	v3 =	vld [tilespmem:s0+$0x18720]  }
0xa3f: {  	v4 =	vld [tilespmem:s0+$0x18730]  }
0xa40: {  	v5 =	vld [tilespmem:s0+$0x18740]  }
0xa41: {  	v6 =	vld [tilespmem:s0+$0x18750]  }
0xa42: {  	v7 =	vld [tilespmem:s0+$0x18760]  }
0xa43: {  	v0 =	vld.idx.msk [tilespmem:v0+s1+$0x0], $0xffff  }
0xa44: {  	v1 =	vld.idx.msk [tilespmem:v1+s1+$0x0], $0xffff  }
0xa45: {  	v2 =	vld.idx.msk [tilespmem:v2+s1+$0x0], $0xffff  }
0xa46: {  	v3 =	vld.idx.msk [tilespmem:v3+s1+$0x0], $0xffff  }
0xa47: {  	v4 =	vld.idx.msk [tilespmem:v4+s1+$0x0], $0xffff  }
0xa48: {  	v5 =	vld.idx.msk [tilespmem:v5+s1+$0x0], $0xffff  }
0xa49: {  	v6 =	vld.idx.msk [tilespmem:v6+s1+$0x0], $0xffff  }
0xa4a: {  	[tilespmem:s0+$0x1A770] =	vst.add.f32.msk $0xffff, v0  }
0xa4b: {  	v0 =	vld.idx.msk [tilespmem:v7+s1+$0x0], $0xffff  }
0xa4c: {  	[tilespmem:s0+$0x1A700] =	vst.add.f32.msk $0xffff, v1  }
0xa4d: {  	[tilespmem:s0+$0x1A710] =	vst.add.f32.msk $0xffff, v2  }
0xa4e: {  	[tilespmem:s0+$0x1A720] =	vst.add.f32.msk $0xffff, v3  }
0xa4f: {  	[tilespmem:s0+$0x1A730] =	vst.add.f32.msk $0xffff, v4  }
0xa50: {  	[tilespmem:s0+$0x1A740] =	vst.add.f32.msk $0xffff, v5  }
0xa51: {  	s2 =	simm.s32 $0x0;
	s3 =	simm.s32 $0x200;
	[tilespmem:s0+$0x1A750] =	vst.add.f32.msk $0xffff, v6  }
.LBB2_94:
0xa52: {  	s2 =	sadd.s32 $0x80, s2;
	[tilespmem:s0+$0x1A760] =	vst.add.f32.msk $0xffff, v0;
	s0 =	sshra.s32 s3, $0x2  }
0xa53: {  	v0 =	vld [tilespmem:s0+$0x18770];
	p0 =	slt.u32 s2, $0x1F80  }
0xa54: {  	v1 =	vld [tilespmem:s0+$0x18700]  }
0xa55: {  	v2 =	vld [tilespmem:s0+$0x18710]  }
0xa56: {  	v3 =	vld [tilespmem:s0+$0x18720]  }
0xa57: {  	v4 =	vld [tilespmem:s0+$0x18730]  }
0xa58: {  	v5 =	vld [tilespmem:s0+$0x18740]  }
0xa59: {  	v6 =	vld [tilespmem:s0+$0x18750]  }
0xa5a: {  	v7 =	vld [tilespmem:s0+$0x18760]  }
0xa5b: {  	v0 =	vld.idx.msk [tilespmem:v0+s1+$0x0], $0xffff  }
0xa5c: {  	v1 =	vld.idx.msk [tilespmem:v1+s1+$0x0], $0xffff  }
0xa5d: {  	v2 =	vld.idx.msk [tilespmem:v2+s1+$0x0], $0xffff  }
0xa5e: {  	v3 =	vld.idx.msk [tilespmem:v3+s1+$0x0], $0xffff  }
0xa5f: {  	v4 =	vld.idx.msk [tilespmem:v4+s1+$0x0], $0xffff  }
0xa60: {  	v5 =	vld.idx.msk [tilespmem:v5+s1+$0x0], $0xffff  }
0xa61: {  	[tilespmem:s0+$0x1A770] =	vst.add.f32.msk $0xffff, v0  }
0xa62: {  	v6 =	vld.idx.msk [tilespmem:v6+s1+$0x0], $0xffff  }
0xa63: {  	v0 =	vld.idx.msk [tilespmem:v7+s1+$0x0], $0xffff  }
0xa64: {  	[tilespmem:s0+$0x1A700] =	vst.add.f32.msk $0xffff, v1  }
.Ltmp46:
0xa65: {  	[tilespmem:s0+$0x1A710] =	vst.add.f32.msk $0xffff, v2;
	(pc) =	sbr.rel @p0 .LBB2_94-.Ltmp46, $4  }
0xa66: {  	[tilespmem:s0+$0x1A720] =	vst.add.f32.msk $0xffff, v3  }
0xa67: {  	[tilespmem:s0+$0x1A730] =	vst.add.f32.msk $0xffff, v4  }
0xa68: {  	[tilespmem:s0+$0x1A740] =	vst.add.f32.msk $0xffff, v5  }
0xa69: {  	s3 =	sadd.s32 $0x200, s3;
	[tilespmem:s0+$0x1A750] =	vst.add.f32.msk $0xffff, v6  }
0xa6a: {  	[tilespmem:s0+$0x1A760] =	vst.add.f32.msk $0xffff, v0  }
0xa6b: {  	[tilespmem:s25], [sflag:$0x2] =	stream.strided.gather [hbm4b:s18+s23], $0x2000, s24, s23, $0x38;
	[tilespmem:$0x1E700] =	vst v63  }
0xa6c: {  	_ =	swait.ge [sflag:s29], $0x2000  }
0xa6d: {  	[sflag:s29] =	ssyncset.done $0x0  }
0xa6e: {  	s0 =	simm.s32 $0x0;
	[sflag:s29] =	ssyncadd.s32 $0xFFFFE000  }
0xa6f: {  	v0 =	vld [tilespmem:s0+$0x18770]  }
0xa70: {  	v1 =	vld [tilespmem:s0+$0x18700]  }
0xa71: {  	v2 =	vld [tilespmem:s0+$0x18710]  }
0xa72: {  	v3 =	vld [tilespmem:s0+$0x18720]  }
0xa73: {  	v4 =	vld [tilespmem:s0+$0x18730]  }
0xa74: {  	v5 =	vld [tilespmem:s0+$0x18740]  }
0xa75: {  	v6 =	vld [tilespmem:s0+$0x18750]  }
0xa76: {  	v7 =	vld [tilespmem:s0+$0x18760]  }
0xa77: {  	v0 =	vld.idx.msk [tilespmem:v0+s1+$0x0], $0xffff  }
0xa78: {  	v1 =	vld.idx.msk [tilespmem:v1+s1+$0x0], $0xffff  }
0xa79: {  	v2 =	vld.idx.msk [tilespmem:v2+s1+$0x0], $0xffff  }
0xa7a: {  	v3 =	vld.idx.msk [tilespmem:v3+s1+$0x0], $0xffff  }
0xa7b: {  	v4 =	vld.idx.msk [tilespmem:v4+s1+$0x0], $0xffff  }
0xa7c: {  	v5 =	vld.idx.msk [tilespmem:v5+s1+$0x0], $0xffff  }
0xa7d: {  	v6 =	vld.idx.msk [tilespmem:v6+s1+$0x0], $0xffff  }
0xa7e: {  	[tilespmem:s0+$0x1C770] =	vst.add.f32.msk $0xffff, v0  }
0xa7f: {  	v0 =	vld.idx.msk [tilespmem:v7+s1+$0x0], $0xffff  }
0xa80: {  	[tilespmem:s0+$0x1C700] =	vst.add.f32.msk $0xffff, v1  }
0xa81: {  	[tilespmem:s0+$0x1C710] =	vst.add.f32.msk $0xffff, v2  }
0xa82: {  	[tilespmem:s0+$0x1C720] =	vst.add.f32.msk $0xffff, v3  }
0xa83: {  	[tilespmem:s0+$0x1C730] =	vst.add.f32.msk $0xffff, v4  }
0xa84: {  	[tilespmem:s0+$0x1C740] =	vst.add.f32.msk $0xffff, v5  }
0xa85: {  	s2 =	simm.s32 $0x0;
	s3 =	simm.s32 $0x200;
	[tilespmem:s0+$0x1C750] =	vst.add.f32.msk $0xffff, v6  }
.LBB2_96:
0xa86: {  	s2 =	sadd.s32 $0x80, s2;
	[tilespmem:s0+$0x1C760] =	vst.add.f32.msk $0xffff, v0;
	s0 =	sshra.s32 s3, $0x2  }
0xa87: {  	v0 =	vld [tilespmem:s0+$0x18770];
	p0 =	slt.u32 s2, $0x1F80  }
0xa88: {  	v1 =	vld [tilespmem:s0+$0x18700]  }
0xa89: {  	v2 =	vld [tilespmem:s0+$0x18710]  }
0xa8a: {  	v3 =	vld [tilespmem:s0+$0x18720]  }
0xa8b: {  	v4 =	vld [tilespmem:s0+$0x18730]  }
0xa8c: {  	v5 =	vld [tilespmem:s0+$0x18740]  }
0xa8d: {  	v6 =	vld [tilespmem:s0+$0x18750]  }
0xa8e: {  	v7 =	vld [tilespmem:s0+$0x18760]  }
0xa8f: {  	v0 =	vld.idx.msk [tilespmem:v0+s1+$0x0], $0xffff  }
0xa90: {  	v1 =	vld.idx.msk [tilespmem:v1+s1+$0x0], $0xffff  }
0xa91: {  	v2 =	vld.idx.msk [tilespmem:v2+s1+$0x0], $0xffff  }
0xa92: {  	v3 =	vld.idx.msk [tilespmem:v3+s1+$0x0], $0xffff  }
0xa93: {  	v4 =	vld.idx.msk [tilespmem:v4+s1+$0x0], $0xffff  }
0xa94: {  	v5 =	vld.idx.msk [tilespmem:v5+s1+$0x0], $0xffff  }
0xa95: {  	[tilespmem:s0+$0x1C770] =	vst.add.f32.msk $0xffff, v0  }
0xa96: {  	v6 =	vld.idx.msk [tilespmem:v6+s1+$0x0], $0xffff  }
0xa97: {  	v0 =	vld.idx.msk [tilespmem:v7+s1+$0x0], $0xffff  }
0xa98: {  	[tilespmem:s0+$0x1C700] =	vst.add.f32.msk $0xffff, v1  }
.Ltmp47:
0xa99: {  	[tilespmem:s0+$0x1C710] =	vst.add.f32.msk $0xffff, v2;
	(pc) =	sbr.rel @p0 .LBB2_96-.Ltmp47, $4  }
0xa9a: {  	[tilespmem:s0+$0x1C720] =	vst.add.f32.msk $0xffff, v3  }
0xa9b: {  	[tilespmem:s0+$0x1C730] =	vst.add.f32.msk $0xffff, v4  }
0xa9c: {  	[tilespmem:s0+$0x1C740] =	vst.add.f32.msk $0xffff, v5  }
0xa9d: {  	s3 =	sadd.s32 $0x200, s3;
	[tilespmem:s0+$0x1C750] =	vst.add.f32.msk $0xffff, v6  }
0xa9e: {  	[tilespmem:s0+$0x1C760] =	vst.add.f32.msk $0xffff, v0  }
0xa9f: {  	s3 =	simm.s32 $0x0;
	s2 =	rddreg [dreg:$0x1c]  }
0xaa0: {  	[tilespmem:s3], [sflag:$0x1] =	stream.strided.gather [hbm4b:s2+s23], $0x18700, s24, s23, $0x38;
	[tilespmem:$0x1E700] =	vst v63  }
0xaa1: {  	_ = 	snop  }
0xaa2: {  	[tilespmem:s25], [sflag:$0x2] =	stream.strided.gather [hbm4b:s19+s23], $0x2000, s24, s23, $0x38;
	[tilespmem:$0x1E700] =	vst v63  }
0xaa3: {  	_ =	swait.ge [sflag:s29], $0x2000  }
0xaa4: {  	[sflag:s29] =	ssyncset.done $0x0  }
0xaa5: {  	[sflag:s29] =	ssyncadd.s32 $0xFFFFE000  }
0xaa6: {  	_ =	swait.ge [sflag:s30], $0x18700  }
0xaa7: {  	[sflag:s30] =	ssyncset.done $0x0  }
0xaa8: {  	s0 =	simm.s32 $0x0;
	[sflag:s30] =	ssyncadd.s32 $0xFFFE7900  }
0xaa9: {  	v0 =	vld [tilespmem:s0+$0x18770]  }
0xaaa: {  	v1 =	vld [tilespmem:s0+$0x18700]  }
0xaab: {  	v2 =	vld [tilespmem:s0+$0x18710]  }
0xaac: {  	v3 =	vld [tilespmem:s0+$0x18720]  }
0xaad: {  	v4 =	vld [tilespmem:s0+$0x18730]  }
0xaae: {  	v5 =	vld [tilespmem:s0+$0x18740]  }
0xaaf: {  	v6 =	vld [tilespmem:s0+$0x18750]  }
0xab0: {  	v7 =	vld [tilespmem:s0+$0x18760]  }
0xab1: {  	v0 =	vld.idx.msk [tilespmem:v0+s1+$0x0], $0xffff  }
0xab2: {  	v1 =	vld.idx.msk [tilespmem:v1+s1+$0x0], $0xffff  }
0xab3: {  	v2 =	vld.idx.msk [tilespmem:v2+s1+$0x0], $0xffff  }
0xab4: {  	v3 =	vld.idx.msk [tilespmem:v3+s1+$0x0], $0xffff  }
0xab5: {  	v4 =	vld.idx.msk [tilespmem:v4+s1+$0x0], $0xffff  }
0xab6: {  	v5 =	vld.idx.msk [tilespmem:v5+s1+$0x0], $0xffff  }
0xab7: {  	v6 =	vld.idx.msk [tilespmem:v6+s1+$0x0], $0xffff  }
0xab8: {  	[tilespmem:s0+$0x1A770] =	vst.add.f32.msk $0xffff, v0  }
0xab9: {  	v0 =	vld.idx.msk [tilespmem:v7+s1+$0x0], $0xffff  }
0xaba: {  	[tilespmem:s0+$0x1A700] =	vst.add.f32.msk $0xffff, v1  }
0xabb: {  	[tilespmem:s0+$0x1A710] =	vst.add.f32.msk $0xffff, v2  }
0xabc: {  	[tilespmem:s0+$0x1A720] =	vst.add.f32.msk $0xffff, v3  }
0xabd: {  	[tilespmem:s0+$0x1A730] =	vst.add.f32.msk $0xffff, v4  }
0xabe: {  	[tilespmem:s0+$0x1A740] =	vst.add.f32.msk $0xffff, v5  }
0xabf: {  	s2 =	simm.s32 $0x0;
	s3 =	simm.s32 $0x200;
	[tilespmem:s0+$0x1A750] =	vst.add.f32.msk $0xffff, v6  }
.LBB2_98:
0xac0: {  	s2 =	sadd.s32 $0x80, s2;
	[tilespmem:s0+$0x1A760] =	vst.add.f32.msk $0xffff, v0;
	s0 =	sshra.s32 s3, $0x2  }
0xac1: {  	v0 =	vld [tilespmem:s0+$0x18770];
	p0 =	slt.u32 s2, $0x1F80  }
0xac2: {  	v1 =	vld [tilespmem:s0+$0x18700]  }
0xac3: {  	v2 =	vld [tilespmem:s0+$0x18710]  }
0xac4: {  	v3 =	vld [tilespmem:s0+$0x18720]  }
0xac5: {  	v4 =	vld [tilespmem:s0+$0x18730]  }
0xac6: {  	v5 =	vld [tilespmem:s0+$0x18740]  }
0xac7: {  	v6 =	vld [tilespmem:s0+$0x18750]  }
0xac8: {  	v7 =	vld [tilespmem:s0+$0x18760]  }
0xac9: {  	v0 =	vld.idx.msk [tilespmem:v0+s1+$0x0], $0xffff  }
0xaca: {  	v1 =	vld.idx.msk [tilespmem:v1+s1+$0x0], $0xffff  }
0xacb: {  	v2 =	vld.idx.msk [tilespmem:v2+s1+$0x0], $0xffff  }
0xacc: {  	v3 =	vld.idx.msk [tilespmem:v3+s1+$0x0], $0xffff  }
0xacd: {  	v4 =	vld.idx.msk [tilespmem:v4+s1+$0x0], $0xffff  }
0xace: {  	v5 =	vld.idx.msk [tilespmem:v5+s1+$0x0], $0xffff  }
0xacf: {  	[tilespmem:s0+$0x1A770] =	vst.add.f32.msk $0xffff, v0  }
0xad0: {  	v6 =	vld.idx.msk [tilespmem:v6+s1+$0x0], $0xffff  }
0xad1: {  	v0 =	vld.idx.msk [tilespmem:v7+s1+$0x0], $0xffff  }
0xad2: {  	[tilespmem:s0+$0x1A700] =	vst.add.f32.msk $0xffff, v1  }
.Ltmp48:
0xad3: {  	[tilespmem:s0+$0x1A710] =	vst.add.f32.msk $0xffff, v2;
	(pc) =	sbr.rel @p0 .LBB2_98-.Ltmp48, $4  }
0xad4: {  	[tilespmem:s0+$0x1A720] =	vst.add.f32.msk $0xffff, v3  }
0xad5: {  	[tilespmem:s0+$0x1A730] =	vst.add.f32.msk $0xffff, v4  }
0xad6: {  	[tilespmem:s0+$0x1A740] =	vst.add.f32.msk $0xffff, v5  }
0xad7: {  	s3 =	sadd.s32 $0x200, s3;
	[tilespmem:s0+$0x1A750] =	vst.add.f32.msk $0xffff, v6  }
0xad8: {  	[tilespmem:s0+$0x1A760] =	vst.add.f32.msk $0xffff, v0  }
0xad9: {  	[tilespmem:s25], [sflag:$0x2] =	stream.strided.gather [hbm4b:s20+s23], $0x2000, s24, s23, $0x38;
	[tilespmem:$0x1E700] =	vst v63  }
0xada: {  	_ =	swait.ge [sflag:s29], $0x2000  }
0xadb: {  	[sflag:s29] =	ssyncset.done $0x0  }
0xadc: {  	s0 =	simm.s32 $0x0;
	[sflag:s29] =	ssyncadd.s32 $0xFFFFE000  }
0xadd: {  	v0 =	vld [tilespmem:s0+$0x18770]  }
0xade: {  	v1 =	vld [tilespmem:s0+$0x18700]  }
0xadf: {  	v2 =	vld [tilespmem:s0+$0x18710]  }
0xae0: {  	v3 =	vld [tilespmem:s0+$0x18720]  }
0xae1: {  	v4 =	vld [tilespmem:s0+$0x18730]  }
0xae2: {  	v5 =	vld [tilespmem:s0+$0x18740]  }
0xae3: {  	v6 =	vld [tilespmem:s0+$0x18750]  }
0xae4: {  	v7 =	vld [tilespmem:s0+$0x18760]  }
0xae5: {  	v0 =	vld.idx.msk [tilespmem:v0+s1+$0x0], $0xffff  }
0xae6: {  	v1 =	vld.idx.msk [tilespmem:v1+s1+$0x0], $0xffff  }
0xae7: {  	v2 =	vld.idx.msk [tilespmem:v2+s1+$0x0], $0xffff  }
0xae8: {  	v3 =	vld.idx.msk [tilespmem:v3+s1+$0x0], $0xffff  }
0xae9: {  	v4 =	vld.idx.msk [tilespmem:v4+s1+$0x0], $0xffff  }
0xaea: {  	v5 =	vld.idx.msk [tilespmem:v5+s1+$0x0], $0xffff  }
0xaeb: {  	v6 =	vld.idx.msk [tilespmem:v6+s1+$0x0], $0xffff  }
0xaec: {  	[tilespmem:s0+$0x1C770] =	vst.add.f32.msk $0xffff, v0  }
0xaed: {  	v0 =	vld.idx.msk [tilespmem:v7+s1+$0x0], $0xffff  }
0xaee: {  	[tilespmem:s0+$0x1C700] =	vst.add.f32.msk $0xffff, v1  }
0xaef: {  	[tilespmem:s0+$0x1C710] =	vst.add.f32.msk $0xffff, v2  }
0xaf0: {  	[tilespmem:s0+$0x1C720] =	vst.add.f32.msk $0xffff, v3  }
0xaf1: {  	[tilespmem:s0+$0x1C730] =	vst.add.f32.msk $0xffff, v4  }
0xaf2: {  	[tilespmem:s0+$0x1C740] =	vst.add.f32.msk $0xffff, v5  }
0xaf3: {  	s2 =	simm.s32 $0x0;
	s3 =	simm.s32 $0x200;
	[tilespmem:s0+$0x1C750] =	vst.add.f32.msk $0xffff, v6  }
.LBB2_100:
0xaf4: {  	s2 =	sadd.s32 $0x80, s2;
	[tilespmem:s0+$0x1C760] =	vst.add.f32.msk $0xffff, v0;
	s0 =	sshra.s32 s3, $0x2  }
0xaf5: {  	v0 =	vld [tilespmem:s0+$0x18770];
	p0 =	slt.u32 s2, $0x1F80  }
0xaf6: {  	v1 =	vld [tilespmem:s0+$0x18700]  }
0xaf7: {  	v2 =	vld [tilespmem:s0+$0x18710]  }
0xaf8: {  	v3 =	vld [tilespmem:s0+$0x18720]  }
0xaf9: {  	v4 =	vld [tilespmem:s0+$0x18730]  }
0xafa: {  	v5 =	vld [tilespmem:s0+$0x18740]  }
0xafb: {  	v6 =	vld [tilespmem:s0+$0x18750]  }
0xafc: {  	v7 =	vld [tilespmem:s0+$0x18760]  }
0xafd: {  	v0 =	vld.idx.msk [tilespmem:v0+s1+$0x0], $0xffff  }
0xafe: {  	v1 =	vld.idx.msk [tilespmem:v1+s1+$0x0], $0xffff  }
0xaff: {  	v2 =	vld.idx.msk [tilespmem:v2+s1+$0x0], $0xffff  }
0xb00: {  	v3 =	vld.idx.msk [tilespmem:v3+s1+$0x0], $0xffff  }
0xb01: {  	v4 =	vld.idx.msk [tilespmem:v4+s1+$0x0], $0xffff  }
0xb02: {  	v5 =	vld.idx.msk [tilespmem:v5+s1+$0x0], $0xffff  }
0xb03: {  	[tilespmem:s0+$0x1C770] =	vst.add.f32.msk $0xffff, v0  }
0xb04: {  	v6 =	vld.idx.msk [tilespmem:v6+s1+$0x0], $0xffff  }
0xb05: {  	v0 =	vld.idx.msk [tilespmem:v7+s1+$0x0], $0xffff  }
0xb06: {  	[tilespmem:s0+$0x1C700] =	vst.add.f32.msk $0xffff, v1  }
.Ltmp49:
0xb07: {  	[tilespmem:s0+$0x1C710] =	vst.add.f32.msk $0xffff, v2;
	(pc) =	sbr.rel @p0 .LBB2_100-.Ltmp49, $4  }
0xb08: {  	[tilespmem:s0+$0x1C720] =	vst.add.f32.msk $0xffff, v3  }
0xb09: {  	[tilespmem:s0+$0x1C730] =	vst.add.f32.msk $0xffff, v4  }
0xb0a: {  	[tilespmem:s0+$0x1C740] =	vst.add.f32.msk $0xffff, v5  }
0xb0b: {  	s3 =	sadd.s32 $0x200, s3;
	[tilespmem:s0+$0x1C750] =	vst.add.f32.msk $0xffff, v6  }
0xb0c: {  	[tilespmem:s0+$0x1C760] =	vst.add.f32.msk $0xffff, v0  }
0xb0d: {  	s3 =	simm.s32 $0x0;
	s2 =	rddreg [dreg:$0x1d]  }
0xb0e: {  	[tilespmem:s3], [sflag:$0x1] =	stream.strided.gather [hbm4b:s2+s23], $0x18700, s24, s23, $0x38;
	[tilespmem:$0x1E700] =	vst v63  }
0xb0f: {  	_ = 	snop  }
0xb10: {  	[tilespmem:s25], [sflag:$0x2] =	stream.strided.gather [hbm4b:s21+s23], $0x2000, s24, s23, $0x38;
	[tilespmem:$0x1E700] =	vst v63  }
0xb11: {  	_ =	swait.ge [sflag:s29], $0x2000  }
0xb12: {  	[sflag:s29] =	ssyncset.done $0x0  }
0xb13: {  	[sflag:s29] =	ssyncadd.s32 $0xFFFFE000  }
0xb14: {  	_ =	swait.ge [sflag:s30], $0x18700  }
0xb15: {  	[sflag:s30] =	ssyncset.done $0x0  }
0xb16: {  	s0 =	simm.s32 $0x0;
	[sflag:s30] =	ssyncadd.s32 $0xFFFE7900  }
0xb17: {  	v0 =	vld [tilespmem:s0+$0x18770]  }
0xb18: {  	v1 =	vld [tilespmem:s0+$0x18700]  }
0xb19: {  	v2 =	vld [tilespmem:s0+$0x18710]  }
0xb1a: {  	v3 =	vld [tilespmem:s0+$0x18720]  }
0xb1b: {  	v4 =	vld [tilespmem:s0+$0x18730]  }
0xb1c: {  	v5 =	vld [tilespmem:s0+$0x18740]  }
0xb1d: {  	v6 =	vld [tilespmem:s0+$0x18750]  }
0xb1e: {  	v7 =	vld [tilespmem:s0+$0x18760]  }
0xb1f: {  	v0 =	vld.idx.msk [tilespmem:v0+s1+$0x0], $0xffff  }
0xb20: {  	v1 =	vld.idx.msk [tilespmem:v1+s1+$0x0], $0xffff  }
0xb21: {  	v2 =	vld.idx.msk [tilespmem:v2+s1+$0x0], $0xffff  }
0xb22: {  	v3 =	vld.idx.msk [tilespmem:v3+s1+$0x0], $0xffff  }
0xb23: {  	v4 =	vld.idx.msk [tilespmem:v4+s1+$0x0], $0xffff  }
0xb24: {  	v5 =	vld.idx.msk [tilespmem:v5+s1+$0x0], $0xffff  }
0xb25: {  	v6 =	vld.idx.msk [tilespmem:v6+s1+$0x0], $0xffff  }
0xb26: {  	[tilespmem:s0+$0x1A770] =	vst.add.f32.msk $0xffff, v0  }
0xb27: {  	v0 =	vld.idx.msk [tilespmem:v7+s1+$0x0], $0xffff  }
0xb28: {  	[tilespmem:s0+$0x1A700] =	vst.add.f32.msk $0xffff, v1  }
0xb29: {  	[tilespmem:s0+$0x1A710] =	vst.add.f32.msk $0xffff, v2  }
0xb2a: {  	[tilespmem:s0+$0x1A720] =	vst.add.f32.msk $0xffff, v3  }
0xb2b: {  	[tilespmem:s0+$0x1A730] =	vst.add.f32.msk $0xffff, v4  }
0xb2c: {  	[tilespmem:s0+$0x1A740] =	vst.add.f32.msk $0xffff, v5  }
0xb2d: {  	s2 =	simm.s32 $0x0;
	s3 =	simm.s32 $0x200;
	[tilespmem:s0+$0x1A750] =	vst.add.f32.msk $0xffff, v6  }
.LBB2_102:
0xb2e: {  	s2 =	sadd.s32 $0x80, s2;
	[tilespmem:s0+$0x1A760] =	vst.add.f32.msk $0xffff, v0;
	s0 =	sshra.s32 s3, $0x2  }
0xb2f: {  	v0 =	vld [tilespmem:s0+$0x18770];
	p0 =	slt.u32 s2, $0x1F80  }
0xb30: {  	v1 =	vld [tilespmem:s0+$0x18700]  }
0xb31: {  	v2 =	vld [tilespmem:s0+$0x18710]  }
0xb32: {  	v3 =	vld [tilespmem:s0+$0x18720]  }
0xb33: {  	v4 =	vld [tilespmem:s0+$0x18730]  }
0xb34: {  	v5 =	vld [tilespmem:s0+$0x18740]  }
0xb35: {  	v6 =	vld [tilespmem:s0+$0x18750]  }
0xb36: {  	v7 =	vld [tilespmem:s0+$0x18760]  }
0xb37: {  	v0 =	vld.idx.msk [tilespmem:v0+s1+$0x0], $0xffff  }
0xb38: {  	v1 =	vld.idx.msk [tilespmem:v1+s1+$0x0], $0xffff  }
0xb39: {  	v2 =	vld.idx.msk [tilespmem:v2+s1+$0x0], $0xffff  }
0xb3a: {  	v3 =	vld.idx.msk [tilespmem:v3+s1+$0x0], $0xffff  }
0xb3b: {  	v4 =	vld.idx.msk [tilespmem:v4+s1+$0x0], $0xffff  }
0xb3c: {  	v5 =	vld.idx.msk [tilespmem:v5+s1+$0x0], $0xffff  }
0xb3d: {  	[tilespmem:s0+$0x1A770] =	vst.add.f32.msk $0xffff, v0  }
0xb3e: {  	v6 =	vld.idx.msk [tilespmem:v6+s1+$0x0], $0xffff  }
0xb3f: {  	v0 =	vld.idx.msk [tilespmem:v7+s1+$0x0], $0xffff  }
0xb40: {  	[tilespmem:s0+$0x1A700] =	vst.add.f32.msk $0xffff, v1  }
.Ltmp50:
0xb41: {  	[tilespmem:s0+$0x1A710] =	vst.add.f32.msk $0xffff, v2;
	(pc) =	sbr.rel @p0 .LBB2_102-.Ltmp50, $4  }
0xb42: {  	[tilespmem:s0+$0x1A720] =	vst.add.f32.msk $0xffff, v3  }
0xb43: {  	[tilespmem:s0+$0x1A730] =	vst.add.f32.msk $0xffff, v4  }
0xb44: {  	[tilespmem:s0+$0x1A740] =	vst.add.f32.msk $0xffff, v5  }
0xb45: {  	s3 =	sadd.s32 $0x200, s3;
	[tilespmem:s0+$0x1A750] =	vst.add.f32.msk $0xffff, v6  }
0xb46: {  	[tilespmem:s0+$0x1A760] =	vst.add.f32.msk $0xffff, v0  }
0xb47: {  	[tilespmem:s25], [sflag:$0x2] =	stream.strided.gather [hbm4b:s22+s23], $0x2000, s24, s23, $0x38;
	[tilespmem:$0x1E700] =	vst v63  }
0xb48: {  	_ =	swait.ge [sflag:s29], $0x2000  }
0xb49: {  	[sflag:s29] =	ssyncset.done $0x0  }
0xb4a: {  	s0 =	simm.s32 $0x0;
	[sflag:s29] =	ssyncadd.s32 $0xFFFFE000  }
0xb4b: {  	v0 =	vld [tilespmem:s0+$0x18770]  }
0xb4c: {  	v1 =	vld [tilespmem:s0+$0x18700]  }
0xb4d: {  	v2 =	vld [tilespmem:s0+$0x18710]  }
0xb4e: {  	v3 =	vld [tilespmem:s0+$0x18720]  }
0xb4f: {  	v4 =	vld [tilespmem:s0+$0x18730]  }
0xb50: {  	v5 =	vld [tilespmem:s0+$0x18740]  }
0xb51: {  	v6 =	vld [tilespmem:s0+$0x18750]  }
0xb52: {  	v7 =	vld [tilespmem:s0+$0x18760]  }
0xb53: {  	v0 =	vld.idx.msk [tilespmem:v0+s1+$0x0], $0xffff  }
0xb54: {  	v1 =	vld.idx.msk [tilespmem:v1+s1+$0x0], $0xffff  }
0xb55: {  	v2 =	vld.idx.msk [tilespmem:v2+s1+$0x0], $0xffff  }
0xb56: {  	v3 =	vld.idx.msk [tilespmem:v3+s1+$0x0], $0xffff  }
0xb57: {  	v4 =	vld.idx.msk [tilespmem:v4+s1+$0x0], $0xffff  }
0xb58: {  	v5 =	vld.idx.msk [tilespmem:v5+s1+$0x0], $0xffff  }
0xb59: {  	v6 =	vld.idx.msk [tilespmem:v6+s1+$0x0], $0xffff  }
0xb5a: {  	[tilespmem:s0+$0x1C770] =	vst.add.f32.msk $0xffff, v0  }
0xb5b: {  	v0 =	vld.idx.msk [tilespmem:v7+s1+$0x0], $0xffff  }
0xb5c: {  	[tilespmem:s0+$0x1C700] =	vst.add.f32.msk $0xffff, v1  }
0xb5d: {  	[tilespmem:s0+$0x1C710] =	vst.add.f32.msk $0xffff, v2  }
0xb5e: {  	[tilespmem:s0+$0x1C720] =	vst.add.f32.msk $0xffff, v3  }
0xb5f: {  	[tilespmem:s0+$0x1C730] =	vst.add.f32.msk $0xffff, v4  }
0xb60: {  	[tilespmem:s0+$0x1C740] =	vst.add.f32.msk $0xffff, v5  }
0xb61: {  	s2 =	simm.s32 $0x0;
	s3 =	simm.s32 $0x200;
	[tilespmem:s0+$0x1C750] =	vst.add.f32.msk $0xffff, v6  }
.LBB2_104:
0xb62: {  	s2 =	sadd.s32 $0x80, s2;
	[tilespmem:s0+$0x1C760] =	vst.add.f32.msk $0xffff, v0;
	s0 =	sshra.s32 s3, $0x2  }
0xb63: {  	v0 =	vld [tilespmem:s0+$0x18770];
	p0 =	slt.u32 s2, $0x1F80  }
0xb64: {  	v1 =	vld [tilespmem:s0+$0x18700]  }
0xb65: {  	v2 =	vld [tilespmem:s0+$0x18710]  }
0xb66: {  	v3 =	vld [tilespmem:s0+$0x18720]  }
0xb67: {  	v4 =	vld [tilespmem:s0+$0x18730]  }
0xb68: {  	v5 =	vld [tilespmem:s0+$0x18740]  }
0xb69: {  	v6 =	vld [tilespmem:s0+$0x18750]  }
0xb6a: {  	v7 =	vld [tilespmem:s0+$0x18760]  }
0xb6b: {  	v0 =	vld.idx.msk [tilespmem:v0+s1+$0x0], $0xffff  }
0xb6c: {  	v1 =	vld.idx.msk [tilespmem:v1+s1+$0x0], $0xffff  }
0xb6d: {  	v2 =	vld.idx.msk [tilespmem:v2+s1+$0x0], $0xffff  }
0xb6e: {  	v3 =	vld.idx.msk [tilespmem:v3+s1+$0x0], $0xffff  }
0xb6f: {  	v4 =	vld.idx.msk [tilespmem:v4+s1+$0x0], $0xffff  }
0xb70: {  	v5 =	vld.idx.msk [tilespmem:v5+s1+$0x0], $0xffff  }
0xb71: {  	[tilespmem:s0+$0x1C770] =	vst.add.f32.msk $0xffff, v0  }
0xb72: {  	v6 =	vld.idx.msk [tilespmem:v6+s1+$0x0], $0xffff  }
0xb73: {  	v0 =	vld.idx.msk [tilespmem:v7+s1+$0x0], $0xffff  }
0xb74: {  	[tilespmem:s0+$0x1C700] =	vst.add.f32.msk $0xffff, v1  }
.Ltmp51:
0xb75: {  	[tilespmem:s0+$0x1C710] =	vst.add.f32.msk $0xffff, v2;
	(pc) =	sbr.rel @p0 .LBB2_104-.Ltmp51, $4  }
0xb76: {  	[tilespmem:s0+$0x1C720] =	vst.add.f32.msk $0xffff, v3  }
0xb77: {  	[tilespmem:s0+$0x1C730] =	vst.add.f32.msk $0xffff, v4  }
0xb78: {  	[tilespmem:s0+$0x1C740] =	vst.add.f32.msk $0xffff, v5  }
0xb79: {  	s3 =	sadd.s32 $0x200, s3;
	[tilespmem:s0+$0x1C750] =	vst.add.f32.msk $0xffff, v6  }
0xb7a: {  	[tilespmem:s0+$0x1C760] =	vst.add.f32.msk $0xffff, v0  }
0xb7b: {  	s2 =	simm.s32 $0x1A700;
	s0 =	rddreg [dreg:$0x1e]  }
0xb7c: {  	[hbm4b:s0+s23] =	stream.strided.scatter [tilespmem:s2], [sflag:$0x3], $0x4000, s24, s23, $0x38;
	[tilespmem:$0x1E700] =	vst v63  }
0xb7d: {  	_ =	swait.ge [sflag:s31], $0x4000  }
0xb7e: {  	s26 =	sadd.s32 $0x1, s26;
	s3 =	rddreg [dreg:$0x1f]  }
0xb7f: {  	p0 =	sne.s32 s26, s3  }
.Ltmp52:
0xb80: {  	_ = 	snop;
	(pc) =	sbr.rel @p0 .LBB2_1-.Ltmp52, $3  }
0xb81: {  	_ =	sdelay $0x1  }
0xb82: {  	[sflag:s31] =	ssyncset.done $0x0  }
0xb83: {  	[sflag:s31] =	ssyncadd.s32 $0xFFFFC000  }
0xb84: {  	_ =	sfence.sel $0x180000  }
0xb85: {  	[bflag:$0x0] =	sbarrier.arrive $0xFFFF  }
0xb86: {  	_ =	strace $0x90000047  }
0xb87: {  	s0 =	stileid.u32;
	[bflag:$0x2] =	sbarrier.arrive $0xFFFF  }
0xb88: {  	p0 =	sne.s32 s0, $0x0;
	s0 =	rddreg [dreg:$0x3]  }
0xb89: {  	s0 =	sadd.s32 @!p0 $0x100000, s0  }
0xb8a: {  	[sflag:s0] =	ssyncadd.tile.s32 @!p0 $0x1;
	_ =	shalt  }
.Lfunc_end2:
_tile_overlayer_lowered:
.L_overlay_start_2:
0xb8b: {  	(tag) =	ssettag $0x2  }
0xb8c: {  	s0 =	rddreg [dreg:$0x0];
	s2 =	stileid.u32  }
0xb8d: {  	s1 =	rddreg [dreg:$0x1];
	p0 =	sne.s32 s2, $0x0  }
0xb8e: {  	s3 =	rddreg [dreg:$0x2];
	[bflag:$0x3] =	sbarrier.arrive $0xFFFF;
	s2 =	simm.s32 @!p0 $0x1C03  }
0xb8f: {  	[timem:s3], [sflag:s2] =	dma.local @!p0 [hbm:s0], s1  }
0xb90: {  	s0 =	simm.s32 @!p0 $0x3  }
0xb91: {  	_ =	swait.ge @!p0 [sflag:s0], s1  }
0xb92: {  	s1 =	ssub.s32 @!p0 $0x0, s1;
	[sflag:s0] =	ssyncset.done @!p0 $0x0  }
0xb93: {  	[sflag:s0] =	ssyncadd.s32 @!p0 s1  }
0xb94: {  	[bflag:$0x3] =	sbarrier.arrive $0xFFFF  }
0xb95: {  	_ =	shalt  }

</sc_bundles>
